<compile_context>
chip_gen: v7x
topology: tpu7x:2x2x1
jax: 0.10.2.dev20260603
libtpu: 0.0.44.dev20260713+nightly
codegen_flags: <defaults>
</compile_context>

<pallas_src>
import functools

import jax
import jax.numpy as jnp
from jax import lax
from jax.experimental import pallas as pl
from jax.experimental.pallas import tpu as pltpu
from jax.experimental.pallas import tpu_sc as plsc

SDS = jax.ShapeDtypeStruct
F32 = jnp.float32
I32 = jnp.int32

NSC = 2
NSS = 16
C = 128
RB = 1024
NEG = -3.0e38

_mesh = functools.partial(
    plsc.VectorSubcoreMesh,
    core_axis_name="c", subcore_axis_name="s", num_cores=NSC, num_subcores=NSS)



def _sc_degree(dst_r, np_rows):
    chunks = dst_r.shape[0]
    pdc = chunks // (NSC * NSS)
    rps = np_rows // NSS

    @functools.partial(
        pl.kernel,
        out_type=SDS((NSC, np_rows), F32),
        mesh=_mesh(),
        scratch_types=[
            pltpu.VMEM((pdc, C), I32),
            pltpu.VMEM((C,), F32),
            pltpu.VMEM((rps,), F32),
            pltpu.VMEM_SHARED((np_rows,), F32),
        ],
    )
    def k(dst_hbm, out_hbm, dst_v, ones_v, init_v, acc):
        cid = lax.axis_index("c")
        sid = lax.axis_index("s")
        wid = sid * NSC + cid
        pltpu.sync_copy(dst_hbm.at[pl.ds(wid * pdc, pdc)], dst_v)
        initval = jnp.where(cid == 0, 1.0, 0.0).astype(F32)
        for i in range(C // 16):
            ones_v[pl.ds(i * 16, 16)] = jnp.ones((16,), F32)

        def fill(i, carry):
            init_v[pl.ds(i * 16, 16)] = jnp.full((16,), initval, F32)
            return carry
        lax.fori_loop(0, rps // 16, fill, 0)
        pltpu.sync_copy(init_v, acc.at[pl.ds(sid * rps, rps)])
        plsc.subcore_barrier()

        def body(j, carry):
            pltpu.sync_copy(ones_v, acc.at[dst_v.at[j]], add=True)
            return carry
        lax.fori_loop(0, pdc, body, 0)
        plsc.subcore_barrier()
        pltpu.sync_copy(acc.at[pl.ds(sid * rps, rps)],
                        out_hbm.at[cid, pl.ds(sid * rps, rps)])

    return k(dst_r)


def _sc_conv(xw2, src_r, dst_r):
    chunks = src_r.shape[0]
    np_rows, hh = xw2.shape[1], xw2.shape[2]
    psc = chunks // NSS
    hc = psc // 2
    rps = np_rows // NSS

    @functools.partial(
        pl.kernel,
        out_type=SDS((NSC, np_rows, hh), F32),
        mesh=_mesh(),
        scratch_types=[
            pltpu.VMEM((hc, C), I32),
            pltpu.VMEM((hc, C), I32),
            pltpu.VMEM((C, hh), F32),
            pltpu.VMEM_SHARED((np_rows, hh), F32),
            pltpu.SemaphoreType.DMA,
        ],
    )
    def k(xw_hbm, src_hbm, dst_hbm, out_hbm, src_v, dst_v, rows_v, acc, sem):
        cid = lax.axis_index("c")
        sid = lax.axis_index("s")
        pltpu.sync_copy(xw_hbm.at[cid, pl.ds(sid * rps, rps)],
                        acc.at[pl.ds(sid * rps, rps)])
        plsc.subcore_barrier()

        def body(j, carry):
            pltpu.async_copy(xw_hbm.at[cid].at[src_v.at[j]], rows_v, sem).wait()
            pltpu.sync_copy(rows_v, acc.at[dst_v.at[j]], add=True)
            return carry

        for half in range(2):
            base = sid * psc + half * hc
            pltpu.sync_copy(src_hbm.at[pl.ds(base, hc)], src_v)
            pltpu.sync_copy(dst_hbm.at[pl.ds(base, hc)], dst_v)
            lax.fori_loop(0, hc, body, 0)
        plsc.subcore_barrier()
        pltpu.sync_copy(acc.at[pl.ds(sid * rps, rps)],
                        out_hbm.at[cid, pl.ds(sid * rps, rps)])

    return k(xw2, src_r, dst_r)


def _sc_pool_gather(h, idx_flat):
    b, hfull = idx_flat.shape[0], h.shape[1]
    bpw = b // (NSC * NSS)

    @functools.partial(
        pl.kernel,
        out_type=SDS((b, hfull), F32),
        mesh=_mesh(),
        scratch_types=[
            pltpu.VMEM((bpw,), I32),
            pltpu.VMEM((bpw, hfull), F32),
            pltpu.SemaphoreType.DMA,
        ],
    )
    def k(h_hbm, idx_hbm, out_hbm, idx_v, rows_v, sem):
        cid = lax.axis_index("c")
        sid = lax.axis_index("s")
        wid = sid * NSC + cid
        base = wid * bpw
        pltpu.sync_copy(idx_hbm.at[pl.ds(base, bpw)], idx_v)
        pltpu.async_copy(h_hbm.at[idx_v], rows_v, sem).wait()
        pltpu.sync_copy(rows_v, out_hbm.at[pl.ds(base, bpw)])

    return k(h, idx_flat)



def _relu(v):
    return jnp.maximum(v, 0.0)


def _mm_scale(h, deg, w):
    np_rows, fin = h.shape
    hout = w.shape[1]
    hh = hout // 2
    grid = np_rows // RB

    def body(h_ref, d_ref, w_ref, u_ref):
        dinv = lax.rsqrt(d_ref[...])
        r = jnp.dot(h_ref[...] * dinv, w_ref[...],
                    preferred_element_type=F32)
        u_ref[0] = r[:, :hh]
        u_ref[1] = r[:, hh:]

    return pl.pallas_call(
        body,
        grid=(grid,),
        in_specs=[
            pl.BlockSpec((RB, fin), lambda i: (i, 0)),
            pl.BlockSpec((RB, 1), lambda i: (i, 0)),
            pl.BlockSpec((fin, hout), lambda i: (0, 0)),
        ],
        out_specs=pl.BlockSpec((2, RB, hh), lambda i: (0, i, 0)),
        out_shape=SDS((2, np_rows, hh), F32),
    )(h, deg, w)


def _act_mm(s2, deg, b, w):
    np_rows, hh = s2.shape[1], s2.shape[2]
    hfull = 2 * hh
    grid = np_rows // RB

    def body(s_ref, d_ref, b_ref, w_ref, x_ref, u_ref):
        dinv = lax.rsqrt(d_ref[...])
        x0 = _relu(s_ref[0] * dinv + b_ref[0:1, :hh])
        x1 = _relu(s_ref[1] * dinv + b_ref[0:1, hh:])
        xa = jnp.concatenate([x0, x1], axis=1)
        x_ref[...] = xa
        r = jnp.dot(xa * dinv, w_ref[...], preferred_element_type=F32)
        u_ref[0] = r[:, :hh]
        u_ref[1] = r[:, hh:]

    return pl.pallas_call(
        body,
        grid=(grid,),
        in_specs=[
            pl.BlockSpec((2, RB, hh), lambda i: (0, i, 0)),
            pl.BlockSpec((RB, 1), lambda i: (i, 0)),
            pl.BlockSpec((1, hfull), lambda i: (0, 0)),
            pl.BlockSpec((hfull, hfull), lambda i: (0, 0)),
        ],
        out_specs=[
            pl.BlockSpec((RB, hfull), lambda i: (i, 0)),
            pl.BlockSpec((2, RB, hh), lambda i: (0, i, 0)),
        ],
        out_shape=[
            SDS((np_rows, hfull), F32),
            SDS((2, np_rows, hh), F32),
        ],
    )(s2, deg, b, w)


def _block_lin(x1, s2, deg, b2, wl, bl):
    np_rows, hh = s2.shape[1], s2.shape[2]
    hfull = 2 * hh
    grid = np_rows // RB

    def body(x1_ref, s_ref, d_ref, b2_ref, wl_ref, bl_ref, h_ref):
        dinv = lax.rsqrt(d_ref[...])
        x20 = _relu(s_ref[0] * dinv + b2_ref[0:1, :hh])
        x21 = _relu(s_ref[1] * dinv + b2_ref[0:1, hh:])
        x2 = jnp.concatenate([x20, x21], axis=1)
        r = jnp.dot(x1_ref[...], wl_ref[:hfull, :],
                    preferred_element_type=F32)
        r = r + jnp.dot(x2, wl_ref[hfull:, :], preferred_element_type=F32)
        h_ref[...] = _relu(r + bl_ref[...])

    return pl.pallas_call(
        body,
        grid=(grid,),
        in_specs=[
            pl.BlockSpec((RB, hfull), lambda i: (i, 0)),
            pl.BlockSpec((2, RB, hh), lambda i: (0, i, 0)),
            pl.BlockSpec((RB, 1), lambda i: (i, 0)),
            pl.BlockSpec((1, hfull), lambda i: (0, 0)),
            pl.BlockSpec((2 * hfull, hfull), lambda i: (0, 0)),
            pl.BlockSpec((1, hfull), lambda i: (0, 0)),
        ],
        out_specs=pl.BlockSpec((RB, hfull), lambda i: (i, 0)),
        out_shape=SDS((np_rows, hfull), F32),
    )(x1, s2, deg, b2, wl, bl)


def _sort_pool_select(keyb, batchb, num_graphs, k_top, k_pad):
    np_cols = keyb.shape[1]

    def body(key_ref, b_ref, idx_ref, val_ref):
        g = lax.broadcasted_iota(I32, (num_graphs, np_cols), 0)
        col = lax.broadcasted_iota(I32, (num_graphs, np_cols), 1)
        m = jnp.where(b_ref[...] == g, key_ref[...], NEG)
        idx_cols = []
        val_cols = []
        for _ in range(k_top):
            best = jnp.max(m, axis=1, keepdims=True)
            ok = best > (0.1 * NEG)
            sel = (m == best) & ok
            bidx = jnp.min(jnp.where(sel, col, np_cols), axis=1, keepdims=True)
            bidx = jnp.where(ok, bidx, 0)
            idx_cols.append(bidx)
            val_cols.append(ok.astype(F32))
            m = jnp.where(col == bidx, NEG, m)
        idx_cols.append(jnp.zeros((num_graphs, k_pad - k_top), I32))
        val_cols.append(jnp.zeros((num_graphs, k_pad - k_top), F32))
        idx_ref[...] = jnp.concatenate(idx_cols, axis=1)
        val_ref[...] = jnp.concatenate(val_cols, axis=1)

    return pl.pallas_call(
        body,
        out_shape=[
            SDS((num_graphs, k_pad), I32),
            SDS((num_graphs, k_pad), F32),
        ],
    )(keyb, batchb)


def _head(g3, v3, l1w, l1b, l2w, l2b, k_top):
    kp, ng, hfull = g3.shape
    nc = l2w.shape[1]

    def body(g_ref, v_ref, w1_ref, b1_ref, w2_ref, b2_ref, o_ref):
        acc = jnp.zeros((ng, hfull), F32)
        for r in range(k_top):
            pr = g_ref[r] * v_ref[r]
            acc = acc + jnp.dot(pr, w1_ref[pl.ds(r * hfull, hfull), :],
                                preferred_element_type=F32)
        p = _relu(acc + b1_ref[...])
        z = jnp.dot(p, w2_ref[...], preferred_element_type=F32) + b2_ref[...]
        zmax = jnp.max(z, axis=1, keepdims=True)
        e = jnp.exp(z - zmax)
        lse = jnp.log(jnp.sum(e, axis=1, keepdims=True))
        o_ref[...] = z - zmax - lse

    return pl.pallas_call(
        body,
        out_shape=SDS((ng, nc), F32),
    )(g3, v3, l1w, l1b, l2w, l2b)



def kernel(x, edge_index, batch,
           B0_W1, B0_b1, B0_W2, B0_b2, B0_Wl, B0_bl,
           B1_W1, B1_b1, B1_W2, B1_b2, B1_Wl, B1_bl,
           B2_W1, B2_b1, B2_W2, B2_b2, B2_Wl, B2_bl,
           lin1_W, lin1_b, lin2_W, lin2_b):
    n, fin = x.shape
    e = edge_index.shape[1]
    hfull = B0_W1.shape[1]
    hh = hfull // 2
    ng = 64
    k_top = lin1_W.shape[0] // hfull
    k_pad = 16
    nw = NSC * NSS

    np_rows = ((n + RB - 1) // RB) * RB
    align = nw * 8
    chunks = ((e + C - 1) // C + align - 1) // align * align
    ep = chunks * C

    xp = jnp.pad(x, ((0, np_rows - n), (0, 0)))
    n_pad_rows = np_rows - n
    pad_idx = (n + (jnp.arange(ep - e, dtype=I32) % n_pad_rows))
    src = jnp.concatenate([edge_index[0], pad_idx]).reshape(chunks, C)
    dst = jnp.concatenate([edge_index[1], pad_idx]).reshape(chunks, C)
    batchb = jnp.pad(batch, (0, np_rows - n),
                     constant_values=-1).reshape(1, np_rows)

    deg2 = _sc_degree(dst, np_rows)
    deg = (deg2[0] + deg2[1])[:, None]

    h = xp
    for (w1, b1, w2, b2, wl, bl) in (
            (B0_W1, B0_b1, B0_W2, B0_b2, B0_Wl, B0_bl),
            (B1_W1, B1_b1, B1_W2, B1_b2, B1_Wl, B1_bl),
            (B2_W1, B2_b1, B2_W2, B2_b2, B2_Wl, B2_bl)):
        u1 = _mm_scale(h, deg, w1)
        s1 = _sc_conv(u1, src, dst)
        x1, u2 = _act_mm(s1, deg, b1.reshape(1, hfull), w2)
        s2 = _sc_conv(u2, src, dst)
        h = _block_lin(x1, s2, deg, b2.reshape(1, hfull),
                       wl, bl.reshape(1, hfull))

    keyb = h[:, hfull - 1].reshape(1, np_rows)
    idx, valid = _sort_pool_select(keyb, batchb, ng, k_top, k_pad)

    idx_flat = idx.T.reshape(-1)
    rows = _sc_pool_gather(h, idx_flat)
    g3 = rows.reshape(k_pad, ng, hfull)
    v3 = valid.T.reshape(k_pad, ng, 1)

    return _head(g3, v3, lin1_W, lin1_b.reshape(1, hfull),
                 lin2_W, lin2_b.reshape(1, lin2_W.shape[1]), k_top)

# --- scband reference (transcript-rebuilt; emitter-appended) ---
"""Pipeline reference for scband-sort-pool-30777735643938 (READ-ONLY COPY).

The authoritative reference and input builder live on the scoring server;
editing this copy changes nothing except your own understanding.
"""

import jax, jax.numpy as jnp
import numpy as np

N = 10000
E = 320000
IN = 128
H = 256
NG = 64
NC = 10
K = 10

def _lin_init(k, fin, fout):
    return (jax.random.normal(k, (fin, fout), dtype=jnp.float32) / np.sqrt(fin)).astype(jnp.float32)

def setup_inputs(seed: int = 0):
    key = jax.random.key(seed)
    ks = jax.random.split(key, 16)
    inp = {}
    inp["x"] = jax.random.normal(ks[0], (N, IN), dtype=jnp.float32)
    inp["edge_index"] = jax.random.randint(ks[1], (2, E), 0, N, dtype=jnp.int32)
    inp["batch"] = jnp.sort(jax.random.randint(ks[2], (N,), 0, NG, dtype=jnp.int32))
    dims = [(IN, H), (H, H), (H, H)]
    i = 3
    for bi, (fi, fo) in enumerate(dims):
        inp["B%d_W1" % bi] = _lin_init(ks[i], fi, fo); i += 1
        inp["B%d_b1" % bi] = jnp.zeros((fo,), jnp.float32)
        inp["B%d_W2" % bi] = _lin_init(ks[i], fo, fo); i += 1
        inp["B%d_b2" % bi] = jnp.zeros((fo,), jnp.float32)
        inp["B%d_Wl" % bi] = _lin_init(ks[i], 2 * fo, fo); i += 1
        inp["B%d_bl" % bi] = jnp.zeros((fo,), jnp.float32)
    inp["lin1_W"] = _lin_init(ks[i], K * H, H); i += 1
    inp["lin1_b"] = jnp.zeros((H,), jnp.float32)
    inp["lin2_W"] = _lin_init(ks[i], H, NC); i += 1
    inp["lin2_b"] = jnp.zeros((NC,), jnp.float32)
    return inp

def _gcn_conv(x, src, dst, W, b):
    n = x.shape[0]
    loop = jnp.arange(n, dtype=src.dtype)
    s = jnp.concatenate([src, loop])
    d = jnp.concatenate([dst, loop])
    deg = jnp.zeros((n,), x.dtype).at[d].add(1.0)
    dinv = jnp.where(deg > 0, 1.0 / jnp.sqrt(deg), 0.0)
    norm = dinv[s] * dinv[d]
    xw = x @ W
    out = jnp.zeros_like(xw).at[d].add(xw[s] * norm[:, None])
    return out + b

def _gnn_block(x, src, dst, W1, b1, W2, b2, Wl, bl):
    x1 = jax.nn.relu(_gcn_conv(x, src, dst, W1, b1))
    x2 = jax.nn.relu(_gcn_conv(x1, src, dst, W2, b2))
    return jnp.concatenate([x1, x2], axis=-1) @ Wl + bl

def _global_sort_pool(x, batch, k, num_graphs):
    keyv = x[:, -1]
    order = jnp.lexsort((-keyv, batch))
    xs = x[order]
    bs = batch[order]
    counts = jnp.bincount(batch, length=num_graphs)
    starts = jnp.concatenate([jnp.zeros((1,), counts.dtype), jnp.cumsum(counts)[:-1]])
    rank = jnp.arange(x.shape[0]) - starts[bs]
    valid = (rank < k)
    rank_c = jnp.clip(rank, 0, k - 1)
    out = jnp.zeros((num_graphs, k, x.shape[1]), x.dtype)
    out = out.at[bs, rank_c].add(xs * valid[:, None].astype(x.dtype))
    return out.reshape(num_graphs, k * x.shape[1])

def reference(x, edge_index, batch, B0_W1, B0_b1, B0_W2, B0_b2, B0_Wl, B0_bl, B1_W1, B1_b1, B1_W2, B1_b2, B1_Wl, B1_bl, B2_W1, B2_b1, B2_W2, B2_b2, B2_Wl, B2_bl, lin1_W, lin1_b, lin2_W, lin2_b):
    src = edge_index[0]
    dst = edge_index[1]
    h = jax.nn.relu(_gnn_block(x, src, dst, B0_W1, B0_b1, B0_W2, B0_b2, B0_Wl, B0_bl))
    h = jax.nn.relu(_gnn_block(h, src, dst, B1_W1, B1_b1, B1_W2, B1_b2, B1_Wl, B1_bl))
    h = jax.nn.relu(_gnn_block(h, src, dst, B2_W1, B2_b1, B2_W2, B2_b2, B2_Wl, B2_bl))
    p = _global_sort_pool(h, batch, K, NG)
    p = jax.nn.relu(p @ lin1_W + lin1_b)
    logits = p @ lin2_W + lin2_b
    return jax.nn.log_softmax(logits, axis=-1)

if __name__ == "__main__":
    import jax
    _d = setup_inputs()
    print(jax.jit(kernel)(*tuple(_d.values())))

</pallas_src>

<mosaic_0001>
#map = affine_map<(d0, d1) -> (0, 0, 0)>
#map1 = affine_map<(d0, d1) -> (0, 0)>
module attributes {stable_mosaic.version = 14 : i64} {
  func.func @k(%arg0: i32, %arg1: i32, %arg2: memref<2x10240x128xf32, #tpu.memory_space<hbm>>, %arg3: memref<2560x128xi32, #tpu.memory_space<hbm>>, %arg4: memref<2560x128xi32, #tpu.memory_space<hbm>>, %arg5: memref<2x10240x128xf32, #tpu.memory_space<hbm>>, %arg6: memref<80x128xi32, #tpu.memory_space<vmem>>, %arg7: memref<80x128xi32, #tpu.memory_space<vmem>>, %arg8: memref<128x128xf32, #tpu.memory_space<vmem>>, %arg9: memref<10240x128xf32, #tpu.memory_space<vmem_shared>>, %arg10: memref<!tpu.dma_semaphore, #tpu.memory_space<semaphore_mem>>) attributes {dimension_semantics = [#tpu.dimension_semantics<core_parallel>, #tpu.dimension_semantics<subcore_parallel>], iteration_bounds = array<i64: 2, 16>, scalar_prefetch = 0 : i64, scratch_operands = 5 : i64, tpu.core_type = #tpu.core_type<sc_vector_subcore>, window_params = [{transform_indices = #map}, {transform_indices = #map1}, {transform_indices = #map1}, {transform_indices = #map}]} {
    %mul3A = arith.constant 640 : i32
    %mul3A_0 = arith.muli %arg1, %mul3A : i32
    %mul3A_1 = arith.constant 640 : i32
    %mul3A_2 = arith.muli %arg1, %mul3A_1 : i32
    "tpu.region"() ({
      %run_scoped3A = tpu.sem_alloc : memref<!tpu.dma_semaphore, #tpu.memory_space<semaphore_mem>>
      %dma_start3A = arith.constant 0 : i32
      %dma_start3A_26 = tpu.memref_slice %arg9[%mul3A_2, %dma_start3A] : memref<10240x128xf32, #tpu.memory_space<vmem_shared>> -> memref<640x128xf32, #tpu.memory_space<vmem_shared>>
      %dma_start3A_27 = arith.constant 0 : i32
      %dma_start3A_28 = tpu.memref_slice %arg2[%arg0, %mul3A_0, %dma_start3A_27] : memref<2x10240x128xf32, #tpu.memory_space<hbm>> -> memref<1x640x128xf32, #tpu.memory_space<hbm>>
      %dma_start3A_29 = tpu.memref_squeeze %dma_start3A_28 : memref<1x640x128xf32, #tpu.memory_space<hbm>> -> memref<640x128xf32, #tpu.memory_space<hbm>>
      tpu.enqueue_dma source(%dma_start3A_29 : memref<640x128xf32, #tpu.memory_space<hbm>>) target(%dma_start3A_26 : memref<640x128xf32, #tpu.memory_space<vmem_shared>>) target_semaphore(%run_scoped3A : memref<!tpu.dma_semaphore, #tpu.memory_space<semaphore_mem>>)
      %dma_wait3A = arith.constant 0 : i32
      %dma_wait3A_30 = tpu.memref_slice %arg9[%mul3A_2, %dma_wait3A] : memref<10240x128xf32, #tpu.memory_space<vmem_shared>> -> memref<640x128xf32, #tpu.memory_space<vmem_shared>>
      %dma_wait3A_31 = arith.constant 0 : i32
      %dma_wait3A_32 = tpu.memref_slice %arg2[%arg0, %mul3A_0, %dma_wait3A_31] : memref<2x10240x128xf32, #tpu.memory_space<hbm>> -> memref<1x640x128xf32, #tpu.memory_space<hbm>>
      %dma_wait3A_33 = tpu.memref_squeeze %dma_wait3A_32 : memref<1x640x128xf32, #tpu.memory_space<hbm>> -> memref<640x128xf32, #tpu.memory_space<hbm>>
      tpu.wait_dma2 semaphore(%run_scoped3A : memref<!tpu.dma_semaphore, #tpu.memory_space<semaphore_mem>>) src(%dma_wait3A_33 : memref<640x128xf32, #tpu.memory_space<hbm>>) dst(%dma_wait3A_30 : memref<640x128xf32, #tpu.memory_space<vmem_shared>>)
      tpu.yield
    }) : () -> ()
    %barrier3A = arith.constant 0 : index
    tpu.barrier barrier_id(%barrier3A)
    %mul3A_3 = arith.constant 160 : i32
    %mul3A_4 = arith.muli %arg1, %mul3A_3 : i32
    %add3A = arith.constant 0 : i32
    %add3A_5 = arith.addi %mul3A_4, %add3A : i32
    "tpu.region"() ({
      %run_scoped3A = tpu.sem_alloc : memref<!tpu.dma_semaphore, #tpu.memory_space<semaphore_mem>>
      %dma_start3A = arith.constant 0 : i32
      %dma_start3A_26 = tpu.memref_slice %arg3[%add3A_5, %dma_start3A] : memref<2560x128xi32, #tpu.memory_space<hbm>> -> memref<80x128xi32, #tpu.memory_space<hbm>>
      %dma_start3A_27 = arith.constant 0 : i32
      %dma_start3A_28 = tpu.memref_slice %arg3[%add3A_5, %dma_start3A_27] : memref<2560x128xi32, #tpu.memory_space<hbm>> -> memref<80x128xi32, #tpu.memory_space<hbm>>
      tpu.enqueue_dma source(%dma_start3A_28 : memref<80x128xi32, #tpu.memory_space<hbm>>) target(%arg6 : memref<80x128xi32, #tpu.memory_space<vmem>>) target_semaphore(%run_scoped3A : memref<!tpu.dma_semaphore, #tpu.memory_space<semaphore_mem>>)
      %dma_wait3A = arith.constant 0 : i32
      %dma_wait3A_29 = tpu.memref_slice %arg3[%add3A_5, %dma_wait3A] : memref<2560x128xi32, #tpu.memory_space<hbm>> -> memref<80x128xi32, #tpu.memory_space<hbm>>
      %dma_wait3A_30 = arith.constant 0 : i32
      %dma_wait3A_31 = tpu.memref_slice %arg3[%add3A_5, %dma_wait3A_30] : memref<2560x128xi32, #tpu.memory_space<hbm>> -> memref<80x128xi32, #tpu.memory_space<hbm>>
      tpu.wait_dma2 semaphore(%run_scoped3A : memref<!tpu.dma_semaphore, #tpu.memory_space<semaphore_mem>>) src(%dma_wait3A_31 : memref<80x128xi32, #tpu.memory_space<hbm>>) dst(%arg6 : memref<80x128xi32, #tpu.memory_space<vmem>>)
      tpu.yield
    }) : () -> ()
    "tpu.region"() ({
      %run_scoped3A = tpu.sem_alloc : memref<!tpu.dma_semaphore, #tpu.memory_space<semaphore_mem>>
      %dma_start3A = arith.constant 0 : i32
      %dma_start3A_26 = tpu.memref_slice %arg4[%add3A_5, %dma_start3A] : memref<2560x128xi32, #tpu.memory_space<hbm>> -> memref<80x128xi32, #tpu.memory_space<hbm>>
      %dma_start3A_27 = arith.constant 0 : i32
      %dma_start3A_28 = tpu.memref_slice %arg4[%add3A_5, %dma_start3A_27] : memref<2560x128xi32, #tpu.memory_space<hbm>> -> memref<80x128xi32, #tpu.memory_space<hbm>>
      tpu.enqueue_dma source(%dma_start3A_28 : memref<80x128xi32, #tpu.memory_space<hbm>>) target(%arg7 : memref<80x128xi32, #tpu.memory_space<vmem>>) target_semaphore(%run_scoped3A : memref<!tpu.dma_semaphore, #tpu.memory_space<semaphore_mem>>)
      %dma_wait3A = arith.constant 0 : i32
      %dma_wait3A_29 = tpu.memref_slice %arg4[%add3A_5, %dma_wait3A] : memref<2560x128xi32, #tpu.memory_space<hbm>> -> memref<80x128xi32, #tpu.memory_space<hbm>>
      %dma_wait3A_30 = arith.constant 0 : i32
      %dma_wait3A_31 = tpu.memref_slice %arg4[%add3A_5, %dma_wait3A_30] : memref<2560x128xi32, #tpu.memory_space<hbm>> -> memref<80x128xi32, #tpu.memory_space<hbm>>
      tpu.wait_dma2 semaphore(%run_scoped3A : memref<!tpu.dma_semaphore, #tpu.memory_space<semaphore_mem>>) src(%dma_wait3A_31 : memref<80x128xi32, #tpu.memory_space<hbm>>) dst(%arg7 : memref<80x128xi32, #tpu.memory_space<vmem>>)
      tpu.yield
    }) : () -> ()
    %scan3A = arith.constant 0 : i32
    %scan3A_6 = arith.constant 0 : i32
    %scan3A_7 = arith.constant 80 : i32
    %scan3A_8 = arith.addi %scan3A_6, %scan3A_7 : i32
    %scan3A_9 = arith.constant 1 : i32
    scf.for %scan3A_26 = %scan3A_6 to %scan3A_8 step %scan3A_9  : i32 {
      %dma_start3A = arith.constant 0 : i32
      %dma_start3A_27 = tpu.memref_slice %arg6[%scan3A_26, %dma_start3A] : memref<80x128xi32, #tpu.memory_space<vmem>> -> memref<1x128xi32, #tpu.memory_space<vmem>>
      %dma_start3A_28 = tpu.memref_squeeze %dma_start3A_27 : memref<1x128xi32, #tpu.memory_space<vmem>> -> memref<128xi32, #tpu.memory_space<vmem>>
      %dma_start3A_29 = arith.constant 0 : i32
      %dma_start3A_30 = arith.constant 0 : i32
      %dma_start3A_31 = tpu.memref_slice %arg2[%arg0, %dma_start3A_29, %dma_start3A_30] : memref<2x10240x128xf32, #tpu.memory_space<hbm>> -> memref<1x10240x128xf32, #tpu.memory_space<hbm>>
      %dma_start3A_32 = tpu.memref_squeeze %dma_start3A_31 : memref<1x10240x128xf32, #tpu.memory_space<hbm>> -> memref<10240x128xf32, #tpu.memory_space<hbm>>
      %dma_start3A_33 = arith.constant 0 : i32
      %dma_start3A_34 = arith.constant 0 : i32
      %dma_start3A_35 = tpu.memref_slice %dma_start3A_32[%dma_start3A_33, %dma_start3A_34] : memref<10240x128xf32, #tpu.memory_space<hbm>> -> memref<10240x128xf32, #tpu.memory_space<hbm>>
      tpu.enqueue_indirect_dma source(%dma_start3A_35 : memref<10240x128xf32, #tpu.memory_space<hbm>>) target(%arg8 : memref<128x128xf32, #tpu.memory_space<vmem>>) offsets(%dma_start3A_28 : memref<128xi32, #tpu.memory_space<vmem>>) semaphore(%arg10 : memref<!tpu.dma_semaphore, #tpu.memory_space<semaphore_mem>>)
      %dma_wait3A = arith.constant 0 : i32
      %dma_wait3A_36 = tpu.memref_slice %arg6[%scan3A_26, %dma_wait3A] : memref<80x128xi32, #tpu.memory_space<vmem>> -> memref<1x128xi32, #tpu.memory_space<vmem>>
      %dma_wait3A_37 = tpu.memref_squeeze %dma_wait3A_36 : memref<1x128xi32, #tpu.memory_space<vmem>> -> memref<128xi32, #tpu.memory_space<vmem>>
      %dma_wait3A_38 = arith.constant 0 : i32
      %dma_wait3A_39 = arith.constant 0 : i32
      %dma_wait3A_40 = tpu.memref_slice %arg2[%arg0, %dma_wait3A_38, %dma_wait3A_39] : memref<2x10240x128xf32, #tpu.memory_space<hbm>> -> memref<1x10240x128xf32, #tpu.memory_space<hbm>>
      %dma_wait3A_41 = tpu.memref_squeeze %dma_wait3A_40 : memref<1x10240x128xf32, #tpu.memory_space<hbm>> -> memref<10240x128xf32, #tpu.memory_space<hbm>>
      %dma_wait3A_42 = arith.constant 0 : i32
      %dma_wait3A_43 = arith.constant 0 : i32
      %dma_wait3A_44 = tpu.memref_slice %dma_wait3A_41[%dma_wait3A_42, %dma_wait3A_43] : memref<10240x128xf32, #tpu.memory_space<hbm>> -> memref<10240x128xf32, #tpu.memory_space<hbm>>
      tpu.wait_indirect_dma semaphore(%arg10 : memref<!tpu.dma_semaphore, #tpu.memory_space<semaphore_mem>>) src(%dma_wait3A_44 : memref<10240x128xf32, #tpu.memory_space<hbm>>) dst(%arg8 : memref<128x128xf32, #tpu.memory_space<vmem>>)
      "tpu.region"() ({
        %run_scoped3A = tpu.sem_alloc : memref<!tpu.dma_semaphore, #tpu.memory_space<semaphore_mem>>
        %dma_start3A_45 = arith.constant 0 : i32
        %dma_start3A_46 = tpu.memref_slice %arg7[%scan3A_26, %dma_start3A_45] : memref<80x128xi32, #tpu.memory_space<vmem>> -> memref<1x128xi32, #tpu.memory_space<vmem>>
        %dma_start3A_47 = tpu.memref_squeeze %dma_start3A_46 : memref<1x128xi32, #tpu.memory_space<vmem>> -> memref<128xi32, #tpu.memory_space<vmem>>
        %dma_start3A_48 = arith.constant 0 : i32
        %dma_start3A_49 = arith.constant 0 : i32
        %dma_start3A_50 = tpu.memref_slice %arg9[%dma_start3A_48, %dma_start3A_49] : memref<10240x128xf32, #tpu.memory_space<vmem_shared>> -> memref<10240x128xf32, #tpu.memory_space<vmem_shared>>
        tpu.enqueue_indirect_dma source(%arg8 : memref<128x128xf32, #tpu.memory_space<vmem>>) target(%dma_start3A_50 : memref<10240x128xf32, #tpu.memory_space<vmem_shared>>) offsets(%dma_start3A_47 : memref<128xi32, #tpu.memory_space<vmem>>) semaphore(%run_scoped3A : memref<!tpu.dma_semaphore, #tpu.memory_space<semaphore_mem>>) {add = true}
        %dma_wait3A_51 = arith.constant 0 : i32
        %dma_wait3A_52 = tpu.memref_slice %arg7[%scan3A_26, %dma_wait3A_51] : memref<80x128xi32, #tpu.memory_space<vmem>> -> memref<1x128xi32, #tpu.memory_space<vmem>>
        %dma_wait3A_53 = tpu.memref_squeeze %dma_wait3A_52 : memref<1x128xi32, #tpu.memory_space<vmem>> -> memref<128xi32, #tpu.memory_space<vmem>>
        %dma_wait3A_54 = arith.constant 0 : i32
        %dma_wait3A_55 = arith.constant 0 : i32
        %dma_wait3A_56 = tpu.memref_slice %arg9[%dma_wait3A_54, %dma_wait3A_55] : memref<10240x128xf32, #tpu.memory_space<vmem_shared>> -> memref<10240x128xf32, #tpu.memory_space<vmem_shared>>
        tpu.wait_indirect_dma semaphore(%run_scoped3A : memref<!tpu.dma_semaphore, #tpu.memory_space<semaphore_mem>>) src(%arg8 : memref<128x128xf32, #tpu.memory_space<vmem>>) dst(%dma_wait3A_56 : memref<10240x128xf32, #tpu.memory_space<vmem_shared>>)
        tpu.yield
      }) : () -> ()
    }
    %scan3A_10 = arith.constant 80 : i32
    %mul3A_11 = arith.constant 160 : i32
    %mul3A_12 = arith.muli %arg1, %mul3A_11 : i32
    %add3A_13 = arith.constant 80 : i32
    %add3A_14 = arith.addi %mul3A_12, %add3A_13 : i32
    "tpu.region"() ({
      %run_scoped3A = tpu.sem_alloc : memref<!tpu.dma_semaphore, #tpu.memory_space<semaphore_mem>>
      %dma_start3A = arith.constant 0 : i32
      %dma_start3A_26 = tpu.memref_slice %arg3[%add3A_14, %dma_start3A] : memref<2560x128xi32, #tpu.memory_space<hbm>> -> memref<80x128xi32, #tpu.memory_space<hbm>>
      %dma_start3A_27 = arith.constant 0 : i32
      %dma_start3A_28 = tpu.memref_slice %arg3[%add3A_14, %dma_start3A_27] : memref<2560x128xi32, #tpu.memory_space<hbm>> -> memref<80x128xi32, #tpu.memory_space<hbm>>
      tpu.enqueue_dma source(%dma_start3A_28 : memref<80x128xi32, #tpu.memory_space<hbm>>) target(%arg6 : memref<80x128xi32, #tpu.memory_space<vmem>>) target_semaphore(%run_scoped3A : memref<!tpu.dma_semaphore, #tpu.memory_space<semaphore_mem>>)
      %dma_wait3A = arith.constant 0 : i32
      %dma_wait3A_29 = tpu.memref_slice %arg3[%add3A_14, %dma_wait3A] : memref<2560x128xi32, #tpu.memory_space<hbm>> -> memref<80x128xi32, #tpu.memory_space<hbm>>
      %dma_wait3A_30 = arith.constant 0 : i32
      %dma_wait3A_31 = tpu.memref_slice %arg3[%add3A_14, %dma_wait3A_30] : memref<2560x128xi32, #tpu.memory_space<hbm>> -> memref<80x128xi32, #tpu.memory_space<hbm>>
      tpu.wait_dma2 semaphore(%run_scoped3A : memref<!tpu.dma_semaphore, #tpu.memory_space<semaphore_mem>>) src(%dma_wait3A_31 : memref<80x128xi32, #tpu.memory_space<hbm>>) dst(%arg6 : memref<80x128xi32, #tpu.memory_space<vmem>>)
      tpu.yield
    }) : () -> ()
    "tpu.region"() ({
      %run_scoped3A = tpu.sem_alloc : memref<!tpu.dma_semaphore, #tpu.memory_space<semaphore_mem>>
      %dma_start3A = arith.constant 0 : i32
      %dma_start3A_26 = tpu.memref_slice %arg4[%add3A_14, %dma_start3A] : memref<2560x128xi32, #tpu.memory_space<hbm>> -> memref<80x128xi32, #tpu.memory_space<hbm>>
      %dma_start3A_27 = arith.constant 0 : i32
      %dma_start3A_28 = tpu.memref_slice %arg4[%add3A_14, %dma_start3A_27] : memref<2560x128xi32, #tpu.memory_space<hbm>> -> memref<80x128xi32, #tpu.memory_space<hbm>>
      tpu.enqueue_dma source(%dma_start3A_28 : memref<80x128xi32, #tpu.memory_space<hbm>>) target(%arg7 : memref<80x128xi32, #tpu.memory_space<vmem>>) target_semaphore(%run_scoped3A : memref<!tpu.dma_semaphore, #tpu.memory_space<semaphore_mem>>)
      %dma_wait3A = arith.constant 0 : i32
      %dma_wait3A_29 = tpu.memref_slice %arg4[%add3A_14, %dma_wait3A] : memref<2560x128xi32, #tpu.memory_space<hbm>> -> memref<80x128xi32, #tpu.memory_space<hbm>>
      %dma_wait3A_30 = arith.constant 0 : i32
      %dma_wait3A_31 = tpu.memref_slice %arg4[%add3A_14, %dma_wait3A_30] : memref<2560x128xi32, #tpu.memory_space<hbm>> -> memref<80x128xi32, #tpu.memory_space<hbm>>
      tpu.wait_dma2 semaphore(%run_scoped3A : memref<!tpu.dma_semaphore, #tpu.memory_space<semaphore_mem>>) src(%dma_wait3A_31 : memref<80x128xi32, #tpu.memory_space<hbm>>) dst(%arg7 : memref<80x128xi32, #tpu.memory_space<vmem>>)
      tpu.yield
    }) : () -> ()
    %scan3A_15 = arith.constant 0 : i32
    %scan3A_16 = arith.constant 0 : i32
    %scan3A_17 = arith.constant 80 : i32
    %scan3A_18 = arith.addi %scan3A_16, %scan3A_17 : i32
    %scan3A_19 = arith.constant 1 : i32
    scf.for %scan3A_26 = %scan3A_16 to %scan3A_18 step %scan3A_19  : i32 {
      %dma_start3A = arith.constant 0 : i32
      %dma_start3A_27 = tpu.memref_slice %arg6[%scan3A_26, %dma_start3A] : memref<80x128xi32, #tpu.memory_space<vmem>> -> memref<1x128xi32, #tpu.memory_space<vmem>>
      %dma_start3A_28 = tpu.memref_squeeze %dma_start3A_27 : memref<1x128xi32, #tpu.memory_space<vmem>> -> memref<128xi32, #tpu.memory_space<vmem>>
      %dma_start3A_29 = arith.constant 0 : i32
      %dma_start3A_30 = arith.constant 0 : i32
      %dma_start3A_31 = tpu.memref_slice %arg2[%arg0, %dma_start3A_29, %dma_start3A_30] : memref<2x10240x128xf32, #tpu.memory_space<hbm>> -> memref<1x10240x128xf32, #tpu.memory_space<hbm>>
      %dma_start3A_32 = tpu.memref_squeeze %dma_start3A_31 : memref<1x10240x128xf32, #tpu.memory_space<hbm>> -> memref<10240x128xf32, #tpu.memory_space<hbm>>
      %dma_start3A_33 = arith.constant 0 : i32
      %dma_start3A_34 = arith.constant 0 : i32
      %dma_start3A_35 = tpu.memref_slice %dma_start3A_32[%dma_start3A_33, %dma_start3A_34] : memref<10240x128xf32, #tpu.memory_space<hbm>> -> memref<10240x128xf32, #tpu.memory_space<hbm>>
      tpu.enqueue_indirect_dma source(%dma_start3A_35 : memref<10240x128xf32, #tpu.memory_space<hbm>>) target(%arg8 : memref<128x128xf32, #tpu.memory_space<vmem>>) offsets(%dma_start3A_28 : memref<128xi32, #tpu.memory_space<vmem>>) semaphore(%arg10 : memref<!tpu.dma_semaphore, #tpu.memory_space<semaphore_mem>>)
      %dma_wait3A = arith.constant 0 : i32
      %dma_wait3A_36 = tpu.memref_slice %arg6[%scan3A_26, %dma_wait3A] : memref<80x128xi32, #tpu.memory_space<vmem>> -> memref<1x128xi32, #tpu.memory_space<vmem>>
      %dma_wait3A_37 = tpu.memref_squeeze %dma_wait3A_36 : memref<1x128xi32, #tpu.memory_space<vmem>> -> memref<128xi32, #tpu.memory_space<vmem>>
      %dma_wait3A_38 = arith.constant 0 : i32
      %dma_wait3A_39 = arith.constant 0 : i32
      %dma_wait3A_40 = tpu.memref_slice %arg2[%arg0, %dma_wait3A_38, %dma_wait3A_39] : memref<2x10240x128xf32, #tpu.memory_space<hbm>> -> memref<1x10240x128xf32, #tpu.memory_space<hbm>>
      %dma_wait3A_41 = tpu.memref_squeeze %dma_wait3A_40 : memref<1x10240x128xf32, #tpu.memory_space<hbm>> -> memref<10240x128xf32, #tpu.memory_space<hbm>>
      %dma_wait3A_42 = arith.constant 0 : i32
      %dma_wait3A_43 = arith.constant 0 : i32
      %dma_wait3A_44 = tpu.memref_slice %dma_wait3A_41[%dma_wait3A_42, %dma_wait3A_43] : memref<10240x128xf32, #tpu.memory_space<hbm>> -> memref<10240x128xf32, #tpu.memory_space<hbm>>
      tpu.wait_indirect_dma semaphore(%arg10 : memref<!tpu.dma_semaphore, #tpu.memory_space<semaphore_mem>>) src(%dma_wait3A_44 : memref<10240x128xf32, #tpu.memory_space<hbm>>) dst(%arg8 : memref<128x128xf32, #tpu.memory_space<vmem>>)
      "tpu.region"() ({
        %run_scoped3A = tpu.sem_alloc : memref<!tpu.dma_semaphore, #tpu.memory_space<semaphore_mem>>
        %dma_start3A_45 = arith.constant 0 : i32
        %dma_start3A_46 = tpu.memref_slice %arg7[%scan3A_26, %dma_start3A_45] : memref<80x128xi32, #tpu.memory_space<vmem>> -> memref<1x128xi32, #tpu.memory_space<vmem>>
        %dma_start3A_47 = tpu.memref_squeeze %dma_start3A_46 : memref<1x128xi32, #tpu.memory_space<vmem>> -> memref<128xi32, #tpu.memory_space<vmem>>
        %dma_start3A_48 = arith.constant 0 : i32
        %dma_start3A_49 = arith.constant 0 : i32
        %dma_start3A_50 = tpu.memref_slice %arg9[%dma_start3A_48, %dma_start3A_49] : memref<10240x128xf32, #tpu.memory_space<vmem_shared>> -> memref<10240x128xf32, #tpu.memory_space<vmem_shared>>
        tpu.enqueue_indirect_dma source(%arg8 : memref<128x128xf32, #tpu.memory_space<vmem>>) target(%dma_start3A_50 : memref<10240x128xf32, #tpu.memory_space<vmem_shared>>) offsets(%dma_start3A_47 : memref<128xi32, #tpu.memory_space<vmem>>) semaphore(%run_scoped3A : memref<!tpu.dma_semaphore, #tpu.memory_space<semaphore_mem>>) {add = true}
        %dma_wait3A_51 = arith.constant 0 : i32
        %dma_wait3A_52 = tpu.memref_slice %arg7[%scan3A_26, %dma_wait3A_51] : memref<80x128xi32, #tpu.memory_space<vmem>> -> memref<1x128xi32, #tpu.memory_space<vmem>>
        %dma_wait3A_53 = tpu.memref_squeeze %dma_wait3A_52 : memref<1x128xi32, #tpu.memory_space<vmem>> -> memref<128xi32, #tpu.memory_space<vmem>>
        %dma_wait3A_54 = arith.constant 0 : i32
        %dma_wait3A_55 = arith.constant 0 : i32
        %dma_wait3A_56 = tpu.memref_slice %arg9[%dma_wait3A_54, %dma_wait3A_55] : memref<10240x128xf32, #tpu.memory_space<vmem_shared>> -> memref<10240x128xf32, #tpu.memory_space<vmem_shared>>
        tpu.wait_indirect_dma semaphore(%run_scoped3A : memref<!tpu.dma_semaphore, #tpu.memory_space<semaphore_mem>>) src(%arg8 : memref<128x128xf32, #tpu.memory_space<vmem>>) dst(%dma_wait3A_56 : memref<10240x128xf32, #tpu.memory_space<vmem_shared>>)
        tpu.yield
      }) : () -> ()
    }
    %scan3A_20 = arith.constant 80 : i32
    %barrier3A_21 = arith.constant 0 : index
    tpu.barrier barrier_id(%barrier3A_21)
    %mul3A_22 = arith.constant 640 : i32
    %mul3A_23 = arith.muli %arg1, %mul3A_22 : i32
    %mul3A_24 = arith.constant 640 : i32
    %mul3A_25 = arith.muli %arg1, %mul3A_24 : i32
    "tpu.region"() ({
      %run_scoped3A = tpu.sem_alloc : memref<!tpu.dma_semaphore, #tpu.memory_space<semaphore_mem>>
      %dma_start3A = arith.constant 0 : i32
      %dma_start3A_26 = tpu.memref_slice %arg5[%arg0, %mul3A_25, %dma_start3A] : memref<2x10240x128xf32, #tpu.memory_space<hbm>> -> memref<1x640x128xf32, #tpu.memory_space<hbm>>
      %dma_start3A_27 = tpu.memref_squeeze %dma_start3A_26 : memref<1x640x128xf32, #tpu.memory_space<hbm>> -> memref<640x128xf32, #tpu.memory_space<hbm>>
      %dma_start3A_28 = arith.constant 0 : i32
      %dma_start3A_29 = tpu.memref_slice %arg9[%mul3A_23, %dma_start3A_28] : memref<10240x128xf32, #tpu.memory_space<vmem_shared>> -> memref<640x128xf32, #tpu.memory_space<vmem_shared>>
      tpu.enqueue_dma source(%dma_start3A_29 : memref<640x128xf32, #tpu.memory_space<vmem_shared>>) target(%dma_start3A_27 : memref<640x128xf32, #tpu.memory_space<hbm>>) target_semaphore(%run_scoped3A : memref<!tpu.dma_semaphore, #tpu.memory_space<semaphore_mem>>)
      %dma_wait3A = arith.constant 0 : i32
      %dma_wait3A_30 = tpu.memref_slice %arg5[%arg0, %mul3A_25, %dma_wait3A] : memref<2x10240x128xf32, #tpu.memory_space<hbm>> -> memref<1x640x128xf32, #tpu.memory_space<hbm>>
      %dma_wait3A_31 = tpu.memref_squeeze %dma_wait3A_30 : memref<1x640x128xf32, #tpu.memory_space<hbm>> -> memref<640x128xf32, #tpu.memory_space<hbm>>
      %dma_wait3A_32 = arith.constant 0 : i32
      %dma_wait3A_33 = tpu.memref_slice %arg9[%mul3A_23, %dma_wait3A_32] : memref<10240x128xf32, #tpu.memory_space<vmem_shared>> -> memref<640x128xf32, #tpu.memory_space<vmem_shared>>
      tpu.wait_dma2 semaphore(%run_scoped3A : memref<!tpu.dma_semaphore, #tpu.memory_space<semaphore_mem>>) src(%dma_wait3A_33 : memref<640x128xf32, #tpu.memory_space<vmem_shared>>) dst(%dma_wait3A_31 : memref<640x128xf32, #tpu.memory_space<hbm>>)
      tpu.yield
    }) : () -> ()
    return
  }
}

#map = affine_map<(d0, d1) -> (0, 0, 0)>
#map1 = affine_map<(d0, d1) -> (0, 0)>
module attributes {stable_mosaic.version = 14 : i64} {
  func.func @k(%arg0: i32, %arg1: i32, %arg2: memref<2x10240x128xf32, #tpu.memory_space<hbm>>, %arg3: memref<2560x128xi32, #tpu.memory_space<hbm>>, %arg4: memref<2560x128xi32, #tpu.memory_space<hbm>>, %arg5: memref<2x10240x128xf32, #tpu.memory_space<hbm>>, %arg6: memref<80x128xi32, #tpu.memory_space<vmem>>, %arg7: memref<80x128xi32, #tpu.memory_space<vmem>>, %arg8: memref<128x128xf32, #tpu.memory_space<vmem>>, %arg9: memref<10240x128xf32, #tpu.memory_space<vmem_shared>>, %arg10: memref<!tpu.dma_semaphore, #tpu.memory_space<semaphore_mem>>) attributes {dimension_semantics = [#tpu.dimension_semantics<core_parallel>, #tpu.dimension_semantics<subcore_parallel>], iteration_bounds = array<i64: 2, 16>, scalar_prefetch = 0 : i64, scratch_operands = 5 : i64, tpu.core_type = #tpu.core_type<sc_vector_subcore>, window_params = [{transform_indices = #map}, {transform_indices = #map1}, {transform_indices = #map1}, {transform_indices = #map}]} {
    %mul3A = arith.constant 640 : i32
    %mul3A_0 = arith.muli %arg1, %mul3A : i32
    %mul3A_1 = arith.constant 640 : i32
    %mul3A_2 = arith.muli %arg1, %mul3A_1 : i32
    "tpu.region"() ({
      %run_scoped3A = tpu.sem_alloc : memref<!tpu.dma_semaphore, #tpu.memory_space<semaphore_mem>>
      %dma_start3A = arith.constant 0 : i32
      %dma_start3A_26 = tpu.memref_slice %arg9[%mul3A_2, %dma_start3A] : memref<10240x128xf32, #tpu.memory_space<vmem_shared>> -> memref<640x128xf32, #tpu.memory_space<vmem_shared>>
      %dma_start3A_27 = arith.constant 0 : i32
      %dma_start3A_28 = tpu.memref_slice %arg2[%arg0, %mul3A_0, %dma_start3A_27] : memref<2x10240x128xf32, #tpu.memory_space<hbm>> -> memref<1x640x128xf32, #tpu.memory_space<hbm>>
      %dma_start3A_29 = tpu.memref_squeeze %dma_start3A_28 : memref<1x640x128xf32, #tpu.memory_space<hbm>> -> memref<640x128xf32, #tpu.memory_space<hbm>>
      tpu.enqueue_dma source(%dma_start3A_29 : memref<640x128xf32, #tpu.memory_space<hbm>>) target(%dma_start3A_26 : memref<640x128xf32, #tpu.memory_space<vmem_shared>>) target_semaphore(%run_scoped3A : memref<!tpu.dma_semaphore, #tpu.memory_space<semaphore_mem>>)
      %dma_wait3A = arith.constant 0 : i32
      %dma_wait3A_30 = tpu.memref_slice %arg9[%mul3A_2, %dma_wait3A] : memref<10240x128xf32, #tpu.memory_space<vmem_shared>> -> memref<640x128xf32, #tpu.memory_space<vmem_shared>>
      %dma_wait3A_31 = arith.constant 0 : i32
      %dma_wait3A_32 = tpu.memref_slice %arg2[%arg0, %mul3A_0, %dma_wait3A_31] : memref<2x10240x128xf32, #tpu.memory_space<hbm>> -> memref<1x640x128xf32, #tpu.memory_space<hbm>>
      %dma_wait3A_33 = tpu.memref_squeeze %dma_wait3A_32 : memref<1x640x128xf32, #tpu.memory_space<hbm>> -> memref<640x128xf32, #tpu.memory_space<hbm>>
      tpu.wait_dma2 semaphore(%run_scoped3A : memref<!tpu.dma_semaphore, #tpu.memory_space<semaphore_mem>>) src(%dma_wait3A_33 : memref<640x128xf32, #tpu.memory_space<hbm>>) dst(%dma_wait3A_30 : memref<640x128xf32, #tpu.memory_space<vmem_shared>>)
      tpu.yield
    }) : () -> ()
    %barrier3A = arith.constant 0 : index
    tpu.barrier barrier_id(%barrier3A)
    %mul3A_3 = arith.constant 160 : i32
    %mul3A_4 = arith.muli %arg1, %mul3A_3 : i32
    %add3A = arith.constant 0 : i32
    %add3A_5 = arith.addi %mul3A_4, %add3A : i32
    "tpu.region"() ({
      %run_scoped3A = tpu.sem_alloc : memref<!tpu.dma_semaphore, #tpu.memory_space<semaphore_mem>>
      %dma_start3A = arith.constant 0 : i32
      %dma_start3A_26 = tpu.memref_slice %arg3[%add3A_5, %dma_start3A] : memref<2560x128xi32, #tpu.memory_space<hbm>> -> memref<80x128xi32, #tpu.memory_space<hbm>>
      %dma_start3A_27 = arith.constant 0 : i32
      %dma_start3A_28 = tpu.memref_slice %arg3[%add3A_5, %dma_start3A_27] : memref<2560x128xi32, #tpu.memory_space<hbm>> -> memref<80x128xi32, #tpu.memory_space<hbm>>
      tpu.enqueue_dma source(%dma_start3A_28 : memref<80x128xi32, #tpu.memory_space<hbm>>) target(%arg6 : memref<80x128xi32, #tpu.memory_space<vmem>>) target_semaphore(%run_scoped3A : memref<!tpu.dma_semaphore, #tpu.memory_space<semaphore_mem>>)
      %dma_wait3A = arith.constant 0 : i32
      %dma_wait3A_29 = tpu.memref_slice %arg3[%add3A_5, %dma_wait3A] : memref<2560x128xi32, #tpu.memory_space<hbm>> -> memref<80x128xi32, #tpu.memory_space<hbm>>
      %dma_wait3A_30 = arith.constant 0 : i32
      %dma_wait3A_31 = tpu.memref_slice %arg3[%add3A_5, %dma_wait3A_30] : memref<2560x128xi32, #tpu.memory_space<hbm>> -> memref<80x128xi32, #tpu.memory_space<hbm>>
      tpu.wait_dma2 semaphore(%run_scoped3A : memref<!tpu.dma_semaphore, #tpu.memory_space<semaphore_mem>>) src(%dma_wait3A_31 : memref<80x128xi32, #tpu.memory_space<hbm>>) dst(%arg6 : memref<80x128xi32, #tpu.memory_space<vmem>>)
      tpu.yield
    }) : () -> ()
    "tpu.region"() ({
      %run_scoped3A = tpu.sem_alloc : memref<!tpu.dma_semaphore, #tpu.memory_space<semaphore_mem>>
      %dma_start3A = arith.constant 0 : i32
      %dma_start3A_26 = tpu.memref_slice %arg4[%add3A_5, %dma_start3A] : memref<2560x128xi32, #tpu.memory_space<hbm>> -> memref<80x128xi32, #tpu.memory_space<hbm>>
      %dma_start3A_27 = arith.constant 0 : i32
      %dma_start3A_28 = tpu.memref_slice %arg4[%add3A_5, %dma_start3A_27] : memref<2560x128xi32, #tpu.memory_space<hbm>> -> memref<80x128xi32, #tpu.memory_space<hbm>>
      tpu.enqueue_dma source(%dma_start3A_28 : memref<80x128xi32, #tpu.memory_space<hbm>>) target(%arg7 : memref<80x128xi32, #tpu.memory_space<vmem>>) target_semaphore(%run_scoped3A : memref<!tpu.dma_semaphore, #tpu.memory_space<semaphore_mem>>)
      %dma_wait3A = arith.constant 0 : i32
      %dma_wait3A_29 = tpu.memref_slice %arg4[%add3A_5, %dma_wait3A] : memref<2560x128xi32, #tpu.memory_space<hbm>> -> memref<80x128xi32, #tpu.memory_space<hbm>>
      %dma_wait3A_30 = arith.constant 0 : i32
      %dma_wait3A_31 = tpu.memref_slice %arg4[%add3A_5, %dma_wait3A_30] : memref<2560x128xi32, #tpu.memory_space<hbm>> -> memref<80x128xi32, #tpu.memory_space<hbm>>
      tpu.wait_dma2 semaphore(%run_scoped3A : memref<!tpu.dma_semaphore, #tpu.memory_space<semaphore_mem>>) src(%dma_wait3A_31 : memref<80x128xi32, #tpu.memory_space<hbm>>) dst(%arg7 : memref<80x128xi32, #tpu.memory_space<vmem>>)
      tpu.yield
    }) : () -> ()
    %scan3A = arith.constant 0 : i32
    %scan3A_6 = arith.constant 0 : i32
    %scan3A_7 = arith.constant 80 : i32
    %scan3A_8 = arith.addi %scan3A_6, %scan3A_7 : i32
    %scan3A_9 = arith.constant 1 : i32
    scf.for %scan3A_26 = %scan3A_6 to %scan3A_8 step %scan3A_9  : i32 {
      %dma_start3A = arith.constant 0 : i32
      %dma_start3A_27 = tpu.memref_slice %arg6[%scan3A_26, %dma_start3A] : memref<80x128xi32, #tpu.memory_space<vmem>> -> memref<1x128xi32, #tpu.memory_space<vmem>>
      %dma_start3A_28 = tpu.memref_squeeze %dma_start3A_27 : memref<1x128xi32, #tpu.memory_space<vmem>> -> memref<128xi32, #tpu.memory_space<vmem>>
      %dma_start3A_29 = arith.constant 0 : i32
      %dma_start3A_30 = arith.constant 0 : i32
      %dma_start3A_31 = tpu.memref_slice %arg2[%arg0, %dma_start3A_29, %dma_start3A_30] : memref<2x10240x128xf32, #tpu.memory_space<hbm>> -> memref<1x10240x128xf32, #tpu.memory_space<hbm>>
      %dma_start3A_32 = tpu.memref_squeeze %dma_start3A_31 : memref<1x10240x128xf32, #tpu.memory_space<hbm>> -> memref<10240x128xf32, #tpu.memory_space<hbm>>
      %dma_start3A_33 = arith.constant 0 : i32
      %dma_start3A_34 = arith.constant 0 : i32
      %dma_start3A_35 = tpu.memref_slice %dma_start3A_32[%dma_start3A_33, %dma_start3A_34] : memref<10240x128xf32, #tpu.memory_space<hbm>> -> memref<10240x128xf32, #tpu.memory_space<hbm>>
      tpu.enqueue_indirect_dma source(%dma_start3A_35 : memref<10240x128xf32, #tpu.memory_space<hbm>>) target(%arg8 : memref<128x128xf32, #tpu.memory_space<vmem>>) offsets(%dma_start3A_28 : memref<128xi32, #tpu.memory_space<vmem>>) semaphore(%arg10 : memref<!tpu.dma_semaphore, #tpu.memory_space<semaphore_mem>>)
      %dma_wait3A = arith.constant 0 : i32
      %dma_wait3A_36 = tpu.memref_slice %arg6[%scan3A_26, %dma_wait3A] : memref<80x128xi32, #tpu.memory_space<vmem>> -> memref<1x128xi32, #tpu.memory_space<vmem>>
      %dma_wait3A_37 = tpu.memref_squeeze %dma_wait3A_36 : memref<1x128xi32, #tpu.memory_space<vmem>> -> memref<128xi32, #tpu.memory_space<vmem>>
      %dma_wait3A_38 = arith.constant 0 : i32
      %dma_wait3A_39 = arith.constant 0 : i32
      %dma_wait3A_40 = tpu.memref_slice %arg2[%arg0, %dma_wait3A_38, %dma_wait3A_39] : memref<2x10240x128xf32, #tpu.memory_space<hbm>> -> memref<1x10240x128xf32, #tpu.memory_space<hbm>>
      %dma_wait3A_41 = tpu.memref_squeeze %dma_wait3A_40 : memref<1x10240x128xf32, #tpu.memory_space<hbm>> -> memref<10240x128xf32, #tpu.memory_space<hbm>>
      %dma_wait3A_42 = arith.constant 0 : i32
      %dma_wait3A_43 = arith.constant 0 : i32
      %dma_wait3A_44 = tpu.memref_slice %dma_wait3A_41[%dma_wait3A_42, %dma_wait3A_43] : memref<10240x128xf32, #tpu.memory_space<hbm>> -> memref<10240x128xf32, #tpu.memory_space<hbm>>
      tpu.wait_indirect_dma semaphore(%arg10 : memref<!tpu.dma_semaphore, #tpu.memory_space<semaphore_mem>>) src(%dma_wait3A_44 : memref<10240x128xf32, #tpu.memory_space<hbm>>) dst(%arg8 : memref<128x128xf32, #tpu.memory_space<vmem>>)
      "tpu.region"() ({
        %run_scoped3A = tpu.sem_alloc : memref<!tpu.dma_semaphore, #tpu.memory_space<semaphore_mem>>
        %dma_start3A_45 = arith.constant 0 : i32
        %dma_start3A_46 = tpu.memref_slice %arg7[%scan3A_26, %dma_start3A_45] : memref<80x128xi32, #tpu.memory_space<vmem>> -> memref<1x128xi32, #tpu.memory_space<vmem>>
        %dma_start3A_47 = tpu.memref_squeeze %dma_start3A_46 : memref<1x128xi32, #tpu.memory_space<vmem>> -> memref<128xi32, #tpu.memory_space<vmem>>
        %dma_start3A_48 = arith.constant 0 : i32
        %dma_start3A_49 = arith.constant 0 : i32
        %dma_start3A_50 = tpu.memref_slice %arg9[%dma_start3A_48, %dma_start3A_49] : memref<10240x128xf32, #tpu.memory_space<vmem_shared>> -> memref<10240x128xf32, #tpu.memory_space<vmem_shared>>
        tpu.enqueue_indirect_dma source(%arg8 : memref<128x128xf32, #tpu.memory_space<vmem>>) target(%dma_start3A_50 : memref<10240x128xf32, #tpu.memory_space<vmem_shared>>) offsets(%dma_start3A_47 : memref<128xi32, #tpu.memory_space<vmem>>) semaphore(%run_scoped3A : memref<!tpu.dma_semaphore, #tpu.memory_space<semaphore_mem>>) {add = true}
        %dma_wait3A_51 = arith.constant 0 : i32
        %dma_wait3A_52 = tpu.memref_slice %arg7[%scan3A_26, %dma_wait3A_51] : memref<80x128xi32, #tpu.memory_space<vmem>> -> memref<1x128xi32, #tpu.memory_space<vmem>>
        %dma_wait3A_53 = tpu.memref_squeeze %dma_wait3A_52 : memref<1x128xi32, #tpu.memory_space<vmem>> -> memref<128xi32, #tpu.memory_space<vmem>>
        %dma_wait3A_54 = arith.constant 0 : i32
        %dma_wait3A_55 = arith.constant 0 : i32
        %dma_wait3A_56 = tpu.memref_slice %arg9[%dma_wait3A_54, %dma_wait3A_55] : memref<10240x128xf32, #tpu.memory_space<vmem_shared>> -> memref<10240x128xf32, #tpu.memory_space<vmem_shared>>
        tpu.wait_indirect_dma semaphore(%run_scoped3A : memref<!tpu.dma_semaphore, #tpu.memory_space<semaphore_mem>>) src(%arg8 : memref<128x128xf32, #tpu.memory_space<vmem>>) dst(%dma_wait3A_56 : memref<10240x128xf32, #tpu.memory_space<vmem_shared>>)
        tpu.yield
      }) : () -> ()
    }
    %scan3A_10 = arith.constant 80 : i32
    %mul3A_11 = arith.constant 160 : i32
    %mul3A_12 = arith.muli %arg1, %mul3A_11 : i32
    %add3A_13 = arith.constant 80 : i32
    %add3A_14 = arith.addi %mul3A_12, %add3A_13 : i32
    "tpu.region"() ({
      %run_scoped3A = tpu.sem_alloc : memref<!tpu.dma_semaphore, #tpu.memory_space<semaphore_mem>>
      %dma_start3A = arith.constant 0 : i32
      %dma_start3A_26 = tpu.memref_slice %arg3[%add3A_14, %dma_start3A] : memref<2560x128xi32, #tpu.memory_space<hbm>> -> memref<80x128xi32, #tpu.memory_space<hbm>>
      %dma_start3A_27 = arith.constant 0 : i32
      %dma_start3A_28 = tpu.memref_slice %arg3[%add3A_14, %dma_start3A_27] : memref<2560x128xi32, #tpu.memory_space<hbm>> -> memref<80x128xi32, #tpu.memory_space<hbm>>
      tpu.enqueue_dma source(%dma_start3A_28 : memref<80x128xi32, #tpu.memory_space<hbm>>) target(%arg6 : memref<80x128xi32, #tpu.memory_space<vmem>>) target_semaphore(%run_scoped3A : memref<!tpu.dma_semaphore, #tpu.memory_space<semaphore_mem>>)
      %dma_wait3A = arith.constant 0 : i32
      %dma_wait3A_29 = tpu.memref_slice %arg3[%add3A_14, %dma_wait3A] : memref<2560x128xi32, #tpu.memory_space<hbm>> -> memref<80x128xi32, #tpu.memory_space<hbm>>
      %dma_wait3A_30 = arith.constant 0 : i32
      %dma_wait3A_31 = tpu.memref_slice %arg3[%add3A_14, %dma_wait3A_30] : memref<2560x128xi32, #tpu.memory_space<hbm>> -> memref<80x128xi32, #tpu.memory_space<hbm>>
      tpu.wait_dma2 semaphore(%run_scoped3A : memref<!tpu.dma_semaphore, #tpu.memory_space<semaphore_mem>>) src(%dma_wait3A_31 : memref<80x128xi32, #tpu.memory_space<hbm>>) dst(%arg6 : memref<80x128xi32, #tpu.memory_space<vmem>>)
      tpu.yield
    }) : () -> ()
    "tpu.region"() ({
      %run_scoped3A = tpu.sem_alloc : memref<!tpu.dma_semaphore, #tpu.memory_space<semaphore_mem>>
      %dma_start3A = arith.constant 0 : i32
      %dma_start3A_26 = tpu.memref_slice %arg4[%add3A_14, %dma_start3A] : memref<2560x128xi32, #tpu.memory_space<hbm>> -> memref<80x128xi32, #tpu.memory_space<hbm>>
      %dma_start3A_27 = arith.constant 0 : i32
      %dma_start3A_28 = tpu.memref_slice %arg4[%add3A_14, %dma_start3A_27] : memref<2560x128xi32, #tpu.memory_space<hbm>> -> memref<80x128xi32, #tpu.memory_space<hbm>>
      tpu.enqueue_dma source(%dma_start3A_28 : memref<80x128xi32, #tpu.memory_space<hbm>>) target(%arg7 : memref<80x128xi32, #tpu.memory_space<vmem>>) target_semaphore(%run_scoped3A : memref<!tpu.dma_semaphore, #tpu.memory_space<semaphore_mem>>)
      %dma_wait3A = arith.constant 0 : i32
      %dma_wait3A_29 = tpu.memref_slice %arg4[%add3A_14, %dma_wait3A] : memref<2560x128xi32, #tpu.memory_space<hbm>> -> memref<80x128xi32, #tpu.memory_space<hbm>>
      %dma_wait3A_30 = arith.constant 0 : i32
      %dma_wait3A_31 = tpu.memref_slice %arg4[%add3A_14, %dma_wait3A_30] : memref<2560x128xi32, #tpu.memory_space<hbm>> -> memref<80x128xi32, #tpu.memory_space<hbm>>
      tpu.wait_dma2 semaphore(%run_scoped3A : memref<!tpu.dma_semaphore, #tpu.memory_space<semaphore_mem>>) src(%dma_wait3A_31 : memref<80x128xi32, #tpu.memory_space<hbm>>) dst(%arg7 : memref<80x128xi32, #tpu.memory_space<vmem>>)
      tpu.yield
    }) : () -> ()
    %scan3A_15 = arith.constant 0 : i32
    %scan3A_16 = arith.constant 0 : i32
    %scan3A_17 = arith.constant 80 : i32
    %scan3A_18 = arith.addi %scan3A_16, %scan3A_17 : i32
    %scan3A_19 = arith.constant 1 : i32
    scf.for %scan3A_26 = %scan3A_16 to %scan3A_18 step %scan3A_19  : i32 {
      %dma_start3A = arith.constant 0 : i32
      %dma_start3A_27 = tpu.memref_slice %arg6[%scan3A_26, %dma_start3A] : memref<80x128xi32, #tpu.memory_space<vmem>> -> memref<1x128xi32, #tpu.memory_space<vmem>>
      %dma_start3A_28 = tpu.memref_squeeze %dma_start3A_27 : memref<1x128xi32, #tpu.memory_space<vmem>> -> memref<128xi32, #tpu.memory_space<vmem>>
      %dma_start3A_29 = arith.constant 0 : i32
      %dma_start3A_30 = arith.constant 0 : i32
      %dma_start3A_31 = tpu.memref_slice %arg2[%arg0, %dma_start3A_29, %dma_start3A_30] : memref<2x10240x128xf32, #tpu.memory_space<hbm>> -> memref<1x10240x128xf32, #tpu.memory_space<hbm>>
      %dma_start3A_32 = tpu.memref_squeeze %dma_start3A_31 : memref<1x10240x128xf32, #tpu.memory_space<hbm>> -> memref<10240x128xf32, #tpu.memory_space<hbm>>
      %dma_start3A_33 = arith.constant 0 : i32
      %dma_start3A_34 = arith.constant 0 : i32
      %dma_start3A_35 = tpu.memref_slice %dma_start3A_32[%dma_start3A_33, %dma_start3A_34] : memref<10240x128xf32, #tpu.memory_space<hbm>> -> memref<10240x128xf32, #tpu.memory_space<hbm>>
      tpu.enqueue_indirect_dma source(%dma_start3A_35 : memref<10240x128xf32, #tpu.memory_space<hbm>>) target(%arg8 : memref<128x128xf32, #tpu.memory_space<vmem>>) offsets(%dma_start3A_28 : memref<128xi32, #tpu.memory_space<vmem>>) semaphore(%arg10 : memref<!tpu.dma_semaphore, #tpu.memory_space<semaphore_mem>>)
      %dma_wait3A = arith.constant 0 : i32
      %dma_wait3A_36 = tpu.memref_slice %arg6[%scan3A_26, %dma_wait3A] : memref<80x128xi32, #tpu.memory_space<vmem>> -> memref<1x128xi32, #tpu.memory_space<vmem>>
      %dma_wait3A_37 = tpu.memref_squeeze %dma_wait3A_36 : memref<1x128xi32, #tpu.memory_space<vmem>> -> memref<128xi32, #tpu.memory_space<vmem>>
      %dma_wait3A_38 = arith.constant 0 : i32
      %dma_wait3A_39 = arith.constant 0 : i32
      %dma_wait3A_40 = tpu.memref_slice %arg2[%arg0, %dma_wait3A_38, %dma_wait3A_39] : memref<2x10240x128xf32, #tpu.memory_space<hbm>> -> memref<1x10240x128xf32, #tpu.memory_space<hbm>>
      %dma_wait3A_41 = tpu.memref_squeeze %dma_wait3A_40 : memref<1x10240x128xf32, #tpu.memory_space<hbm>> -> memref<10240x128xf32, #tpu.memory_space<hbm>>
      %dma_wait3A_42 = arith.constant 0 : i32
      %dma_wait3A_43 = arith.constant 0 : i32
      %dma_wait3A_44 = tpu.memref_slice %dma_wait3A_41[%dma_wait3A_42, %dma_wait3A_43] : memref<10240x128xf32, #tpu.memory_space<hbm>> -> memref<10240x128xf32, #tpu.memory_space<hbm>>
      tpu.wait_indirect_dma semaphore(%arg10 : memref<!tpu.dma_semaphore, #tpu.memory_space<semaphore_mem>>) src(%dma_wait3A_44 : memref<10240x128xf32, #tpu.memory_space<hbm>>) dst(%arg8 : memref<128x128xf32, #tpu.memory_space<vmem>>)
      "tpu.region"() ({
        %run_scoped3A = tpu.sem_alloc : memref<!tpu.dma_semaphore, #tpu.memory_space<semaphore_mem>>
        %dma_start3A_45 = arith.constant 0 : i32
        %dma_start3A_46 = tpu.memref_slice %arg7[%scan3A_26, %dma_start3A_45] : memref<80x128xi32, #tpu.memory_space<vmem>> -> memref<1x128xi32, #tpu.memory_space<vmem>>
        %dma_start3A_47 = tpu.memref_squeeze %dma_start3A_46 : memref<1x128xi32, #tpu.memory_space<vmem>> -> memref<128xi32, #tpu.memory_space<vmem>>
        %dma_start3A_48 = arith.constant 0 : i32
        %dma_start3A_49 = arith.constant 0 : i32
        %dma_start3A_50 = tpu.memref_slice %arg9[%dma_start3A_48, %dma_start3A_49] : memref<10240x128xf32, #tpu.memory_space<vmem_shared>> -> memref<10240x128xf32, #tpu.memory_space<vmem_shared>>
        tpu.enqueue_indirect_dma source(%arg8 : memref<128x128xf32, #tpu.memory_space<vmem>>) target(%dma_start3A_50 : memref<10240x128xf32, #tpu.memory_space<vmem_shared>>) offsets(%dma_start3A_47 : memref<128xi32, #tpu.memory_space<vmem>>) semaphore(%run_scoped3A : memref<!tpu.dma_semaphore, #tpu.memory_space<semaphore_mem>>) {add = true}
        %dma_wait3A_51 = arith.constant 0 : i32
        %dma_wait3A_52 = tpu.memref_slice %arg7[%scan3A_26, %dma_wait3A_51] : memref<80x128xi32, #tpu.memory_space<vmem>> -> memref<1x128xi32, #tpu.memory_space<vmem>>
        %dma_wait3A_53 = tpu.memref_squeeze %dma_wait3A_52 : memref<1x128xi32, #tpu.memory_space<vmem>> -> memref<128xi32, #tpu.memory_space<vmem>>
        %dma_wait3A_54 = arith.constant 0 : i32
        %dma_wait3A_55 = arith.constant 0 : i32
        %dma_wait3A_56 = tpu.memref_slice %arg9[%dma_wait3A_54, %dma_wait3A_55] : memref<10240x128xf32, #tpu.memory_space<vmem_shared>> -> memref<10240x128xf32, #tpu.memory_space<vmem_shared>>
        tpu.wait_indirect_dma semaphore(%run_scoped3A : memref<!tpu.dma_semaphore, #tpu.memory_space<semaphore_mem>>) src(%arg8 : memref<128x128xf32, #tpu.memory_space<vmem>>) dst(%dma_wait3A_56 : memref<10240x128xf32, #tpu.memory_space<vmem_shared>>)
        tpu.yield
      }) : () -> ()
    }
    %scan3A_20 = arith.constant 80 : i32
    %barrier3A_21 = arith.constant 0 : index
    tpu.barrier barrier_id(%barrier3A_21)
    %mul3A_22 = arith.constant 640 : i32
    %mul3A_23 = arith.muli %arg1, %mul3A_22 : i32
    %mul3A_24 = arith.constant 640 : i32
    %mul3A_25 = arith.muli %arg1, %mul3A_24 : i32
    "tpu.region"() ({
      %run_scoped3A = tpu.sem_alloc : memref<!tpu.dma_semaphore, #tpu.memory_space<semaphore_mem>>
      %dma_start3A = arith.constant 0 : i32
      %dma_start3A_26 = tpu.memref_slice %arg5[%arg0, %mul3A_25, %dma_start3A] : memref<2x10240x128xf32, #tpu.memory_space<hbm>> -> memref<1x640x128xf32, #tpu.memory_space<hbm>>
      %dma_start3A_27 = tpu.memref_squeeze %dma_start3A_26 : memref<1x640x128xf32, #tpu.memory_space<hbm>> -> memref<640x128xf32, #tpu.memory_space<hbm>>
      %dma_start3A_28 = arith.constant 0 : i32
      %dma_start3A_29 = tpu.memref_slice %arg9[%mul3A_23, %dma_start3A_28] : memref<10240x128xf32, #tpu.memory_space<vmem_shared>> -> memref<640x128xf32, #tpu.memory_space<vmem_shared>>
      tpu.enqueue_dma source(%dma_start3A_29 : memref<640x128xf32, #tpu.memory_space<vmem_shared>>) target(%dma_start3A_27 : memref<640x128xf32, #tpu.memory_space<hbm>>) target_semaphore(%run_scoped3A : memref<!tpu.dma_semaphore, #tpu.memory_space<semaphore_mem>>)
      %dma_wait3A = arith.constant 0 : i32
      %dma_wait3A_30 = tpu.memref_slice %arg5[%arg0, %mul3A_25, %dma_wait3A] : memref<2x10240x128xf32, #tpu.memory_space<hbm>> -> memref<1x640x128xf32, #tpu.memory_space<hbm>>
      %dma_wait3A_31 = tpu.memref_squeeze %dma_wait3A_30 : memref<1x640x128xf32, #tpu.memory_space<hbm>> -> memref<640x128xf32, #tpu.memory_space<hbm>>
      %dma_wait3A_32 = arith.constant 0 : i32
      %dma_wait3A_33 = tpu.memref_slice %arg9[%mul3A_23, %dma_wait3A_32] : memref<10240x128xf32, #tpu.memory_space<vmem_shared>> -> memref<640x128xf32, #tpu.memory_space<vmem_shared>>
      tpu.wait_dma2 semaphore(%run_scoped3A : memref<!tpu.dma_semaphore, #tpu.memory_space<semaphore_mem>>) src(%dma_wait3A_33 : memref<640x128xf32, #tpu.memory_space<vmem_shared>>) dst(%dma_wait3A_31 : memref<640x128xf32, #tpu.memory_space<hbm>>)
      tpu.yield
    }) : () -> ()
    return
  }
}

#map = affine_map<(d0, d1) -> (0, 0)>
module attributes {stable_mosaic.version = 14 : i64} {
  func.func @k(%arg0: i32, %arg1: i32, %arg2: memref<2560x128xi32, #tpu.memory_space<hbm>>, %arg3: memref<2x10240xf32, #tpu.memory_space<hbm>>, %arg4: memref<80x128xi32, #tpu.memory_space<vmem>>, %arg5: memref<128xf32, #tpu.memory_space<vmem>>, %arg6: memref<640xf32, #tpu.memory_space<vmem>>, %arg7: memref<10240xf32, #tpu.memory_space<vmem_shared>>) attributes {dimension_semantics = [#tpu.dimension_semantics<core_parallel>, #tpu.dimension_semantics<subcore_parallel>], iteration_bounds = array<i64: 2, 16>, scalar_prefetch = 0 : i64, scratch_operands = 4 : i64, tpu.core_type = #tpu.core_type<sc_vector_subcore>, window_params = [{transform_indices = #map}, {transform_indices = #map}]} {
    %mul3A = arith.constant 2 : i32
    %mul3A_0 = arith.muli %arg1, %mul3A : i32
    %add3A = arith.addi %mul3A_0, %arg0 : i32
    %mul3A_1 = arith.constant 80 : i32
    %mul3A_2 = arith.muli %add3A, %mul3A_1 : i32
    "tpu.region"() ({
      %run_scoped3A = tpu.sem_alloc : memref<!tpu.dma_semaphore, #tpu.memory_space<semaphore_mem>>
      %dma_start3A = arith.constant 0 : i32
      %dma_start3A_69 = tpu.memref_slice %arg2[%mul3A_2, %dma_start3A] : memref<2560x128xi32, #tpu.memory_space<hbm>> -> memref<80x128xi32, #tpu.memory_space<hbm>>
      %dma_start3A_70 = arith.constant 0 : i32
      %dma_start3A_71 = tpu.memref_slice %arg2[%mul3A_2, %dma_start3A_70] : memref<2560x128xi32, #tpu.memory_space<hbm>> -> memref<80x128xi32, #tpu.memory_space<hbm>>
      tpu.enqueue_dma source(%dma_start3A_71 : memref<80x128xi32, #tpu.memory_space<hbm>>) target(%arg4 : memref<80x128xi32, #tpu.memory_space<vmem>>) target_semaphore(%run_scoped3A : memref<!tpu.dma_semaphore, #tpu.memory_space<semaphore_mem>>)
      %dma_wait3A = arith.constant 0 : i32
      %dma_wait3A_72 = tpu.memref_slice %arg2[%mul3A_2, %dma_wait3A] : memref<2560x128xi32, #tpu.memory_space<hbm>> -> memref<80x128xi32, #tpu.memory_space<hbm>>
      %dma_wait3A_73 = arith.constant 0 : i32
      %dma_wait3A_74 = tpu.memref_slice %arg2[%mul3A_2, %dma_wait3A_73] : memref<2560x128xi32, #tpu.memory_space<hbm>> -> memref<80x128xi32, #tpu.memory_space<hbm>>
      tpu.wait_dma2 semaphore(%run_scoped3A : memref<!tpu.dma_semaphore, #tpu.memory_space<semaphore_mem>>) src(%dma_wait3A_74 : memref<80x128xi32, #tpu.memory_space<hbm>>) dst(%arg4 : memref<80x128xi32, #tpu.memory_space<vmem>>)
      tpu.yield
    }) : () -> ()
    %eq3A = arith.constant 0 : i32
    %eq3A_3 = arith.cmpi eq, %arg0, %eq3A : i32
    %jit3A = arith.constant 1.000000e+00 : f32
    %jit3A_4 = arith.constant 0.000000e+00 : f32
    %select_n3A = arith.select %eq3A_3, %jit3A, %jit3A_4 : f32
    %broadcast_in_dim3A = arith.constant 1.000000e+00 : f32
    %broadcast_in_dim3A_5 = vector.broadcast %broadcast_in_dim3A : f32 to vector<16xf32>
    %swap3A = arith.constant 0 : index
    %swap3A_6 = tpu.vector_load %arg5[%swap3A] {strides = array<i32>} : memref<128xf32, #tpu.memory_space<vmem>>, vector<16xf32>,
    %swap3A_7 = vector.shape_cast %swap3A_6 : vector<16xf32> to vector<16xf32>
    %swap3A_8 = vector.shape_cast %broadcast_in_dim3A_5 : vector<16xf32> to vector<16xf32>
    tpu.vector_store %arg5[%swap3A], %swap3A_8 {strides = array<i32>} : memref<128xf32, #tpu.memory_space<vmem>>, vector<16xf32>,
    %broadcast_in_dim3A_9 = arith.constant 1.000000e+00 : f32
    %broadcast_in_dim3A_10 = vector.broadcast %broadcast_in_dim3A_9 : f32 to vector<16xf32>
    %swap3A_11 = arith.constant 16 : index
    %swap3A_12 = tpu.vector_load %arg5[%swap3A_11] {strides = array<i32>} : memref<128xf32, #tpu.memory_space<vmem>>, vector<16xf32>,
    %swap3A_13 = vector.shape_cast %swap3A_12 : vector<16xf32> to vector<16xf32>
    %swap3A_14 = vector.shape_cast %broadcast_in_dim3A_10 : vector<16xf32> to vector<16xf32>
    tpu.vector_store %arg5[%swap3A_11], %swap3A_14 {strides = array<i32>} : memref<128xf32, #tpu.memory_space<vmem>>, vector<16xf32>,
    %broadcast_in_dim3A_15 = arith.constant 1.000000e+00 : f32
    %broadcast_in_dim3A_16 = vector.broadcast %broadcast_in_dim3A_15 : f32 to vector<16xf32>
    %swap3A_17 = arith.constant 32 : index
    %swap3A_18 = tpu.vector_load %arg5[%swap3A_17] {strides = array<i32>} : memref<128xf32, #tpu.memory_space<vmem>>, vector<16xf32>,
    %swap3A_19 = vector.shape_cast %swap3A_18 : vector<16xf32> to vector<16xf32>
    %swap3A_20 = vector.shape_cast %broadcast_in_dim3A_16 : vector<16xf32> to vector<16xf32>
    tpu.vector_store %arg5[%swap3A_17], %swap3A_20 {strides = array<i32>} : memref<128xf32, #tpu.memory_space<vmem>>, vector<16xf32>,
    %broadcast_in_dim3A_21 = arith.constant 1.000000e+00 : f32
    %broadcast_in_dim3A_22 = vector.broadcast %broadcast_in_dim3A_21 : f32 to vector<16xf32>
    %swap3A_23 = arith.constant 48 : index
    %swap3A_24 = tpu.vector_load %arg5[%swap3A_23] {strides = array<i32>} : memref<128xf32, #tpu.memory_space<vmem>>, vector<16xf32>,
    %swap3A_25 = vector.shape_cast %swap3A_24 : vector<16xf32> to vector<16xf32>
    %swap3A_26 = vector.shape_cast %broadcast_in_dim3A_22 : vector<16xf32> to vector<16xf32>
    tpu.vector_store %arg5[%swap3A_23], %swap3A_26 {strides = array<i32>} : memref<128xf32, #tpu.memory_space<vmem>>, vector<16xf32>,
    %broadcast_in_dim3A_27 = arith.constant 1.000000e+00 : f32
    %broadcast_in_dim3A_28 = vector.broadcast %broadcast_in_dim3A_27 : f32 to vector<16xf32>
    %swap3A_29 = arith.constant 64 : index
    %swap3A_30 = tpu.vector_load %arg5[%swap3A_29] {strides = array<i32>} : memref<128xf32, #tpu.memory_space<vmem>>, vector<16xf32>,
    %swap3A_31 = vector.shape_cast %swap3A_30 : vector<16xf32> to vector<16xf32>
    %swap3A_32 = vector.shape_cast %broadcast_in_dim3A_28 : vector<16xf32> to vector<16xf32>
    tpu.vector_store %arg5[%swap3A_29], %swap3A_32 {strides = array<i32>} : memref<128xf32, #tpu.memory_space<vmem>>, vector<16xf32>,
    %broadcast_in_dim3A_33 = arith.constant 1.000000e+00 : f32
    %broadcast_in_dim3A_34 = vector.broadcast %broadcast_in_dim3A_33 : f32 to vector<16xf32>
    %swap3A_35 = arith.constant 80 : index
    %swap3A_36 = tpu.vector_load %arg5[%swap3A_35] {strides = array<i32>} : memref<128xf32, #tpu.memory_space<vmem>>, vector<16xf32>,
    %swap3A_37 = vector.shape_cast %swap3A_36 : vector<16xf32> to vector<16xf32>
    %swap3A_38 = vector.shape_cast %broadcast_in_dim3A_34 : vector<16xf32> to vector<16xf32>
    tpu.vector_store %arg5[%swap3A_35], %swap3A_38 {strides = array<i32>} : memref<128xf32, #tpu.memory_space<vmem>>, vector<16xf32>,
    %broadcast_in_dim3A_39 = arith.constant 1.000000e+00 : f32
    %broadcast_in_dim3A_40 = vector.broadcast %broadcast_in_dim3A_39 : f32 to vector<16xf32>
    %swap3A_41 = arith.constant 96 : index
    %swap3A_42 = tpu.vector_load %arg5[%swap3A_41] {strides = array<i32>} : memref<128xf32, #tpu.memory_space<vmem>>, vector<16xf32>,
    %swap3A_43 = vector.shape_cast %swap3A_42 : vector<16xf32> to vector<16xf32>
    %swap3A_44 = vector.shape_cast %broadcast_in_dim3A_40 : vector<16xf32> to vector<16xf32>
    tpu.vector_store %arg5[%swap3A_41], %swap3A_44 {strides = array<i32>} : memref<128xf32, #tpu.memory_space<vmem>>, vector<16xf32>,
    %broadcast_in_dim3A_45 = arith.constant 1.000000e+00 : f32
    %broadcast_in_dim3A_46 = vector.broadcast %broadcast_in_dim3A_45 : f32 to vector<16xf32>
    %swap3A_47 = arith.constant 112 : index
    %swap3A_48 = tpu.vector_load %arg5[%swap3A_47] {strides = array<i32>} : memref<128xf32, #tpu.memory_space<vmem>>, vector<16xf32>,
    %swap3A_49 = vector.shape_cast %swap3A_48 : vector<16xf32> to vector<16xf32>
    %swap3A_50 = vector.shape_cast %broadcast_in_dim3A_46 : vector<16xf32> to vector<16xf32>
    tpu.vector_store %arg5[%swap3A_47], %swap3A_50 {strides = array<i32>} : memref<128xf32, #tpu.memory_space<vmem>>, vector<16xf32>,
    %scan3A = arith.constant 0 : i32
    %scan3A_51 = arith.constant 0 : i32
    %scan3A_52 = arith.constant 40 : i32
    %scan3A_53 = arith.addi %scan3A_51, %scan3A_52 : i32
    %scan3A_54 = arith.constant 1 : i32
    scf.for %scan3A_69 = %scan3A_51 to %scan3A_53 step %scan3A_54  : i32 {
      %broadcast_in_dim3A_70 = vector.broadcast %select_n3A : f32 to vector<16xf32>
      %mul3A_71 = arith.constant 16 : i32
      %mul3A_72 = arith.muli %scan3A_69, %mul3A_71 : i32
      %swap3A_73 = arith.index_cast %mul3A_72 : i32 to index
      %swap3A_74 = tpu.vector_load %arg6[%swap3A_73] {strides = array<i32>} : memref<640xf32, #tpu.memory_space<vmem>>, vector<16xf32>,
      %swap3A_75 = vector.shape_cast %swap3A_74 : vector<16xf32> to vector<16xf32>
      %swap3A_76 = vector.shape_cast %broadcast_in_dim3A_70 : vector<16xf32> to vector<16xf32>
      tpu.vector_store %arg6[%swap3A_73], %swap3A_76 {strides = array<i32>} : memref<640xf32, #tpu.memory_space<vmem>>, vector<16xf32>,
    }
    %scan3A_55 = arith.constant 40 : i32
    %mul3A_56 = arith.constant 640 : i32
    %mul3A_57 = arith.muli %arg1, %mul3A_56 : i32
    "tpu.region"() ({
      %run_scoped3A = tpu.sem_alloc : memref<!tpu.dma_semaphore, #tpu.memory_space<semaphore_mem>>
      %dma_start3A = tpu.memref_slice %arg7[%mul3A_57] : memref<10240xf32, #tpu.memory_space<vmem_shared>> -> memref<640xf32, #tpu.memory_space<vmem_shared>>
      %dma_start3A_69 = tpu.memref_slice %arg7[%mul3A_57] : memref<10240xf32, #tpu.memory_space<vmem_shared>> -> memref<640xf32, #tpu.memory_space<vmem_shared>>
      tpu.enqueue_dma source(%arg6 : memref<640xf32, #tpu.memory_space<vmem>>) target(%dma_start3A_69 : memref<640xf32, #tpu.memory_space<vmem_shared>>) target_semaphore(%run_scoped3A : memref<!tpu.dma_semaphore, #tpu.memory_space<semaphore_mem>>)
      %dma_wait3A = tpu.memref_slice %arg7[%mul3A_57] : memref<10240xf32, #tpu.memory_space<vmem_shared>> -> memref<640xf32, #tpu.memory_space<vmem_shared>>
      %dma_wait3A_70 = tpu.memref_slice %arg7[%mul3A_57] : memref<10240xf32, #tpu.memory_space<vmem_shared>> -> memref<640xf32, #tpu.memory_space<vmem_shared>>
      tpu.wait_dma2 semaphore(%run_scoped3A : memref<!tpu.dma_semaphore, #tpu.memory_space<semaphore_mem>>) src(%arg6 : memref<640xf32, #tpu.memory_space<vmem>>) dst(%dma_wait3A_70 : memref<640xf32, #tpu.memory_space<vmem_shared>>)
      tpu.yield
    }) : () -> ()
    %barrier3A = arith.constant 0 : index
    tpu.barrier barrier_id(%barrier3A)
    %scan3A_58 = arith.constant 0 : i32
    %scan3A_59 = arith.constant 0 : i32
    %scan3A_60 = arith.constant 80 : i32
    %scan3A_61 = arith.addi %scan3A_59, %scan3A_60 : i32
    %scan3A_62 = arith.constant 1 : i32
    scf.for %scan3A_69 = %scan3A_59 to %scan3A_61 step %scan3A_62  : i32 {
      "tpu.region"() ({
        %run_scoped3A = tpu.sem_alloc : memref<!tpu.dma_semaphore, #tpu.memory_space<semaphore_mem>>
        %dma_start3A = arith.constant 0 : i32
        %dma_start3A_70 = tpu.memref_slice %arg4[%scan3A_69, %dma_start3A] : memref<80x128xi32, #tpu.memory_space<vmem>> -> memref<1x128xi32, #tpu.memory_space<vmem>>
        %dma_start3A_71 = tpu.memref_squeeze %dma_start3A_70 : memref<1x128xi32, #tpu.memory_space<vmem>> -> memref<128xi32, #tpu.memory_space<vmem>>
        %dma_start3A_72 = arith.constant 0 : i32
        %dma_start3A_73 = tpu.memref_slice %arg7[%dma_start3A_72] : memref<10240xf32, #tpu.memory_space<vmem_shared>> -> memref<10240xf32, #tpu.memory_space<vmem_shared>>
        tpu.enqueue_indirect_dma source(%arg5 : memref<128xf32, #tpu.memory_space<vmem>>) target(%dma_start3A_73 : memref<10240xf32, #tpu.memory_space<vmem_shared>>) offsets(%dma_start3A_71 : memref<128xi32, #tpu.memory_space<vmem>>) semaphore(%run_scoped3A : memref<!tpu.dma_semaphore, #tpu.memory_space<semaphore_mem>>) {add = true}
        %dma_wait3A = arith.constant 0 : i32
        %dma_wait3A_74 = tpu.memref_slice %arg4[%scan3A_69, %dma_wait3A] : memref<80x128xi32, #tpu.memory_space<vmem>> -> memref<1x128xi32, #tpu.memory_space<vmem>>
        %dma_wait3A_75 = tpu.memref_squeeze %dma_wait3A_74 : memref<1x128xi32, #tpu.memory_space<vmem>> -> memref<128xi32, #tpu.memory_space<vmem>>
        %dma_wait3A_76 = arith.constant 0 : i32
        %dma_wait3A_77 = tpu.memref_slice %arg7[%dma_wait3A_76] : memref<10240xf32, #tpu.memory_space<vmem_shared>> -> memref<10240xf32, #tpu.memory_space<vmem_shared>>
        tpu.wait_indirect_dma semaphore(%run_scoped3A : memref<!tpu.dma_semaphore, #tpu.memory_space<semaphore_mem>>) src(%arg5 : memref<128xf32, #tpu.memory_space<vmem>>) dst(%dma_wait3A_77 : memref<10240xf32, #tpu.memory_space<vmem_shared>>)
        tpu.yield
      }) : () -> ()
    }
    %scan3A_63 = arith.constant 80 : i32
    %barrier3A_64 = arith.constant 0 : index
    tpu.barrier barrier_id(%barrier3A_64)
    %mul3A_65 = arith.constant 640 : i32
    %mul3A_66 = arith.muli %arg1, %mul3A_65 : i32
    %mul3A_67 = arith.constant 640 : i32
    %mul3A_68 = arith.muli %arg1, %mul3A_67 : i32
    "tpu.region"() ({
      %run_scoped3A = tpu.sem_alloc : memref<!tpu.dma_semaphore, #tpu.memory_space<semaphore_mem>>
      %dma_start3A = tpu.memref_slice %arg3[%arg0, %mul3A_68] : memref<2x10240xf32, #tpu.memory_space<hbm>> -> memref<1x640xf32, #tpu.memory_space<hbm>>
      %dma_start3A_69 = tpu.memref_squeeze %dma_start3A : memref<1x640xf32, #tpu.memory_space<hbm>> -> memref<640xf32, #tpu.memory_space<hbm>>
      %dma_start3A_70 = tpu.memref_slice %arg7[%mul3A_66] : memref<10240xf32, #tpu.memory_space<vmem_shared>> -> memref<640xf32, #tpu.memory_space<vmem_shared>>
      tpu.enqueue_dma source(%dma_start3A_70 : memref<640xf32, #tpu.memory_space<vmem_shared>>) target(%dma_start3A_69 : memref<640xf32, #tpu.memory_space<hbm>>) target_semaphore(%run_scoped3A : memref<!tpu.dma_semaphore, #tpu.memory_space<semaphore_mem>>)
      %dma_wait3A = tpu.memref_slice %arg3[%arg0, %mul3A_68] : memref<2x10240xf32, #tpu.memory_space<hbm>> -> memref<1x640xf32, #tpu.memory_space<hbm>>
      %dma_wait3A_71 = tpu.memref_squeeze %dma_wait3A : memref<1x640xf32, #tpu.memory_space<hbm>> -> memref<640xf32, #tpu.memory_space<hbm>>
      %dma_wait3A_72 = tpu.memref_slice %arg7[%mul3A_66] : memref<10240xf32, #tpu.memory_space<vmem_shared>> -> memref<640xf32, #tpu.memory_space<vmem_shared>>
      tpu.wait_dma2 semaphore(%run_scoped3A : memref<!tpu.dma_semaphore, #tpu.memory_space<semaphore_mem>>) src(%dma_wait3A_72 : memref<640xf32, #tpu.memory_space<vmem_shared>>) dst(%dma_wait3A_71 : memref<640xf32, #tpu.memory_space<hbm>>)
      tpu.yield
    }) : () -> ()
    return
  }
}

#map = affine_map<(d0, d1) -> (0, 0, 0)>
#map1 = affine_map<(d0, d1) -> (0, 0)>
module attributes {stable_mosaic.version = 14 : i64} {
  func.func @k(%arg0: i32, %arg1: i32, %arg2: memref<2x10240x128xf32, #tpu.memory_space<hbm>>, %arg3: memref<2560x128xi32, #tpu.memory_space<hbm>>, %arg4: memref<2560x128xi32, #tpu.memory_space<hbm>>, %arg5: memref<2x10240x128xf32, #tpu.memory_space<hbm>>, %arg6: memref<80x128xi32, #tpu.memory_space<vmem>>, %arg7: memref<80x128xi32, #tpu.memory_space<vmem>>, %arg8: memref<128x128xf32, #tpu.memory_space<vmem>>, %arg9: memref<10240x128xf32, #tpu.memory_space<vmem_shared>>, %arg10: memref<!tpu.dma_semaphore, #tpu.memory_space<semaphore_mem>>) attributes {dimension_semantics = [#tpu.dimension_semantics<core_parallel>, #tpu.dimension_semantics<subcore_parallel>], iteration_bounds = array<i64: 2, 16>, scalar_prefetch = 0 : i64, scratch_operands = 5 : i64, tpu.core_type = #tpu.core_type<sc_vector_subcore>, window_params = [{transform_indices = #map}, {transform_indices = #map1}, {transform_indices = #map1}, {transform_indices = #map}]} {
    %mul3A = arith.constant 640 : i32
    %mul3A_0 = arith.muli %arg1, %mul3A : i32
    %mul3A_1 = arith.constant 640 : i32
    %mul3A_2 = arith.muli %arg1, %mul3A_1 : i32
    "tpu.region"() ({
      %run_scoped3A = tpu.sem_alloc : memref<!tpu.dma_semaphore, #tpu.memory_space<semaphore_mem>>
      %dma_start3A = arith.constant 0 : i32
      %dma_start3A_26 = tpu.memref_slice %arg9[%mul3A_2, %dma_start3A] : memref<10240x128xf32, #tpu.memory_space<vmem_shared>> -> memref<640x128xf32, #tpu.memory_space<vmem_shared>>
      %dma_start3A_27 = arith.constant 0 : i32
      %dma_start3A_28 = tpu.memref_slice %arg2[%arg0, %mul3A_0, %dma_start3A_27] : memref<2x10240x128xf32, #tpu.memory_space<hbm>> -> memref<1x640x128xf32, #tpu.memory_space<hbm>>
      %dma_start3A_29 = tpu.memref_squeeze %dma_start3A_28 : memref<1x640x128xf32, #tpu.memory_space<hbm>> -> memref<640x128xf32, #tpu.memory_space<hbm>>
      tpu.enqueue_dma source(%dma_start3A_29 : memref<640x128xf32, #tpu.memory_space<hbm>>) target(%dma_start3A_26 : memref<640x128xf32, #tpu.memory_space<vmem_shared>>) target_semaphore(%run_scoped3A : memref<!tpu.dma_semaphore, #tpu.memory_space<semaphore_mem>>)
      %dma_wait3A = arith.constant 0 : i32
      %dma_wait3A_30 = tpu.memref_slice %arg9[%mul3A_2, %dma_wait3A] : memref<10240x128xf32, #tpu.memory_space<vmem_shared>> -> memref<640x128xf32, #tpu.memory_space<vmem_shared>>
      %dma_wait3A_31 = arith.constant 0 : i32
      %dma_wait3A_32 = tpu.memref_slice %arg2[%arg0, %mul3A_0, %dma_wait3A_31] : memref<2x10240x128xf32, #tpu.memory_space<hbm>> -> memref<1x640x128xf32, #tpu.memory_space<hbm>>
      %dma_wait3A_33 = tpu.memref_squeeze %dma_wait3A_32 : memref<1x640x128xf32, #tpu.memory_space<hbm>> -> memref<640x128xf32, #tpu.memory_space<hbm>>
      tpu.wait_dma2 semaphore(%run_scoped3A : memref<!tpu.dma_semaphore, #tpu.memory_space<semaphore_mem>>) src(%dma_wait3A_33 : memref<640x128xf32, #tpu.memory_space<hbm>>) dst(%dma_wait3A_30 : memref<640x128xf32, #tpu.memory_space<vmem_shared>>)
      tpu.yield
    }) : () -> ()
    %barrier3A = arith.constant 0 : index
    tpu.barrier barrier_id(%barrier3A)
    %mul3A_3 = arith.constant 160 : i32
    %mul3A_4 = arith.muli %arg1, %mul3A_3 : i32
    %add3A = arith.constant 0 : i32
    %add3A_5 = arith.addi %mul3A_4, %add3A : i32
    "tpu.region"() ({
      %run_scoped3A = tpu.sem_alloc : memref<!tpu.dma_semaphore, #tpu.memory_space<semaphore_mem>>
      %dma_start3A = arith.constant 0 : i32
      %dma_start3A_26 = tpu.memref_slice %arg3[%add3A_5, %dma_start3A] : memref<2560x128xi32, #tpu.memory_space<hbm>> -> memref<80x128xi32, #tpu.memory_space<hbm>>
      %dma_start3A_27 = arith.constant 0 : i32
      %dma_start3A_28 = tpu.memref_slice %arg3[%add3A_5, %dma_start3A_27] : memref<2560x128xi32, #tpu.memory_space<hbm>> -> memref<80x128xi32, #tpu.memory_space<hbm>>
      tpu.enqueue_dma source(%dma_start3A_28 : memref<80x128xi32, #tpu.memory_space<hbm>>) target(%arg6 : memref<80x128xi32, #tpu.memory_space<vmem>>) target_semaphore(%run_scoped3A : memref<!tpu.dma_semaphore, #tpu.memory_space<semaphore_mem>>)
      %dma_wait3A = arith.constant 0 : i32
      %dma_wait3A_29 = tpu.memref_slice %arg3[%add3A_5, %dma_wait3A] : memref<2560x128xi32, #tpu.memory_space<hbm>> -> memref<80x128xi32, #tpu.memory_space<hbm>>
      %dma_wait3A_30 = arith.constant 0 : i32
      %dma_wait3A_31 = tpu.memref_slice %arg3[%add3A_5, %dma_wait3A_30] : memref<2560x128xi32, #tpu.memory_space<hbm>> -> memref<80x128xi32, #tpu.memory_space<hbm>>
      tpu.wait_dma2 semaphore(%run_scoped3A : memref<!tpu.dma_semaphore, #tpu.memory_space<semaphore_mem>>) src(%dma_wait3A_31 : memref<80x128xi32, #tpu.memory_space<hbm>>) dst(%arg6 : memref<80x128xi32, #tpu.memory_space<vmem>>)
      tpu.yield
    }) : () -> ()
    "tpu.region"() ({
      %run_scoped3A = tpu.sem_alloc : memref<!tpu.dma_semaphore, #tpu.memory_space<semaphore_mem>>
      %dma_start3A = arith.constant 0 : i32
      %dma_start3A_26 = tpu.memref_slice %arg4[%add3A_5, %dma_start3A] : memref<2560x128xi32, #tpu.memory_space<hbm>> -> memref<80x128xi32, #tpu.memory_space<hbm>>
      %dma_start3A_27 = arith.constant 0 : i32
      %dma_start3A_28 = tpu.memref_slice %arg4[%add3A_5, %dma_start3A_27] : memref<2560x128xi32, #tpu.memory_space<hbm>> -> memref<80x128xi32, #tpu.memory_space<hbm>>
      tpu.enqueue_dma source(%dma_start3A_28 : memref<80x128xi32, #tpu.memory_space<hbm>>) target(%arg7 : memref<80x128xi32, #tpu.memory_space<vmem>>) target_semaphore(%run_scoped3A : memref<!tpu.dma_semaphore, #tpu.memory_space<semaphore_mem>>)
      %dma_wait3A = arith.constant 0 : i32
      %dma_wait3A_29 = tpu.memref_slice %arg4[%add3A_5, %dma_wait3A] : memref<2560x128xi32, #tpu.memory_space<hbm>> -> memref<80x128xi32, #tpu.memory_space<hbm>>
      %dma_wait3A_30 = arith.constant 0 : i32
      %dma_wait3A_31 = tpu.memref_slice %arg4[%add3A_5, %dma_wait3A_30] : memref<2560x128xi32, #tpu.memory_space<hbm>> -> memref<80x128xi32, #tpu.memory_space<hbm>>
      tpu.wait_dma2 semaphore(%run_scoped3A : memref<!tpu.dma_semaphore, #tpu.memory_space<semaphore_mem>>) src(%dma_wait3A_31 : memref<80x128xi32, #tpu.memory_space<hbm>>) dst(%arg7 : memref<80x128xi32, #tpu.memory_space<vmem>>)
      tpu.yield
    }) : () -> ()
    %scan3A = arith.constant 0 : i32
    %scan3A_6 = arith.constant 0 : i32
    %scan3A_7 = arith.constant 80 : i32
    %scan3A_8 = arith.addi %scan3A_6, %scan3A_7 : i32
    %scan3A_9 = arith.constant 1 : i32
    scf.for %scan3A_26 = %scan3A_6 to %scan3A_8 step %scan3A_9  : i32 {
      %dma_start3A = arith.constant 0 : i32
      %dma_start3A_27 = tpu.memref_slice %arg6[%scan3A_26, %dma_start3A] : memref<80x128xi32, #tpu.memory_space<vmem>> -> memref<1x128xi32, #tpu.memory_space<vmem>>
      %dma_start3A_28 = tpu.memref_squeeze %dma_start3A_27 : memref<1x128xi32, #tpu.memory_space<vmem>> -> memref<128xi32, #tpu.memory_space<vmem>>
      %dma_start3A_29 = arith.constant 0 : i32
      %dma_start3A_30 = arith.constant 0 : i32
      %dma_start3A_31 = tpu.memref_slice %arg2[%arg0, %dma_start3A_29, %dma_start3A_30] : memref<2x10240x128xf32, #tpu.memory_space<hbm>> -> memref<1x10240x128xf32, #tpu.memory_space<hbm>>
      %dma_start3A_32 = tpu.memref_squeeze %dma_start3A_31 : memref<1x10240x128xf32, #tpu.memory_space<hbm>> -> memref<10240x128xf32, #tpu.memory_space<hbm>>
      %dma_start3A_33 = arith.constant 0 : i32
      %dma_start3A_34 = arith.constant 0 : i32
      %dma_start3A_35 = tpu.memref_slice %dma_start3A_32[%dma_start3A_33, %dma_start3A_34] : memref<10240x128xf32, #tpu.memory_space<hbm>> -> memref<10240x128xf32, #tpu.memory_space<hbm>>
      tpu.enqueue_indirect_dma source(%dma_start3A_35 : memref<10240x128xf32, #tpu.memory_space<hbm>>) target(%arg8 : memref<128x128xf32, #tpu.memory_space<vmem>>) offsets(%dma_start3A_28 : memref<128xi32, #tpu.memory_space<vmem>>) semaphore(%arg10 : memref<!tpu.dma_semaphore, #tpu.memory_space<semaphore_mem>>)
      %dma_wait3A = arith.constant 0 : i32
      %dma_wait3A_36 = tpu.memref_slice %arg6[%scan3A_26, %dma_wait3A] : memref<80x128xi32, #tpu.memory_space<vmem>> -> memref<1x128xi32, #tpu.memory_space<vmem>>
      %dma_wait3A_37 = tpu.memref_squeeze %dma_wait3A_36 : memref<1x128xi32, #tpu.memory_space<vmem>> -> memref<128xi32, #tpu.memory_space<vmem>>
      %dma_wait3A_38 = arith.constant 0 : i32
      %dma_wait3A_39 = arith.constant 0 : i32
      %dma_wait3A_40 = tpu.memref_slice %arg2[%arg0, %dma_wait3A_38, %dma_wait3A_39] : memref<2x10240x128xf32, #tpu.memory_space<hbm>> -> memref<1x10240x128xf32, #tpu.memory_space<hbm>>
      %dma_wait3A_41 = tpu.memref_squeeze %dma_wait3A_40 : memref<1x10240x128xf32, #tpu.memory_space<hbm>> -> memref<10240x128xf32, #tpu.memory_space<hbm>>
      %dma_wait3A_42 = arith.constant 0 : i32
      %dma_wait3A_43 = arith.constant 0 : i32
      %dma_wait3A_44 = tpu.memref_slice %dma_wait3A_41[%dma_wait3A_42, %dma_wait3A_43] : memref<10240x128xf32, #tpu.memory_space<hbm>> -> memref<10240x128xf32, #tpu.memory_space<hbm>>
      tpu.wait_indirect_dma semaphore(%arg10 : memref<!tpu.dma_semaphore, #tpu.memory_space<semaphore_mem>>) src(%dma_wait3A_44 : memref<10240x128xf32, #tpu.memory_space<hbm>>) dst(%arg8 : memref<128x128xf32, #tpu.memory_space<vmem>>)
      "tpu.region"() ({
        %run_scoped3A = tpu.sem_alloc : memref<!tpu.dma_semaphore, #tpu.memory_space<semaphore_mem>>
        %dma_start3A_45 = arith.constant 0 : i32
        %dma_start3A_46 = tpu.memref_slice %arg7[%scan3A_26, %dma_start3A_45] : memref<80x128xi32, #tpu.memory_space<vmem>> -> memref<1x128xi32, #tpu.memory_space<vmem>>
        %dma_start3A_47 = tpu.memref_squeeze %dma_start3A_46 : memref<1x128xi32, #tpu.memory_space<vmem>> -> memref<128xi32, #tpu.memory_space<vmem>>
        %dma_start3A_48 = arith.constant 0 : i32
        %dma_start3A_49 = arith.constant 0 : i32
        %dma_start3A_50 = tpu.memref_slice %arg9[%dma_start3A_48, %dma_start3A_49] : memref<10240x128xf32, #tpu.memory_space<vmem_shared>> -> memref<10240x128xf32, #tpu.memory_space<vmem_shared>>
        tpu.enqueue_indirect_dma source(%arg8 : memref<128x128xf32, #tpu.memory_space<vmem>>) target(%dma_start3A_50 : memref<10240x128xf32, #tpu.memory_space<vmem_shared>>) offsets(%dma_start3A_47 : memref<128xi32, #tpu.memory_space<vmem>>) semaphore(%run_scoped3A : memref<!tpu.dma_semaphore, #tpu.memory_space<semaphore_mem>>) {add = true}
        %dma_wait3A_51 = arith.constant 0 : i32
        %dma_wait3A_52 = tpu.memref_slice %arg7[%scan3A_26, %dma_wait3A_51] : memref<80x128xi32, #tpu.memory_space<vmem>> -> memref<1x128xi32, #tpu.memory_space<vmem>>
        %dma_wait3A_53 = tpu.memref_squeeze %dma_wait3A_52 : memref<1x128xi32, #tpu.memory_space<vmem>> -> memref<128xi32, #tpu.memory_space<vmem>>
        %dma_wait3A_54 = arith.constant 0 : i32
        %dma_wait3A_55 = arith.constant 0 : i32
        %dma_wait3A_56 = tpu.memref_slice %arg9[%dma_wait3A_54, %dma_wait3A_55] : memref<10240x128xf32, #tpu.memory_space<vmem_shared>> -> memref<10240x128xf32, #tpu.memory_space<vmem_shared>>
        tpu.wait_indirect_dma semaphore(%run_scoped3A : memref<!tpu.dma_semaphore, #tpu.memory_space<semaphore_mem>>) src(%arg8 : memref<128x128xf32, #tpu.memory_space<vmem>>) dst(%dma_wait3A_56 : memref<10240x128xf32, #tpu.memory_space<vmem_shared>>)
        tpu.yield
      }) : () -> ()
    }
    %scan3A_10 = arith.constant 80 : i32
    %mul3A_11 = arith.constant 160 : i32
    %mul3A_12 = arith.muli %arg1, %mul3A_11 : i32
    %add3A_13 = arith.constant 80 : i32
    %add3A_14 = arith.addi %mul3A_12, %add3A_13 : i32
    "tpu.region"() ({
      %run_scoped3A = tpu.sem_alloc : memref<!tpu.dma_semaphore, #tpu.memory_space<semaphore_mem>>
      %dma_start3A = arith.constant 0 : i32
      %dma_start3A_26 = tpu.memref_slice %arg3[%add3A_14, %dma_start3A] : memref<2560x128xi32, #tpu.memory_space<hbm>> -> memref<80x128xi32, #tpu.memory_space<hbm>>
      %dma_start3A_27 = arith.constant 0 : i32
      %dma_start3A_28 = tpu.memref_slice %arg3[%add3A_14, %dma_start3A_27] : memref<2560x128xi32, #tpu.memory_space<hbm>> -> memref<80x128xi32, #tpu.memory_space<hbm>>
      tpu.enqueue_dma source(%dma_start3A_28 : memref<80x128xi32, #tpu.memory_space<hbm>>) target(%arg6 : memref<80x128xi32, #tpu.memory_space<vmem>>) target_semaphore(%run_scoped3A : memref<!tpu.dma_semaphore, #tpu.memory_space<semaphore_mem>>)
      %dma_wait3A = arith.constant 0 : i32
      %dma_wait3A_29 = tpu.memref_slice %arg3[%add3A_14, %dma_wait3A] : memref<2560x128xi32, #tpu.memory_space<hbm>> -> memref<80x128xi32, #tpu.memory_space<hbm>>
      %dma_wait3A_30 = arith.constant 0 : i32
      %dma_wait3A_31 = tpu.memref_slice %arg3[%add3A_14, %dma_wait3A_30] : memref<2560x128xi32, #tpu.memory_space<hbm>> -> memref<80x128xi32, #tpu.memory_space<hbm>>
      tpu.wait_dma2 semaphore(%run_scoped3A : memref<!tpu.dma_semaphore, #tpu.memory_space<semaphore_mem>>) src(%dma_wait3A_31 : memref<80x128xi32, #tpu.memory_space<hbm>>) dst(%arg6 : memref<80x128xi32, #tpu.memory_space<vmem>>)
      tpu.yield
    }) : () -> ()
    "tpu.region"() ({
      %run_scoped3A = tpu.sem_alloc : memref<!tpu.dma_semaphore, #tpu.memory_space<semaphore_mem>>
      %dma_start3A = arith.constant 0 : i32
      %dma_start3A_26 = tpu.memref_slice %arg4[%add3A_14, %dma_start3A] : memref<2560x128xi32, #tpu.memory_space<hbm>> -> memref<80x128xi32, #tpu.memory_space<hbm>>
      %dma_start3A_27 = arith.constant 0 : i32
      %dma_start3A_28 = tpu.memref_slice %arg4[%add3A_14, %dma_start3A_27] : memref<2560x128xi32, #tpu.memory_space<hbm>> -> memref<80x128xi32, #tpu.memory_space<hbm>>
      tpu.enqueue_dma source(%dma_start3A_28 : memref<80x128xi32, #tpu.memory_space<hbm>>) target(%arg7 : memref<80x128xi32, #tpu.memory_space<vmem>>) target_semaphore(%run_scoped3A : memref<!tpu.dma_semaphore, #tpu.memory_space<semaphore_mem>>)
      %dma_wait3A = arith.constant 0 : i32
      %dma_wait3A_29 = tpu.memref_slice %arg4[%add3A_14, %dma_wait3A] : memref<2560x128xi32, #tpu.memory_space<hbm>> -> memref<80x128xi32, #tpu.memory_space<hbm>>
      %dma_wait3A_30 = arith.constant 0 : i32
      %dma_wait3A_31 = tpu.memref_slice %arg4[%add3A_14, %dma_wait3A_30] : memref<2560x128xi32, #tpu.memory_space<hbm>> -> memref<80x128xi32, #tpu.memory_space<hbm>>
      tpu.wait_dma2 semaphore(%run_scoped3A : memref<!tpu.dma_semaphore, #tpu.memory_space<semaphore_mem>>) src(%dma_wait3A_31 : memref<80x128xi32, #tpu.memory_space<hbm>>) dst(%arg7 : memref<80x128xi32, #tpu.memory_space<vmem>>)
      tpu.yield
    }) : () -> ()
    %scan3A_15 = arith.constant 0 : i32
    %scan3A_16 = arith.constant 0 : i32
    %scan3A_17 = arith.constant 80 : i32
    %scan3A_18 = arith.addi %scan3A_16, %scan3A_17 : i32
    %scan3A_19 = arith.constant 1 : i32
    scf.for %scan3A_26 = %scan3A_16 to %scan3A_18 step %scan3A_19  : i32 {
      %dma_start3A = arith.constant 0 : i32
      %dma_start3A_27 = tpu.memref_slice %arg6[%scan3A_26, %dma_start3A] : memref<80x128xi32, #tpu.memory_space<vmem>> -> memref<1x128xi32, #tpu.memory_space<vmem>>
      %dma_start3A_28 = tpu.memref_squeeze %dma_start3A_27 : memref<1x128xi32, #tpu.memory_space<vmem>> -> memref<128xi32, #tpu.memory_space<vmem>>
      %dma_start3A_29 = arith.constant 0 : i32
      %dma_start3A_30 = arith.constant 0 : i32
      %dma_start3A_31 = tpu.memref_slice %arg2[%arg0, %dma_start3A_29, %dma_start3A_30] : memref<2x10240x128xf32, #tpu.memory_space<hbm>> -> memref<1x10240x128xf32, #tpu.memory_space<hbm>>
      %dma_start3A_32 = tpu.memref_squeeze %dma_start3A_31 : memref<1x10240x128xf32, #tpu.memory_space<hbm>> -> memref<10240x128xf32, #tpu.memory_space<hbm>>
      %dma_start3A_33 = arith.constant 0 : i32
      %dma_start3A_34 = arith.constant 0 : i32
      %dma_start3A_35 = tpu.memref_slice %dma_start3A_32[%dma_start3A_33, %dma_start3A_34] : memref<10240x128xf32, #tpu.memory_space<hbm>> -> memref<10240x128xf32, #tpu.memory_space<hbm>>
      tpu.enqueue_indirect_dma source(%dma_start3A_35 : memref<10240x128xf32, #tpu.memory_space<hbm>>) target(%arg8 : memref<128x128xf32, #tpu.memory_space<vmem>>) offsets(%dma_start3A_28 : memref<128xi32, #tpu.memory_space<vmem>>) semaphore(%arg10 : memref<!tpu.dma_semaphore, #tpu.memory_space<semaphore_mem>>)
      %dma_wait3A = arith.constant 0 : i32
      %dma_wait3A_36 = tpu.memref_slice %arg6[%scan3A_26, %dma_wait3A] : memref<80x128xi32, #tpu.memory_space<vmem>> -> memref<1x128xi32, #tpu.memory_space<vmem>>
      %dma_wait3A_37 = tpu.memref_squeeze %dma_wait3A_36 : memref<1x128xi32, #tpu.memory_space<vmem>> -> memref<128xi32, #tpu.memory_space<vmem>>
      %dma_wait3A_38 = arith.constant 0 : i32
      %dma_wait3A_39 = arith.constant 0 : i32
      %dma_wait3A_40 = tpu.memref_slice %arg2[%arg0, %dma_wait3A_38, %dma_wait3A_39] : memref<2x10240x128xf32, #tpu.memory_space<hbm>> -> memref<1x10240x128xf32, #tpu.memory_space<hbm>>
      %dma_wait3A_41 = tpu.memref_squeeze %dma_wait3A_40 : memref<1x10240x128xf32, #tpu.memory_space<hbm>> -> memref<10240x128xf32, #tpu.memory_space<hbm>>
      %dma_wait3A_42 = arith.constant 0 : i32
      %dma_wait3A_43 = arith.constant 0 : i32
      %dma_wait3A_44 = tpu.memref_slice %dma_wait3A_41[%dma_wait3A_42, %dma_wait3A_43] : memref<10240x128xf32, #tpu.memory_space<hbm>> -> memref<10240x128xf32, #tpu.memory_space<hbm>>
      tpu.wait_indirect_dma semaphore(%arg10 : memref<!tpu.dma_semaphore, #tpu.memory_space<semaphore_mem>>) src(%dma_wait3A_44 : memref<10240x128xf32, #tpu.memory_space<hbm>>) dst(%arg8 : memref<128x128xf32, #tpu.memory_space<vmem>>)
      "tpu.region"() ({
        %run_scoped3A = tpu.sem_alloc : memref<!tpu.dma_semaphore, #tpu.memory_space<semaphore_mem>>
        %dma_start3A_45 = arith.constant 0 : i32
        %dma_start3A_46 = tpu.memref_slice %arg7[%scan3A_26, %dma_start3A_45] : memref<80x128xi32, #tpu.memory_space<vmem>> -> memref<1x128xi32, #tpu.memory_space<vmem>>
        %dma_start3A_47 = tpu.memref_squeeze %dma_start3A_46 : memref<1x128xi32, #tpu.memory_space<vmem>> -> memref<128xi32, #tpu.memory_space<vmem>>
        %dma_start3A_48 = arith.constant 0 : i32
        %dma_start3A_49 = arith.constant 0 : i32
        %dma_start3A_50 = tpu.memref_slice %arg9[%dma_start3A_48, %dma_start3A_49] : memref<10240x128xf32, #tpu.memory_space<vmem_shared>> -> memref<10240x128xf32, #tpu.memory_space<vmem_shared>>
        tpu.enqueue_indirect_dma source(%arg8 : memref<128x128xf32, #tpu.memory_space<vmem>>) target(%dma_start3A_50 : memref<10240x128xf32, #tpu.memory_space<vmem_shared>>) offsets(%dma_start3A_47 : memref<128xi32, #tpu.memory_space<vmem>>) semaphore(%run_scoped3A : memref<!tpu.dma_semaphore, #tpu.memory_space<semaphore_mem>>) {add = true}
        %dma_wait3A_51 = arith.constant 0 : i32
        %dma_wait3A_52 = tpu.memref_slice %arg7[%scan3A_26, %dma_wait3A_51] : memref<80x128xi32, #tpu.memory_space<vmem>> -> memref<1x128xi32, #tpu.memory_space<vmem>>
        %dma_wait3A_53 = tpu.memref_squeeze %dma_wait3A_52 : memref<1x128xi32, #tpu.memory_space<vmem>> -> memref<128xi32, #tpu.memory_space<vmem>>
        %dma_wait3A_54 = arith.constant 0 : i32
        %dma_wait3A_55 = arith.constant 0 : i32
        %dma_wait3A_56 = tpu.memref_slice %arg9[%dma_wait3A_54, %dma_wait3A_55] : memref<10240x128xf32, #tpu.memory_space<vmem_shared>> -> memref<10240x128xf32, #tpu.memory_space<vmem_shared>>
        tpu.wait_indirect_dma semaphore(%run_scoped3A : memref<!tpu.dma_semaphore, #tpu.memory_space<semaphore_mem>>) src(%arg8 : memref<128x128xf32, #tpu.memory_space<vmem>>) dst(%dma_wait3A_56 : memref<10240x128xf32, #tpu.memory_space<vmem_shared>>)
        tpu.yield
      }) : () -> ()
    }
    %scan3A_20 = arith.constant 80 : i32
    %barrier3A_21 = arith.constant 0 : index
    tpu.barrier barrier_id(%barrier3A_21)
    %mul3A_22 = arith.constant 640 : i32
    %mul3A_23 = arith.muli %arg1, %mul3A_22 : i32
    %mul3A_24 = arith.constant 640 : i32
    %mul3A_25 = arith.muli %arg1, %mul3A_24 : i32
    "tpu.region"() ({
      %run_scoped3A = tpu.sem_alloc : memref<!tpu.dma_semaphore, #tpu.memory_space<semaphore_mem>>
      %dma_start3A = arith.constant 0 : i32
      %dma_start3A_26 = tpu.memref_slice %arg5[%arg0, %mul3A_25, %dma_start3A] : memref<2x10240x128xf32, #tpu.memory_space<hbm>> -> memref<1x640x128xf32, #tpu.memory_space<hbm>>
      %dma_start3A_27 = tpu.memref_squeeze %dma_start3A_26 : memref<1x640x128xf32, #tpu.memory_space<hbm>> -> memref<640x128xf32, #tpu.memory_space<hbm>>
      %dma_start3A_28 = arith.constant 0 : i32
      %dma_start3A_29 = tpu.memref_slice %arg9[%mul3A_23, %dma_start3A_28] : memref<10240x128xf32, #tpu.memory_space<vmem_shared>> -> memref<640x128xf32, #tpu.memory_space<vmem_shared>>
      tpu.enqueue_dma source(%dma_start3A_29 : memref<640x128xf32, #tpu.memory_space<vmem_shared>>) target(%dma_start3A_27 : memref<640x128xf32, #tpu.memory_space<hbm>>) target_semaphore(%run_scoped3A : memref<!tpu.dma_semaphore, #tpu.memory_space<semaphore_mem>>)
      %dma_wait3A = arith.constant 0 : i32
      %dma_wait3A_30 = tpu.memref_slice %arg5[%arg0, %mul3A_25, %dma_wait3A] : memref<2x10240x128xf32, #tpu.memory_space<hbm>> -> memref<1x640x128xf32, #tpu.memory_space<hbm>>
      %dma_wait3A_31 = tpu.memref_squeeze %dma_wait3A_30 : memref<1x640x128xf32, #tpu.memory_space<hbm>> -> memref<640x128xf32, #tpu.memory_space<hbm>>
      %dma_wait3A_32 = arith.constant 0 : i32
      %dma_wait3A_33 = tpu.memref_slice %arg9[%mul3A_23, %dma_wait3A_32] : memref<10240x128xf32, #tpu.memory_space<vmem_shared>> -> memref<640x128xf32, #tpu.memory_space<vmem_shared>>
      tpu.wait_dma2 semaphore(%run_scoped3A : memref<!tpu.dma_semaphore, #tpu.memory_space<semaphore_mem>>) src(%dma_wait3A_33 : memref<640x128xf32, #tpu.memory_space<vmem_shared>>) dst(%dma_wait3A_31 : memref<640x128xf32, #tpu.memory_space<hbm>>)
      tpu.yield
    }) : () -> ()
    return
  }
}

#map = affine_map<(d0, d1) -> (0, 0, 0)>
#map1 = affine_map<(d0, d1) -> (0, 0)>
module attributes {stable_mosaic.version = 14 : i64} {
  func.func @k(%arg0: i32, %arg1: i32, %arg2: memref<2x10240x128xf32, #tpu.memory_space<hbm>>, %arg3: memref<2560x128xi32, #tpu.memory_space<hbm>>, %arg4: memref<2560x128xi32, #tpu.memory_space<hbm>>, %arg5: memref<2x10240x128xf32, #tpu.memory_space<hbm>>, %arg6: memref<80x128xi32, #tpu.memory_space<vmem>>, %arg7: memref<80x128xi32, #tpu.memory_space<vmem>>, %arg8: memref<128x128xf32, #tpu.memory_space<vmem>>, %arg9: memref<10240x128xf32, #tpu.memory_space<vmem_shared>>, %arg10: memref<!tpu.dma_semaphore, #tpu.memory_space<semaphore_mem>>) attributes {dimension_semantics = [#tpu.dimension_semantics<core_parallel>, #tpu.dimension_semantics<subcore_parallel>], iteration_bounds = array<i64: 2, 16>, scalar_prefetch = 0 : i64, scratch_operands = 5 : i64, tpu.core_type = #tpu.core_type<sc_vector_subcore>, window_params = [{transform_indices = #map}, {transform_indices = #map1}, {transform_indices = #map1}, {transform_indices = #map}]} {
    %mul3A = arith.constant 640 : i32
    %mul3A_0 = arith.muli %arg1, %mul3A : i32
    %mul3A_1 = arith.constant 640 : i32
    %mul3A_2 = arith.muli %arg1, %mul3A_1 : i32
    "tpu.region"() ({
      %run_scoped3A = tpu.sem_alloc : memref<!tpu.dma_semaphore, #tpu.memory_space<semaphore_mem>>
      %dma_start3A = arith.constant 0 : i32
      %dma_start3A_26 = tpu.memref_slice %arg9[%mul3A_2, %dma_start3A] : memref<10240x128xf32, #tpu.memory_space<vmem_shared>> -> memref<640x128xf32, #tpu.memory_space<vmem_shared>>
      %dma_start3A_27 = arith.constant 0 : i32
      %dma_start3A_28 = tpu.memref_slice %arg2[%arg0, %mul3A_0, %dma_start3A_27] : memref<2x10240x128xf32, #tpu.memory_space<hbm>> -> memref<1x640x128xf32, #tpu.memory_space<hbm>>
      %dma_start3A_29 = tpu.memref_squeeze %dma_start3A_28 : memref<1x640x128xf32, #tpu.memory_space<hbm>> -> memref<640x128xf32, #tpu.memory_space<hbm>>
      tpu.enqueue_dma source(%dma_start3A_29 : memref<640x128xf32, #tpu.memory_space<hbm>>) target(%dma_start3A_26 : memref<640x128xf32, #tpu.memory_space<vmem_shared>>) target_semaphore(%run_scoped3A : memref<!tpu.dma_semaphore, #tpu.memory_space<semaphore_mem>>)
      %dma_wait3A = arith.constant 0 : i32
      %dma_wait3A_30 = tpu.memref_slice %arg9[%mul3A_2, %dma_wait3A] : memref<10240x128xf32, #tpu.memory_space<vmem_shared>> -> memref<640x128xf32, #tpu.memory_space<vmem_shared>>
      %dma_wait3A_31 = arith.constant 0 : i32
      %dma_wait3A_32 = tpu.memref_slice %arg2[%arg0, %mul3A_0, %dma_wait3A_31] : memref<2x10240x128xf32, #tpu.memory_space<hbm>> -> memref<1x640x128xf32, #tpu.memory_space<hbm>>
      %dma_wait3A_33 = tpu.memref_squeeze %dma_wait3A_32 : memref<1x640x128xf32, #tpu.memory_space<hbm>> -> memref<640x128xf32, #tpu.memory_space<hbm>>
      tpu.wait_dma2 semaphore(%run_scoped3A : memref<!tpu.dma_semaphore, #tpu.memory_space<semaphore_mem>>) src(%dma_wait3A_33 : memref<640x128xf32, #tpu.memory_space<hbm>>) dst(%dma_wait3A_30 : memref<640x128xf32, #tpu.memory_space<vmem_shared>>)
      tpu.yield
    }) : () -> ()
    %barrier3A = arith.constant 0 : index
    tpu.barrier barrier_id(%barrier3A)
    %mul3A_3 = arith.constant 160 : i32
    %mul3A_4 = arith.muli %arg1, %mul3A_3 : i32
    %add3A = arith.constant 0 : i32
    %add3A_5 = arith.addi %mul3A_4, %add3A : i32
    "tpu.region"() ({
      %run_scoped3A = tpu.sem_alloc : memref<!tpu.dma_semaphore, #tpu.memory_space<semaphore_mem>>
      %dma_start3A = arith.constant 0 : i32
      %dma_start3A_26 = tpu.memref_slice %arg3[%add3A_5, %dma_start3A] : memref<2560x128xi32, #tpu.memory_space<hbm>> -> memref<80x128xi32, #tpu.memory_space<hbm>>
      %dma_start3A_27 = arith.constant 0 : i32
      %dma_start3A_28 = tpu.memref_slice %arg3[%add3A_5, %dma_start3A_27] : memref<2560x128xi32, #tpu.memory_space<hbm>> -> memref<80x128xi32, #tpu.memory_space<hbm>>
      tpu.enqueue_dma source(%dma_start3A_28 : memref<80x128xi32, #tpu.memory_space<hbm>>) target(%arg6 : memref<80x128xi32, #tpu.memory_space<vmem>>) target_semaphore(%run_scoped3A : memref<!tpu.dma_semaphore, #tpu.memory_space<semaphore_mem>>)
      %dma_wait3A = arith.constant 0 : i32
      %dma_wait3A_29 = tpu.memref_slice %arg3[%add3A_5, %dma_wait3A] : memref<2560x128xi32, #tpu.memory_space<hbm>> -> memref<80x128xi32, #tpu.memory_space<hbm>>
      %dma_wait3A_30 = arith.constant 0 : i32
      %dma_wait3A_31 = tpu.memref_slice %arg3[%add3A_5, %dma_wait3A_30] : memref<2560x128xi32, #tpu.memory_space<hbm>> -> memref<80x128xi32, #tpu.memory_space<hbm>>
      tpu.wait_dma2 semaphore(%run_scoped3A : memref<!tpu.dma_semaphore, #tpu.memory_space<semaphore_mem>>) src(%dma_wait3A_31 : memref<80x128xi32, #tpu.memory_space<hbm>>) dst(%arg6 : memref<80x128xi32, #tpu.memory_space<vmem>>)
      tpu.yield
    }) : () -> ()
    "tpu.region"() ({
      %run_scoped3A = tpu.sem_alloc : memref<!tpu.dma_semaphore, #tpu.memory_space<semaphore_mem>>
      %dma_start3A = arith.constant 0 : i32
      %dma_start3A_26 = tpu.memref_slice %arg4[%add3A_5, %dma_start3A] : memref<2560x128xi32, #tpu.memory_space<hbm>> -> memref<80x128xi32, #tpu.memory_space<hbm>>
      %dma_start3A_27 = arith.constant 0 : i32
      %dma_start3A_28 = tpu.memref_slice %arg4[%add3A_5, %dma_start3A_27] : memref<2560x128xi32, #tpu.memory_space<hbm>> -> memref<80x128xi32, #tpu.memory_space<hbm>>
      tpu.enqueue_dma source(%dma_start3A_28 : memref<80x128xi32, #tpu.memory_space<hbm>>) target(%arg7 : memref<80x128xi32, #tpu.memory_space<vmem>>) target_semaphore(%run_scoped3A : memref<!tpu.dma_semaphore, #tpu.memory_space<semaphore_mem>>)
      %dma_wait3A = arith.constant 0 : i32
      %dma_wait3A_29 = tpu.memref_slice %arg4[%add3A_5, %dma_wait3A] : memref<2560x128xi32, #tpu.memory_space<hbm>> -> memref<80x128xi32, #tpu.memory_space<hbm>>
      %dma_wait3A_30 = arith.constant 0 : i32
      %dma_wait3A_31 = tpu.memref_slice %arg4[%add3A_5, %dma_wait3A_30] : memref<2560x128xi32, #tpu.memory_space<hbm>> -> memref<80x128xi32, #tpu.memory_space<hbm>>
      tpu.wait_dma2 semaphore(%run_scoped3A : memref<!tpu.dma_semaphore, #tpu.memory_space<semaphore_mem>>) src(%dma_wait3A_31 : memref<80x128xi32, #tpu.memory_space<hbm>>) dst(%arg7 : memref<80x128xi32, #tpu.memory_space<vmem>>)
      tpu.yield
    }) : () -> ()
    %scan3A = arith.constant 0 : i32
    %scan3A_6 = arith.constant 0 : i32
    %scan3A_7 = arith.constant 80 : i32
    %scan3A_8 = arith.addi %scan3A_6, %scan3A_7 : i32
    %scan3A_9 = arith.constant 1 : i32
    scf.for %scan3A_26 = %scan3A_6 to %scan3A_8 step %scan3A_9  : i32 {
      %dma_start3A = arith.constant 0 : i32
      %dma_start3A_27 = tpu.memref_slice %arg6[%scan3A_26, %dma_start3A] : memref<80x128xi32, #tpu.memory_space<vmem>> -> memref<1x128xi32, #tpu.memory_space<vmem>>
      %dma_start3A_28 = tpu.memref_squeeze %dma_start3A_27 : memref<1x128xi32, #tpu.memory_space<vmem>> -> memref<128xi32, #tpu.memory_space<vmem>>
      %dma_start3A_29 = arith.constant 0 : i32
      %dma_start3A_30 = arith.constant 0 : i32
      %dma_start3A_31 = tpu.memref_slice %arg2[%arg0, %dma_start3A_29, %dma_start3A_30] : memref<2x10240x128xf32, #tpu.memory_space<hbm>> -> memref<1x10240x128xf32, #tpu.memory_space<hbm>>
      %dma_start3A_32 = tpu.memref_squeeze %dma_start3A_31 : memref<1x10240x128xf32, #tpu.memory_space<hbm>> -> memref<10240x128xf32, #tpu.memory_space<hbm>>
      %dma_start3A_33 = arith.constant 0 : i32
      %dma_start3A_34 = arith.constant 0 : i32
      %dma_start3A_35 = tpu.memref_slice %dma_start3A_32[%dma_start3A_33, %dma_start3A_34] : memref<10240x128xf32, #tpu.memory_space<hbm>> -> memref<10240x128xf32, #tpu.memory_space<hbm>>
      tpu.enqueue_indirect_dma source(%dma_start3A_35 : memref<10240x128xf32, #tpu.memory_space<hbm>>) target(%arg8 : memref<128x128xf32, #tpu.memory_space<vmem>>) offsets(%dma_start3A_28 : memref<128xi32, #tpu.memory_space<vmem>>) semaphore(%arg10 : memref<!tpu.dma_semaphore, #tpu.memory_space<semaphore_mem>>)
      %dma_wait3A = arith.constant 0 : i32
      %dma_wait3A_36 = tpu.memref_slice %arg6[%scan3A_26, %dma_wait3A] : memref<80x128xi32, #tpu.memory_space<vmem>> -> memref<1x128xi32, #tpu.memory_space<vmem>>
      %dma_wait3A_37 = tpu.memref_squeeze %dma_wait3A_36 : memref<1x128xi32, #tpu.memory_space<vmem>> -> memref<128xi32, #tpu.memory_space<vmem>>
      %dma_wait3A_38 = arith.constant 0 : i32
      %dma_wait3A_39 = arith.constant 0 : i32
      %dma_wait3A_40 = tpu.memref_slice %arg2[%arg0, %dma_wait3A_38, %dma_wait3A_39] : memref<2x10240x128xf32, #tpu.memory_space<hbm>> -> memref<1x10240x128xf32, #tpu.memory_space<hbm>>
      %dma_wait3A_41 = tpu.memref_squeeze %dma_wait3A_40 : memref<1x10240x128xf32, #tpu.memory_space<hbm>> -> memref<10240x128xf32, #tpu.memory_space<hbm>>
      %dma_wait3A_42 = arith.constant 0 : i32
      %dma_wait3A_43 = arith.constant 0 : i32
      %dma_wait3A_44 = tpu.memref_slice %dma_wait3A_41[%dma_wait3A_42, %dma_wait3A_43] : memref<10240x128xf32, #tpu.memory_space<hbm>> -> memref<10240x128xf32, #tpu.memory_space<hbm>>
      tpu.wait_indirect_dma semaphore(%arg10 : memref<!tpu.dma_semaphore, #tpu.memory_space<semaphore_mem>>) src(%dma_wait3A_44 : memref<10240x128xf32, #tpu.memory_space<hbm>>) dst(%arg8 : memref<128x128xf32, #tpu.memory_space<vmem>>)
      "tpu.region"() ({
        %run_scoped3A = tpu.sem_alloc : memref<!tpu.dma_semaphore, #tpu.memory_space<semaphore_mem>>
        %dma_start3A_45 = arith.constant 0 : i32
        %dma_start3A_46 = tpu.memref_slice %arg7[%scan3A_26, %dma_start3A_45] : memref<80x128xi32, #tpu.memory_space<vmem>> -> memref<1x128xi32, #tpu.memory_space<vmem>>
        %dma_start3A_47 = tpu.memref_squeeze %dma_start3A_46 : memref<1x128xi32, #tpu.memory_space<vmem>> -> memref<128xi32, #tpu.memory_space<vmem>>
        %dma_start3A_48 = arith.constant 0 : i32
        %dma_start3A_49 = arith.constant 0 : i32
        %dma_start3A_50 = tpu.memref_slice %arg9[%dma_start3A_48, %dma_start3A_49] : memref<10240x128xf32, #tpu.memory_space<vmem_shared>> -> memref<10240x128xf32, #tpu.memory_space<vmem_shared>>
        tpu.enqueue_indirect_dma source(%arg8 : memref<128x128xf32, #tpu.memory_space<vmem>>) target(%dma_start3A_50 : memref<10240x128xf32, #tpu.memory_space<vmem_shared>>) offsets(%dma_start3A_47 : memref<128xi32, #tpu.memory_space<vmem>>) semaphore(%run_scoped3A : memref<!tpu.dma_semaphore, #tpu.memory_space<semaphore_mem>>) {add = true}
        %dma_wait3A_51 = arith.constant 0 : i32
        %dma_wait3A_52 = tpu.memref_slice %arg7[%scan3A_26, %dma_wait3A_51] : memref<80x128xi32, #tpu.memory_space<vmem>> -> memref<1x128xi32, #tpu.memory_space<vmem>>
        %dma_wait3A_53 = tpu.memref_squeeze %dma_wait3A_52 : memref<1x128xi32, #tpu.memory_space<vmem>> -> memref<128xi32, #tpu.memory_space<vmem>>
        %dma_wait3A_54 = arith.constant 0 : i32
        %dma_wait3A_55 = arith.constant 0 : i32
        %dma_wait3A_56 = tpu.memref_slice %arg9[%dma_wait3A_54, %dma_wait3A_55] : memref<10240x128xf32, #tpu.memory_space<vmem_shared>> -> memref<10240x128xf32, #tpu.memory_space<vmem_shared>>
        tpu.wait_indirect_dma semaphore(%run_scoped3A : memref<!tpu.dma_semaphore, #tpu.memory_space<semaphore_mem>>) src(%arg8 : memref<128x128xf32, #tpu.memory_space<vmem>>) dst(%dma_wait3A_56 : memref<10240x128xf32, #tpu.memory_space<vmem_shared>>)
        tpu.yield
      }) : () -> ()
    }
    %scan3A_10 = arith.constant 80 : i32
    %mul3A_11 = arith.constant 160 : i32
    %mul3A_12 = arith.muli %arg1, %mul3A_11 : i32
    %add3A_13 = arith.constant 80 : i32
    %add3A_14 = arith.addi %mul3A_12, %add3A_13 : i32
    "tpu.region"() ({
      %run_scoped3A = tpu.sem_alloc : memref<!tpu.dma_semaphore, #tpu.memory_space<semaphore_mem>>
      %dma_start3A = arith.constant 0 : i32
      %dma_start3A_26 = tpu.memref_slice %arg3[%add3A_14, %dma_start3A] : memref<2560x128xi32, #tpu.memory_space<hbm>> -> memref<80x128xi32, #tpu.memory_space<hbm>>
      %dma_start3A_27 = arith.constant 0 : i32
      %dma_start3A_28 = tpu.memref_slice %arg3[%add3A_14, %dma_start3A_27] : memref<2560x128xi32, #tpu.memory_space<hbm>> -> memref<80x128xi32, #tpu.memory_space<hbm>>
      tpu.enqueue_dma source(%dma_start3A_28 : memref<80x128xi32, #tpu.memory_space<hbm>>) target(%arg6 : memref<80x128xi32, #tpu.memory_space<vmem>>) target_semaphore(%run_scoped3A : memref<!tpu.dma_semaphore, #tpu.memory_space<semaphore_mem>>)
      %dma_wait3A = arith.constant 0 : i32
      %dma_wait3A_29 = tpu.memref_slice %arg3[%add3A_14, %dma_wait3A] : memref<2560x128xi32, #tpu.memory_space<hbm>> -> memref<80x128xi32, #tpu.memory_space<hbm>>
      %dma_wait3A_30 = arith.constant 0 : i32
      %dma_wait3A_31 = tpu.memref_slice %arg3[%add3A_14, %dma_wait3A_30] : memref<2560x128xi32, #tpu.memory_space<hbm>> -> memref<80x128xi32, #tpu.memory_space<hbm>>
      tpu.wait_dma2 semaphore(%run_scoped3A : memref<!tpu.dma_semaphore, #tpu.memory_space<semaphore_mem>>) src(%dma_wait3A_31 : memref<80x128xi32, #tpu.memory_space<hbm>>) dst(%arg6 : memref<80x128xi32, #tpu.memory_space<vmem>>)
      tpu.yield
    }) : () -> ()
    "tpu.region"() ({
      %run_scoped3A = tpu.sem_alloc : memref<!tpu.dma_semaphore, #tpu.memory_space<semaphore_mem>>
      %dma_start3A = arith.constant 0 : i32
      %dma_start3A_26 = tpu.memref_slice %arg4[%add3A_14, %dma_start3A] : memref<2560x128xi32, #tpu.memory_space<hbm>> -> memref<80x128xi32, #tpu.memory_space<hbm>>
      %dma_start3A_27 = arith.constant 0 : i32
      %dma_start3A_28 = tpu.memref_slice %arg4[%add3A_14, %dma_start3A_27] : memref<2560x128xi32, #tpu.memory_space<hbm>> -> memref<80x128xi32, #tpu.memory_space<hbm>>
      tpu.enqueue_dma source(%dma_start3A_28 : memref<80x128xi32, #tpu.memory_space<hbm>>) target(%arg7 : memref<80x128xi32, #tpu.memory_space<vmem>>) target_semaphore(%run_scoped3A : memref<!tpu.dma_semaphore, #tpu.memory_space<semaphore_mem>>)
      %dma_wait3A = arith.constant 0 : i32
      %dma_wait3A_29 = tpu.memref_slice %arg4[%add3A_14, %dma_wait3A] : memref<2560x128xi32, #tpu.memory_space<hbm>> -> memref<80x128xi32, #tpu.memory_space<hbm>>
      %dma_wait3A_30 = arith.constant 0 : i32
      %dma_wait3A_31 = tpu.memref_slice %arg4[%add3A_14, %dma_wait3A_30] : memref<2560x128xi32, #tpu.memory_space<hbm>> -> memref<80x128xi32, #tpu.memory_space<hbm>>
      tpu.wait_dma2 semaphore(%run_scoped3A : memref<!tpu.dma_semaphore, #tpu.memory_space<semaphore_mem>>) src(%dma_wait3A_31 : memref<80x128xi32, #tpu.memory_space<hbm>>) dst(%arg7 : memref<80x128xi32, #tpu.memory_space<vmem>>)
      tpu.yield
    }) : () -> ()
    %scan3A_15 = arith.constant 0 : i32
    %scan3A_16 = arith.constant 0 : i32
    %scan3A_17 = arith.constant 80 : i32
    %scan3A_18 = arith.addi %scan3A_16, %scan3A_17 : i32
    %scan3A_19 = arith.constant 1 : i32
    scf.for %scan3A_26 = %scan3A_16 to %scan3A_18 step %scan3A_19  : i32 {
      %dma_start3A = arith.constant 0 : i32
      %dma_start3A_27 = tpu.memref_slice %arg6[%scan3A_26, %dma_start3A] : memref<80x128xi32, #tpu.memory_space<vmem>> -> memref<1x128xi32, #tpu.memory_space<vmem>>
      %dma_start3A_28 = tpu.memref_squeeze %dma_start3A_27 : memref<1x128xi32, #tpu.memory_space<vmem>> -> memref<128xi32, #tpu.memory_space<vmem>>
      %dma_start3A_29 = arith.constant 0 : i32
      %dma_start3A_30 = arith.constant 0 : i32
      %dma_start3A_31 = tpu.memref_slice %arg2[%arg0, %dma_start3A_29, %dma_start3A_30] : memref<2x10240x128xf32, #tpu.memory_space<hbm>> -> memref<1x10240x128xf32, #tpu.memory_space<hbm>>
      %dma_start3A_32 = tpu.memref_squeeze %dma_start3A_31 : memref<1x10240x128xf32, #tpu.memory_space<hbm>> -> memref<10240x128xf32, #tpu.memory_space<hbm>>
      %dma_start3A_33 = arith.constant 0 : i32
      %dma_start3A_34 = arith.constant 0 : i32
      %dma_start3A_35 = tpu.memref_slice %dma_start3A_32[%dma_start3A_33, %dma_start3A_34] : memref<10240x128xf32, #tpu.memory_space<hbm>> -> memref<10240x128xf32, #tpu.memory_space<hbm>>
      tpu.enqueue_indirect_dma source(%dma_start3A_35 : memref<10240x128xf32, #tpu.memory_space<hbm>>) target(%arg8 : memref<128x128xf32, #tpu.memory_space<vmem>>) offsets(%dma_start3A_28 : memref<128xi32, #tpu.memory_space<vmem>>) semaphore(%arg10 : memref<!tpu.dma_semaphore, #tpu.memory_space<semaphore_mem>>)
      %dma_wait3A = arith.constant 0 : i32
      %dma_wait3A_36 = tpu.memref_slice %arg6[%scan3A_26, %dma_wait3A] : memref<80x128xi32, #tpu.memory_space<vmem>> -> memref<1x128xi32, #tpu.memory_space<vmem>>
      %dma_wait3A_37 = tpu.memref_squeeze %dma_wait3A_36 : memref<1x128xi32, #tpu.memory_space<vmem>> -> memref<128xi32, #tpu.memory_space<vmem>>
      %dma_wait3A_38 = arith.constant 0 : i32
      %dma_wait3A_39 = arith.constant 0 : i32
      %dma_wait3A_40 = tpu.memref_slice %arg2[%arg0, %dma_wait3A_38, %dma_wait3A_39] : memref<2x10240x128xf32, #tpu.memory_space<hbm>> -> memref<1x10240x128xf32, #tpu.memory_space<hbm>>
      %dma_wait3A_41 = tpu.memref_squeeze %dma_wait3A_40 : memref<1x10240x128xf32, #tpu.memory_space<hbm>> -> memref<10240x128xf32, #tpu.memory_space<hbm>>
      %dma_wait3A_42 = arith.constant 0 : i32
      %dma_wait3A_43 = arith.constant 0 : i32
      %dma_wait3A_44 = tpu.memref_slice %dma_wait3A_41[%dma_wait3A_42, %dma_wait3A_43] : memref<10240x128xf32, #tpu.memory_space<hbm>> -> memref<10240x128xf32, #tpu.memory_space<hbm>>
      tpu.wait_indirect_dma semaphore(%arg10 : memref<!tpu.dma_semaphore, #tpu.memory_space<semaphore_mem>>) src(%dma_wait3A_44 : memref<10240x128xf32, #tpu.memory_space<hbm>>) dst(%arg8 : memref<128x128xf32, #tpu.memory_space<vmem>>)
      "tpu.region"() ({
        %run_scoped3A = tpu.sem_alloc : memref<!tpu.dma_semaphore, #tpu.memory_space<semaphore_mem>>
        %dma_start3A_45 = arith.constant 0 : i32
        %dma_start3A_46 = tpu.memref_slice %arg7[%scan3A_26, %dma_start3A_45] : memref<80x128xi32, #tpu.memory_space<vmem>> -> memref<1x128xi32, #tpu.memory_space<vmem>>
        %dma_start3A_47 = tpu.memref_squeeze %dma_start3A_46 : memref<1x128xi32, #tpu.memory_space<vmem>> -> memref<128xi32, #tpu.memory_space<vmem>>
        %dma_start3A_48 = arith.constant 0 : i32
        %dma_start3A_49 = arith.constant 0 : i32
        %dma_start3A_50 = tpu.memref_slice %arg9[%dma_start3A_48, %dma_start3A_49] : memref<10240x128xf32, #tpu.memory_space<vmem_shared>> -> memref<10240x128xf32, #tpu.memory_space<vmem_shared>>
        tpu.enqueue_indirect_dma source(%arg8 : memref<128x128xf32, #tpu.memory_space<vmem>>) target(%dma_start3A_50 : memref<10240x128xf32, #tpu.memory_space<vmem_shared>>) offsets(%dma_start3A_47 : memref<128xi32, #tpu.memory_space<vmem>>) semaphore(%run_scoped3A : memref<!tpu.dma_semaphore, #tpu.memory_space<semaphore_mem>>) {add = true}
        %dma_wait3A_51 = arith.constant 0 : i32
        %dma_wait3A_52 = tpu.memref_slice %arg7[%scan3A_26, %dma_wait3A_51] : memref<80x128xi32, #tpu.memory_space<vmem>> -> memref<1x128xi32, #tpu.memory_space<vmem>>
        %dma_wait3A_53 = tpu.memref_squeeze %dma_wait3A_52 : memref<1x128xi32, #tpu.memory_space<vmem>> -> memref<128xi32, #tpu.memory_space<vmem>>
        %dma_wait3A_54 = arith.constant 0 : i32
        %dma_wait3A_55 = arith.constant 0 : i32
        %dma_wait3A_56 = tpu.memref_slice %arg9[%dma_wait3A_54, %dma_wait3A_55] : memref<10240x128xf32, #tpu.memory_space<vmem_shared>> -> memref<10240x128xf32, #tpu.memory_space<vmem_shared>>
        tpu.wait_indirect_dma semaphore(%run_scoped3A : memref<!tpu.dma_semaphore, #tpu.memory_space<semaphore_mem>>) src(%arg8 : memref<128x128xf32, #tpu.memory_space<vmem>>) dst(%dma_wait3A_56 : memref<10240x128xf32, #tpu.memory_space<vmem_shared>>)
        tpu.yield
      }) : () -> ()
    }
    %scan3A_20 = arith.constant 80 : i32
    %barrier3A_21 = arith.constant 0 : index
    tpu.barrier barrier_id(%barrier3A_21)
    %mul3A_22 = arith.constant 640 : i32
    %mul3A_23 = arith.muli %arg1, %mul3A_22 : i32
    %mul3A_24 = arith.constant 640 : i32
    %mul3A_25 = arith.muli %arg1, %mul3A_24 : i32
    "tpu.region"() ({
      %run_scoped3A = tpu.sem_alloc : memref<!tpu.dma_semaphore, #tpu.memory_space<semaphore_mem>>
      %dma_start3A = arith.constant 0 : i32
      %dma_start3A_26 = tpu.memref_slice %arg5[%arg0, %mul3A_25, %dma_start3A] : memref<2x10240x128xf32, #tpu.memory_space<hbm>> -> memref<1x640x128xf32, #tpu.memory_space<hbm>>
      %dma_start3A_27 = tpu.memref_squeeze %dma_start3A_26 : memref<1x640x128xf32, #tpu.memory_space<hbm>> -> memref<640x128xf32, #tpu.memory_space<hbm>>
      %dma_start3A_28 = arith.constant 0 : i32
      %dma_start3A_29 = tpu.memref_slice %arg9[%mul3A_23, %dma_start3A_28] : memref<10240x128xf32, #tpu.memory_space<vmem_shared>> -> memref<640x128xf32, #tpu.memory_space<vmem_shared>>
      tpu.enqueue_dma source(%dma_start3A_29 : memref<640x128xf32, #tpu.memory_space<vmem_shared>>) target(%dma_start3A_27 : memref<640x128xf32, #tpu.memory_space<hbm>>) target_semaphore(%run_scoped3A : memref<!tpu.dma_semaphore, #tpu.memory_space<semaphore_mem>>)
      %dma_wait3A = arith.constant 0 : i32
      %dma_wait3A_30 = tpu.memref_slice %arg5[%arg0, %mul3A_25, %dma_wait3A] : memref<2x10240x128xf32, #tpu.memory_space<hbm>> -> memref<1x640x128xf32, #tpu.memory_space<hbm>>
      %dma_wait3A_31 = tpu.memref_squeeze %dma_wait3A_30 : memref<1x640x128xf32, #tpu.memory_space<hbm>> -> memref<640x128xf32, #tpu.memory_space<hbm>>
      %dma_wait3A_32 = arith.constant 0 : i32
      %dma_wait3A_33 = tpu.memref_slice %arg9[%mul3A_23, %dma_wait3A_32] : memref<10240x128xf32, #tpu.memory_space<vmem_shared>> -> memref<640x128xf32, #tpu.memory_space<vmem_shared>>
      tpu.wait_dma2 semaphore(%run_scoped3A : memref<!tpu.dma_semaphore, #tpu.memory_space<semaphore_mem>>) src(%dma_wait3A_33 : memref<640x128xf32, #tpu.memory_space<vmem_shared>>) dst(%dma_wait3A_31 : memref<640x128xf32, #tpu.memory_space<hbm>>)
      tpu.yield
    }) : () -> ()
    return
  }
}

#map = affine_map<(d0, d1) -> (0, 0, 0)>
#map1 = affine_map<(d0, d1) -> (0, 0)>
module attributes {stable_mosaic.version = 14 : i64} {
  func.func @k(%arg0: i32, %arg1: i32, %arg2: memref<2x10240x128xf32, #tpu.memory_space<hbm>>, %arg3: memref<2560x128xi32, #tpu.memory_space<hbm>>, %arg4: memref<2560x128xi32, #tpu.memory_space<hbm>>, %arg5: memref<2x10240x128xf32, #tpu.memory_space<hbm>>, %arg6: memref<80x128xi32, #tpu.memory_space<vmem>>, %arg7: memref<80x128xi32, #tpu.memory_space<vmem>>, %arg8: memref<128x128xf32, #tpu.memory_space<vmem>>, %arg9: memref<10240x128xf32, #tpu.memory_space<vmem_shared>>, %arg10: memref<!tpu.dma_semaphore, #tpu.memory_space<semaphore_mem>>) attributes {dimension_semantics = [#tpu.dimension_semantics<core_parallel>, #tpu.dimension_semantics<subcore_parallel>], iteration_bounds = array<i64: 2, 16>, scalar_prefetch = 0 : i64, scratch_operands = 5 : i64, tpu.core_type = #tpu.core_type<sc_vector_subcore>, window_params = [{transform_indices = #map}, {transform_indices = #map1}, {transform_indices = #map1}, {transform_indices = #map}]} {
    %mul3A = arith.constant 640 : i32
    %mul3A_0 = arith.muli %arg1, %mul3A : i32
    %mul3A_1 = arith.constant 640 : i32
    %mul3A_2 = arith.muli %arg1, %mul3A_1 : i32
    "tpu.region"() ({
      %run_scoped3A = tpu.sem_alloc : memref<!tpu.dma_semaphore, #tpu.memory_space<semaphore_mem>>
      %dma_start3A = arith.constant 0 : i32
      %dma_start3A_26 = tpu.memref_slice %arg9[%mul3A_2, %dma_start3A] : memref<10240x128xf32, #tpu.memory_space<vmem_shared>> -> memref<640x128xf32, #tpu.memory_space<vmem_shared>>
      %dma_start3A_27 = arith.constant 0 : i32
      %dma_start3A_28 = tpu.memref_slice %arg2[%arg0, %mul3A_0, %dma_start3A_27] : memref<2x10240x128xf32, #tpu.memory_space<hbm>> -> memref<1x640x128xf32, #tpu.memory_space<hbm>>
      %dma_start3A_29 = tpu.memref_squeeze %dma_start3A_28 : memref<1x640x128xf32, #tpu.memory_space<hbm>> -> memref<640x128xf32, #tpu.memory_space<hbm>>
      tpu.enqueue_dma source(%dma_start3A_29 : memref<640x128xf32, #tpu.memory_space<hbm>>) target(%dma_start3A_26 : memref<640x128xf32, #tpu.memory_space<vmem_shared>>) target_semaphore(%run_scoped3A : memref<!tpu.dma_semaphore, #tpu.memory_space<semaphore_mem>>)
      %dma_wait3A = arith.constant 0 : i32
      %dma_wait3A_30 = tpu.memref_slice %arg9[%mul3A_2, %dma_wait3A] : memref<10240x128xf32, #tpu.memory_space<vmem_shared>> -> memref<640x128xf32, #tpu.memory_space<vmem_shared>>
      %dma_wait3A_31 = arith.constant 0 : i32
      %dma_wait3A_32 = tpu.memref_slice %arg2[%arg0, %mul3A_0, %dma_wait3A_31] : memref<2x10240x128xf32, #tpu.memory_space<hbm>> -> memref<1x640x128xf32, #tpu.memory_space<hbm>>
      %dma_wait3A_33 = tpu.memref_squeeze %dma_wait3A_32 : memref<1x640x128xf32, #tpu.memory_space<hbm>> -> memref<640x128xf32, #tpu.memory_space<hbm>>
      tpu.wait_dma2 semaphore(%run_scoped3A : memref<!tpu.dma_semaphore, #tpu.memory_space<semaphore_mem>>) src(%dma_wait3A_33 : memref<640x128xf32, #tpu.memory_space<hbm>>) dst(%dma_wait3A_30 : memref<640x128xf32, #tpu.memory_space<vmem_shared>>)
      tpu.yield
    }) : () -> ()
    %barrier3A = arith.constant 0 : index
    tpu.barrier barrier_id(%barrier3A)
    %mul3A_3 = arith.constant 160 : i32
    %mul3A_4 = arith.muli %arg1, %mul3A_3 : i32
    %add3A = arith.constant 0 : i32
    %add3A_5 = arith.addi %mul3A_4, %add3A : i32
    "tpu.region"() ({
      %run_scoped3A = tpu.sem_alloc : memref<!tpu.dma_semaphore, #tpu.memory_space<semaphore_mem>>
      %dma_start3A = arith.constant 0 : i32
      %dma_start3A_26 = tpu.memref_slice %arg3[%add3A_5, %dma_start3A] : memref<2560x128xi32, #tpu.memory_space<hbm>> -> memref<80x128xi32, #tpu.memory_space<hbm>>
      %dma_start3A_27 = arith.constant 0 : i32
      %dma_start3A_28 = tpu.memref_slice %arg3[%add3A_5, %dma_start3A_27] : memref<2560x128xi32, #tpu.memory_space<hbm>> -> memref<80x128xi32, #tpu.memory_space<hbm>>
      tpu.enqueue_dma source(%dma_start3A_28 : memref<80x128xi32, #tpu.memory_space<hbm>>) target(%arg6 : memref<80x128xi32, #tpu.memory_space<vmem>>) target_semaphore(%run_scoped3A : memref<!tpu.dma_semaphore, #tpu.memory_space<semaphore_mem>>)
      %dma_wait3A = arith.constant 0 : i32
      %dma_wait3A_29 = tpu.memref_slice %arg3[%add3A_5, %dma_wait3A] : memref<2560x128xi32, #tpu.memory_space<hbm>> -> memref<80x128xi32, #tpu.memory_space<hbm>>
      %dma_wait3A_30 = arith.constant 0 : i32
      %dma_wait3A_31 = tpu.memref_slice %arg3[%add3A_5, %dma_wait3A_30] : memref<2560x128xi32, #tpu.memory_space<hbm>> -> memref<80x128xi32, #tpu.memory_space<hbm>>
      tpu.wait_dma2 semaphore(%run_scoped3A : memref<!tpu.dma_semaphore, #tpu.memory_space<semaphore_mem>>) src(%dma_wait3A_31 : memref<80x128xi32, #tpu.memory_space<hbm>>) dst(%arg6 : memref<80x128xi32, #tpu.memory_space<vmem>>)
      tpu.yield
    }) : () -> ()
    "tpu.region"() ({
      %run_scoped3A = tpu.sem_alloc : memref<!tpu.dma_semaphore, #tpu.memory_space<semaphore_mem>>
      %dma_start3A = arith.constant 0 : i32
      %dma_start3A_26 = tpu.memref_slice %arg4[%add3A_5, %dma_start3A] : memref<2560x128xi32, #tpu.memory_space<hbm>> -> memref<80x128xi32, #tpu.memory_space<hbm>>
      %dma_start3A_27 = arith.constant 0 : i32
      %dma_start3A_28 = tpu.memref_slice %arg4[%add3A_5, %dma_start3A_27] : memref<2560x128xi32, #tpu.memory_space<hbm>> -> memref<80x128xi32, #tpu.memory_space<hbm>>
      tpu.enqueue_dma source(%dma_start3A_28 : memref<80x128xi32, #tpu.memory_space<hbm>>) target(%arg7 : memref<80x128xi32, #tpu.memory_space<vmem>>) target_semaphore(%run_scoped3A : memref<!tpu.dma_semaphore, #tpu.memory_space<semaphore_mem>>)
      %dma_wait3A = arith.constant 0 : i32
      %dma_wait3A_29 = tpu.memref_slice %arg4[%add3A_5, %dma_wait3A] : memref<2560x128xi32, #tpu.memory_space<hbm>> -> memref<80x128xi32, #tpu.memory_space<hbm>>
      %dma_wait3A_30 = arith.constant 0 : i32
      %dma_wait3A_31 = tpu.memref_slice %arg4[%add3A_5, %dma_wait3A_30] : memref<2560x128xi32, #tpu.memory_space<hbm>> -> memref<80x128xi32, #tpu.memory_space<hbm>>
      tpu.wait_dma2 semaphore(%run_scoped3A : memref<!tpu.dma_semaphore, #tpu.memory_space<semaphore_mem>>) src(%dma_wait3A_31 : memref<80x128xi32, #tpu.memory_space<hbm>>) dst(%arg7 : memref<80x128xi32, #tpu.memory_space<vmem>>)
      tpu.yield
    }) : () -> ()
    %scan3A = arith.constant 0 : i32
    %scan3A_6 = arith.constant 0 : i32
    %scan3A_7 = arith.constant 80 : i32
    %scan3A_8 = arith.addi %scan3A_6, %scan3A_7 : i32
    %scan3A_9 = arith.constant 1 : i32
    scf.for %scan3A_26 = %scan3A_6 to %scan3A_8 step %scan3A_9  : i32 {
      %dma_start3A = arith.constant 0 : i32
      %dma_start3A_27 = tpu.memref_slice %arg6[%scan3A_26, %dma_start3A] : memref<80x128xi32, #tpu.memory_space<vmem>> -> memref<1x128xi32, #tpu.memory_space<vmem>>
      %dma_start3A_28 = tpu.memref_squeeze %dma_start3A_27 : memref<1x128xi32, #tpu.memory_space<vmem>> -> memref<128xi32, #tpu.memory_space<vmem>>
      %dma_start3A_29 = arith.constant 0 : i32
      %dma_start3A_30 = arith.constant 0 : i32
      %dma_start3A_31 = tpu.memref_slice %arg2[%arg0, %dma_start3A_29, %dma_start3A_30] : memref<2x10240x128xf32, #tpu.memory_space<hbm>> -> memref<1x10240x128xf32, #tpu.memory_space<hbm>>
      %dma_start3A_32 = tpu.memref_squeeze %dma_start3A_31 : memref<1x10240x128xf32, #tpu.memory_space<hbm>> -> memref<10240x128xf32, #tpu.memory_space<hbm>>
      %dma_start3A_33 = arith.constant 0 : i32
      %dma_start3A_34 = arith.constant 0 : i32
      %dma_start3A_35 = tpu.memref_slice %dma_start3A_32[%dma_start3A_33, %dma_start3A_34] : memref<10240x128xf32, #tpu.memory_space<hbm>> -> memref<10240x128xf32, #tpu.memory_space<hbm>>
      tpu.enqueue_indirect_dma source(%dma_start3A_35 : memref<10240x128xf32, #tpu.memory_space<hbm>>) target(%arg8 : memref<128x128xf32, #tpu.memory_space<vmem>>) offsets(%dma_start3A_28 : memref<128xi32, #tpu.memory_space<vmem>>) semaphore(%arg10 : memref<!tpu.dma_semaphore, #tpu.memory_space<semaphore_mem>>)
      %dma_wait3A = arith.constant 0 : i32
      %dma_wait3A_36 = tpu.memref_slice %arg6[%scan3A_26, %dma_wait3A] : memref<80x128xi32, #tpu.memory_space<vmem>> -> memref<1x128xi32, #tpu.memory_space<vmem>>
      %dma_wait3A_37 = tpu.memref_squeeze %dma_wait3A_36 : memref<1x128xi32, #tpu.memory_space<vmem>> -> memref<128xi32, #tpu.memory_space<vmem>>
      %dma_wait3A_38 = arith.constant 0 : i32
      %dma_wait3A_39 = arith.constant 0 : i32
      %dma_wait3A_40 = tpu.memref_slice %arg2[%arg0, %dma_wait3A_38, %dma_wait3A_39] : memref<2x10240x128xf32, #tpu.memory_space<hbm>> -> memref<1x10240x128xf32, #tpu.memory_space<hbm>>
      %dma_wait3A_41 = tpu.memref_squeeze %dma_wait3A_40 : memref<1x10240x128xf32, #tpu.memory_space<hbm>> -> memref<10240x128xf32, #tpu.memory_space<hbm>>
      %dma_wait3A_42 = arith.constant 0 : i32
      %dma_wait3A_43 = arith.constant 0 : i32
      %dma_wait3A_44 = tpu.memref_slice %dma_wait3A_41[%dma_wait3A_42, %dma_wait3A_43] : memref<10240x128xf32, #tpu.memory_space<hbm>> -> memref<10240x128xf32, #tpu.memory_space<hbm>>
      tpu.wait_indirect_dma semaphore(%arg10 : memref<!tpu.dma_semaphore, #tpu.memory_space<semaphore_mem>>) src(%dma_wait3A_44 : memref<10240x128xf32, #tpu.memory_space<hbm>>) dst(%arg8 : memref<128x128xf32, #tpu.memory_space<vmem>>)
      "tpu.region"() ({
        %run_scoped3A = tpu.sem_alloc : memref<!tpu.dma_semaphore, #tpu.memory_space<semaphore_mem>>
        %dma_start3A_45 = arith.constant 0 : i32
        %dma_start3A_46 = tpu.memref_slice %arg7[%scan3A_26, %dma_start3A_45] : memref<80x128xi32, #tpu.memory_space<vmem>> -> memref<1x128xi32, #tpu.memory_space<vmem>>
        %dma_start3A_47 = tpu.memref_squeeze %dma_start3A_46 : memref<1x128xi32, #tpu.memory_space<vmem>> -> memref<128xi32, #tpu.memory_space<vmem>>
        %dma_start3A_48 = arith.constant 0 : i32
        %dma_start3A_49 = arith.constant 0 : i32
        %dma_start3A_50 = tpu.memref_slice %arg9[%dma_start3A_48, %dma_start3A_49] : memref<10240x128xf32, #tpu.memory_space<vmem_shared>> -> memref<10240x128xf32, #tpu.memory_space<vmem_shared>>
        tpu.enqueue_indirect_dma source(%arg8 : memref<128x128xf32, #tpu.memory_space<vmem>>) target(%dma_start3A_50 : memref<10240x128xf32, #tpu.memory_space<vmem_shared>>) offsets(%dma_start3A_47 : memref<128xi32, #tpu.memory_space<vmem>>) semaphore(%run_scoped3A : memref<!tpu.dma_semaphore, #tpu.memory_space<semaphore_mem>>) {add = true}
        %dma_wait3A_51 = arith.constant 0 : i32
        %dma_wait3A_52 = tpu.memref_slice %arg7[%scan3A_26, %dma_wait3A_51] : memref<80x128xi32, #tpu.memory_space<vmem>> -> memref<1x128xi32, #tpu.memory_space<vmem>>
        %dma_wait3A_53 = tpu.memref_squeeze %dma_wait3A_52 : memref<1x128xi32, #tpu.memory_space<vmem>> -> memref<128xi32, #tpu.memory_space<vmem>>
        %dma_wait3A_54 = arith.constant 0 : i32
        %dma_wait3A_55 = arith.constant 0 : i32
        %dma_wait3A_56 = tpu.memref_slice %arg9[%dma_wait3A_54, %dma_wait3A_55] : memref<10240x128xf32, #tpu.memory_space<vmem_shared>> -> memref<10240x128xf32, #tpu.memory_space<vmem_shared>>
        tpu.wait_indirect_dma semaphore(%run_scoped3A : memref<!tpu.dma_semaphore, #tpu.memory_space<semaphore_mem>>) src(%arg8 : memref<128x128xf32, #tpu.memory_space<vmem>>) dst(%dma_wait3A_56 : memref<10240x128xf32, #tpu.memory_space<vmem_shared>>)
        tpu.yield
      }) : () -> ()
    }
    %scan3A_10 = arith.constant 80 : i32
    %mul3A_11 = arith.constant 160 : i32
    %mul3A_12 = arith.muli %arg1, %mul3A_11 : i32
    %add3A_13 = arith.constant 80 : i32
    %add3A_14 = arith.addi %mul3A_12, %add3A_13 : i32
    "tpu.region"() ({
      %run_scoped3A = tpu.sem_alloc : memref<!tpu.dma_semaphore, #tpu.memory_space<semaphore_mem>>
      %dma_start3A = arith.constant 0 : i32
      %dma_start3A_26 = tpu.memref_slice %arg3[%add3A_14, %dma_start3A] : memref<2560x128xi32, #tpu.memory_space<hbm>> -> memref<80x128xi32, #tpu.memory_space<hbm>>
      %dma_start3A_27 = arith.constant 0 : i32
      %dma_start3A_28 = tpu.memref_slice %arg3[%add3A_14, %dma_start3A_27] : memref<2560x128xi32, #tpu.memory_space<hbm>> -> memref<80x128xi32, #tpu.memory_space<hbm>>
      tpu.enqueue_dma source(%dma_start3A_28 : memref<80x128xi32, #tpu.memory_space<hbm>>) target(%arg6 : memref<80x128xi32, #tpu.memory_space<vmem>>) target_semaphore(%run_scoped3A : memref<!tpu.dma_semaphore, #tpu.memory_space<semaphore_mem>>)
      %dma_wait3A = arith.constant 0 : i32
      %dma_wait3A_29 = tpu.memref_slice %arg3[%add3A_14, %dma_wait3A] : memref<2560x128xi32, #tpu.memory_space<hbm>> -> memref<80x128xi32, #tpu.memory_space<hbm>>
      %dma_wait3A_30 = arith.constant 0 : i32
      %dma_wait3A_31 = tpu.memref_slice %arg3[%add3A_14, %dma_wait3A_30] : memref<2560x128xi32, #tpu.memory_space<hbm>> -> memref<80x128xi32, #tpu.memory_space<hbm>>
      tpu.wait_dma2 semaphore(%run_scoped3A : memref<!tpu.dma_semaphore, #tpu.memory_space<semaphore_mem>>) src(%dma_wait3A_31 : memref<80x128xi32, #tpu.memory_space<hbm>>) dst(%arg6 : memref<80x128xi32, #tpu.memory_space<vmem>>)
      tpu.yield
    }) : () -> ()
    "tpu.region"() ({
      %run_scoped3A = tpu.sem_alloc : memref<!tpu.dma_semaphore, #tpu.memory_space<semaphore_mem>>
      %dma_start3A = arith.constant 0 : i32
      %dma_start3A_26 = tpu.memref_slice %arg4[%add3A_14, %dma_start3A] : memref<2560x128xi32, #tpu.memory_space<hbm>> -> memref<80x128xi32, #tpu.memory_space<hbm>>
      %dma_start3A_27 = arith.constant 0 : i32
      %dma_start3A_28 = tpu.memref_slice %arg4[%add3A_14, %dma_start3A_27] : memref<2560x128xi32, #tpu.memory_space<hbm>> -> memref<80x128xi32, #tpu.memory_space<hbm>>
      tpu.enqueue_dma source(%dma_start3A_28 : memref<80x128xi32, #tpu.memory_space<hbm>>) target(%arg7 : memref<80x128xi32, #tpu.memory_space<vmem>>) target_semaphore(%run_scoped3A : memref<!tpu.dma_semaphore, #tpu.memory_space<semaphore_mem>>)
      %dma_wait3A = arith.constant 0 : i32
      %dma_wait3A_29 = tpu.memref_slice %arg4[%add3A_14, %dma_wait3A] : memref<2560x128xi32, #tpu.memory_space<hbm>> -> memref<80x128xi32, #tpu.memory_space<hbm>>
      %dma_wait3A_30 = arith.constant 0 : i32
      %dma_wait3A_31 = tpu.memref_slice %arg4[%add3A_14, %dma_wait3A_30] : memref<2560x128xi32, #tpu.memory_space<hbm>> -> memref<80x128xi32, #tpu.memory_space<hbm>>
      tpu.wait_dma2 semaphore(%run_scoped3A : memref<!tpu.dma_semaphore, #tpu.memory_space<semaphore_mem>>) src(%dma_wait3A_31 : memref<80x128xi32, #tpu.memory_space<hbm>>) dst(%arg7 : memref<80x128xi32, #tpu.memory_space<vmem>>)
      tpu.yield
    }) : () -> ()
    %scan3A_15 = arith.constant 0 : i32
    %scan3A_16 = arith.constant 0 : i32
    %scan3A_17 = arith.constant 80 : i32
    %scan3A_18 = arith.addi %scan3A_16, %scan3A_17 : i32
    %scan3A_19 = arith.constant 1 : i32
    scf.for %scan3A_26 = %scan3A_16 to %scan3A_18 step %scan3A_19  : i32 {
      %dma_start3A = arith.constant 0 : i32
      %dma_start3A_27 = tpu.memref_slice %arg6[%scan3A_26, %dma_start3A] : memref<80x128xi32, #tpu.memory_space<vmem>> -> memref<1x128xi32, #tpu.memory_space<vmem>>
      %dma_start3A_28 = tpu.memref_squeeze %dma_start3A_27 : memref<1x128xi32, #tpu.memory_space<vmem>> -> memref<128xi32, #tpu.memory_space<vmem>>
      %dma_start3A_29 = arith.constant 0 : i32
      %dma_start3A_30 = arith.constant 0 : i32
      %dma_start3A_31 = tpu.memref_slice %arg2[%arg0, %dma_start3A_29, %dma_start3A_30] : memref<2x10240x128xf32, #tpu.memory_space<hbm>> -> memref<1x10240x128xf32, #tpu.memory_space<hbm>>
      %dma_start3A_32 = tpu.memref_squeeze %dma_start3A_31 : memref<1x10240x128xf32, #tpu.memory_space<hbm>> -> memref<10240x128xf32, #tpu.memory_space<hbm>>
      %dma_start3A_33 = arith.constant 0 : i32
      %dma_start3A_34 = arith.constant 0 : i32
      %dma_start3A_35 = tpu.memref_slice %dma_start3A_32[%dma_start3A_33, %dma_start3A_34] : memref<10240x128xf32, #tpu.memory_space<hbm>> -> memref<10240x128xf32, #tpu.memory_space<hbm>>
      tpu.enqueue_indirect_dma source(%dma_start3A_35 : memref<10240x128xf32, #tpu.memory_space<hbm>>) target(%arg8 : memref<128x128xf32, #tpu.memory_space<vmem>>) offsets(%dma_start3A_28 : memref<128xi32, #tpu.memory_space<vmem>>) semaphore(%arg10 : memref<!tpu.dma_semaphore, #tpu.memory_space<semaphore_mem>>)
      %dma_wait3A = arith.constant 0 : i32
      %dma_wait3A_36 = tpu.memref_slice %arg6[%scan3A_26, %dma_wait3A] : memref<80x128xi32, #tpu.memory_space<vmem>> -> memref<1x128xi32, #tpu.memory_space<vmem>>
      %dma_wait3A_37 = tpu.memref_squeeze %dma_wait3A_36 : memref<1x128xi32, #tpu.memory_space<vmem>> -> memref<128xi32, #tpu.memory_space<vmem>>
      %dma_wait3A_38 = arith.constant 0 : i32
      %dma_wait3A_39 = arith.constant 0 : i32
      %dma_wait3A_40 = tpu.memref_slice %arg2[%arg0, %dma_wait3A_38, %dma_wait3A_39] : memref<2x10240x128xf32, #tpu.memory_space<hbm>> -> memref<1x10240x128xf32, #tpu.memory_space<hbm>>
      %dma_wait3A_41 = tpu.memref_squeeze %dma_wait3A_40 : memref<1x10240x128xf32, #tpu.memory_space<hbm>> -> memref<10240x128xf32, #tpu.memory_space<hbm>>
      %dma_wait3A_42 = arith.constant 0 : i32
      %dma_wait3A_43 = arith.constant 0 : i32
      %dma_wait3A_44 = tpu.memref_slice %dma_wait3A_41[%dma_wait3A_42, %dma_wait3A_43] : memref<10240x128xf32, #tpu.memory_space<hbm>> -> memref<10240x128xf32, #tpu.memory_space<hbm>>
      tpu.wait_indirect_dma semaphore(%arg10 : memref<!tpu.dma_semaphore, #tpu.memory_space<semaphore_mem>>) src(%dma_wait3A_44 : memref<10240x128xf32, #tpu.memory_space<hbm>>) dst(%arg8 : memref<128x128xf32, #tpu.memory_space<vmem>>)
      "tpu.region"() ({
        %run_scoped3A = tpu.sem_alloc : memref<!tpu.dma_semaphore, #tpu.memory_space<semaphore_mem>>
        %dma_start3A_45 = arith.constant 0 : i32
        %dma_start3A_46 = tpu.memref_slice %arg7[%scan3A_26, %dma_start3A_45] : memref<80x128xi32, #tpu.memory_space<vmem>> -> memref<1x128xi32, #tpu.memory_space<vmem>>
        %dma_start3A_47 = tpu.memref_squeeze %dma_start3A_46 : memref<1x128xi32, #tpu.memory_space<vmem>> -> memref<128xi32, #tpu.memory_space<vmem>>
        %dma_start3A_48 = arith.constant 0 : i32
        %dma_start3A_49 = arith.constant 0 : i32
        %dma_start3A_50 = tpu.memref_slice %arg9[%dma_start3A_48, %dma_start3A_49] : memref<10240x128xf32, #tpu.memory_space<vmem_shared>> -> memref<10240x128xf32, #tpu.memory_space<vmem_shared>>
        tpu.enqueue_indirect_dma source(%arg8 : memref<128x128xf32, #tpu.memory_space<vmem>>) target(%dma_start3A_50 : memref<10240x128xf32, #tpu.memory_space<vmem_shared>>) offsets(%dma_start3A_47 : memref<128xi32, #tpu.memory_space<vmem>>) semaphore(%run_scoped3A : memref<!tpu.dma_semaphore, #tpu.memory_space<semaphore_mem>>) {add = true}
        %dma_wait3A_51 = arith.constant 0 : i32
        %dma_wait3A_52 = tpu.memref_slice %arg7[%scan3A_26, %dma_wait3A_51] : memref<80x128xi32, #tpu.memory_space<vmem>> -> memref<1x128xi32, #tpu.memory_space<vmem>>
        %dma_wait3A_53 = tpu.memref_squeeze %dma_wait3A_52 : memref<1x128xi32, #tpu.memory_space<vmem>> -> memref<128xi32, #tpu.memory_space<vmem>>
        %dma_wait3A_54 = arith.constant 0 : i32
        %dma_wait3A_55 = arith.constant 0 : i32
        %dma_wait3A_56 = tpu.memref_slice %arg9[%dma_wait3A_54, %dma_wait3A_55] : memref<10240x128xf32, #tpu.memory_space<vmem_shared>> -> memref<10240x128xf32, #tpu.memory_space<vmem_shared>>
        tpu.wait_indirect_dma semaphore(%run_scoped3A : memref<!tpu.dma_semaphore, #tpu.memory_space<semaphore_mem>>) src(%arg8 : memref<128x128xf32, #tpu.memory_space<vmem>>) dst(%dma_wait3A_56 : memref<10240x128xf32, #tpu.memory_space<vmem_shared>>)
        tpu.yield
      }) : () -> ()
    }
    %scan3A_20 = arith.constant 80 : i32
    %barrier3A_21 = arith.constant 0 : index
    tpu.barrier barrier_id(%barrier3A_21)
    %mul3A_22 = arith.constant 640 : i32
    %mul3A_23 = arith.muli %arg1, %mul3A_22 : i32
    %mul3A_24 = arith.constant 640 : i32
    %mul3A_25 = arith.muli %arg1, %mul3A_24 : i32
    "tpu.region"() ({
      %run_scoped3A = tpu.sem_alloc : memref<!tpu.dma_semaphore, #tpu.memory_space<semaphore_mem>>
      %dma_start3A = arith.constant 0 : i32
      %dma_start3A_26 = tpu.memref_slice %arg5[%arg0, %mul3A_25, %dma_start3A] : memref<2x10240x128xf32, #tpu.memory_space<hbm>> -> memref<1x640x128xf32, #tpu.memory_space<hbm>>
      %dma_start3A_27 = tpu.memref_squeeze %dma_start3A_26 : memref<1x640x128xf32, #tpu.memory_space<hbm>> -> memref<640x128xf32, #tpu.memory_space<hbm>>
      %dma_start3A_28 = arith.constant 0 : i32
      %dma_start3A_29 = tpu.memref_slice %arg9[%mul3A_23, %dma_start3A_28] : memref<10240x128xf32, #tpu.memory_space<vmem_shared>> -> memref<640x128xf32, #tpu.memory_space<vmem_shared>>
      tpu.enqueue_dma source(%dma_start3A_29 : memref<640x128xf32, #tpu.memory_space<vmem_shared>>) target(%dma_start3A_27 : memref<640x128xf32, #tpu.memory_space<hbm>>) target_semaphore(%run_scoped3A : memref<!tpu.dma_semaphore, #tpu.memory_space<semaphore_mem>>)
      %dma_wait3A = arith.constant 0 : i32
      %dma_wait3A_30 = tpu.memref_slice %arg5[%arg0, %mul3A_25, %dma_wait3A] : memref<2x10240x128xf32, #tpu.memory_space<hbm>> -> memref<1x640x128xf32, #tpu.memory_space<hbm>>
      %dma_wait3A_31 = tpu.memref_squeeze %dma_wait3A_30 : memref<1x640x128xf32, #tpu.memory_space<hbm>> -> memref<640x128xf32, #tpu.memory_space<hbm>>
      %dma_wait3A_32 = arith.constant 0 : i32
      %dma_wait3A_33 = tpu.memref_slice %arg9[%mul3A_23, %dma_wait3A_32] : memref<10240x128xf32, #tpu.memory_space<vmem_shared>> -> memref<640x128xf32, #tpu.memory_space<vmem_shared>>
      tpu.wait_dma2 semaphore(%run_scoped3A : memref<!tpu.dma_semaphore, #tpu.memory_space<semaphore_mem>>) src(%dma_wait3A_33 : memref<640x128xf32, #tpu.memory_space<vmem_shared>>) dst(%dma_wait3A_31 : memref<640x128xf32, #tpu.memory_space<hbm>>)
      tpu.yield
    }) : () -> ()
    return
  }
}

#map = affine_map<(d0, d1) -> (0, 0, 0)>
#map1 = affine_map<(d0, d1) -> (0, 0)>
module attributes {stable_mosaic.version = 14 : i64} {
  func.func @k(%arg0: i32, %arg1: i32, %arg2: memref<2x10240x128xf32, #tpu.memory_space<hbm>>, %arg3: memref<2560x128xi32, #tpu.memory_space<hbm>>, %arg4: memref<2560x128xi32, #tpu.memory_space<hbm>>, %arg5: memref<2x10240x128xf32, #tpu.memory_space<hbm>>, %arg6: memref<80x128xi32, #tpu.memory_space<vmem>>, %arg7: memref<80x128xi32, #tpu.memory_space<vmem>>, %arg8: memref<128x128xf32, #tpu.memory_space<vmem>>, %arg9: memref<10240x128xf32, #tpu.memory_space<vmem_shared>>, %arg10: memref<!tpu.dma_semaphore, #tpu.memory_space<semaphore_mem>>) attributes {dimension_semantics = [#tpu.dimension_semantics<core_parallel>, #tpu.dimension_semantics<subcore_parallel>], iteration_bounds = array<i64: 2, 16>, scalar_prefetch = 0 : i64, scratch_operands = 5 : i64, tpu.core_type = #tpu.core_type<sc_vector_subcore>, window_params = [{transform_indices = #map}, {transform_indices = #map1}, {transform_indices = #map1}, {transform_indices = #map}]} {
    %mul3A = arith.constant 640 : i32
    %mul3A_0 = arith.muli %arg1, %mul3A : i32
    %mul3A_1 = arith.constant 640 : i32
    %mul3A_2 = arith.muli %arg1, %mul3A_1 : i32
    "tpu.region"() ({
      %run_scoped3A = tpu.sem_alloc : memref<!tpu.dma_semaphore, #tpu.memory_space<semaphore_mem>>
      %dma_start3A = arith.constant 0 : i32
      %dma_start3A_26 = tpu.memref_slice %arg9[%mul3A_2, %dma_start3A] : memref<10240x128xf32, #tpu.memory_space<vmem_shared>> -> memref<640x128xf32, #tpu.memory_space<vmem_shared>>
      %dma_start3A_27 = arith.constant 0 : i32
      %dma_start3A_28 = tpu.memref_slice %arg2[%arg0, %mul3A_0, %dma_start3A_27] : memref<2x10240x128xf32, #tpu.memory_space<hbm>> -> memref<1x640x128xf32, #tpu.memory_space<hbm>>
      %dma_start3A_29 = tpu.memref_squeeze %dma_start3A_28 : memref<1x640x128xf32, #tpu.memory_space<hbm>> -> memref<640x128xf32, #tpu.memory_space<hbm>>
      tpu.enqueue_dma source(%dma_start3A_29 : memref<640x128xf32, #tpu.memory_space<hbm>>) target(%dma_start3A_26 : memref<640x128xf32, #tpu.memory_space<vmem_shared>>) target_semaphore(%run_scoped3A : memref<!tpu.dma_semaphore, #tpu.memory_space<semaphore_mem>>)
      %dma_wait3A = arith.constant 0 : i32
      %dma_wait3A_30 = tpu.memref_slice %arg9[%mul3A_2, %dma_wait3A] : memref<10240x128xf32, #tpu.memory_space<vmem_shared>> -> memref<640x128xf32, #tpu.memory_space<vmem_shared>>
      %dma_wait3A_31 = arith.constant 0 : i32
      %dma_wait3A_32 = tpu.memref_slice %arg2[%arg0, %mul3A_0, %dma_wait3A_31] : memref<2x10240x128xf32, #tpu.memory_space<hbm>> -> memref<1x640x128xf32, #tpu.memory_space<hbm>>
      %dma_wait3A_33 = tpu.memref_squeeze %dma_wait3A_32 : memref<1x640x128xf32, #tpu.memory_space<hbm>> -> memref<640x128xf32, #tpu.memory_space<hbm>>
      tpu.wait_dma2 semaphore(%run_scoped3A : memref<!tpu.dma_semaphore, #tpu.memory_space<semaphore_mem>>) src(%dma_wait3A_33 : memref<640x128xf32, #tpu.memory_space<hbm>>) dst(%dma_wait3A_30 : memref<640x128xf32, #tpu.memory_space<vmem_shared>>)
      tpu.yield
    }) : () -> ()
    %barrier3A = arith.constant 0 : index
    tpu.barrier barrier_id(%barrier3A)
    %mul3A_3 = arith.constant 160 : i32
    %mul3A_4 = arith.muli %arg1, %mul3A_3 : i32
    %add3A = arith.constant 0 : i32
    %add3A_5 = arith.addi %mul3A_4, %add3A : i32
    "tpu.region"() ({
      %run_scoped3A = tpu.sem_alloc : memref<!tpu.dma_semaphore, #tpu.memory_space<semaphore_mem>>
      %dma_start3A = arith.constant 0 : i32
      %dma_start3A_26 = tpu.memref_slice %arg3[%add3A_5, %dma_start3A] : memref<2560x128xi32, #tpu.memory_space<hbm>> -> memref<80x128xi32, #tpu.memory_space<hbm>>
      %dma_start3A_27 = arith.constant 0 : i32
      %dma_start3A_28 = tpu.memref_slice %arg3[%add3A_5, %dma_start3A_27] : memref<2560x128xi32, #tpu.memory_space<hbm>> -> memref<80x128xi32, #tpu.memory_space<hbm>>
      tpu.enqueue_dma source(%dma_start3A_28 : memref<80x128xi32, #tpu.memory_space<hbm>>) target(%arg6 : memref<80x128xi32, #tpu.memory_space<vmem>>) target_semaphore(%run_scoped3A : memref<!tpu.dma_semaphore, #tpu.memory_space<semaphore_mem>>)
      %dma_wait3A = arith.constant 0 : i32
      %dma_wait3A_29 = tpu.memref_slice %arg3[%add3A_5, %dma_wait3A] : memref<2560x128xi32, #tpu.memory_space<hbm>> -> memref<80x128xi32, #tpu.memory_space<hbm>>
      %dma_wait3A_30 = arith.constant 0 : i32
      %dma_wait3A_31 = tpu.memref_slice %arg3[%add3A_5, %dma_wait3A_30] : memref<2560x128xi32, #tpu.memory_space<hbm>> -> memref<80x128xi32, #tpu.memory_space<hbm>>
      tpu.wait_dma2 semaphore(%run_scoped3A : memref<!tpu.dma_semaphore, #tpu.memory_space<semaphore_mem>>) src(%dma_wait3A_31 : memref<80x128xi32, #tpu.memory_space<hbm>>) dst(%arg6 : memref<80x128xi32, #tpu.memory_space<vmem>>)
      tpu.yield
    }) : () -> ()
    "tpu.region"() ({
      %run_scoped3A = tpu.sem_alloc : memref<!tpu.dma_semaphore, #tpu.memory_space<semaphore_mem>>
      %dma_start3A = arith.constant 0 : i32
      %dma_start3A_26 = tpu.memref_slice %arg4[%add3A_5, %dma_start3A] : memref<2560x128xi32, #tpu.memory_space<hbm>> -> memref<80x128xi32, #tpu.memory_space<hbm>>
      %dma_start3A_27 = arith.constant 0 : i32
      %dma_start3A_28 = tpu.memref_slice %arg4[%add3A_5, %dma_start3A_27] : memref<2560x128xi32, #tpu.memory_space<hbm>> -> memref<80x128xi32, #tpu.memory_space<hbm>>
      tpu.enqueue_dma source(%dma_start3A_28 : memref<80x128xi32, #tpu.memory_space<hbm>>) target(%arg7 : memref<80x128xi32, #tpu.memory_space<vmem>>) target_semaphore(%run_scoped3A : memref<!tpu.dma_semaphore, #tpu.memory_space<semaphore_mem>>)
      %dma_wait3A = arith.constant 0 : i32
      %dma_wait3A_29 = tpu.memref_slice %arg4[%add3A_5, %dma_wait3A] : memref<2560x128xi32, #tpu.memory_space<hbm>> -> memref<80x128xi32, #tpu.memory_space<hbm>>
      %dma_wait3A_30 = arith.constant 0 : i32
      %dma_wait3A_31 = tpu.memref_slice %arg4[%add3A_5, %dma_wait3A_30] : memref<2560x128xi32, #tpu.memory_space<hbm>> -> memref<80x128xi32, #tpu.memory_space<hbm>>
      tpu.wait_dma2 semaphore(%run_scoped3A : memref<!tpu.dma_semaphore, #tpu.memory_space<semaphore_mem>>) src(%dma_wait3A_31 : memref<80x128xi32, #tpu.memory_space<hbm>>) dst(%arg7 : memref<80x128xi32, #tpu.memory_space<vmem>>)
      tpu.yield
    }) : () -> ()
    %scan3A = arith.constant 0 : i32
    %scan3A_6 = arith.constant 0 : i32
    %scan3A_7 = arith.constant 80 : i32
    %scan3A_8 = arith.addi %scan3A_6, %scan3A_7 : i32
    %scan3A_9 = arith.constant 1 : i32
    scf.for %scan3A_26 = %scan3A_6 to %scan3A_8 step %scan3A_9  : i32 {
      %dma_start3A = arith.constant 0 : i32
      %dma_start3A_27 = tpu.memref_slice %arg6[%scan3A_26, %dma_start3A] : memref<80x128xi32, #tpu.memory_space<vmem>> -> memref<1x128xi32, #tpu.memory_space<vmem>>
      %dma_start3A_28 = tpu.memref_squeeze %dma_start3A_27 : memref<1x128xi32, #tpu.memory_space<vmem>> -> memref<128xi32, #tpu.memory_space<vmem>>
      %dma_start3A_29 = arith.constant 0 : i32
      %dma_start3A_30 = arith.constant 0 : i32
      %dma_start3A_31 = tpu.memref_slice %arg2[%arg0, %dma_start3A_29, %dma_start3A_30] : memref<2x10240x128xf32, #tpu.memory_space<hbm>> -> memref<1x10240x128xf32, #tpu.memory_space<hbm>>
      %dma_start3A_32 = tpu.memref_squeeze %dma_start3A_31 : memref<1x10240x128xf32, #tpu.memory_space<hbm>> -> memref<10240x128xf32, #tpu.memory_space<hbm>>
      %dma_start3A_33 = arith.constant 0 : i32
      %dma_start3A_34 = arith.constant 0 : i32
      %dma_start3A_35 = tpu.memref_slice %dma_start3A_32[%dma_start3A_33, %dma_start3A_34] : memref<10240x128xf32, #tpu.memory_space<hbm>> -> memref<10240x128xf32, #tpu.memory_space<hbm>>
      tpu.enqueue_indirect_dma source(%dma_start3A_35 : memref<10240x128xf32, #tpu.memory_space<hbm>>) target(%arg8 : memref<128x128xf32, #tpu.memory_space<vmem>>) offsets(%dma_start3A_28 : memref<128xi32, #tpu.memory_space<vmem>>) semaphore(%arg10 : memref<!tpu.dma_semaphore, #tpu.memory_space<semaphore_mem>>)
      %dma_wait3A = arith.constant 0 : i32
      %dma_wait3A_36 = tpu.memref_slice %arg6[%scan3A_26, %dma_wait3A] : memref<80x128xi32, #tpu.memory_space<vmem>> -> memref<1x128xi32, #tpu.memory_space<vmem>>
      %dma_wait3A_37 = tpu.memref_squeeze %dma_wait3A_36 : memref<1x128xi32, #tpu.memory_space<vmem>> -> memref<128xi32, #tpu.memory_space<vmem>>
      %dma_wait3A_38 = arith.constant 0 : i32
      %dma_wait3A_39 = arith.constant 0 : i32
      %dma_wait3A_40 = tpu.memref_slice %arg2[%arg0, %dma_wait3A_38, %dma_wait3A_39] : memref<2x10240x128xf32, #tpu.memory_space<hbm>> -> memref<1x10240x128xf32, #tpu.memory_space<hbm>>
      %dma_wait3A_41 = tpu.memref_squeeze %dma_wait3A_40 : memref<1x10240x128xf32, #tpu.memory_space<hbm>> -> memref<10240x128xf32, #tpu.memory_space<hbm>>
      %dma_wait3A_42 = arith.constant 0 : i32
      %dma_wait3A_43 = arith.constant 0 : i32
      %dma_wait3A_44 = tpu.memref_slice %dma_wait3A_41[%dma_wait3A_42, %dma_wait3A_43] : memref<10240x128xf32, #tpu.memory_space<hbm>> -> memref<10240x128xf32, #tpu.memory_space<hbm>>
      tpu.wait_indirect_dma semaphore(%arg10 : memref<!tpu.dma_semaphore, #tpu.memory_space<semaphore_mem>>) src(%dma_wait3A_44 : memref<10240x128xf32, #tpu.memory_space<hbm>>) dst(%arg8 : memref<128x128xf32, #tpu.memory_space<vmem>>)
      "tpu.region"() ({
        %run_scoped3A = tpu.sem_alloc : memref<!tpu.dma_semaphore, #tpu.memory_space<semaphore_mem>>
        %dma_start3A_45 = arith.constant 0 : i32
        %dma_start3A_46 = tpu.memref_slice %arg7[%scan3A_26, %dma_start3A_45] : memref<80x128xi32, #tpu.memory_space<vmem>> -> memref<1x128xi32, #tpu.memory_space<vmem>>
        %dma_start3A_47 = tpu.memref_squeeze %dma_start3A_46 : memref<1x128xi32, #tpu.memory_space<vmem>> -> memref<128xi32, #tpu.memory_space<vmem>>
        %dma_start3A_48 = arith.constant 0 : i32
        %dma_start3A_49 = arith.constant 0 : i32
        %dma_start3A_50 = tpu.memref_slice %arg9[%dma_start3A_48, %dma_start3A_49] : memref<10240x128xf32, #tpu.memory_space<vmem_shared>> -> memref<10240x128xf32, #tpu.memory_space<vmem_shared>>
        tpu.enqueue_indirect_dma source(%arg8 : memref<128x128xf32, #tpu.memory_space<vmem>>) target(%dma_start3A_50 : memref<10240x128xf32, #tpu.memory_space<vmem_shared>>) offsets(%dma_start3A_47 : memref<128xi32, #tpu.memory_space<vmem>>) semaphore(%run_scoped3A : memref<!tpu.dma_semaphore, #tpu.memory_space<semaphore_mem>>) {add = true}
        %dma_wait3A_51 = arith.constant 0 : i32
        %dma_wait3A_52 = tpu.memref_slice %arg7[%scan3A_26, %dma_wait3A_51] : memref<80x128xi32, #tpu.memory_space<vmem>> -> memref<1x128xi32, #tpu.memory_space<vmem>>
        %dma_wait3A_53 = tpu.memref_squeeze %dma_wait3A_52 : memref<1x128xi32, #tpu.memory_space<vmem>> -> memref<128xi32, #tpu.memory_space<vmem>>
        %dma_wait3A_54 = arith.constant 0 : i32
        %dma_wait3A_55 = arith.constant 0 : i32
        %dma_wait3A_56 = tpu.memref_slice %arg9[%dma_wait3A_54, %dma_wait3A_55] : memref<10240x128xf32, #tpu.memory_space<vmem_shared>> -> memref<10240x128xf32, #tpu.memory_space<vmem_shared>>
        tpu.wait_indirect_dma semaphore(%run_scoped3A : memref<!tpu.dma_semaphore, #tpu.memory_space<semaphore_mem>>) src(%arg8 : memref<128x128xf32, #tpu.memory_space<vmem>>) dst(%dma_wait3A_56 : memref<10240x128xf32, #tpu.memory_space<vmem_shared>>)
        tpu.yield
      }) : () -> ()
    }
    %scan3A_10 = arith.constant 80 : i32
    %mul3A_11 = arith.constant 160 : i32
    %mul3A_12 = arith.muli %arg1, %mul3A_11 : i32
    %add3A_13 = arith.constant 80 : i32
    %add3A_14 = arith.addi %mul3A_12, %add3A_13 : i32
    "tpu.region"() ({
      %run_scoped3A = tpu.sem_alloc : memref<!tpu.dma_semaphore, #tpu.memory_space<semaphore_mem>>
      %dma_start3A = arith.constant 0 : i32
      %dma_start3A_26 = tpu.memref_slice %arg3[%add3A_14, %dma_start3A] : memref<2560x128xi32, #tpu.memory_space<hbm>> -> memref<80x128xi32, #tpu.memory_space<hbm>>
      %dma_start3A_27 = arith.constant 0 : i32
      %dma_start3A_28 = tpu.memref_slice %arg3[%add3A_14, %dma_start3A_27] : memref<2560x128xi32, #tpu.memory_space<hbm>> -> memref<80x128xi32, #tpu.memory_space<hbm>>
      tpu.enqueue_dma source(%dma_start3A_28 : memref<80x128xi32, #tpu.memory_space<hbm>>) target(%arg6 : memref<80x128xi32, #tpu.memory_space<vmem>>) target_semaphore(%run_scoped3A : memref<!tpu.dma_semaphore, #tpu.memory_space<semaphore_mem>>)
      %dma_wait3A = arith.constant 0 : i32
      %dma_wait3A_29 = tpu.memref_slice %arg3[%add3A_14, %dma_wait3A] : memref<2560x128xi32, #tpu.memory_space<hbm>> -> memref<80x128xi32, #tpu.memory_space<hbm>>
      %dma_wait3A_30 = arith.constant 0 : i32
      %dma_wait3A_31 = tpu.memref_slice %arg3[%add3A_14, %dma_wait3A_30] : memref<2560x128xi32, #tpu.memory_space<hbm>> -> memref<80x128xi32, #tpu.memory_space<hbm>>
      tpu.wait_dma2 semaphore(%run_scoped3A : memref<!tpu.dma_semaphore, #tpu.memory_space<semaphore_mem>>) src(%dma_wait3A_31 : memref<80x128xi32, #tpu.memory_space<hbm>>) dst(%arg6 : memref<80x128xi32, #tpu.memory_space<vmem>>)
      tpu.yield
    }) : () -> ()
    "tpu.region"() ({
      %run_scoped3A = tpu.sem_alloc : memref<!tpu.dma_semaphore, #tpu.memory_space<semaphore_mem>>
      %dma_start3A = arith.constant 0 : i32
      %dma_start3A_26 = tpu.memref_slice %arg4[%add3A_14, %dma_start3A] : memref<2560x128xi32, #tpu.memory_space<hbm>> -> memref<80x128xi32, #tpu.memory_space<hbm>>
      %dma_start3A_27 = arith.constant 0 : i32
      %dma_start3A_28 = tpu.memref_slice %arg4[%add3A_14, %dma_start3A_27] : memref<2560x128xi32, #tpu.memory_space<hbm>> -> memref<80x128xi32, #tpu.memory_space<hbm>>
      tpu.enqueue_dma source(%dma_start3A_28 : memref<80x128xi32, #tpu.memory_space<hbm>>) target(%arg7 : memref<80x128xi32, #tpu.memory_space<vmem>>) target_semaphore(%run_scoped3A : memref<!tpu.dma_semaphore, #tpu.memory_space<semaphore_mem>>)
      %dma_wait3A = arith.constant 0 : i32
      %dma_wait3A_29 = tpu.memref_slice %arg4[%add3A_14, %dma_wait3A] : memref<2560x128xi32, #tpu.memory_space<hbm>> -> memref<80x128xi32, #tpu.memory_space<hbm>>
      %dma_wait3A_30 = arith.constant 0 : i32
      %dma_wait3A_31 = tpu.memref_slice %arg4[%add3A_14, %dma_wait3A_30] : memref<2560x128xi32, #tpu.memory_space<hbm>> -> memref<80x128xi32, #tpu.memory_space<hbm>>
      tpu.wait_dma2 semaphore(%run_scoped3A : memref<!tpu.dma_semaphore, #tpu.memory_space<semaphore_mem>>) src(%dma_wait3A_31 : memref<80x128xi32, #tpu.memory_space<hbm>>) dst(%arg7 : memref<80x128xi32, #tpu.memory_space<vmem>>)
      tpu.yield
    }) : () -> ()
    %scan3A_15 = arith.constant 0 : i32
    %scan3A_16 = arith.constant 0 : i32
    %scan3A_17 = arith.constant 80 : i32
    %scan3A_18 = arith.addi %scan3A_16, %scan3A_17 : i32
    %scan3A_19 = arith.constant 1 : i32
    scf.for %scan3A_26 = %scan3A_16 to %scan3A_18 step %scan3A_19  : i32 {
      %dma_start3A = arith.constant 0 : i32
      %dma_start3A_27 = tpu.memref_slice %arg6[%scan3A_26, %dma_start3A] : memref<80x128xi32, #tpu.memory_space<vmem>> -> memref<1x128xi32, #tpu.memory_space<vmem>>
      %dma_start3A_28 = tpu.memref_squeeze %dma_start3A_27 : memref<1x128xi32, #tpu.memory_space<vmem>> -> memref<128xi32, #tpu.memory_space<vmem>>
      %dma_start3A_29 = arith.constant 0 : i32
      %dma_start3A_30 = arith.constant 0 : i32
      %dma_start3A_31 = tpu.memref_slice %arg2[%arg0, %dma_start3A_29, %dma_start3A_30] : memref<2x10240x128xf32, #tpu.memory_space<hbm>> -> memref<1x10240x128xf32, #tpu.memory_space<hbm>>
      %dma_start3A_32 = tpu.memref_squeeze %dma_start3A_31 : memref<1x10240x128xf32, #tpu.memory_space<hbm>> -> memref<10240x128xf32, #tpu.memory_space<hbm>>
      %dma_start3A_33 = arith.constant 0 : i32
      %dma_start3A_34 = arith.constant 0 : i32
      %dma_start3A_35 = tpu.memref_slice %dma_start3A_32[%dma_start3A_33, %dma_start3A_34] : memref<10240x128xf32, #tpu.memory_space<hbm>> -> memref<10240x128xf32, #tpu.memory_space<hbm>>
      tpu.enqueue_indirect_dma source(%dma_start3A_35 : memref<10240x128xf32, #tpu.memory_space<hbm>>) target(%arg8 : memref<128x128xf32, #tpu.memory_space<vmem>>) offsets(%dma_start3A_28 : memref<128xi32, #tpu.memory_space<vmem>>) semaphore(%arg10 : memref<!tpu.dma_semaphore, #tpu.memory_space<semaphore_mem>>)
      %dma_wait3A = arith.constant 0 : i32
      %dma_wait3A_36 = tpu.memref_slice %arg6[%scan3A_26, %dma_wait3A] : memref<80x128xi32, #tpu.memory_space<vmem>> -> memref<1x128xi32, #tpu.memory_space<vmem>>
      %dma_wait3A_37 = tpu.memref_squeeze %dma_wait3A_36 : memref<1x128xi32, #tpu.memory_space<vmem>> -> memref<128xi32, #tpu.memory_space<vmem>>
      %dma_wait3A_38 = arith.constant 0 : i32
      %dma_wait3A_39 = arith.constant 0 : i32
      %dma_wait3A_40 = tpu.memref_slice %arg2[%arg0, %dma_wait3A_38, %dma_wait3A_39] : memref<2x10240x128xf32, #tpu.memory_space<hbm>> -> memref<1x10240x128xf32, #tpu.memory_space<hbm>>
      %dma_wait3A_41 = tpu.memref_squeeze %dma_wait3A_40 : memref<1x10240x128xf32, #tpu.memory_space<hbm>> -> memref<10240x128xf32, #tpu.memory_space<hbm>>
      %dma_wait3A_42 = arith.constant 0 : i32
      %dma_wait3A_43 = arith.constant 0 : i32
      %dma_wait3A_44 = tpu.memref_slice %dma_wait3A_41[%dma_wait3A_42, %dma_wait3A_43] : memref<10240x128xf32, #tpu.memory_space<hbm>> -> memref<10240x128xf32, #tpu.memory_space<hbm>>
      tpu.wait_indirect_dma semaphore(%arg10 : memref<!tpu.dma_semaphore, #tpu.memory_space<semaphore_mem>>) src(%dma_wait3A_44 : memref<10240x128xf32, #tpu.memory_space<hbm>>) dst(%arg8 : memref<128x128xf32, #tpu.memory_space<vmem>>)
      "tpu.region"() ({
        %run_scoped3A = tpu.sem_alloc : memref<!tpu.dma_semaphore, #tpu.memory_space<semaphore_mem>>
        %dma_start3A_45 = arith.constant 0 : i32
        %dma_start3A_46 = tpu.memref_slice %arg7[%scan3A_26, %dma_start3A_45] : memref<80x128xi32, #tpu.memory_space<vmem>> -> memref<1x128xi32, #tpu.memory_space<vmem>>
        %dma_start3A_47 = tpu.memref_squeeze %dma_start3A_46 : memref<1x128xi32, #tpu.memory_space<vmem>> -> memref<128xi32, #tpu.memory_space<vmem>>
        %dma_start3A_48 = arith.constant 0 : i32
        %dma_start3A_49 = arith.constant 0 : i32
        %dma_start3A_50 = tpu.memref_slice %arg9[%dma_start3A_48, %dma_start3A_49] : memref<10240x128xf32, #tpu.memory_space<vmem_shared>> -> memref<10240x128xf32, #tpu.memory_space<vmem_shared>>
        tpu.enqueue_indirect_dma source(%arg8 : memref<128x128xf32, #tpu.memory_space<vmem>>) target(%dma_start3A_50 : memref<10240x128xf32, #tpu.memory_space<vmem_shared>>) offsets(%dma_start3A_47 : memref<128xi32, #tpu.memory_space<vmem>>) semaphore(%run_scoped3A : memref<!tpu.dma_semaphore, #tpu.memory_space<semaphore_mem>>) {add = true}
        %dma_wait3A_51 = arith.constant 0 : i32
        %dma_wait3A_52 = tpu.memref_slice %arg7[%scan3A_26, %dma_wait3A_51] : memref<80x128xi32, #tpu.memory_space<vmem>> -> memref<1x128xi32, #tpu.memory_space<vmem>>
        %dma_wait3A_53 = tpu.memref_squeeze %dma_wait3A_52 : memref<1x128xi32, #tpu.memory_space<vmem>> -> memref<128xi32, #tpu.memory_space<vmem>>
        %dma_wait3A_54 = arith.constant 0 : i32
        %dma_wait3A_55 = arith.constant 0 : i32
        %dma_wait3A_56 = tpu.memref_slice %arg9[%dma_wait3A_54, %dma_wait3A_55] : memref<10240x128xf32, #tpu.memory_space<vmem_shared>> -> memref<10240x128xf32, #tpu.memory_space<vmem_shared>>
        tpu.wait_indirect_dma semaphore(%run_scoped3A : memref<!tpu.dma_semaphore, #tpu.memory_space<semaphore_mem>>) src(%arg8 : memref<128x128xf32, #tpu.memory_space<vmem>>) dst(%dma_wait3A_56 : memref<10240x128xf32, #tpu.memory_space<vmem_shared>>)
        tpu.yield
      }) : () -> ()
    }
    %scan3A_20 = arith.constant 80 : i32
    %barrier3A_21 = arith.constant 0 : index
    tpu.barrier barrier_id(%barrier3A_21)
    %mul3A_22 = arith.constant 640 : i32
    %mul3A_23 = arith.muli %arg1, %mul3A_22 : i32
    %mul3A_24 = arith.constant 640 : i32
    %mul3A_25 = arith.muli %arg1, %mul3A_24 : i32
    "tpu.region"() ({
      %run_scoped3A = tpu.sem_alloc : memref<!tpu.dma_semaphore, #tpu.memory_space<semaphore_mem>>
      %dma_start3A = arith.constant 0 : i32
      %dma_start3A_26 = tpu.memref_slice %arg5[%arg0, %mul3A_25, %dma_start3A] : memref<2x10240x128xf32, #tpu.memory_space<hbm>> -> memref<1x640x128xf32, #tpu.memory_space<hbm>>
      %dma_start3A_27 = tpu.memref_squeeze %dma_start3A_26 : memref<1x640x128xf32, #tpu.memory_space<hbm>> -> memref<640x128xf32, #tpu.memory_space<hbm>>
      %dma_start3A_28 = arith.constant 0 : i32
      %dma_start3A_29 = tpu.memref_slice %arg9[%mul3A_23, %dma_start3A_28] : memref<10240x128xf32, #tpu.memory_space<vmem_shared>> -> memref<640x128xf32, #tpu.memory_space<vmem_shared>>
      tpu.enqueue_dma source(%dma_start3A_29 : memref<640x128xf32, #tpu.memory_space<vmem_shared>>) target(%dma_start3A_27 : memref<640x128xf32, #tpu.memory_space<hbm>>) target_semaphore(%run_scoped3A : memref<!tpu.dma_semaphore, #tpu.memory_space<semaphore_mem>>)
      %dma_wait3A = arith.constant 0 : i32
      %dma_wait3A_30 = tpu.memref_slice %arg5[%arg0, %mul3A_25, %dma_wait3A] : memref<2x10240x128xf32, #tpu.memory_space<hbm>> -> memref<1x640x128xf32, #tpu.memory_space<hbm>>
      %dma_wait3A_31 = tpu.memref_squeeze %dma_wait3A_30 : memref<1x640x128xf32, #tpu.memory_space<hbm>> -> memref<640x128xf32, #tpu.memory_space<hbm>>
      %dma_wait3A_32 = arith.constant 0 : i32
      %dma_wait3A_33 = tpu.memref_slice %arg9[%mul3A_23, %dma_wait3A_32] : memref<10240x128xf32, #tpu.memory_space<vmem_shared>> -> memref<640x128xf32, #tpu.memory_space<vmem_shared>>
      tpu.wait_dma2 semaphore(%run_scoped3A : memref<!tpu.dma_semaphore, #tpu.memory_space<semaphore_mem>>) src(%dma_wait3A_33 : memref<640x128xf32, #tpu.memory_space<vmem_shared>>) dst(%dma_wait3A_31 : memref<640x128xf32, #tpu.memory_space<hbm>>)
      tpu.yield
    }) : () -> ()
    return
  }
}

#map = affine_map<(d0, d1) -> (0, 0)>
#map1 = affine_map<(d0, d1) -> (0)>
module attributes {stable_mosaic.version = 14 : i64} {
  func.func @k(%arg0: i32, %arg1: i32, %arg2: memref<10240x256xf32, #tpu.memory_space<hbm>>, %arg3: memref<1024xi32, #tpu.memory_space<hbm>>, %arg4: memref<1024x256xf32, #tpu.memory_space<hbm>>, %arg5: memref<32xi32, #tpu.memory_space<vmem>>, %arg6: memref<32x256xf32, #tpu.memory_space<vmem>>, %arg7: memref<!tpu.dma_semaphore, #tpu.memory_space<semaphore_mem>>) attributes {dimension_semantics = [#tpu.dimension_semantics<core_parallel>, #tpu.dimension_semantics<subcore_parallel>], iteration_bounds = array<i64: 2, 16>, scalar_prefetch = 0 : i64, scratch_operands = 3 : i64, tpu.core_type = #tpu.core_type<sc_vector_subcore>, window_params = [{transform_indices = #map}, {transform_indices = #map1}, {transform_indices = #map}]} {
    %mul3A = arith.constant 2 : i32
    %mul3A_0 = arith.muli %arg1, %mul3A : i32
    %add3A = arith.addi %mul3A_0, %arg0 : i32
    %mul3A_1 = arith.constant 32 : i32
    %mul3A_2 = arith.muli %add3A, %mul3A_1 : i32
    "tpu.region"() ({
      %run_scoped3A = tpu.sem_alloc : memref<!tpu.dma_semaphore, #tpu.memory_space<semaphore_mem>>
      %dma_start3A_7 = tpu.memref_slice %arg3[%mul3A_2] : memref<1024xi32, #tpu.memory_space<hbm>> -> memref<32xi32, #tpu.memory_space<hbm>>
      %dma_start3A_8 = tpu.memref_slice %arg3[%mul3A_2] : memref<1024xi32, #tpu.memory_space<hbm>> -> memref<32xi32, #tpu.memory_space<hbm>>
      tpu.enqueue_dma source(%dma_start3A_8 : memref<32xi32, #tpu.memory_space<hbm>>) target(%arg5 : memref<32xi32, #tpu.memory_space<vmem>>) target_semaphore(%run_scoped3A : memref<!tpu.dma_semaphore, #tpu.memory_space<semaphore_mem>>)
      %dma_wait3A_9 = tpu.memref_slice %arg3[%mul3A_2] : memref<1024xi32, #tpu.memory_space<hbm>> -> memref<32xi32, #tpu.memory_space<hbm>>
      %dma_wait3A_10 = tpu.memref_slice %arg3[%mul3A_2] : memref<1024xi32, #tpu.memory_space<hbm>> -> memref<32xi32, #tpu.memory_space<hbm>>
      tpu.wait_dma2 semaphore(%run_scoped3A : memref<!tpu.dma_semaphore, #tpu.memory_space<semaphore_mem>>) src(%dma_wait3A_10 : memref<32xi32, #tpu.memory_space<hbm>>) dst(%arg5 : memref<32xi32, #tpu.memory_space<vmem>>)
      tpu.yield
    }) : () -> ()
    %dma_start3A = arith.constant 0 : i32
    %dma_start3A_3 = arith.constant 0 : i32
    %dma_start3A_4 = tpu.memref_slice %arg2[%dma_start3A, %dma_start3A_3] : memref<10240x256xf32, #tpu.memory_space<hbm>> -> memref<10240x256xf32, #tpu.memory_space<hbm>>
    tpu.enqueue_indirect_dma source(%dma_start3A_4 : memref<10240x256xf32, #tpu.memory_space<hbm>>) target(%arg6 : memref<32x256xf32, #tpu.memory_space<vmem>>) offsets(%arg5 : memref<32xi32, #tpu.memory_space<vmem>>) semaphore(%arg7 : memref<!tpu.dma_semaphore, #tpu.memory_space<semaphore_mem>>)
    %dma_wait3A = arith.constant 0 : i32
    %dma_wait3A_5 = arith.constant 0 : i32
    %dma_wait3A_6 = tpu.memref_slice %arg2[%dma_wait3A, %dma_wait3A_5] : memref<10240x256xf32, #tpu.memory_space<hbm>> -> memref<10240x256xf32, #tpu.memory_space<hbm>>
    tpu.wait_indirect_dma semaphore(%arg7 : memref<!tpu.dma_semaphore, #tpu.memory_space<semaphore_mem>>) src(%dma_wait3A_6 : memref<10240x256xf32, #tpu.memory_space<hbm>>) dst(%arg6 : memref<32x256xf32, #tpu.memory_space<vmem>>)
    "tpu.region"() ({
      %run_scoped3A = tpu.sem_alloc : memref<!tpu.dma_semaphore, #tpu.memory_space<semaphore_mem>>
      %dma_start3A_7 = arith.constant 0 : i32
      %dma_start3A_8 = tpu.memref_slice %arg4[%mul3A_2, %dma_start3A_7] : memref<1024x256xf32, #tpu.memory_space<hbm>> -> memref<32x256xf32, #tpu.memory_space<hbm>>
      %dma_start3A_9 = arith.constant 0 : i32
      %dma_start3A_10 = tpu.memref_slice %arg4[%mul3A_2, %dma_start3A_9] : memref<1024x256xf32, #tpu.memory_space<hbm>> -> memref<32x256xf32, #tpu.memory_space<hbm>>
      tpu.enqueue_dma source(%arg6 : memref<32x256xf32, #tpu.memory_space<vmem>>) target(%dma_start3A_10 : memref<32x256xf32, #tpu.memory_space<hbm>>) target_semaphore(%run_scoped3A : memref<!tpu.dma_semaphore, #tpu.memory_space<semaphore_mem>>)
      %dma_wait3A_11 = arith.constant 0 : i32
      %dma_wait3A_12 = tpu.memref_slice %arg4[%mul3A_2, %dma_wait3A_11] : memref<1024x256xf32, #tpu.memory_space<hbm>> -> memref<32x256xf32, #tpu.memory_space<hbm>>
      %dma_wait3A_13 = arith.constant 0 : i32
      %dma_wait3A_14 = tpu.memref_slice %arg4[%mul3A_2, %dma_wait3A_13] : memref<1024x256xf32, #tpu.memory_space<hbm>> -> memref<32x256xf32, #tpu.memory_space<hbm>>
      tpu.wait_dma2 semaphore(%run_scoped3A : memref<!tpu.dma_semaphore, #tpu.memory_space<semaphore_mem>>) src(%arg6 : memref<32x256xf32, #tpu.memory_space<vmem>>) dst(%dma_wait3A_14 : memref<32x256xf32, #tpu.memory_space<hbm>>)
      tpu.yield
    }) : () -> ()
    return
  }
}

module attributes {stable_mosaic.version = 14 : i64} {
  func.func @body(%arg0: i32, %arg1: memref<1024x128xf32, #tpu.memory_space<vmem>>, %arg2: memref<1024x1xf32, #tpu.memory_space<vmem>>, %arg3: memref<128x256xf32, #tpu.memory_space<vmem>>, %arg4: memref<2x1024x128xf32, #tpu.memory_space<vmem>>) attributes {dimension_semantics = [#tpu.dimension_semantics<arbitrary>], iteration_bounds = array<i64: 10>, scalar_prefetch = 0 : i64, scratch_operands = 0 : i64, tpu.core_type = #tpu.core_type<tc>, window_params = [{transform_indices = @transform_0, window_bounds = array<i64: 1024, 128>}, {transform_indices = @transform_1, window_bounds = array<i64: 1024, 1>}, {pipeline_mode = #tpu.pipeline_mode<synchronous>, transform_indices = @transform_2, window_bounds = array<i64: 128, 256>}, {transform_indices = @transform_3, window_bounds = array<i64: 2, 1024, 128>}]} {
    %get3A = arith.constant 0 : index
    %get3A_0 = arith.constant 0 : index
    %get3A_1 = vector.load %arg2[%get3A, %get3A_0] : memref<1024x1xf32, #tpu.memory_space<vmem>>, vector<1024x1xf32>
    %rsqrt3A = math.rsqrt %get3A_1 : vector<1024x1xf32>
    %get3A_2 = arith.constant 0 : index
    %get3A_3 = arith.constant 0 : index
    %get3A_4 = vector.load %arg1[%get3A_2, %get3A_3] : memref<1024x128xf32, #tpu.memory_space<vmem>>, vector<1024x128xf32>
    %mul3A = vector.broadcast %rsqrt3A : vector<1024x1xf32> to vector<1024x128xf32>
    %mul3A_5 = arith.mulf %get3A_4, %mul3A : vector<1024x128xf32>
    %get3A_6 = arith.constant 0 : index
    %get3A_7 = arith.constant 0 : index
    %get3A_8 = vector.load %arg3[%get3A_6, %get3A_7] : memref<128x256xf32, #tpu.memory_space<vmem>>, vector<128x256xf32>
    %dot_general3A = arith.constant dense<0.000000e+00> : vector<1024x256xf32>
    %dot_general3A_9 = tpu.matmul %mul3A_5, %get3A_8, %dot_general3A {dimension_numbers = #tpu.dot_dimension_numbers<[1], [0], [0], [1], [0, 0, 1, 1], [], []>, transpose_lhs_hint = false} : vector<1024x128xf32>, vector<128x256xf32>, vector<1024x256xf32> -> vector<1024x256xf32>
    %slice3A = vector.extract_strided_slice %dot_general3A_9 {offsets = [0, 0], sizes = [1024, 128], strides = [1, 1]} : vector<1024x256xf32> to vector<1024x128xf32>
    %swap3A = arith.constant 0 : index
    %swap3A_10 = arith.constant 0 : index
    %swap3A_11 = arith.constant 0 : index
    %swap3A_12 = vector.load %arg4[%swap3A, %swap3A_10, %swap3A_11] : memref<2x1024x128xf32, #tpu.memory_space<vmem>>, vector<1x1024x128xf32>
    %swap3A_13 = vector.shape_cast %swap3A_12 : vector<1x1024x128xf32> to vector<1024x128xf32>
    %swap3A_14 = vector.shape_cast %slice3A : vector<1024x128xf32> to vector<1x1024x128xf32>
    tpu.vector_store %arg4[%swap3A, %swap3A_10, %swap3A_11], %swap3A_14 {strides = array<i32>} : memref<2x1024x128xf32, #tpu.memory_space<vmem>>, vector<1x1024x128xf32>,
    %slice3A_15 = vector.extract_strided_slice %dot_general3A_9 {offsets = [0, 128], sizes = [1024, 128], strides = [1, 1]} : vector<1024x256xf32> to vector<1024x128xf32>
    %swap3A_16 = arith.constant 1 : index
    %swap3A_17 = arith.constant 0 : index
    %swap3A_18 = arith.constant 0 : index
    %swap3A_19 = vector.load %arg4[%swap3A_16, %swap3A_17, %swap3A_18] : memref<2x1024x128xf32, #tpu.memory_space<vmem>>, vector<1x1024x128xf32>
    %swap3A_20 = vector.shape_cast %swap3A_19 : vector<1x1024x128xf32> to vector<1024x128xf32>
    %swap3A_21 = vector.shape_cast %slice3A_15 : vector<1024x128xf32> to vector<1x1024x128xf32>
    tpu.vector_store %arg4[%swap3A_16, %swap3A_17, %swap3A_18], %swap3A_21 {strides = array<i32>} : memref<2x1024x128xf32, #tpu.memory_space<vmem>>, vector<1x1024x128xf32>,
    return
  }
  func.func @transform_0(%arg0: i32) -> (i32, i32) {
    %c0_i32 = arith.constant 0 : i32
    %c0_i32_0 = arith.constant 0 : i32
    return %arg0, %c0_i32 : i32, i32
  }
  func.func @transform_1(%arg0: i32) -> (i32, i32) {
    %c0_i32 = arith.constant 0 : i32
    %c0_i32_0 = arith.constant 0 : i32
    return %arg0, %c0_i32 : i32, i32
  }
  func.func @transform_2(%arg0: i32) -> (i32, i32) {
    %c0_i32 = arith.constant 0 : i32
    %c0_i32_0 = arith.constant 0 : i32
    %c0_i32_1 = arith.constant 0 : i32
    return %c0_i32, %c0_i32_0 : i32, i32
  }
  func.func @transform_3(%arg0: i32) -> (i32, i32, i32) {
    %c0_i32 = arith.constant 0 : i32
    %c0_i32_0 = arith.constant 0 : i32
    %c0_i32_1 = arith.constant 0 : i32
    return %c0_i32, %arg0, %c0_i32_0 : i32, i32, i32
  }
}

module attributes {stable_mosaic.version = 14 : i64} {
  func.func @body(%arg0: i32, %arg1: memref<2x1024x128xf32, #tpu.memory_space<vmem>>, %arg2: memref<1024x1xf32, #tpu.memory_space<vmem>>, %arg3: memref<1x256xf32, #tpu.memory_space<vmem>>, %arg4: memref<256x256xf32, #tpu.memory_space<vmem>>, %arg5: memref<1024x256xf32, #tpu.memory_space<vmem>>, %arg6: memref<2x1024x128xf32, #tpu.memory_space<vmem>>) attributes {dimension_semantics = [#tpu.dimension_semantics<arbitrary>], iteration_bounds = array<i64: 10>, scalar_prefetch = 0 : i64, scratch_operands = 0 : i64, tpu.core_type = #tpu.core_type<tc>, window_params = [{transform_indices = @transform_0, window_bounds = array<i64: 2, 1024, 128>}, {transform_indices = @transform_1, window_bounds = array<i64: 1024, 1>}, {pipeline_mode = #tpu.pipeline_mode<synchronous>, transform_indices = @transform_2, window_bounds = array<i64: 1, 256>}, {pipeline_mode = #tpu.pipeline_mode<synchronous>, transform_indices = @transform_3, window_bounds = array<i64: 256, 256>}, {transform_indices = @transform_4, window_bounds = array<i64: 1024, 256>}, {transform_indices = @transform_5, window_bounds = array<i64: 2, 1024, 128>}]} {
    %get3A = arith.constant 0 : index
    %get3A_0 = arith.constant 0 : index
    %get3A_1 = vector.load %arg2[%get3A, %get3A_0] : memref<1024x1xf32, #tpu.memory_space<vmem>>, vector<1024x1xf32>
    %rsqrt3A = math.rsqrt %get3A_1 : vector<1024x1xf32>
    %get3A_2 = arith.constant 0 : index
    %get3A_3 = arith.constant 0 : index
    %get3A_4 = arith.constant 0 : index
    %get3A_5 = vector.load %arg1[%get3A_2, %get3A_3, %get3A_4] : memref<2x1024x128xf32, #tpu.memory_space<vmem>>, vector<1x1024x128xf32>
    %get3A_6 = vector.shape_cast %get3A_5 : vector<1x1024x128xf32> to vector<1024x128xf32>
    %mul3A = vector.broadcast %rsqrt3A : vector<1024x1xf32> to vector<1024x128xf32>
    %mul3A_7 = arith.mulf %get3A_6, %mul3A : vector<1024x128xf32>
    %get3A_8 = arith.constant 0 : index
    %get3A_9 = arith.constant 0 : index
    %get3A_10 = vector.load %arg3[%get3A_8, %get3A_9] : memref<1x256xf32, #tpu.memory_space<vmem>>, vector<1x128xf32>
    %add3A = vector.broadcast %get3A_10 : vector<1x128xf32> to vector<1024x128xf32>
    %add3A_11 = arith.addf %mul3A_7, %add3A : vector<1024x128xf32>
    %max3A = arith.constant 0.000000e+00 : f32
    %max3A_12 = vector.broadcast %max3A : f32 to vector<1024x128xf32>
    %max3A_13 = arith.maximumf %add3A_11, %max3A_12 : vector<1024x128xf32>
    %get3A_14 = arith.constant 1 : index
    %get3A_15 = arith.constant 0 : index
    %get3A_16 = arith.constant 0 : index
    %get3A_17 = vector.load %arg1[%get3A_14, %get3A_15, %get3A_16] : memref<2x1024x128xf32, #tpu.memory_space<vmem>>, vector<1x1024x128xf32>
    %get3A_18 = vector.shape_cast %get3A_17 : vector<1x1024x128xf32> to vector<1024x128xf32>
    %mul3A_19 = vector.broadcast %rsqrt3A : vector<1024x1xf32> to vector<1024x128xf32>
    %mul3A_20 = arith.mulf %get3A_18, %mul3A_19 : vector<1024x128xf32>
    %get3A_21 = arith.constant 0 : index
    %get3A_22 = arith.constant 128 : index
    %get3A_23 = vector.load %arg3[%get3A_21, %get3A_22] : memref<1x256xf32, #tpu.memory_space<vmem>>, vector<1x128xf32>
    %add3A_24 = vector.broadcast %get3A_23 : vector<1x128xf32> to vector<1024x128xf32>
    %add3A_25 = arith.addf %mul3A_20, %add3A_24 : vector<1024x128xf32>
    %max3A_26 = arith.constant 0.000000e+00 : f32
    %max3A_27 = vector.broadcast %max3A_26 : f32 to vector<1024x128xf32>
    %max3A_28 = arith.maximumf %add3A_25, %max3A_27 : vector<1024x128xf32>
    %concatenate3A = tpu.concatenate %max3A_13, %max3A_28 in 1 : vector<1024x128xf32>, vector<1024x128xf32> -> vector<1024x256xf32>
    %swap3A = arith.constant 0 : index
    %swap3A_29 = arith.constant 0 : index
    %swap3A_30 = vector.load %arg5[%swap3A, %swap3A_29] : memref<1024x256xf32, #tpu.memory_space<vmem>>, vector<1024x256xf32>
    tpu.vector_store %arg5[%swap3A, %swap3A_29], %concatenate3A {strides = array<i32>} : memref<1024x256xf32, #tpu.memory_space<vmem>>, vector<1024x256xf32>,
    %mul3A_31 = vector.broadcast %rsqrt3A : vector<1024x1xf32> to vector<1024x256xf32>
    %mul3A_32 = arith.mulf %concatenate3A, %mul3A_31 : vector<1024x256xf32>
    %get3A_33 = arith.constant 0 : index
    %get3A_34 = arith.constant 0 : index
    %get3A_35 = vector.load %arg4[%get3A_33, %get3A_34] : memref<256x256xf32, #tpu.memory_space<vmem>>, vector<256x256xf32>
    %dot_general3A = arith.constant dense<0.000000e+00> : vector<1024x256xf32>
    %dot_general3A_36 = tpu.matmul %mul3A_32, %get3A_35, %dot_general3A {dimension_numbers = #tpu.dot_dimension_numbers<[1], [0], [0], [1], [0, 0, 1, 1], [], []>, transpose_lhs_hint = false} : vector<1024x256xf32>, vector<256x256xf32>, vector<1024x256xf32> -> vector<1024x256xf32>
    %slice3A = vector.extract_strided_slice %dot_general3A_36 {offsets = [0, 0], sizes = [1024, 128], strides = [1, 1]} : vector<1024x256xf32> to vector<1024x128xf32>
    %swap3A_37 = arith.constant 0 : index
    %swap3A_38 = arith.constant 0 : index
    %swap3A_39 = arith.constant 0 : index
    %swap3A_40 = vector.load %arg6[%swap3A_37, %swap3A_38, %swap3A_39] : memref<2x1024x128xf32, #tpu.memory_space<vmem>>, vector<1x1024x128xf32>
    %swap3A_41 = vector.shape_cast %swap3A_40 : vector<1x1024x128xf32> to vector<1024x128xf32>
    %swap3A_42 = vector.shape_cast %slice3A : vector<1024x128xf32> to vector<1x1024x128xf32>
    tpu.vector_store %arg6[%swap3A_37, %swap3A_38, %swap3A_39], %swap3A_42 {strides = array<i32>} : memref<2x1024x128xf32, #tpu.memory_space<vmem>>, vector<1x1024x128xf32>,
    %slice3A_43 = vector.extract_strided_slice %dot_general3A_36 {offsets = [0, 128], sizes = [1024, 128], strides = [1, 1]} : vector<1024x256xf32> to vector<1024x128xf32>
    %swap3A_44 = arith.constant 1 : index
    %swap3A_45 = arith.constant 0 : index
    %swap3A_46 = arith.constant 0 : index
    %swap3A_47 = vector.load %arg6[%swap3A_44, %swap3A_45, %swap3A_46] : memref<2x1024x128xf32, #tpu.memory_space<vmem>>, vector<1x1024x128xf32>
    %swap3A_48 = vector.shape_cast %swap3A_47 : vector<1x1024x128xf32> to vector<1024x128xf32>
    %swap3A_49 = vector.shape_cast %slice3A_43 : vector<1024x128xf32> to vector<1x1024x128xf32>
    tpu.vector_store %arg6[%swap3A_44, %swap3A_45, %swap3A_46], %swap3A_49 {strides = array<i32>} : memref<2x1024x128xf32, #tpu.memory_space<vmem>>, vector<1x1024x128xf32>,
    return
  }
  func.func @transform_0(%arg0: i32) -> (i32, i32, i32) {
    %c0_i32 = arith.constant 0 : i32
    %c0_i32_0 = arith.constant 0 : i32
    %c0_i32_1 = arith.constant 0 : i32
    return %c0_i32, %arg0, %c0_i32_0 : i32, i32, i32
  }
  func.func @transform_1(%arg0: i32) -> (i32, i32) {
    %c0_i32 = arith.constant 0 : i32
    %c0_i32_0 = arith.constant 0 : i32
    return %arg0, %c0_i32 : i32, i32
  }
  func.func @transform_2(%arg0: i32) -> (i32, i32) {
    %c0_i32 = arith.constant 0 : i32
    %c0_i32_0 = arith.constant 0 : i32
    %c0_i32_1 = arith.constant 0 : i32
    return %c0_i32, %c0_i32_0 : i32, i32
  }
  func.func @transform_3(%arg0: i32) -> (i32, i32) {
    %c0_i32 = arith.constant 0 : i32
    %c0_i32_0 = arith.constant 0 : i32
    %c0_i32_1 = arith.constant 0 : i32
    return %c0_i32, %c0_i32_0 : i32, i32
  }
  func.func @transform_4(%arg0: i32) -> (i32, i32) {
    %c0_i32 = arith.constant 0 : i32
    %c0_i32_0 = arith.constant 0 : i32
    return %arg0, %c0_i32 : i32, i32
  }
  func.func @transform_5(%arg0: i32) -> (i32, i32, i32) {
    %c0_i32 = arith.constant 0 : i32
    %c0_i32_0 = arith.constant 0 : i32
    %c0_i32_1 = arith.constant 0 : i32
    return %c0_i32, %arg0, %c0_i32_0 : i32, i32, i32
  }
}

module attributes {stable_mosaic.version = 14 : i64} {
  func.func @body(%arg0: i32, %arg1: memref<1024x256xf32, #tpu.memory_space<vmem>>, %arg2: memref<2x1024x128xf32, #tpu.memory_space<vmem>>, %arg3: memref<1024x1xf32, #tpu.memory_space<vmem>>, %arg4: memref<1x256xf32, #tpu.memory_space<vmem>>, %arg5: memref<512x256xf32, #tpu.memory_space<vmem>>, %arg6: memref<1x256xf32, #tpu.memory_space<vmem>>, %arg7: memref<1024x256xf32, #tpu.memory_space<vmem>>) attributes {dimension_semantics = [#tpu.dimension_semantics<arbitrary>], iteration_bounds = array<i64: 10>, scalar_prefetch = 0 : i64, scratch_operands = 0 : i64, tpu.core_type = #tpu.core_type<tc>, window_params = [{transform_indices = @transform_0, window_bounds = array<i64: 1024, 256>}, {transform_indices = @transform_1, window_bounds = array<i64: 2, 1024, 128>}, {transform_indices = @transform_2, window_bounds = array<i64: 1024, 1>}, {pipeline_mode = #tpu.pipeline_mode<synchronous>, transform_indices = @transform_3, window_bounds = array<i64: 1, 256>}, {pipeline_mode = #tpu.pipeline_mode<synchronous>, transform_indices = @transform_4, window_bounds = array<i64: 512, 256>}, {pipeline_mode = #tpu.pipeline_mode<synchronous>, transform_indices = @transform_5, window_bounds = array<i64: 1, 256>}, {transform_indices = @transform_6, window_bounds = array<i64: 1024, 256>}]} {
    %get3A = arith.constant 0 : index
    %get3A_0 = arith.constant 0 : index
    %get3A_1 = vector.load %arg3[%get3A, %get3A_0] : memref<1024x1xf32, #tpu.memory_space<vmem>>, vector<1024x1xf32>
    %rsqrt3A = math.rsqrt %get3A_1 : vector<1024x1xf32>
    %get3A_2 = arith.constant 0 : index
    %get3A_3 = arith.constant 0 : index
    %get3A_4 = arith.constant 0 : index
    %get3A_5 = vector.load %arg2[%get3A_2, %get3A_3, %get3A_4] : memref<2x1024x128xf32, #tpu.memory_space<vmem>>, vector<1x1024x128xf32>
    %get3A_6 = vector.shape_cast %get3A_5 : vector<1x1024x128xf32> to vector<1024x128xf32>
    %mul3A = vector.broadcast %rsqrt3A : vector<1024x1xf32> to vector<1024x128xf32>
    %mul3A_7 = arith.mulf %get3A_6, %mul3A : vector<1024x128xf32>
    %get3A_8 = arith.constant 0 : index
    %get3A_9 = arith.constant 0 : index
    %get3A_10 = vector.load %arg4[%get3A_8, %get3A_9] : memref<1x256xf32, #tpu.memory_space<vmem>>, vector<1x128xf32>
    %add3A = vector.broadcast %get3A_10 : vector<1x128xf32> to vector<1024x128xf32>
    %add3A_11 = arith.addf %mul3A_7, %add3A : vector<1024x128xf32>
    %max3A = arith.constant 0.000000e+00 : f32
    %max3A_12 = vector.broadcast %max3A : f32 to vector<1024x128xf32>
    %max3A_13 = arith.maximumf %add3A_11, %max3A_12 : vector<1024x128xf32>
    %get3A_14 = arith.constant 1 : index
    %get3A_15 = arith.constant 0 : index
    %get3A_16 = arith.constant 0 : index
    %get3A_17 = vector.load %arg2[%get3A_14, %get3A_15, %get3A_16] : memref<2x1024x128xf32, #tpu.memory_space<vmem>>, vector<1x1024x128xf32>
    %get3A_18 = vector.shape_cast %get3A_17 : vector<1x1024x128xf32> to vector<1024x128xf32>
    %mul3A_19 = vector.broadcast %rsqrt3A : vector<1024x1xf32> to vector<1024x128xf32>
    %mul3A_20 = arith.mulf %get3A_18, %mul3A_19 : vector<1024x128xf32>
    %get3A_21 = arith.constant 0 : index
    %get3A_22 = arith.constant 128 : index
    %get3A_23 = vector.load %arg4[%get3A_21, %get3A_22] : memref<1x256xf32, #tpu.memory_space<vmem>>, vector<1x128xf32>
    %add3A_24 = vector.broadcast %get3A_23 : vector<1x128xf32> to vector<1024x128xf32>
    %add3A_25 = arith.addf %mul3A_20, %add3A_24 : vector<1024x128xf32>
    %max3A_26 = arith.constant 0.000000e+00 : f32
    %max3A_27 = vector.broadcast %max3A_26 : f32 to vector<1024x128xf32>
    %max3A_28 = arith.maximumf %add3A_25, %max3A_27 : vector<1024x128xf32>
    %concatenate3A = tpu.concatenate %max3A_13, %max3A_28 in 1 : vector<1024x128xf32>, vector<1024x128xf32> -> vector<1024x256xf32>
    %get3A_29 = arith.constant 0 : index
    %get3A_30 = arith.constant 0 : index
    %get3A_31 = vector.load %arg1[%get3A_29, %get3A_30] : memref<1024x256xf32, #tpu.memory_space<vmem>>, vector<1024x256xf32>
    %get3A_32 = arith.constant 0 : index
    %get3A_33 = arith.constant 0 : index
    %get3A_34 = vector.load %arg5[%get3A_32, %get3A_33] : memref<512x256xf32, #tpu.memory_space<vmem>>, vector<256x256xf32>
    %dot_general3A = arith.constant dense<0.000000e+00> : vector<1024x256xf32>
    %dot_general3A_35 = tpu.matmul %get3A_31, %get3A_34, %dot_general3A {dimension_numbers = #tpu.dot_dimension_numbers<[1], [0], [0], [1], [0, 0, 1, 1], [], []>, transpose_lhs_hint = false} : vector<1024x256xf32>, vector<256x256xf32>, vector<1024x256xf32> -> vector<1024x256xf32>
    %get3A_36 = arith.constant 256 : index
    %get3A_37 = arith.constant 0 : index
    %get3A_38 = vector.load %arg5[%get3A_36, %get3A_37] : memref<512x256xf32, #tpu.memory_space<vmem>>, vector<256x256xf32>
    %dot_general3A_39 = arith.constant dense<0.000000e+00> : vector<1024x256xf32>
    %dot_general3A_40 = tpu.matmul %concatenate3A, %get3A_38, %dot_general3A_39 {dimension_numbers = #tpu.dot_dimension_numbers<[1], [0], [0], [1], [0, 0, 1, 1], [], []>, transpose_lhs_hint = false} : vector<1024x256xf32>, vector<256x256xf32>, vector<1024x256xf32> -> vector<1024x256xf32>
    %add3A_41 = arith.addf %dot_general3A_35, %dot_general3A_40 : vector<1024x256xf32>
    %get3A_42 = arith.constant 0 : index
    %get3A_43 = arith.constant 0 : index
    %get3A_44 = vector.load %arg6[%get3A_42, %get3A_43] : memref<1x256xf32, #tpu.memory_space<vmem>>, vector<1x256xf32>
    %add3A_45 = vector.broadcast %get3A_44 : vector<1x256xf32> to vector<1024x256xf32>
    %add3A_46 = arith.addf %add3A_41, %add3A_45 : vector<1024x256xf32>
    %max3A_47 = arith.constant 0.000000e+00 : f32
    %max3A_48 = vector.broadcast %max3A_47 : f32 to vector<1024x256xf32>
    %max3A_49 = arith.maximumf %add3A_46, %max3A_48 : vector<1024x256xf32>
    %swap3A = arith.constant 0 : index
    %swap3A_50 = arith.constant 0 : index
    %swap3A_51 = vector.load %arg7[%swap3A, %swap3A_50] : memref<1024x256xf32, #tpu.memory_space<vmem>>, vector<1024x256xf32>
    tpu.vector_store %arg7[%swap3A, %swap3A_50], %max3A_49 {strides = array<i32>} : memref<1024x256xf32, #tpu.memory_space<vmem>>, vector<1024x256xf32>,
    return
  }
  func.func @transform_0(%arg0: i32) -> (i32, i32) {
    %c0_i32 = arith.constant 0 : i32
    %c0_i32_0 = arith.constant 0 : i32
    return %arg0, %c0_i32 : i32, i32
  }
  func.func @transform_1(%arg0: i32) -> (i32, i32, i32) {
    %c0_i32 = arith.constant 0 : i32
    %c0_i32_0 = arith.constant 0 : i32
    %c0_i32_1 = arith.constant 0 : i32
    return %c0_i32, %arg0, %c0_i32_0 : i32, i32, i32
  }
  func.func @transform_2(%arg0: i32) -> (i32, i32) {
    %c0_i32 = arith.constant 0 : i32
    %c0_i32_0 = arith.constant 0 : i32
    return %arg0, %c0_i32 : i32, i32
  }
  func.func @transform_3(%arg0: i32) -> (i32, i32) {
    %c0_i32 = arith.constant 0 : i32
    %c0_i32_0 = arith.constant 0 : i32
    %c0_i32_1 = arith.constant 0 : i32
    return %c0_i32, %c0_i32_0 : i32, i32
  }
  func.func @transform_4(%arg0: i32) -> (i32, i32) {
    %c0_i32 = arith.constant 0 : i32
    %c0_i32_0 = arith.constant 0 : i32
    %c0_i32_1 = arith.constant 0 : i32
    return %c0_i32, %c0_i32_0 : i32, i32
  }
  func.func @transform_5(%arg0: i32) -> (i32, i32) {
    %c0_i32 = arith.constant 0 : i32
    %c0_i32_0 = arith.constant 0 : i32
    %c0_i32_1 = arith.constant 0 : i32
    return %c0_i32, %c0_i32_0 : i32, i32
  }
  func.func @transform_6(%arg0: i32) -> (i32, i32) {
    %c0_i32 = arith.constant 0 : i32
    %c0_i32_0 = arith.constant 0 : i32
    return %arg0, %c0_i32 : i32, i32
  }
}

module attributes {stable_mosaic.version = 14 : i64} {
  func.func @body(%arg0: i32, %arg1: memref<1024x256xf32, #tpu.memory_space<vmem>>, %arg2: memref<1024x1xf32, #tpu.memory_space<vmem>>, %arg3: memref<256x256xf32, #tpu.memory_space<vmem>>, %arg4: memref<2x1024x128xf32, #tpu.memory_space<vmem>>) attributes {dimension_semantics = [#tpu.dimension_semantics<arbitrary>], iteration_bounds = array<i64: 10>, scalar_prefetch = 0 : i64, scratch_operands = 0 : i64, tpu.core_type = #tpu.core_type<tc>, window_params = [{transform_indices = @transform_0, window_bounds = array<i64: 1024, 256>}, {transform_indices = @transform_1, window_bounds = array<i64: 1024, 1>}, {pipeline_mode = #tpu.pipeline_mode<synchronous>, transform_indices = @transform_2, window_bounds = array<i64: 256, 256>}, {transform_indices = @transform_3, window_bounds = array<i64: 2, 1024, 128>}]} {
    %get3A = arith.constant 0 : index
    %get3A_0 = arith.constant 0 : index
    %get3A_1 = vector.load %arg2[%get3A, %get3A_0] : memref<1024x1xf32, #tpu.memory_space<vmem>>, vector<1024x1xf32>
    %rsqrt3A = math.rsqrt %get3A_1 : vector<1024x1xf32>
    %get3A_2 = arith.constant 0 : index
    %get3A_3 = arith.constant 0 : index
    %get3A_4 = vector.load %arg1[%get3A_2, %get3A_3] : memref<1024x256xf32, #tpu.memory_space<vmem>>, vector<1024x256xf32>
    %mul3A = vector.broadcast %rsqrt3A : vector<1024x1xf32> to vector<1024x256xf32>
    %mul3A_5 = arith.mulf %get3A_4, %mul3A : vector<1024x256xf32>
    %get3A_6 = arith.constant 0 : index
    %get3A_7 = arith.constant 0 : index
    %get3A_8 = vector.load %arg3[%get3A_6, %get3A_7] : memref<256x256xf32, #tpu.memory_space<vmem>>, vector<256x256xf32>
    %dot_general3A = arith.constant dense<0.000000e+00> : vector<1024x256xf32>
    %dot_general3A_9 = tpu.matmul %mul3A_5, %get3A_8, %dot_general3A {dimension_numbers = #tpu.dot_dimension_numbers<[1], [0], [0], [1], [0, 0, 1, 1], [], []>, transpose_lhs_hint = false} : vector<1024x256xf32>, vector<256x256xf32>, vector<1024x256xf32> -> vector<1024x256xf32>
    %slice3A = vector.extract_strided_slice %dot_general3A_9 {offsets = [0, 0], sizes = [1024, 128], strides = [1, 1]} : vector<1024x256xf32> to vector<1024x128xf32>
    %swap3A = arith.constant 0 : index
    %swap3A_10 = arith.constant 0 : index
    %swap3A_11 = arith.constant 0 : index
    %swap3A_12 = vector.load %arg4[%swap3A, %swap3A_10, %swap3A_11] : memref<2x1024x128xf32, #tpu.memory_space<vmem>>, vector<1x1024x128xf32>
    %swap3A_13 = vector.shape_cast %swap3A_12 : vector<1x1024x128xf32> to vector<1024x128xf32>
    %swap3A_14 = vector.shape_cast %slice3A : vector<1024x128xf32> to vector<1x1024x128xf32>
    tpu.vector_store %arg4[%swap3A, %swap3A_10, %swap3A_11], %swap3A_14 {strides = array<i32>} : memref<2x1024x128xf32, #tpu.memory_space<vmem>>, vector<1x1024x128xf32>,
    %slice3A_15 = vector.extract_strided_slice %dot_general3A_9 {offsets = [0, 128], sizes = [1024, 128], strides = [1, 1]} : vector<1024x256xf32> to vector<1024x128xf32>
    %swap3A_16 = arith.constant 1 : index
    %swap3A_17 = arith.constant 0 : index
    %swap3A_18 = arith.constant 0 : index
    %swap3A_19 = vector.load %arg4[%swap3A_16, %swap3A_17, %swap3A_18] : memref<2x1024x128xf32, #tpu.memory_space<vmem>>, vector<1x1024x128xf32>
    %swap3A_20 = vector.shape_cast %swap3A_19 : vector<1x1024x128xf32> to vector<1024x128xf32>
    %swap3A_21 = vector.shape_cast %slice3A_15 : vector<1024x128xf32> to vector<1x1024x128xf32>
    tpu.vector_store %arg4[%swap3A_16, %swap3A_17, %swap3A_18], %swap3A_21 {strides = array<i32>} : memref<2x1024x128xf32, #tpu.memory_space<vmem>>, vector<1x1024x128xf32>,
    return
  }
  func.func @transform_0(%arg0: i32) -> (i32, i32) {
    %c0_i32 = arith.constant 0 : i32
    %c0_i32_0 = arith.constant 0 : i32
    return %arg0, %c0_i32 : i32, i32
  }
  func.func @transform_1(%arg0: i32) -> (i32, i32) {
    %c0_i32 = arith.constant 0 : i32
    %c0_i32_0 = arith.constant 0 : i32
    return %arg0, %c0_i32 : i32, i32
  }
  func.func @transform_2(%arg0: i32) -> (i32, i32) {
    %c0_i32 = arith.constant 0 : i32
    %c0_i32_0 = arith.constant 0 : i32
    %c0_i32_1 = arith.constant 0 : i32
    return %c0_i32, %c0_i32_0 : i32, i32
  }
  func.func @transform_3(%arg0: i32) -> (i32, i32, i32) {
    %c0_i32 = arith.constant 0 : i32
    %c0_i32_0 = arith.constant 0 : i32
    %c0_i32_1 = arith.constant 0 : i32
    return %c0_i32, %arg0, %c0_i32_0 : i32, i32, i32
  }
}

module attributes {stable_mosaic.version = 14 : i64} {
  func.func @body(%arg0: memref<1x10240xf32, #tpu.memory_space<vmem>>, %arg1: memref<1x10240xi32, #tpu.memory_space<vmem>>, %arg2: memref<64x16xi32, #tpu.memory_space<vmem>>, %arg3: memref<64x16xf32, #tpu.memory_space<vmem>>) attributes {dimension_semantics = [], scalar_prefetch = 0 : i64, scratch_operands = 0 : i64, tpu.core_type = #tpu.core_type<tc>} {
    %iota3A = tpu.iota {dimensions = array<i32: 0>} : vector<64x10240xi32>
    %iota3A_0 = tpu.iota {dimensions = array<i32: 1>} : vector<64x10240xi32>
    %get3A = arith.constant 0 : index
    %get3A_1 = arith.constant 0 : index
    %get3A_2 = vector.load %arg1[%get3A, %get3A_1] : memref<1x10240xi32, #tpu.memory_space<vmem>>, vector<1x10240xi32>
    %eq3A = vector.broadcast %get3A_2 : vector<1x10240xi32> to vector<64x10240xi32>
    %eq3A_3 = arith.cmpi eq, %eq3A, %iota3A : vector<64x10240xi32>
    %get3A_4 = arith.constant 0 : index
    %get3A_5 = arith.constant 0 : index
    %get3A_6 = vector.load %arg0[%get3A_4, %get3A_5] : memref<1x10240xf32, #tpu.memory_space<vmem>>, vector<1x10240xf32>
    %jit3A = arith.constant -3.000000e+38 : f32
    %broadcast_in_dim3A = vector.shape_cast %get3A_6 : vector<1x10240xf32> to vector<1x10240xf32>
    %broadcast_in_dim3A_7 = vector.broadcast %broadcast_in_dim3A : vector<1x10240xf32> to vector<64x10240xf32>
    %broadcast_in_dim3A_8 = vector.broadcast %jit3A : f32 to vector<64x10240xf32>
    %select_n3A = arith.select %eq3A_3, %broadcast_in_dim3A_7, %broadcast_in_dim3A_8 : vector<64x10240xi1>, vector<64x10240xf32>
    %reduce_max3A = arith.constant dense<0xFF800000> : vector<64xf32>
    %reduce_max3A_9 = vector.multi_reduction <maximumf>, %select_n3A, %reduce_max3A [1] : vector<64x10240xf32> to vector<64xf32>
    %broadcast_in_dim3A_10 = vector.shape_cast %reduce_max3A_9 : vector<64xf32> to vector<64x1xf32>
    %gt3A = arith.constant -3.000000e+37 : f32
    %gt3A_11 = vector.broadcast %gt3A : f32 to vector<64x1xf32>
    %gt3A_12 = arith.cmpf ogt, %broadcast_in_dim3A_10, %gt3A_11 : vector<64x1xf32>
    %eq3A_13 = vector.broadcast %broadcast_in_dim3A_10 : vector<64x1xf32> to vector<64x10240xf32>
    %eq3A_14 = arith.cmpf oeq, %select_n3A, %eq3A_13 : vector<64x10240xf32>
    %and3A = vector.broadcast %gt3A_12 : vector<64x1xi1> to vector<64x10240xi1>
    %and3A_15 = arith.andi %eq3A_14, %and3A : vector<64x10240xi1>
    %jit3A_16 = arith.constant 10240 : i32
    %broadcast_in_dim3A_17 = vector.broadcast %jit3A_16 : i32 to vector<64x10240xi32>
    %select_n3A_18 = arith.select %and3A_15, %iota3A_0, %broadcast_in_dim3A_17 : vector<64x10240xi1>, vector<64x10240xi32>
    %reduce_min3A = arith.constant dense<2147483647> : vector<64xi32>
    %reduce_min3A_19 = vector.multi_reduction <minsi>, %select_n3A_18, %reduce_min3A [1] : vector<64x10240xi32> to vector<64xi32>
    %broadcast_in_dim3A_20 = vector.shape_cast %reduce_min3A_19 : vector<64xi32> to vector<64x1xi32>
    %jit3A_21 = arith.constant 0 : i32
    %broadcast_in_dim3A_22 = vector.broadcast %jit3A_21 : i32 to vector<64x1xi32>
    %select_n3A_23 = arith.select %gt3A_12, %broadcast_in_dim3A_20, %broadcast_in_dim3A_22 : vector<64x1xi1>, vector<64x1xi32>
    %convert_element_type3A = arith.extui %gt3A_12 : vector<64x1xi1> to vector<64x1xi32>
    %convert_element_type3A_24 = arith.sitofp %convert_element_type3A : vector<64x1xi32> to vector<64x1xf32>
    %eq3A_25 = vector.broadcast %select_n3A_23 : vector<64x1xi32> to vector<64x10240xi32>
    %eq3A_26 = arith.cmpi eq, %iota3A_0, %eq3A_25 : vector<64x10240xi32>
    %jit3A_27 = arith.constant -3.000000e+38 : f32
    %broadcast_in_dim3A_28 = vector.broadcast %jit3A_27 : f32 to vector<64x10240xf32>
    %select_n3A_29 = arith.select %eq3A_26, %broadcast_in_dim3A_28, %select_n3A : vector<64x10240xi1>, vector<64x10240xf32>
    %reduce_max3A_30 = arith.constant dense<0xFF800000> : vector<64xf32>
    %reduce_max3A_31 = vector.multi_reduction <maximumf>, %select_n3A_29, %reduce_max3A_30 [1] : vector<64x10240xf32> to vector<64xf32>
    %broadcast_in_dim3A_32 = vector.shape_cast %reduce_max3A_31 : vector<64xf32> to vector<64x1xf32>
    %gt3A_33 = arith.constant -3.000000e+37 : f32
    %gt3A_34 = vector.broadcast %gt3A_33 : f32 to vector<64x1xf32>
    %gt3A_35 = arith.cmpf ogt, %broadcast_in_dim3A_32, %gt3A_34 : vector<64x1xf32>
    %eq3A_36 = vector.broadcast %broadcast_in_dim3A_32 : vector<64x1xf32> to vector<64x10240xf32>
    %eq3A_37 = arith.cmpf oeq, %select_n3A_29, %eq3A_36 : vector<64x10240xf32>
    %and3A_38 = vector.broadcast %gt3A_35 : vector<64x1xi1> to vector<64x10240xi1>
    %and3A_39 = arith.andi %eq3A_37, %and3A_38 : vector<64x10240xi1>
    %jit3A_40 = arith.constant 10240 : i32
    %broadcast_in_dim3A_41 = vector.broadcast %jit3A_40 : i32 to vector<64x10240xi32>
    %select_n3A_42 = arith.select %and3A_39, %iota3A_0, %broadcast_in_dim3A_41 : vector<64x10240xi1>, vector<64x10240xi32>
    %reduce_min3A_43 = arith.constant dense<2147483647> : vector<64xi32>
    %reduce_min3A_44 = vector.multi_reduction <minsi>, %select_n3A_42, %reduce_min3A_43 [1] : vector<64x10240xi32> to vector<64xi32>
    %broadcast_in_dim3A_45 = vector.shape_cast %reduce_min3A_44 : vector<64xi32> to vector<64x1xi32>
    %jit3A_46 = arith.constant 0 : i32
    %broadcast_in_dim3A_47 = vector.broadcast %jit3A_46 : i32 to vector<64x1xi32>
    %select_n3A_48 = arith.select %gt3A_35, %broadcast_in_dim3A_45, %broadcast_in_dim3A_47 : vector<64x1xi1>, vector<64x1xi32>
    %convert_element_type3A_49 = arith.extui %gt3A_35 : vector<64x1xi1> to vector<64x1xi32>
    %convert_element_type3A_50 = arith.sitofp %convert_element_type3A_49 : vector<64x1xi32> to vector<64x1xf32>
    %eq3A_51 = vector.broadcast %select_n3A_48 : vector<64x1xi32> to vector<64x10240xi32>
    %eq3A_52 = arith.cmpi eq, %iota3A_0, %eq3A_51 : vector<64x10240xi32>
    %jit3A_53 = arith.constant -3.000000e+38 : f32
    %broadcast_in_dim3A_54 = vector.broadcast %jit3A_53 : f32 to vector<64x10240xf32>
    %select_n3A_55 = arith.select %eq3A_52, %broadcast_in_dim3A_54, %select_n3A_29 : vector<64x10240xi1>, vector<64x10240xf32>
    %reduce_max3A_56 = arith.constant dense<0xFF800000> : vector<64xf32>
    %reduce_max3A_57 = vector.multi_reduction <maximumf>, %select_n3A_55, %reduce_max3A_56 [1] : vector<64x10240xf32> to vector<64xf32>
    %broadcast_in_dim3A_58 = vector.shape_cast %reduce_max3A_57 : vector<64xf32> to vector<64x1xf32>
    %gt3A_59 = arith.constant -3.000000e+37 : f32
    %gt3A_60 = vector.broadcast %gt3A_59 : f32 to vector<64x1xf32>
    %gt3A_61 = arith.cmpf ogt, %broadcast_in_dim3A_58, %gt3A_60 : vector<64x1xf32>
    %eq3A_62 = vector.broadcast %broadcast_in_dim3A_58 : vector<64x1xf32> to vector<64x10240xf32>
    %eq3A_63 = arith.cmpf oeq, %select_n3A_55, %eq3A_62 : vector<64x10240xf32>
    %and3A_64 = vector.broadcast %gt3A_61 : vector<64x1xi1> to vector<64x10240xi1>
    %and3A_65 = arith.andi %eq3A_63, %and3A_64 : vector<64x10240xi1>
    %jit3A_66 = arith.constant 10240 : i32
    %broadcast_in_dim3A_67 = vector.broadcast %jit3A_66 : i32 to vector<64x10240xi32>
    %select_n3A_68 = arith.select %and3A_65, %iota3A_0, %broadcast_in_dim3A_67 : vector<64x10240xi1>, vector<64x10240xi32>
    %reduce_min3A_69 = arith.constant dense<2147483647> : vector<64xi32>
    %reduce_min3A_70 = vector.multi_reduction <minsi>, %select_n3A_68, %reduce_min3A_69 [1] : vector<64x10240xi32> to vector<64xi32>
    %broadcast_in_dim3A_71 = vector.shape_cast %reduce_min3A_70 : vector<64xi32> to vector<64x1xi32>
    %jit3A_72 = arith.constant 0 : i32
    %broadcast_in_dim3A_73 = vector.broadcast %jit3A_72 : i32 to vector<64x1xi32>
    %select_n3A_74 = arith.select %gt3A_61, %broadcast_in_dim3A_71, %broadcast_in_dim3A_73 : vector<64x1xi1>, vector<64x1xi32>
    %convert_element_type3A_75 = arith.extui %gt3A_61 : vector<64x1xi1> to vector<64x1xi32>
    %convert_element_type3A_76 = arith.sitofp %convert_element_type3A_75 : vector<64x1xi32> to vector<64x1xf32>
    %eq3A_77 = vector.broadcast %select_n3A_74 : vector<64x1xi32> to vector<64x10240xi32>
    %eq3A_78 = arith.cmpi eq, %iota3A_0, %eq3A_77 : vector<64x10240xi32>
    %jit3A_79 = arith.constant -3.000000e+38 : f32
    %broadcast_in_dim3A_80 = vector.broadcast %jit3A_79 : f32 to vector<64x10240xf32>
    %select_n3A_81 = arith.select %eq3A_78, %broadcast_in_dim3A_80, %select_n3A_55 : vector<64x10240xi1>, vector<64x10240xf32>
    %reduce_max3A_82 = arith.constant dense<0xFF800000> : vector<64xf32>
    %reduce_max3A_83 = vector.multi_reduction <maximumf>, %select_n3A_81, %reduce_max3A_82 [1] : vector<64x10240xf32> to vector<64xf32>
    %broadcast_in_dim3A_84 = vector.shape_cast %reduce_max3A_83 : vector<64xf32> to vector<64x1xf32>
    %gt3A_85 = arith.constant -3.000000e+37 : f32
    %gt3A_86 = vector.broadcast %gt3A_85 : f32 to vector<64x1xf32>
    %gt3A_87 = arith.cmpf ogt, %broadcast_in_dim3A_84, %gt3A_86 : vector<64x1xf32>
    %eq3A_88 = vector.broadcast %broadcast_in_dim3A_84 : vector<64x1xf32> to vector<64x10240xf32>
    %eq3A_89 = arith.cmpf oeq, %select_n3A_81, %eq3A_88 : vector<64x10240xf32>
    %and3A_90 = vector.broadcast %gt3A_87 : vector<64x1xi1> to vector<64x10240xi1>
    %and3A_91 = arith.andi %eq3A_89, %and3A_90 : vector<64x10240xi1>
    %jit3A_92 = arith.constant 10240 : i32
    %broadcast_in_dim3A_93 = vector.broadcast %jit3A_92 : i32 to vector<64x10240xi32>
    %select_n3A_94 = arith.select %and3A_91, %iota3A_0, %broadcast_in_dim3A_93 : vector<64x10240xi1>, vector<64x10240xi32>
    %reduce_min3A_95 = arith.constant dense<2147483647> : vector<64xi32>
    %reduce_min3A_96 = vector.multi_reduction <minsi>, %select_n3A_94, %reduce_min3A_95 [1] : vector<64x10240xi32> to vector<64xi32>
    %broadcast_in_dim3A_97 = vector.shape_cast %reduce_min3A_96 : vector<64xi32> to vector<64x1xi32>
    %jit3A_98 = arith.constant 0 : i32
    %broadcast_in_dim3A_99 = vector.broadcast %jit3A_98 : i32 to vector<64x1xi32>
    %select_n3A_100 = arith.select %gt3A_87, %broadcast_in_dim3A_97, %broadcast_in_dim3A_99 : vector<64x1xi1>, vector<64x1xi32>
    %convert_element_type3A_101 = arith.extui %gt3A_87 : vector<64x1xi1> to vector<64x1xi32>
    %convert_element_type3A_102 = arith.sitofp %convert_element_type3A_101 : vector<64x1xi32> to vector<64x1xf32>
    %eq3A_103 = vector.broadcast %select_n3A_100 : vector<64x1xi32> to vector<64x10240xi32>
    %eq3A_104 = arith.cmpi eq, %iota3A_0, %eq3A_103 : vector<64x10240xi32>
    %jit3A_105 = arith.constant -3.000000e+38 : f32
    %broadcast_in_dim3A_106 = vector.broadcast %jit3A_105 : f32 to vector<64x10240xf32>
    %select_n3A_107 = arith.select %eq3A_104, %broadcast_in_dim3A_106, %select_n3A_81 : vector<64x10240xi1>, vector<64x10240xf32>
    %reduce_max3A_108 = arith.constant dense<0xFF800000> : vector<64xf32>
    %reduce_max3A_109 = vector.multi_reduction <maximumf>, %select_n3A_107, %reduce_max3A_108 [1] : vector<64x10240xf32> to vector<64xf32>
    %broadcast_in_dim3A_110 = vector.shape_cast %reduce_max3A_109 : vector<64xf32> to vector<64x1xf32>
    %gt3A_111 = arith.constant -3.000000e+37 : f32
    %gt3A_112 = vector.broadcast %gt3A_111 : f32 to vector<64x1xf32>
    %gt3A_113 = arith.cmpf ogt, %broadcast_in_dim3A_110, %gt3A_112 : vector<64x1xf32>
    %eq3A_114 = vector.broadcast %broadcast_in_dim3A_110 : vector<64x1xf32> to vector<64x10240xf32>
    %eq3A_115 = arith.cmpf oeq, %select_n3A_107, %eq3A_114 : vector<64x10240xf32>
    %and3A_116 = vector.broadcast %gt3A_113 : vector<64x1xi1> to vector<64x10240xi1>
    %and3A_117 = arith.andi %eq3A_115, %and3A_116 : vector<64x10240xi1>
    %jit3A_118 = arith.constant 10240 : i32
    %broadcast_in_dim3A_119 = vector.broadcast %jit3A_118 : i32 to vector<64x10240xi32>
    %select_n3A_120 = arith.select %and3A_117, %iota3A_0, %broadcast_in_dim3A_119 : vector<64x10240xi1>, vector<64x10240xi32>
    %reduce_min3A_121 = arith.constant dense<2147483647> : vector<64xi32>
    %reduce_min3A_122 = vector.multi_reduction <minsi>, %select_n3A_120, %reduce_min3A_121 [1] : vector<64x10240xi32> to vector<64xi32>
    %broadcast_in_dim3A_123 = vector.shape_cast %reduce_min3A_122 : vector<64xi32> to vector<64x1xi32>
    %jit3A_124 = arith.constant 0 : i32
    %broadcast_in_dim3A_125 = vector.broadcast %jit3A_124 : i32 to vector<64x1xi32>
    %select_n3A_126 = arith.select %gt3A_113, %broadcast_in_dim3A_123, %broadcast_in_dim3A_125 : vector<64x1xi1>, vector<64x1xi32>
    %convert_element_type3A_127 = arith.extui %gt3A_113 : vector<64x1xi1> to vector<64x1xi32>
    %convert_element_type3A_128 = arith.sitofp %convert_element_type3A_127 : vector<64x1xi32> to vector<64x1xf32>
    %eq3A_129 = vector.broadcast %select_n3A_126 : vector<64x1xi32> to vector<64x10240xi32>
    %eq3A_130 = arith.cmpi eq, %iota3A_0, %eq3A_129 : vector<64x10240xi32>
    %jit3A_131 = arith.constant -3.000000e+38 : f32
    %broadcast_in_dim3A_132 = vector.broadcast %jit3A_131 : f32 to vector<64x10240xf32>
    %select_n3A_133 = arith.select %eq3A_130, %broadcast_in_dim3A_132, %select_n3A_107 : vector<64x10240xi1>, vector<64x10240xf32>
    %reduce_max3A_134 = arith.constant dense<0xFF800000> : vector<64xf32>
    %reduce_max3A_135 = vector.multi_reduction <maximumf>, %select_n3A_133, %reduce_max3A_134 [1] : vector<64x10240xf32> to vector<64xf32>
    %broadcast_in_dim3A_136 = vector.shape_cast %reduce_max3A_135 : vector<64xf32> to vector<64x1xf32>
    %gt3A_137 = arith.constant -3.000000e+37 : f32
    %gt3A_138 = vector.broadcast %gt3A_137 : f32 to vector<64x1xf32>
    %gt3A_139 = arith.cmpf ogt, %broadcast_in_dim3A_136, %gt3A_138 : vector<64x1xf32>
    %eq3A_140 = vector.broadcast %broadcast_in_dim3A_136 : vector<64x1xf32> to vector<64x10240xf32>
    %eq3A_141 = arith.cmpf oeq, %select_n3A_133, %eq3A_140 : vector<64x10240xf32>
    %and3A_142 = vector.broadcast %gt3A_139 : vector<64x1xi1> to vector<64x10240xi1>
    %and3A_143 = arith.andi %eq3A_141, %and3A_142 : vector<64x10240xi1>
    %jit3A_144 = arith.constant 10240 : i32
    %broadcast_in_dim3A_145 = vector.broadcast %jit3A_144 : i32 to vector<64x10240xi32>
    %select_n3A_146 = arith.select %and3A_143, %iota3A_0, %broadcast_in_dim3A_145 : vector<64x10240xi1>, vector<64x10240xi32>
    %reduce_min3A_147 = arith.constant dense<2147483647> : vector<64xi32>
    %reduce_min3A_148 = vector.multi_reduction <minsi>, %select_n3A_146, %reduce_min3A_147 [1] : vector<64x10240xi32> to vector<64xi32>
    %broadcast_in_dim3A_149 = vector.shape_cast %reduce_min3A_148 : vector<64xi32> to vector<64x1xi32>
    %jit3A_150 = arith.constant 0 : i32
    %broadcast_in_dim3A_151 = vector.broadcast %jit3A_150 : i32 to vector<64x1xi32>
    %select_n3A_152 = arith.select %gt3A_139, %broadcast_in_dim3A_149, %broadcast_in_dim3A_151 : vector<64x1xi1>, vector<64x1xi32>
    %convert_element_type3A_153 = arith.extui %gt3A_139 : vector<64x1xi1> to vector<64x1xi32>
    %convert_element_type3A_154 = arith.sitofp %convert_element_type3A_153 : vector<64x1xi32> to vector<64x1xf32>
    %eq3A_155 = vector.broadcast %select_n3A_152 : vector<64x1xi32> to vector<64x10240xi32>
    %eq3A_156 = arith.cmpi eq, %iota3A_0, %eq3A_155 : vector<64x10240xi32>
    %jit3A_157 = arith.constant -3.000000e+38 : f32
    %broadcast_in_dim3A_158 = vector.broadcast %jit3A_157 : f32 to vector<64x10240xf32>
    %select_n3A_159 = arith.select %eq3A_156, %broadcast_in_dim3A_158, %select_n3A_133 : vector<64x10240xi1>, vector<64x10240xf32>
    %reduce_max3A_160 = arith.constant dense<0xFF800000> : vector<64xf32>
    %reduce_max3A_161 = vector.multi_reduction <maximumf>, %select_n3A_159, %reduce_max3A_160 [1] : vector<64x10240xf32> to vector<64xf32>
    %broadcast_in_dim3A_162 = vector.shape_cast %reduce_max3A_161 : vector<64xf32> to vector<64x1xf32>
    %gt3A_163 = arith.constant -3.000000e+37 : f32
    %gt3A_164 = vector.broadcast %gt3A_163 : f32 to vector<64x1xf32>
    %gt3A_165 = arith.cmpf ogt, %broadcast_in_dim3A_162, %gt3A_164 : vector<64x1xf32>
    %eq3A_166 = vector.broadcast %broadcast_in_dim3A_162 : vector<64x1xf32> to vector<64x10240xf32>
    %eq3A_167 = arith.cmpf oeq, %select_n3A_159, %eq3A_166 : vector<64x10240xf32>
    %and3A_168 = vector.broadcast %gt3A_165 : vector<64x1xi1> to vector<64x10240xi1>
    %and3A_169 = arith.andi %eq3A_167, %and3A_168 : vector<64x10240xi1>
    %jit3A_170 = arith.constant 10240 : i32
    %broadcast_in_dim3A_171 = vector.broadcast %jit3A_170 : i32 to vector<64x10240xi32>
    %select_n3A_172 = arith.select %and3A_169, %iota3A_0, %broadcast_in_dim3A_171 : vector<64x10240xi1>, vector<64x10240xi32>
    %reduce_min3A_173 = arith.constant dense<2147483647> : vector<64xi32>
    %reduce_min3A_174 = vector.multi_reduction <minsi>, %select_n3A_172, %reduce_min3A_173 [1] : vector<64x10240xi32> to vector<64xi32>
    %broadcast_in_dim3A_175 = vector.shape_cast %reduce_min3A_174 : vector<64xi32> to vector<64x1xi32>
    %jit3A_176 = arith.constant 0 : i32
    %broadcast_in_dim3A_177 = vector.broadcast %jit3A_176 : i32 to vector<64x1xi32>
    %select_n3A_178 = arith.select %gt3A_165, %broadcast_in_dim3A_175, %broadcast_in_dim3A_177 : vector<64x1xi1>, vector<64x1xi32>
    %convert_element_type3A_179 = arith.extui %gt3A_165 : vector<64x1xi1> to vector<64x1xi32>
    %convert_element_type3A_180 = arith.sitofp %convert_element_type3A_179 : vector<64x1xi32> to vector<64x1xf32>
    %eq3A_181 = vector.broadcast %select_n3A_178 : vector<64x1xi32> to vector<64x10240xi32>
    %eq3A_182 = arith.cmpi eq, %iota3A_0, %eq3A_181 : vector<64x10240xi32>
    %jit3A_183 = arith.constant -3.000000e+38 : f32
    %broadcast_in_dim3A_184 = vector.broadcast %jit3A_183 : f32 to vector<64x10240xf32>
    %select_n3A_185 = arith.select %eq3A_182, %broadcast_in_dim3A_184, %select_n3A_159 : vector<64x10240xi1>, vector<64x10240xf32>
    %reduce_max3A_186 = arith.constant dense<0xFF800000> : vector<64xf32>
    %reduce_max3A_187 = vector.multi_reduction <maximumf>, %select_n3A_185, %reduce_max3A_186 [1] : vector<64x10240xf32> to vector<64xf32>
    %broadcast_in_dim3A_188 = vector.shape_cast %reduce_max3A_187 : vector<64xf32> to vector<64x1xf32>
    %gt3A_189 = arith.constant -3.000000e+37 : f32
    %gt3A_190 = vector.broadcast %gt3A_189 : f32 to vector<64x1xf32>
    %gt3A_191 = arith.cmpf ogt, %broadcast_in_dim3A_188, %gt3A_190 : vector<64x1xf32>
    %eq3A_192 = vector.broadcast %broadcast_in_dim3A_188 : vector<64x1xf32> to vector<64x10240xf32>
    %eq3A_193 = arith.cmpf oeq, %select_n3A_185, %eq3A_192 : vector<64x10240xf32>
    %and3A_194 = vector.broadcast %gt3A_191 : vector<64x1xi1> to vector<64x10240xi1>
    %and3A_195 = arith.andi %eq3A_193, %and3A_194 : vector<64x10240xi1>
    %jit3A_196 = arith.constant 10240 : i32
    %broadcast_in_dim3A_197 = vector.broadcast %jit3A_196 : i32 to vector<64x10240xi32>
    %select_n3A_198 = arith.select %and3A_195, %iota3A_0, %broadcast_in_dim3A_197 : vector<64x10240xi1>, vector<64x10240xi32>
    %reduce_min3A_199 = arith.constant dense<2147483647> : vector<64xi32>
    %reduce_min3A_200 = vector.multi_reduction <minsi>, %select_n3A_198, %reduce_min3A_199 [1] : vector<64x10240xi32> to vector<64xi32>
    %broadcast_in_dim3A_201 = vector.shape_cast %reduce_min3A_200 : vector<64xi32> to vector<64x1xi32>
    %jit3A_202 = arith.constant 0 : i32
    %broadcast_in_dim3A_203 = vector.broadcast %jit3A_202 : i32 to vector<64x1xi32>
    %select_n3A_204 = arith.select %gt3A_191, %broadcast_in_dim3A_201, %broadcast_in_dim3A_203 : vector<64x1xi1>, vector<64x1xi32>
    %convert_element_type3A_205 = arith.extui %gt3A_191 : vector<64x1xi1> to vector<64x1xi32>
    %convert_element_type3A_206 = arith.sitofp %convert_element_type3A_205 : vector<64x1xi32> to vector<64x1xf32>
    %eq3A_207 = vector.broadcast %select_n3A_204 : vector<64x1xi32> to vector<64x10240xi32>
    %eq3A_208 = arith.cmpi eq, %iota3A_0, %eq3A_207 : vector<64x10240xi32>
    %jit3A_209 = arith.constant -3.000000e+38 : f32
    %broadcast_in_dim3A_210 = vector.broadcast %jit3A_209 : f32 to vector<64x10240xf32>
    %select_n3A_211 = arith.select %eq3A_208, %broadcast_in_dim3A_210, %select_n3A_185 : vector<64x10240xi1>, vector<64x10240xf32>
    %reduce_max3A_212 = arith.constant dense<0xFF800000> : vector<64xf32>
    %reduce_max3A_213 = vector.multi_reduction <maximumf>, %select_n3A_211, %reduce_max3A_212 [1] : vector<64x10240xf32> to vector<64xf32>
    %broadcast_in_dim3A_214 = vector.shape_cast %reduce_max3A_213 : vector<64xf32> to vector<64x1xf32>
    %gt3A_215 = arith.constant -3.000000e+37 : f32
    %gt3A_216 = vector.broadcast %gt3A_215 : f32 to vector<64x1xf32>
    %gt3A_217 = arith.cmpf ogt, %broadcast_in_dim3A_214, %gt3A_216 : vector<64x1xf32>
    %eq3A_218 = vector.broadcast %broadcast_in_dim3A_214 : vector<64x1xf32> to vector<64x10240xf32>
    %eq3A_219 = arith.cmpf oeq, %select_n3A_211, %eq3A_218 : vector<64x10240xf32>
    %and3A_220 = vector.broadcast %gt3A_217 : vector<64x1xi1> to vector<64x10240xi1>
    %and3A_221 = arith.andi %eq3A_219, %and3A_220 : vector<64x10240xi1>
    %jit3A_222 = arith.constant 10240 : i32
    %broadcast_in_dim3A_223 = vector.broadcast %jit3A_222 : i32 to vector<64x10240xi32>
    %select_n3A_224 = arith.select %and3A_221, %iota3A_0, %broadcast_in_dim3A_223 : vector<64x10240xi1>, vector<64x10240xi32>
    %reduce_min3A_225 = arith.constant dense<2147483647> : vector<64xi32>
    %reduce_min3A_226 = vector.multi_reduction <minsi>, %select_n3A_224, %reduce_min3A_225 [1] : vector<64x10240xi32> to vector<64xi32>
    %broadcast_in_dim3A_227 = vector.shape_cast %reduce_min3A_226 : vector<64xi32> to vector<64x1xi32>
    %jit3A_228 = arith.constant 0 : i32
    %broadcast_in_dim3A_229 = vector.broadcast %jit3A_228 : i32 to vector<64x1xi32>
    %select_n3A_230 = arith.select %gt3A_217, %broadcast_in_dim3A_227, %broadcast_in_dim3A_229 : vector<64x1xi1>, vector<64x1xi32>
    %convert_element_type3A_231 = arith.extui %gt3A_217 : vector<64x1xi1> to vector<64x1xi32>
    %convert_element_type3A_232 = arith.sitofp %convert_element_type3A_231 : vector<64x1xi32> to vector<64x1xf32>
    %eq3A_233 = vector.broadcast %select_n3A_230 : vector<64x1xi32> to vector<64x10240xi32>
    %eq3A_234 = arith.cmpi eq, %iota3A_0, %eq3A_233 : vector<64x10240xi32>
    %jit3A_235 = arith.constant -3.000000e+38 : f32
    %broadcast_in_dim3A_236 = vector.broadcast %jit3A_235 : f32 to vector<64x10240xf32>
    %select_n3A_237 = arith.select %eq3A_234, %broadcast_in_dim3A_236, %select_n3A_211 : vector<64x10240xi1>, vector<64x10240xf32>
    %reduce_max3A_238 = arith.constant dense<0xFF800000> : vector<64xf32>
    %reduce_max3A_239 = vector.multi_reduction <maximumf>, %select_n3A_237, %reduce_max3A_238 [1] : vector<64x10240xf32> to vector<64xf32>
    %broadcast_in_dim3A_240 = vector.shape_cast %reduce_max3A_239 : vector<64xf32> to vector<64x1xf32>
    %gt3A_241 = arith.constant -3.000000e+37 : f32
    %gt3A_242 = vector.broadcast %gt3A_241 : f32 to vector<64x1xf32>
    %gt3A_243 = arith.cmpf ogt, %broadcast_in_dim3A_240, %gt3A_242 : vector<64x1xf32>
    %eq3A_244 = vector.broadcast %broadcast_in_dim3A_240 : vector<64x1xf32> to vector<64x10240xf32>
    %eq3A_245 = arith.cmpf oeq, %select_n3A_237, %eq3A_244 : vector<64x10240xf32>
    %and3A_246 = vector.broadcast %gt3A_243 : vector<64x1xi1> to vector<64x10240xi1>
    %and3A_247 = arith.andi %eq3A_245, %and3A_246 : vector<64x10240xi1>
    %jit3A_248 = arith.constant 10240 : i32
    %broadcast_in_dim3A_249 = vector.broadcast %jit3A_248 : i32 to vector<64x10240xi32>
    %select_n3A_250 = arith.select %and3A_247, %iota3A_0, %broadcast_in_dim3A_249 : vector<64x10240xi1>, vector<64x10240xi32>
    %reduce_min3A_251 = arith.constant dense<2147483647> : vector<64xi32>
    %reduce_min3A_252 = vector.multi_reduction <minsi>, %select_n3A_250, %reduce_min3A_251 [1] : vector<64x10240xi32> to vector<64xi32>
    %broadcast_in_dim3A_253 = vector.shape_cast %reduce_min3A_252 : vector<64xi32> to vector<64x1xi32>
    %jit3A_254 = arith.constant 0 : i32
    %broadcast_in_dim3A_255 = vector.broadcast %jit3A_254 : i32 to vector<64x1xi32>
    %select_n3A_256 = arith.select %gt3A_243, %broadcast_in_dim3A_253, %broadcast_in_dim3A_255 : vector<64x1xi1>, vector<64x1xi32>
    %convert_element_type3A_257 = arith.extui %gt3A_243 : vector<64x1xi1> to vector<64x1xi32>
    %convert_element_type3A_258 = arith.sitofp %convert_element_type3A_257 : vector<64x1xi32> to vector<64x1xf32>
    %broadcast_in_dim3A_259 = arith.constant 0 : i32
    %broadcast_in_dim3A_260 = vector.broadcast %broadcast_in_dim3A_259 : i32 to vector<64x6xi32>
    %broadcast_in_dim3A_261 = arith.constant 0.000000e+00 : f32
    %broadcast_in_dim3A_262 = vector.broadcast %broadcast_in_dim3A_261 : f32 to vector<64x6xf32>
    %concatenate3A = tpu.concatenate %select_n3A_23, %select_n3A_48, %select_n3A_74, %select_n3A_100, %select_n3A_126, %select_n3A_152, %select_n3A_178, %select_n3A_204, %select_n3A_230, %select_n3A_256, %broadcast_in_dim3A_260 in 1 : vector<64x1xi32>, vector<64x1xi32>, vector<64x1xi32>, vector<64x1xi32>, vector<64x1xi32>, vector<64x1xi32>, vector<64x1xi32>, vector<64x1xi32>, vector<64x1xi32>, vector<64x1xi32>, vector<64x6xi32> -> vector<64x16xi32>
    %swap3A = arith.constant 0 : index
    %swap3A_263 = arith.constant 0 : index
    %swap3A_264 = vector.load %arg2[%swap3A, %swap3A_263] : memref<64x16xi32, #tpu.memory_space<vmem>>, vector<64x16xi32>
    tpu.vector_store %arg2[%swap3A, %swap3A_263], %concatenate3A {strides = array<i32>} : memref<64x16xi32, #tpu.memory_space<vmem>>, vector<64x16xi32>,
    %concatenate3A_265 = tpu.concatenate %convert_element_type3A_24, %convert_element_type3A_50, %convert_element_type3A_76, %convert_element_type3A_102, %convert_element_type3A_128, %convert_element_type3A_154, %convert_element_type3A_180, %convert_element_type3A_206, %convert_element_type3A_232, %convert_element_type3A_258, %broadcast_in_dim3A_262 in 1 : vector<64x1xf32>, vector<64x1xf32>, vector<64x1xf32>, vector<64x1xf32>, vector<64x1xf32>, vector<64x1xf32>, vector<64x1xf32>, vector<64x1xf32>, vector<64x1xf32>, vector<64x1xf32>, vector<64x6xf32> -> vector<64x16xf32>
    %swap3A_266 = arith.constant 0 : index
    %swap3A_267 = arith.constant 0 : index
    %swap3A_268 = vector.load %arg3[%swap3A_266, %swap3A_267] : memref<64x16xf32, #tpu.memory_space<vmem>>, vector<64x16xf32>
    tpu.vector_store %arg3[%swap3A_266, %swap3A_267], %concatenate3A_265 {strides = array<i32>} : memref<64x16xf32, #tpu.memory_space<vmem>>, vector<64x16xf32>,
    return
  }
}

module attributes {stable_mosaic.version = 14 : i64} {
  func.func @body(%arg0: memref<16x64x256xf32, #tpu.memory_space<vmem>>, %arg1: memref<16x64x1xf32, #tpu.memory_space<vmem>>, %arg2: memref<2560x256xf32, #tpu.memory_space<vmem>>, %arg3: memref<1x256xf32, #tpu.memory_space<vmem>>, %arg4: memref<256x10xf32, #tpu.memory_space<vmem>>, %arg5: memref<1x10xf32, #tpu.memory_space<vmem>>, %arg6: memref<64x10xf32, #tpu.memory_space<vmem>>) attributes {dimension_semantics = [], scalar_prefetch = 0 : i64, scratch_operands = 0 : i64, tpu.core_type = #tpu.core_type<tc>} {
    %broadcast_in_dim3A = arith.constant 0.000000e+00 : f32
    %broadcast_in_dim3A_0 = vector.broadcast %broadcast_in_dim3A : f32 to vector<64x256xf32>
    %get3A = arith.constant 0 : index
    %get3A_1 = arith.constant 0 : index
    %get3A_2 = arith.constant 0 : index
    %get3A_3 = vector.load %arg0[%get3A, %get3A_1, %get3A_2] : memref<16x64x256xf32, #tpu.memory_space<vmem>>, vector<1x64x256xf32>
    %get3A_4 = vector.shape_cast %get3A_3 : vector<1x64x256xf32> to vector<64x256xf32>
    %get3A_5 = arith.constant 0 : index
    %get3A_6 = arith.constant 0 : index
    %get3A_7 = arith.constant 0 : index
    %get3A_8 = vector.load %arg1[%get3A_5, %get3A_6, %get3A_7] : memref<16x64x1xf32, #tpu.memory_space<vmem>>, vector<1x64x1xf32>
    %get3A_9 = vector.shape_cast %get3A_8 : vector<1x64x1xf32> to vector<64x1xf32>
    %mul3A = vector.broadcast %get3A_9 : vector<64x1xf32> to vector<64x256xf32>
    %mul3A_10 = arith.mulf %get3A_4, %mul3A : vector<64x256xf32>
    %get3A_11 = arith.constant 0 : index
    %get3A_12 = arith.constant 0 : index
    %get3A_13 = vector.load %arg2[%get3A_11, %get3A_12] : memref<2560x256xf32, #tpu.memory_space<vmem>>, vector<256x256xf32>
    %dot_general3A = arith.constant dense<0.000000e+00> : vector<64x256xf32>
    %dot_general3A_14 = tpu.matmul %mul3A_10, %get3A_13, %dot_general3A {dimension_numbers = #tpu.dot_dimension_numbers<[1], [0], [0], [1], [0, 0, 1, 1], [], []>, transpose_lhs_hint = false} : vector<64x256xf32>, vector<256x256xf32>, vector<64x256xf32> -> vector<64x256xf32>
    %add3A = arith.addf %broadcast_in_dim3A_0, %dot_general3A_14 : vector<64x256xf32>
    %get3A_15 = arith.constant 1 : index
    %get3A_16 = arith.constant 0 : index
    %get3A_17 = arith.constant 0 : index
    %get3A_18 = vector.load %arg0[%get3A_15, %get3A_16, %get3A_17] : memref<16x64x256xf32, #tpu.memory_space<vmem>>, vector<1x64x256xf32>
    %get3A_19 = vector.shape_cast %get3A_18 : vector<1x64x256xf32> to vector<64x256xf32>
    %get3A_20 = arith.constant 1 : index
    %get3A_21 = arith.constant 0 : index
    %get3A_22 = arith.constant 0 : index
    %get3A_23 = vector.load %arg1[%get3A_20, %get3A_21, %get3A_22] : memref<16x64x1xf32, #tpu.memory_space<vmem>>, vector<1x64x1xf32>
    %get3A_24 = vector.shape_cast %get3A_23 : vector<1x64x1xf32> to vector<64x1xf32>
    %mul3A_25 = vector.broadcast %get3A_24 : vector<64x1xf32> to vector<64x256xf32>
    %mul3A_26 = arith.mulf %get3A_19, %mul3A_25 : vector<64x256xf32>
    %get3A_27 = arith.constant 256 : index
    %get3A_28 = arith.constant 0 : index
    %get3A_29 = vector.load %arg2[%get3A_27, %get3A_28] : memref<2560x256xf32, #tpu.memory_space<vmem>>, vector<256x256xf32>
    %dot_general3A_30 = arith.constant dense<0.000000e+00> : vector<64x256xf32>
    %dot_general3A_31 = tpu.matmul %mul3A_26, %get3A_29, %dot_general3A_30 {dimension_numbers = #tpu.dot_dimension_numbers<[1], [0], [0], [1], [0, 0, 1, 1], [], []>, transpose_lhs_hint = false} : vector<64x256xf32>, vector<256x256xf32>, vector<64x256xf32> -> vector<64x256xf32>
    %add3A_32 = arith.addf %add3A, %dot_general3A_31 : vector<64x256xf32>
    %get3A_33 = arith.constant 2 : index
    %get3A_34 = arith.constant 0 : index
    %get3A_35 = arith.constant 0 : index
    %get3A_36 = vector.load %arg0[%get3A_33, %get3A_34, %get3A_35] : memref<16x64x256xf32, #tpu.memory_space<vmem>>, vector<1x64x256xf32>
    %get3A_37 = vector.shape_cast %get3A_36 : vector<1x64x256xf32> to vector<64x256xf32>
    %get3A_38 = arith.constant 2 : index
    %get3A_39 = arith.constant 0 : index
    %get3A_40 = arith.constant 0 : index
    %get3A_41 = vector.load %arg1[%get3A_38, %get3A_39, %get3A_40] : memref<16x64x1xf32, #tpu.memory_space<vmem>>, vector<1x64x1xf32>
    %get3A_42 = vector.shape_cast %get3A_41 : vector<1x64x1xf32> to vector<64x1xf32>
    %mul3A_43 = vector.broadcast %get3A_42 : vector<64x1xf32> to vector<64x256xf32>
    %mul3A_44 = arith.mulf %get3A_37, %mul3A_43 : vector<64x256xf32>
    %get3A_45 = arith.constant 512 : index
    %get3A_46 = arith.constant 0 : index
    %get3A_47 = vector.load %arg2[%get3A_45, %get3A_46] : memref<2560x256xf32, #tpu.memory_space<vmem>>, vector<256x256xf32>
    %dot_general3A_48 = arith.constant dense<0.000000e+00> : vector<64x256xf32>
    %dot_general3A_49 = tpu.matmul %mul3A_44, %get3A_47, %dot_general3A_48 {dimension_numbers = #tpu.dot_dimension_numbers<[1], [0], [0], [1], [0, 0, 1, 1], [], []>, transpose_lhs_hint = false} : vector<64x256xf32>, vector<256x256xf32>, vector<64x256xf32> -> vector<64x256xf32>
    %add3A_50 = arith.addf %add3A_32, %dot_general3A_49 : vector<64x256xf32>
    %get3A_51 = arith.constant 3 : index
    %get3A_52 = arith.constant 0 : index
    %get3A_53 = arith.constant 0 : index
    %get3A_54 = vector.load %arg0[%get3A_51, %get3A_52, %get3A_53] : memref<16x64x256xf32, #tpu.memory_space<vmem>>, vector<1x64x256xf32>
    %get3A_55 = vector.shape_cast %get3A_54 : vector<1x64x256xf32> to vector<64x256xf32>
    %get3A_56 = arith.constant 3 : index
    %get3A_57 = arith.constant 0 : index
    %get3A_58 = arith.constant 0 : index
    %get3A_59 = vector.load %arg1[%get3A_56, %get3A_57, %get3A_58] : memref<16x64x1xf32, #tpu.memory_space<vmem>>, vector<1x64x1xf32>
    %get3A_60 = vector.shape_cast %get3A_59 : vector<1x64x1xf32> to vector<64x1xf32>
    %mul3A_61 = vector.broadcast %get3A_60 : vector<64x1xf32> to vector<64x256xf32>
    %mul3A_62 = arith.mulf %get3A_55, %mul3A_61 : vector<64x256xf32>
    %get3A_63 = arith.constant 768 : index
    %get3A_64 = arith.constant 0 : index
    %get3A_65 = vector.load %arg2[%get3A_63, %get3A_64] : memref<2560x256xf32, #tpu.memory_space<vmem>>, vector<256x256xf32>
    %dot_general3A_66 = arith.constant dense<0.000000e+00> : vector<64x256xf32>
    %dot_general3A_67 = tpu.matmul %mul3A_62, %get3A_65, %dot_general3A_66 {dimension_numbers = #tpu.dot_dimension_numbers<[1], [0], [0], [1], [0, 0, 1, 1], [], []>, transpose_lhs_hint = false} : vector<64x256xf32>, vector<256x256xf32>, vector<64x256xf32> -> vector<64x256xf32>
    %add3A_68 = arith.addf %add3A_50, %dot_general3A_67 : vector<64x256xf32>
    %get3A_69 = arith.constant 4 : index
    %get3A_70 = arith.constant 0 : index
    %get3A_71 = arith.constant 0 : index
    %get3A_72 = vector.load %arg0[%get3A_69, %get3A_70, %get3A_71] : memref<16x64x256xf32, #tpu.memory_space<vmem>>, vector<1x64x256xf32>
    %get3A_73 = vector.shape_cast %get3A_72 : vector<1x64x256xf32> to vector<64x256xf32>
    %get3A_74 = arith.constant 4 : index
    %get3A_75 = arith.constant 0 : index
    %get3A_76 = arith.constant 0 : index
    %get3A_77 = vector.load %arg1[%get3A_74, %get3A_75, %get3A_76] : memref<16x64x1xf32, #tpu.memory_space<vmem>>, vector<1x64x1xf32>
    %get3A_78 = vector.shape_cast %get3A_77 : vector<1x64x1xf32> to vector<64x1xf32>
    %mul3A_79 = vector.broadcast %get3A_78 : vector<64x1xf32> to vector<64x256xf32>
    %mul3A_80 = arith.mulf %get3A_73, %mul3A_79 : vector<64x256xf32>
    %get3A_81 = arith.constant 1024 : index
    %get3A_82 = arith.constant 0 : index
    %get3A_83 = vector.load %arg2[%get3A_81, %get3A_82] : memref<2560x256xf32, #tpu.memory_space<vmem>>, vector<256x256xf32>
    %dot_general3A_84 = arith.constant dense<0.000000e+00> : vector<64x256xf32>
    %dot_general3A_85 = tpu.matmul %mul3A_80, %get3A_83, %dot_general3A_84 {dimension_numbers = #tpu.dot_dimension_numbers<[1], [0], [0], [1], [0, 0, 1, 1], [], []>, transpose_lhs_hint = false} : vector<64x256xf32>, vector<256x256xf32>, vector<64x256xf32> -> vector<64x256xf32>
    %add3A_86 = arith.addf %add3A_68, %dot_general3A_85 : vector<64x256xf32>
    %get3A_87 = arith.constant 5 : index
    %get3A_88 = arith.constant 0 : index
    %get3A_89 = arith.constant 0 : index
    %get3A_90 = vector.load %arg0[%get3A_87, %get3A_88, %get3A_89] : memref<16x64x256xf32, #tpu.memory_space<vmem>>, vector<1x64x256xf32>
    %get3A_91 = vector.shape_cast %get3A_90 : vector<1x64x256xf32> to vector<64x256xf32>
    %get3A_92 = arith.constant 5 : index
    %get3A_93 = arith.constant 0 : index
    %get3A_94 = arith.constant 0 : index
    %get3A_95 = vector.load %arg1[%get3A_92, %get3A_93, %get3A_94] : memref<16x64x1xf32, #tpu.memory_space<vmem>>, vector<1x64x1xf32>
    %get3A_96 = vector.shape_cast %get3A_95 : vector<1x64x1xf32> to vector<64x1xf32>
    %mul3A_97 = vector.broadcast %get3A_96 : vector<64x1xf32> to vector<64x256xf32>
    %mul3A_98 = arith.mulf %get3A_91, %mul3A_97 : vector<64x256xf32>
    %get3A_99 = arith.constant 1280 : index
    %get3A_100 = arith.constant 0 : index
    %get3A_101 = vector.load %arg2[%get3A_99, %get3A_100] : memref<2560x256xf32, #tpu.memory_space<vmem>>, vector<256x256xf32>
    %dot_general3A_102 = arith.constant dense<0.000000e+00> : vector<64x256xf32>
    %dot_general3A_103 = tpu.matmul %mul3A_98, %get3A_101, %dot_general3A_102 {dimension_numbers = #tpu.dot_dimension_numbers<[1], [0], [0], [1], [0, 0, 1, 1], [], []>, transpose_lhs_hint = false} : vector<64x256xf32>, vector<256x256xf32>, vector<64x256xf32> -> vector<64x256xf32>
    %add3A_104 = arith.addf %add3A_86, %dot_general3A_103 : vector<64x256xf32>
    %get3A_105 = arith.constant 6 : index
    %get3A_106 = arith.constant 0 : index
    %get3A_107 = arith.constant 0 : index
    %get3A_108 = vector.load %arg0[%get3A_105, %get3A_106, %get3A_107] : memref<16x64x256xf32, #tpu.memory_space<vmem>>, vector<1x64x256xf32>
    %get3A_109 = vector.shape_cast %get3A_108 : vector<1x64x256xf32> to vector<64x256xf32>
    %get3A_110 = arith.constant 6 : index
    %get3A_111 = arith.constant 0 : index
    %get3A_112 = arith.constant 0 : index
    %get3A_113 = vector.load %arg1[%get3A_110, %get3A_111, %get3A_112] : memref<16x64x1xf32, #tpu.memory_space<vmem>>, vector<1x64x1xf32>
    %get3A_114 = vector.shape_cast %get3A_113 : vector<1x64x1xf32> to vector<64x1xf32>
    %mul3A_115 = vector.broadcast %get3A_114 : vector<64x1xf32> to vector<64x256xf32>
    %mul3A_116 = arith.mulf %get3A_109, %mul3A_115 : vector<64x256xf32>
    %get3A_117 = arith.constant 1536 : index
    %get3A_118 = arith.constant 0 : index
    %get3A_119 = vector.load %arg2[%get3A_117, %get3A_118] : memref<2560x256xf32, #tpu.memory_space<vmem>>, vector<256x256xf32>
    %dot_general3A_120 = arith.constant dense<0.000000e+00> : vector<64x256xf32>
    %dot_general3A_121 = tpu.matmul %mul3A_116, %get3A_119, %dot_general3A_120 {dimension_numbers = #tpu.dot_dimension_numbers<[1], [0], [0], [1], [0, 0, 1, 1], [], []>, transpose_lhs_hint = false} : vector<64x256xf32>, vector<256x256xf32>, vector<64x256xf32> -> vector<64x256xf32>
    %add3A_122 = arith.addf %add3A_104, %dot_general3A_121 : vector<64x256xf32>
    %get3A_123 = arith.constant 7 : index
    %get3A_124 = arith.constant 0 : index
    %get3A_125 = arith.constant 0 : index
    %get3A_126 = vector.load %arg0[%get3A_123, %get3A_124, %get3A_125] : memref<16x64x256xf32, #tpu.memory_space<vmem>>, vector<1x64x256xf32>
    %get3A_127 = vector.shape_cast %get3A_126 : vector<1x64x256xf32> to vector<64x256xf32>
    %get3A_128 = arith.constant 7 : index
    %get3A_129 = arith.constant 0 : index
    %get3A_130 = arith.constant 0 : index
    %get3A_131 = vector.load %arg1[%get3A_128, %get3A_129, %get3A_130] : memref<16x64x1xf32, #tpu.memory_space<vmem>>, vector<1x64x1xf32>
    %get3A_132 = vector.shape_cast %get3A_131 : vector<1x64x1xf32> to vector<64x1xf32>
    %mul3A_133 = vector.broadcast %get3A_132 : vector<64x1xf32> to vector<64x256xf32>
    %mul3A_134 = arith.mulf %get3A_127, %mul3A_133 : vector<64x256xf32>
    %get3A_135 = arith.constant 1792 : index
    %get3A_136 = arith.constant 0 : index
    %get3A_137 = vector.load %arg2[%get3A_135, %get3A_136] : memref<2560x256xf32, #tpu.memory_space<vmem>>, vector<256x256xf32>
    %dot_general3A_138 = arith.constant dense<0.000000e+00> : vector<64x256xf32>
    %dot_general3A_139 = tpu.matmul %mul3A_134, %get3A_137, %dot_general3A_138 {dimension_numbers = #tpu.dot_dimension_numbers<[1], [0], [0], [1], [0, 0, 1, 1], [], []>, transpose_lhs_hint = false} : vector<64x256xf32>, vector<256x256xf32>, vector<64x256xf32> -> vector<64x256xf32>
    %add3A_140 = arith.addf %add3A_122, %dot_general3A_139 : vector<64x256xf32>
    %get3A_141 = arith.constant 8 : index
    %get3A_142 = arith.constant 0 : index
    %get3A_143 = arith.constant 0 : index
    %get3A_144 = vector.load %arg0[%get3A_141, %get3A_142, %get3A_143] : memref<16x64x256xf32, #tpu.memory_space<vmem>>, vector<1x64x256xf32>
    %get3A_145 = vector.shape_cast %get3A_144 : vector<1x64x256xf32> to vector<64x256xf32>
    %get3A_146 = arith.constant 8 : index
    %get3A_147 = arith.constant 0 : index
    %get3A_148 = arith.constant 0 : index
    %get3A_149 = vector.load %arg1[%get3A_146, %get3A_147, %get3A_148] : memref<16x64x1xf32, #tpu.memory_space<vmem>>, vector<1x64x1xf32>
    %get3A_150 = vector.shape_cast %get3A_149 : vector<1x64x1xf32> to vector<64x1xf32>
    %mul3A_151 = vector.broadcast %get3A_150 : vector<64x1xf32> to vector<64x256xf32>
    %mul3A_152 = arith.mulf %get3A_145, %mul3A_151 : vector<64x256xf32>
    %get3A_153 = arith.constant 2048 : index
    %get3A_154 = arith.constant 0 : index
    %get3A_155 = vector.load %arg2[%get3A_153, %get3A_154] : memref<2560x256xf32, #tpu.memory_space<vmem>>, vector<256x256xf32>
    %dot_general3A_156 = arith.constant dense<0.000000e+00> : vector<64x256xf32>
    %dot_general3A_157 = tpu.matmul %mul3A_152, %get3A_155, %dot_general3A_156 {dimension_numbers = #tpu.dot_dimension_numbers<[1], [0], [0], [1], [0, 0, 1, 1], [], []>, transpose_lhs_hint = false} : vector<64x256xf32>, vector<256x256xf32>, vector<64x256xf32> -> vector<64x256xf32>
    %add3A_158 = arith.addf %add3A_140, %dot_general3A_157 : vector<64x256xf32>
    %get3A_159 = arith.constant 9 : index
    %get3A_160 = arith.constant 0 : index
    %get3A_161 = arith.constant 0 : index
    %get3A_162 = vector.load %arg0[%get3A_159, %get3A_160, %get3A_161] : memref<16x64x256xf32, #tpu.memory_space<vmem>>, vector<1x64x256xf32>
    %get3A_163 = vector.shape_cast %get3A_162 : vector<1x64x256xf32> to vector<64x256xf32>
    %get3A_164 = arith.constant 9 : index
    %get3A_165 = arith.constant 0 : index
    %get3A_166 = arith.constant 0 : index
    %get3A_167 = vector.load %arg1[%get3A_164, %get3A_165, %get3A_166] : memref<16x64x1xf32, #tpu.memory_space<vmem>>, vector<1x64x1xf32>
    %get3A_168 = vector.shape_cast %get3A_167 : vector<1x64x1xf32> to vector<64x1xf32>
    %mul3A_169 = vector.broadcast %get3A_168 : vector<64x1xf32> to vector<64x256xf32>
    %mul3A_170 = arith.mulf %get3A_163, %mul3A_169 : vector<64x256xf32>
    %get3A_171 = arith.constant 2304 : index
    %get3A_172 = arith.constant 0 : index
    %get3A_173 = vector.load %arg2[%get3A_171, %get3A_172] : memref<2560x256xf32, #tpu.memory_space<vmem>>, vector<256x256xf32>
    %dot_general3A_174 = arith.constant dense<0.000000e+00> : vector<64x256xf32>
    %dot_general3A_175 = tpu.matmul %mul3A_170, %get3A_173, %dot_general3A_174 {dimension_numbers = #tpu.dot_dimension_numbers<[1], [0], [0], [1], [0, 0, 1, 1], [], []>, transpose_lhs_hint = false} : vector<64x256xf32>, vector<256x256xf32>, vector<64x256xf32> -> vector<64x256xf32>
    %add3A_176 = arith.addf %add3A_158, %dot_general3A_175 : vector<64x256xf32>
    %get3A_177 = arith.constant 0 : index
    %get3A_178 = arith.constant 0 : index
    %get3A_179 = vector.load %arg3[%get3A_177, %get3A_178] : memref<1x256xf32, #tpu.memory_space<vmem>>, vector<1x256xf32>
    %add3A_180 = vector.broadcast %get3A_179 : vector<1x256xf32> to vector<64x256xf32>
    %add3A_181 = arith.addf %add3A_176, %add3A_180 : vector<64x256xf32>
    %max3A = arith.constant 0.000000e+00 : f32
    %max3A_182 = vector.broadcast %max3A : f32 to vector<64x256xf32>
    %max3A_183 = arith.maximumf %add3A_181, %max3A_182 : vector<64x256xf32>
    %get3A_184 = arith.constant 0 : index
    %get3A_185 = arith.constant 0 : index
    %get3A_186 = vector.load %arg4[%get3A_184, %get3A_185] : memref<256x10xf32, #tpu.memory_space<vmem>>, vector<256x10xf32>
    %dot_general3A_187 = arith.constant dense<0.000000e+00> : vector<64x10xf32>
    %dot_general3A_188 = tpu.matmul %max3A_183, %get3A_186, %dot_general3A_187 {dimension_numbers = #tpu.dot_dimension_numbers<[1], [0], [0], [1], [0, 0, 1, 1], [], []>, transpose_lhs_hint = false} : vector<64x256xf32>, vector<256x10xf32>, vector<64x10xf32> -> vector<64x10xf32>
    %get3A_189 = arith.constant 0 : index
    %get3A_190 = arith.constant 0 : index
    %get3A_191 = vector.load %arg5[%get3A_189, %get3A_190] : memref<1x10xf32, #tpu.memory_space<vmem>>, vector<1x10xf32>
    %add3A_192 = vector.broadcast %get3A_191 : vector<1x10xf32> to vector<64x10xf32>
    %add3A_193 = arith.addf %dot_general3A_188, %add3A_192 : vector<64x10xf32>
    %reduce_max3A = arith.constant dense<0xFF800000> : vector<64xf32>
    %reduce_max3A_194 = vector.multi_reduction <maximumf>, %add3A_193, %reduce_max3A [1] : vector<64x10xf32> to vector<64xf32>
    %broadcast_in_dim3A_195 = vector.shape_cast %reduce_max3A_194 : vector<64xf32> to vector<64x1xf32>
    %sub3A = vector.broadcast %broadcast_in_dim3A_195 : vector<64x1xf32> to vector<64x10xf32>
    %sub3A_196 = arith.subf %add3A_193, %sub3A : vector<64x10xf32>
    %exp3A = math.exp %sub3A_196 : vector<64x10xf32>
    %reduce_sum3A = arith.constant dense<0.000000e+00> : vector<64xf32>
    %reduce_sum3A_197 = vector.multi_reduction <add>, %exp3A, %reduce_sum3A [1] : vector<64x10xf32> to vector<64xf32>
    %broadcast_in_dim3A_198 = vector.shape_cast %reduce_sum3A_197 : vector<64xf32> to vector<64x1xf32>
    %log3A = math.log %broadcast_in_dim3A_198 : vector<64x1xf32>
    %sub3A_199 = vector.broadcast %broadcast_in_dim3A_195 : vector<64x1xf32> to vector<64x10xf32>
    %sub3A_200 = arith.subf %add3A_193, %sub3A_199 : vector<64x10xf32>
    %sub3A_201 = vector.broadcast %log3A : vector<64x1xf32> to vector<64x10xf32>
    %sub3A_202 = arith.subf %sub3A_200, %sub3A_201 : vector<64x10xf32>
    %swap3A = arith.constant 0 : index
    %swap3A_203 = arith.constant 0 : index
    %swap3A_204 = vector.load %arg6[%swap3A, %swap3A_203] : memref<64x10xf32, #tpu.memory_space<vmem>>, vector<64x10xf32>
    tpu.vector_store %arg6[%swap3A, %swap3A_203], %sub3A_202 {strides = array<i32>} : memref<64x10xf32, #tpu.memory_space<vmem>>, vector<64x10xf32>,
    return
  }
}

</mosaic_0001>

<sc_bundles>
// kernel: kernel.21.cloned.1.call-start
scs
__scs_entry_jumppad:
0x0: {  	(pc) =	sbr.rel $0x88, $3  }
0x1: {  	(tag) =	ssettag $0x0;
	lr =	simm.s32 $0x1  }
0x2: {  	[smem:$0x3F88] =	sst lr;
	_ =	strace $0xD0000000  }
0x3: {  	_ = 	snop  }
0x4: {  	_ = 	snop  }
0x5: {  	_ = 	snop  }
0x6: {  	_ = 	snop  }
0x7: {  	_ = 	snop  }
__scs_overlays_trampoline_lowered:
0x8: {  	[smem:$0x3F97] =	sst s0  }
0x9: {  	[smem:$0x3F98] =	sst s1  }
0xa: {  	[smem:$0x3F99] =	sst s2  }
0xb: {  	[smem:$0x3F9A] =	sst s3  }
0xc: {  	[smem:$0x3F9B] =	sst s4  }
0xd: {  	[smem:$0x3F9C] =	sst s5  }
0xe: {  	[smem:$0x3F9D] =	sst s6  }
0xf: {  	[smem:$0x3F9E] =	sst s7  }
0x10: {  	[smem:$0x3F9F] =	sst s8  }
0x11: {  	[smem:$0x3FA0] =	sst s9;
	s0 =	simm.s32 @!p0 $0x0  }
0x12: {  	s1 =	sld [smem:$0x3F86];
	s0 =	simm.s32 @p0 $0x1  }
0x13: {  	[smem:$0x3FA1] =	sst s0;
	s0 =	simm.s32 @!p1 $0x0  }
0x14: {  	s2 =	sld [smem:$0x3F85];
	s0 =	simm.s32 @p1 $0x1  }
0x15: {  	[smem:$0x3FA2] =	sst s0;
	s0 =	simm.s32 @!p2 $0x0  }
0x16: {  	s3 =	sld [smem:$0x3FDB];
	s0 =	simm.s32 @p2 $0x1  }
0x17: {  	s4 =	simm.s32 $0x1BF5;
	[smem:$0x3FA4] =	sst s0  }
0x18: {  	s0 =	sld [smem:$0x3F87];
	_ =	swait.ge [sflag:s4], $0x0  }
0x19: {  	s7 =	sld [smem:$0x3F88]  }
0x1a: {  	s8 =	sadd.s32 $0xFFFFE003, lr  }
0x1b: {  	s9 =	sadd.s32 $0xFFFFFEF7, lr;
	s5 =	simm.s32 $0xFFFFFFFF;
	p2 =	slt.u32 s8, $0xFFFFF086  }
0x1c: {  	p1 =	slt.u32 s9, $0xF7A;
	s5 =	simm.s32 @!p2 $0x0  }
0x1d: {  	s5 =	simm.s32 @p1 $0x1;
	p0 =	seq.s32 s7, s2  }
0x1e: {  	s7 =	smul.u32 @!p0 $0xF7A, s2;
	p2 =	seq.s32 @!p0 s5, $0x0  }
0x1f: {  	s9 =	smul.u32 $0xF7A, s1;
	s8 =	simm.s32 @!p0 $0x1BF5;
	p2 =	por !p2, p0  }
0x20: {  	[sflag:s8] =	ssyncset.s32 @!p0 $0xFFFFF086;
	s6 =	sadd.s32 @!p0 s3, s7;
	s7 =	simm.s32 @!p0 $0x108  }
0x21: {  	s3 =	sadd.s32 s3, s9;
	s6 =	sadd.s32 @!p0 $0x88, s6;
	s7 =	simm.s32 @p2 $0x1082  }
0x22: {  	[simem:s7], [sflag:s8] =	dma.local @!p0 [hbm:s6], $0xF7A  }
0x23: {  	s9 =	sor.u32 $0xD0000000, s2;
	s6 =	simm.s32 $0x108;
	_ =	swait.ge @!p0 [sflag:s8], $0x0  }
0x24: {  	s3 =	sadd.s32 $0x88, s3;
	s6 =	simm.s32 @!p1 $0x1082;
	[sflag:s4] =	ssyncset.s32 $0xFFFFF086  }
0x25: {  	[simem:s6], [sflag:s4] =	dma.local [hbm:s3], $0xF7A  }
0x26: {  	[smem:$0x3F88] =	sst s1;
	(tag) =	ssettag s2;
	_ =	strace s9  }
0x27: {  	s1 =	sld [smem:$0x3F98]  }
0x28: {  	s2 =	sld [smem:$0x3F99]  }
0x29: {  	s4 =	sld [smem:$0x3F9B]  }
0x2a: {  	p0 =	seq.s32 s5, $0x0;
	s5 =	sld [smem:$0x3F9C]  }
0x2b: {  	s6 =	sld [smem:$0x3F9D]  }
0x2c: {  	s7 =	sld [smem:$0x3F9E]  }
0x2d: {  	s3 =	simm.s32 $0x108;
	s8 =	sld [smem:$0x3F9F]  }
0x2e: {  	s3 =	simm.s32 @!p0 $0x1082;
	s9 =	sld [smem:$0x3FA0]  }
0x2f: {  	lr =	sadd.s32 s0, s3;
	s0 =	sld [smem:$0x3F97]  }
0x30: {  	s3 =	sld [smem:$0x3F9A]  }
0x31: {  	[smem:$0x3FA3] =	sst s10  }
0x32: {  	s10 =	sld [smem:$0x3FA1];
	_ =	sdelay $0x3  }
0x33: {  	p0 =	seq.s32 s10, $0x1;
	s10 =	sld [smem:$0x3FA3];
	_ =	sdelay $0x3  }
0x34: {  	[smem:$0x3FA3] =	sst s10  }
0x35: {  	s10 =	sld [smem:$0x3FA2];
	_ =	sdelay $0x3  }
0x36: {  	p1 =	seq.s32 s10, $0x1;
	s10 =	sld [smem:$0x3FA3];
	_ =	sdelay $0x3  }
0x37: {  	[smem:$0x3FA3] =	sst s10  }
0x38: {  	s10 =	sld [smem:$0x3FA4]  }
0x39: {  	_ = 	snop;
	(pc) =	sbr.ind lr, $3  }
0x3a: {  	_ = 	snop  }
0x3b: {  	_ = 	snop  }
0x3c: {  	p2 =	seq.s32 s10, $0x1;
	s10 =	sld [smem:$0x3FA3]  }
0x3d: {  	_ =	shalt  }
0x3e: {  	_ =	shalt  }
0x3f: {  	_ =	shalt  }
0x40: {  	_ =	shalt  }
0x41: {  	_ =	shalt  }
0x42: {  	_ =	shalt  }
0x43: {  	_ =	shalt  }
0x44: {  	_ =	shalt  }
0x45: {  	_ =	shalt  }
0x46: {  	_ =	shalt  }
0x47: {  	_ =	shalt  }
0x48: {  	_ =	shalt  }
0x49: {  	_ =	shalt  }
0x4a: {  	_ =	shalt  }
0x4b: {  	_ =	shalt  }
0x4c: {  	_ =	shalt  }
0x4d: {  	_ =	shalt  }
0x4e: {  	_ =	shalt  }
0x4f: {  	_ =	shalt  }
0x50: {  	_ =	shalt  }
0x51: {  	_ =	shalt  }
0x52: {  	_ =	shalt  }
0x53: {  	_ =	shalt  }
0x54: {  	_ =	shalt  }
0x55: {  	_ =	shalt  }
0x56: {  	_ =	shalt  }
0x57: {  	_ =	shalt  }
0x58: {  	_ =	shalt  }
0x59: {  	_ =	shalt  }
0x5a: {  	_ =	shalt  }
0x5b: {  	_ =	shalt  }
0x5c: {  	_ =	shalt  }
0x5d: {  	_ =	shalt  }
0x5e: {  	_ =	shalt  }
0x5f: {  	_ =	shalt  }
0x60: {  	_ =	shalt  }
0x61: {  	_ =	shalt  }
0x62: {  	_ =	shalt  }
0x63: {  	_ =	shalt  }
0x64: {  	_ =	shalt  }
0x65: {  	_ =	shalt  }
0x66: {  	_ =	shalt  }
0x67: {  	_ =	shalt  }
0x68: {  	_ =	shalt  }
0x69: {  	_ =	shalt  }
0x6a: {  	_ =	shalt  }
0x6b: {  	_ =	shalt  }
0x6c: {  	_ =	shalt  }
0x6d: {  	_ =	shalt  }
0x6e: {  	_ =	shalt  }
0x6f: {  	_ =	shalt  }
0x70: {  	_ =	shalt  }
0x71: {  	_ =	shalt  }
0x72: {  	_ =	shalt  }
0x73: {  	_ =	shalt  }
0x74: {  	_ =	shalt  }
0x75: {  	_ =	shalt  }
0x76: {  	_ =	shalt  }
0x77: {  	_ =	shalt  }
0x78: {  	_ =	shalt  }
0x79: {  	_ =	shalt  }
0x7a: {  	_ =	shalt  }
0x7b: {  	_ =	shalt  }
0x7c: {  	_ =	shalt  }
0x7d: {  	_ =	shalt  }
0x7e: {  	_ =	shalt  }
0x7f: {  	_ =	shalt  }
0x80: {  	_ =	shalt  }
0x81: {  	_ =	shalt  }
0x82: {  	_ =	shalt  }
0x83: {  	_ =	shalt  }
0x84: {  	_ =	shalt  }
0x85: {  	_ =	shalt  }
0x86: {  	_ =	shalt  }
0x87: {  	_ =	shalt  }
.Lfunc_end0:
.L_simem_size_0:
called_computation_lowered:
.L_overlay_start_0:
0x88: {  	s2 =	sld [smem:$0x3FD9]  }
0x89: {  	s3 =	sld [smem:$0x3FFE];
	_ =	sdelay $0x1  }
0x8a: {  	s1 =	srdreg.scid  }
0x8b: {  	s0 =	sand.u32 $0x1, s1  }
0x8c: {  	s16 =	sshll.u32 s0, $0xA;
	s2 =	sadd.s32 s3, s2  }
0x8d: {  	s2 =	sadd.s32 s2, s16  }
0x8e: {  	[smem:$0x3FAF] =	sst s2  }
0x8f: {  	_ = 	snop  }
0x90: {  	(tm) =	ssettm $0x1  }
0x91: {  	s17 =	sld [smem:$0x3FFB];
	_ =	sdelay $0x3  }
0x92: {  	_ =	strace s17  }
0x93: {  	s2 =	sld [smem:$0x3FFC];
	_ =	sdelay $0x3  }
0x94: {  	_ =	strace s2  }
0x95: {  	s2 =	sld [smem:$0x3FFD];
	_ =	sdelay $0x3  }
0x96: {  	_ =	strace s2  }
0x97: {  	_ =	strace $0x8FFFFFFF  }
0x98: {  	s18 =	sld [smem:$0x3FDB];
	_ =	sdelay $0x1  }
0x99: {  	s19 =	simm.s32 $_scs_section_size  }
0x9a: {  	s4 =	simm.s32 $_size__tile_overlayer_lowered;
	s5 =	simm.s32 $_tile_overlayer_lowered  }
0x9b: {  	s22 =	simm.s32 $0x1BFF;
	s21 =	sshll.u32 s5, $0x1;
	s2 =	sadd.s32 s19, s18  }
0x9c: {  	s6 =	simm.s32 $0x0;
	s20 =	sshll.u32 s4, $0x1;
	s4 =	sadd.s32 s21, s2  }
0x9d: {  	[timem:s6], [sflag:s22] =	dma.local [hbm:s4], s20  }
0x9e: {  	_ =	swait.ge [sflag:s22], s20  }
0x9f: {  	s3 =	ssub.s32 $0x0, s20;
	[sflag:s22] =	ssyncset.done $0x0  }
0xa0: {  	[sflag:s22] =	ssyncadd.s32 s3;
	_ =	sdelay $0x1  }
0xa1: {  	s23 =	simm.s32 $0x1B8B  }
0xa2: {  	_ =	swait.ge [sflag:s23], $0x1  }
0xa3: {  	[sflag:s23] =	ssyncset.done $0x0  }
0xa4: {  	s25 =	simm.s32 $0x1B8E;
	s24 =	sld [smem:$0x3FFE];
	[sflag:s23] =	ssyncadd.s32 $0xFFFFFFFF  }
0xa5: {  	s26 =	simm.s32 $execute0_lowered;
	[smem:$0x3FD2] =	sst s25  }
0xa6: {  	s4 =	sshll.u32 s26, $0x1;
	_ =	strace $0x80000046;
	[dreg:$0x1] =	wrdreg $0xFFFFFFFF  }
0xa7: {  	s28 =	simm.s32 $_size_execute0_lowered;
	s2 =	sadd.s32 s2, s4;
	[dreg:$0x0] =	wrdreg $0x0  }
0xa8: {  	s4 =	sshll.u32 s28, $0x1;
	[dreg:$0x2] =	wrdreg s2  }
0xa9: {  	[dreg:$0x3] =	wrdreg s4  }
0xaa: {  	[dreg:$0x4] =	wrdreg $0xC0  }
0xab: {  	_ =	task [dreg:s6], $0x5FFFF  }
0xac: {  	[dreg:$0x1] =	wrdreg $0xFFFFFFFF  }
0xad: {  	[dreg:$0x0] =	wrdreg $0x60  }
0xae: {  	[dreg:$0x2] =	wrdreg s24  }
0xaf: {  	[dreg:$0x3] =	wrdreg $0x2B000  }
0xb0: {  	[dreg:$0x4] =	wrdreg $0x9  }
0xb1: {  	_ =	task.clear_ibuf [dreg:s6], $0x5FFFF;
	_ =	strace $0x90000046  }
0xb2: {  	s29 =	simm.s32 $0x9;
	_ =	strace $0x80000048  }
0xb3: {  	_ =	swait.ge [sflag:s29], $0x1  }
0xb4: {  	[sflag:s29] =	ssyncadd.s32 $0xFFFFFFFF  }
0xb5: {  	_ =	strace $0x90000048  }
0xb6: {  	_ =	sfence  }
0xb7: {  	s30 =	sld [smem:$0x0];
	_ =	sdelay $0x2  }
0xb8: {  	s31 =	sshll.u32 s1, $0xD;
	s1 =	sshrl.u32 s1, $0x2  }
0xb9: {  	s3 =	sand.u32 $0x4000, s31;
	s1 =	sadd.s32 s1, s30  }
0xba: {  	s0 =	sor.u32 s3, s0;
	s1 =	sshll.u32 s1, $0x11  }
0xbb: {  	s0 =	sor.u32 s1, s0  }
0xbc: {  	s0 =	sadd.s32 $0x8F2B, s0  }
0xbd: {  	[sflag:s0] =	ssyncadd.remote.s32 $0x1  }
0xbe: {  	_ =	sfence.sel $0xFFFF  }
0xbf: {  	[dreg:$0x0] =	wrdreg $0xFFFFFFFF;
	(pc) =	sbr.abs _section_cstart, $3  }
0xc0: {  	[dreg:$0x1] =	wrdreg $0xFFFFFFFF  }
0xc1: {  	_ =	task.clear_ibuf [dreg:s6], $0x2FFFF;
	_ =	strace $0x9FFFFFFF  }
0xc2: {  	(tm) =	ssettm $0x7FFFFFFF  }
0xc3: {  	_ =	shalt  }
tec
execute0_lowered:
.L_overlay_start_1:
0x0: {  	(tag) =	ssettag $0x1  }
0x1: {  	s4 =	rddreg [dreg:$0x0]  }
0x2: {  	s1 =	rddreg [dreg:$0x1]  }
0x3: {  	s0 =	rddreg [dreg:$0x2];
	s3 =	simm.s32 $0x0  }
0x4: {  	s5 =	srdreg.scid;
	s2 =	stileid.u32;
	s14 =	simm.f32 $1.000000000e+00  }
0x5: {  	s11 =	simm.s32 $0x2800;
	s15 =	simm.s32 $0x10;
	s16 =	simm.s32 $0x0  }
0x6: {  	[smem:$0x7FF] =	sst s3;
	s5 =	sand.u32 $0x1, s5;
	s7 =	smul.u32 $0x500, s2  }
0x7: {  	s6 =	sshll.u32 s2, $0x1;
	s10 =	smul.u32 $0xA00, s2;
	s12 =	sshll.u32 s2, $0x6  }
0x8: {  	_ =	strace $0x80000047;
	s6 =	sor.u32 s5, s6;
	s8 =	sshll.u32 s5, $0x7  }
0x9: {  	s30 =	ssub.s32 $0x2, s5;
	p0 =	seq.s32 s5, $0x0;
	s12 =	sor.u32 $0x1C01, s12  }
0xa: {  	s6 =	smul.u32 $0x500, s6;
	s7 =	sor.u32 s8, s7;
	s9 =	sshrl.u32 s30, $0x1  }
0xb: {  	s31 =	sshrl.u32 s10, $0x2;
	s14 =	simm.s32 @!p0 $0x0;
	s10 =	simm.s32 $0x80  }
0xc: {  	s7 =	sshrl.u32 s7, $0x3;
	s8 =	ssub.s32 s30, s9;
	s5 =	sadd.s32 s31, s1  }
0xd: {  	s9 =	simm.s32 $0x2880;
	v0 =	vmov s14;
	s14 =	simm.s32 $0x20;
	s6 =	sadd.s32 s6, s4  }
0xe: {  	s7 =	sadd.s32 s7, s4;
	s13 =	sshrl.u32 s5, $0x3;
	s4 =	sadd.s32 $0x10600, s6  }
0xf: {  	v1 =	vimm.f32 $1.000000000e+00;
	s6 =	sadd.s32 $0x1A600, s7;
	s7 =	smax.u32 s8, $0x1;
	s8 =	simm.s32 $0x1  }
.LBB2_1:
0x10: {  	[tilespmem:s3], [sflag:$0x1] =	stream.linear.gather [hbm4b:s4+s3], $0x2800, $0x38;
	[tilespmem:$0x2D80] =	vst v63  }
0x11: {  	_ =	swait.ge [sflag:s8], $0x2800  }
0x12: {  	[sflag:s8] =	ssyncset.done $0x0  }
0x13: {  	[sflag:s8] =	ssyncadd.s32 $0xFFFFD800  }
0x14: {  	[tilespmem:$0x2800] =	vst v1  }
0x15: {  	[tilespmem:$0x2810] =	vst v1  }
0x16: {  	[tilespmem:$0x2820] =	vst v1  }
0x17: {  	[tilespmem:$0x2830] =	vst v1  }
0x18: {  	[tilespmem:$0x2840] =	vst v1  }
0x19: {  	[tilespmem:$0x2850] =	vst v1  }
0x1a: {  	[tilespmem:$0x2860] =	vst v1  }
0x1b: {  	[tilespmem:$0x2870] =	vst v1  }
0x1c: {  	[tilespmem:$0x2880] =	vst v0  }
0x1d: {  	[tilespmem:$0x2890] =	vst v0  }
0x1e: {  	[tilespmem:$0x28A0] =	vst v0  }
0x1f: {  	[tilespmem:$0x28B0] =	vst v0  }
0x20: {  	[tilespmem:$0x28C0] =	vst v0  }
0x21: {  	[tilespmem:$0x28D0] =	vst v0  }
0x22: {  	[tilespmem:$0x28E0] =	vst v0  }
0x23: {  	[tilespmem:$0x28F0] =	vst v0  }
0x24: {  	[tilespmem:$0x2900] =	vst v0  }
0x25: {  	[tilespmem:$0x2910] =	vst v0  }
0x26: {  	[tilespmem:$0x2920] =	vst v0  }
0x27: {  	[tilespmem:$0x2930] =	vst v0  }
0x28: {  	[tilespmem:$0x2940] =	vst v0  }
0x29: {  	[tilespmem:$0x2950] =	vst v0  }
0x2a: {  	[tilespmem:$0x2960] =	vst v0  }
0x2b: {  	[tilespmem:$0x2970] =	vst v0  }
0x2c: {  	[tilespmem:$0x2980] =	vst v0  }
0x2d: {  	[tilespmem:$0x2990] =	vst v0  }
0x2e: {  	[tilespmem:$0x29A0] =	vst v0  }
0x2f: {  	[tilespmem:$0x29B0] =	vst v0  }
0x30: {  	[tilespmem:$0x29C0] =	vst v0  }
0x31: {  	[tilespmem:$0x29D0] =	vst v0  }
0x32: {  	[tilespmem:$0x29E0] =	vst v0  }
0x33: {  	[tilespmem:$0x29F0] =	vst v0  }
0x34: {  	[tilespmem:$0x2A00] =	vst v0  }
0x35: {  	[tilespmem:$0x2A10] =	vst v0  }
0x36: {  	[tilespmem:$0x2A20] =	vst v0  }
0x37: {  	[tilespmem:$0x2A30] =	vst v0  }
0x38: {  	[tilespmem:$0x2A40] =	vst v0  }
0x39: {  	[tilespmem:$0x2A50] =	vst v0  }
0x3a: {  	[tilespmem:$0x2A60] =	vst v0  }
0x3b: {  	[tilespmem:$0x2A70] =	vst v0  }
0x3c: {  	[tilespmem:$0x2A80] =	vst v0  }
0x3d: {  	[tilespmem:$0x2A90] =	vst v0  }
0x3e: {  	[tilespmem:$0x2AA0] =	vst v0  }
0x3f: {  	[tilespmem:$0x2AB0] =	vst v0  }
0x40: {  	[tilespmem:$0x2AC0] =	vst v0  }
0x41: {  	[tilespmem:$0x2AD0] =	vst v0  }
0x42: {  	[tilespmem:$0x2AE0] =	vst v0  }
0x43: {  	[tilespmem:$0x2AF0] =	vst v0  }
0x44: {  	[spmem:s5] =	stream.linear.scatter [tilespmem:s9], [sflag:$0x1], $0x280, $0x38;
	[tilespmem:$0x2D80] =	vst v63  }
0x45: {  	_ =	swait.ge [sflag:s8], $0x280  }
0x46: {  	[sflag:s8] =	ssyncset.done $0x0  }
0x47: {  	[sflag:s8] =	ssyncadd.s32 $0xFFFFFD80  }
0x48: {  	s17 =	simm.s32 $0x0;
	[bflag:$0x0] =	sbarrier.arrive $0xFFFF  }
0x49: {  	[spmem:s1] =	stream.indirect.scatter.add.f32 [tilespmem:s11], [sflag:$0x1], $0x1, s17, s10, $0xb8;
	[tilespmem:$0x2D80] =	vst v63  }
0x4a: {  	_ =	swait.ge [sflag:s8], $0x80  }
0x4b: {  	s17 =	simm.s32 $0x200;
	[sflag:s8] =	ssyncset.done $0x0  }
.LBB2_2:
0x4c: {  	s18 =	sshra.s32 s17, $0x2;
	[sflag:s8] =	ssyncadd.s32 $0xFFFFFF80;
	p0 =	sne.s32 s17, $0x9E00  }
0x4d: {  	[spmem:s1] =	stream.indirect.scatter.add.f32 [tilespmem:s11], [sflag:$0x1], $0x1, s18, s10, $0xb8;
	[tilespmem:$0x2D80] =	vst v63  }
.Ltmp0:
0x4e: {  	_ = 	snop;
	(pc) =	sbr.rel @p0 .LBB2_2-.Ltmp0, $4  }
0x4f: {  	_ = 	snop  }
0x50: {  	s17 =	sadd.s32 $0x200, s17  }
0x51: {  	_ =	swait.ge [sflag:s8], $0x80  }
0x52: {  	[sflag:s8] =	ssyncset.done $0x0  }
0x53: {  	s16 =	sadd.s32 $0x1, s16  }
0x54: {  	[sflag:s8] =	ssyncadd.s32 $0xFFFFFF80;
	p0 =	sne.s32 s16, s7  }
.Ltmp1:
0x55: {  	[bflag:$0x0] =	sbarrier.arrive $0xFFFF;
	(pc) =	sbr.rel @p0 .LBB2_1-.Ltmp1, $4  }
0x56: {  	[hbm:s6@s14], [sflag:s12] =	dma.strided [spmem:s13@s15], $0x50, s8, $0x10   }
0x57: {  	_ =	swait.ge [sflag:s8], $0x50  }
0x58: {  	[sflag:s8] =	ssyncset.done $0x0  }
0x59: {  	[sflag:s8] =	ssyncadd.s32 $0xFFFFFFB0  }
0x5a: {  	_ =	sfence.sel $0x180000  }
0x5b: {  	[bflag:$0x0] =	sbarrier.arrive $0xFFFF  }
0x5c: {  	p0 =	sne.s32 s2, $0x0;
	_ =	strace $0x90000047  }
0x5d: {  	s0 =	sadd.s32 @!p0 $0x100000, s0;
	[bflag:$0x2] =	sbarrier.arrive $0xFFFF  }
0x5e: {  	[sflag:s0] =	ssyncadd.tile.s32 @!p0 $0x1;
	_ =	shalt  }
.Lfunc_end2:
_tile_overlayer_lowered:
.L_overlay_start_2:
0x5f: {  	(tag) =	ssettag $0x2  }
0x60: {  	s0 =	rddreg [dreg:$0x0];
	s2 =	stileid.u32  }
0x61: {  	s1 =	rddreg [dreg:$0x1];
	p0 =	sne.s32 s2, $0x0  }
0x62: {  	s3 =	rddreg [dreg:$0x2];
	[bflag:$0x3] =	sbarrier.arrive $0xFFFF;
	s2 =	simm.s32 @!p0 $0x1C01  }
0x63: {  	[timem:s3], [sflag:s2] =	dma.local @!p0 [hbm:s0], s1  }
0x64: {  	s0 =	simm.s32 @!p0 $0x1  }
0x65: {  	_ =	swait.ge @!p0 [sflag:s0], s1  }
0x66: {  	s1 =	ssub.s32 @!p0 $0x0, s1;
	[sflag:s0] =	ssyncset.done @!p0 $0x0  }
0x67: {  	[sflag:s0] =	ssyncadd.s32 @!p0 s1  }
0x68: {  	[bflag:$0x3] =	sbarrier.arrive $0xFFFF  }
0x69: {  	_ =	shalt  }

// kernel: kernel.24.cloned.1.call-start
scs
__scs_entry_jumppad:
0x0: {  	(pc) =	sbr.rel $0x88, $3  }
0x1: {  	(tag) =	ssettag $0x0;
	lr =	simm.s32 $0x1  }
0x2: {  	[smem:$0x3F88] =	sst lr;
	_ =	strace $0xD0000000  }
0x3: {  	_ = 	snop  }
0x4: {  	_ = 	snop  }
0x5: {  	_ = 	snop  }
0x6: {  	_ = 	snop  }
0x7: {  	_ = 	snop  }
__scs_overlays_trampoline_lowered:
0x8: {  	[smem:$0x3F97] =	sst s0  }
0x9: {  	[smem:$0x3F98] =	sst s1  }
0xa: {  	[smem:$0x3F99] =	sst s2  }
0xb: {  	[smem:$0x3F9A] =	sst s3  }
0xc: {  	[smem:$0x3F9B] =	sst s4  }
0xd: {  	[smem:$0x3F9C] =	sst s5  }
0xe: {  	[smem:$0x3F9D] =	sst s6  }
0xf: {  	[smem:$0x3F9E] =	sst s7  }
0x10: {  	[smem:$0x3F9F] =	sst s8  }
0x11: {  	[smem:$0x3FA0] =	sst s9;
	s0 =	simm.s32 @!p0 $0x0  }
0x12: {  	s1 =	sld [smem:$0x3F86];
	s0 =	simm.s32 @p0 $0x1  }
0x13: {  	[smem:$0x3FA1] =	sst s0;
	s0 =	simm.s32 @!p1 $0x0  }
0x14: {  	s2 =	sld [smem:$0x3F85];
	s0 =	simm.s32 @p1 $0x1  }
0x15: {  	[smem:$0x3FA2] =	sst s0;
	s0 =	simm.s32 @!p2 $0x0  }
0x16: {  	s3 =	sld [smem:$0x3FDB];
	s0 =	simm.s32 @p2 $0x1  }
0x17: {  	s4 =	simm.s32 $0x1BF5;
	[smem:$0x3FA4] =	sst s0  }
0x18: {  	s0 =	sld [smem:$0x3F87];
	_ =	swait.ge [sflag:s4], $0x0  }
0x19: {  	s7 =	sld [smem:$0x3F88]  }
0x1a: {  	s8 =	sadd.s32 $0xFFFFE003, lr  }
0x1b: {  	s9 =	sadd.s32 $0xFFFFFEF7, lr;
	s5 =	simm.s32 $0xFFFFFFFF;
	p2 =	slt.u32 s8, $0xFFFFF086  }
0x1c: {  	p1 =	slt.u32 s9, $0xF7A;
	s5 =	simm.s32 @!p2 $0x0  }
0x1d: {  	s5 =	simm.s32 @p1 $0x1;
	p0 =	seq.s32 s7, s2  }
0x1e: {  	s7 =	smul.u32 @!p0 $0xF7A, s2;
	p2 =	seq.s32 @!p0 s5, $0x0  }
0x1f: {  	s9 =	smul.u32 $0xF7A, s1;
	s8 =	simm.s32 @!p0 $0x1BF5;
	p2 =	por !p2, p0  }
0x20: {  	[sflag:s8] =	ssyncset.s32 @!p0 $0xFFFFF086;
	s6 =	sadd.s32 @!p0 s3, s7;
	s7 =	simm.s32 @!p0 $0x108  }
0x21: {  	s3 =	sadd.s32 s3, s9;
	s6 =	sadd.s32 @!p0 $0x88, s6;
	s7 =	simm.s32 @p2 $0x1082  }
0x22: {  	[simem:s7], [sflag:s8] =	dma.local @!p0 [hbm:s6], $0xF7A  }
0x23: {  	s9 =	sor.u32 $0xD0000000, s2;
	s6 =	simm.s32 $0x108;
	_ =	swait.ge @!p0 [sflag:s8], $0x0  }
0x24: {  	s3 =	sadd.s32 $0x88, s3;
	s6 =	simm.s32 @!p1 $0x1082;
	[sflag:s4] =	ssyncset.s32 $0xFFFFF086  }
0x25: {  	[simem:s6], [sflag:s4] =	dma.local [hbm:s3], $0xF7A  }
0x26: {  	[smem:$0x3F88] =	sst s1;
	(tag) =	ssettag s2;
	_ =	strace s9  }
0x27: {  	s1 =	sld [smem:$0x3F98]  }
0x28: {  	s2 =	sld [smem:$0x3F99]  }
0x29: {  	s4 =	sld [smem:$0x3F9B]  }
0x2a: {  	p0 =	seq.s32 s5, $0x0;
	s5 =	sld [smem:$0x3F9C]  }
0x2b: {  	s6 =	sld [smem:$0x3F9D]  }
0x2c: {  	s7 =	sld [smem:$0x3F9E]  }
0x2d: {  	s3 =	simm.s32 $0x108;
	s8 =	sld [smem:$0x3F9F]  }
0x2e: {  	s3 =	simm.s32 @!p0 $0x1082;
	s9 =	sld [smem:$0x3FA0]  }
0x2f: {  	lr =	sadd.s32 s0, s3;
	s0 =	sld [smem:$0x3F97]  }
0x30: {  	s3 =	sld [smem:$0x3F9A]  }
0x31: {  	[smem:$0x3FA3] =	sst s10  }
0x32: {  	s10 =	sld [smem:$0x3FA1];
	_ =	sdelay $0x3  }
0x33: {  	p0 =	seq.s32 s10, $0x1;
	s10 =	sld [smem:$0x3FA3];
	_ =	sdelay $0x3  }
0x34: {  	[smem:$0x3FA3] =	sst s10  }
0x35: {  	s10 =	sld [smem:$0x3FA2];
	_ =	sdelay $0x3  }
0x36: {  	p1 =	seq.s32 s10, $0x1;
	s10 =	sld [smem:$0x3FA3];
	_ =	sdelay $0x3  }
0x37: {  	[smem:$0x3FA3] =	sst s10  }
0x38: {  	s10 =	sld [smem:$0x3FA4]  }
0x39: {  	_ = 	snop;
	(pc) =	sbr.ind lr, $3  }
0x3a: {  	_ = 	snop  }
0x3b: {  	_ = 	snop  }
0x3c: {  	p2 =	seq.s32 s10, $0x1;
	s10 =	sld [smem:$0x3FA3]  }
0x3d: {  	_ =	shalt  }
0x3e: {  	_ =	shalt  }
0x3f: {  	_ =	shalt  }
0x40: {  	_ =	shalt  }
0x41: {  	_ =	shalt  }
0x42: {  	_ =	shalt  }
0x43: {  	_ =	shalt  }
0x44: {  	_ =	shalt  }
0x45: {  	_ =	shalt  }
0x46: {  	_ =	shalt  }
0x47: {  	_ =	shalt  }
0x48: {  	_ =	shalt  }
0x49: {  	_ =	shalt  }
0x4a: {  	_ =	shalt  }
0x4b: {  	_ =	shalt  }
0x4c: {  	_ =	shalt  }
0x4d: {  	_ =	shalt  }
0x4e: {  	_ =	shalt  }
0x4f: {  	_ =	shalt  }
0x50: {  	_ =	shalt  }
0x51: {  	_ =	shalt  }
0x52: {  	_ =	shalt  }
0x53: {  	_ =	shalt  }
0x54: {  	_ =	shalt  }
0x55: {  	_ =	shalt  }
0x56: {  	_ =	shalt  }
0x57: {  	_ =	shalt  }
0x58: {  	_ =	shalt  }
0x59: {  	_ =	shalt  }
0x5a: {  	_ =	shalt  }
0x5b: {  	_ =	shalt  }
0x5c: {  	_ =	shalt  }
0x5d: {  	_ =	shalt  }
0x5e: {  	_ =	shalt  }
0x5f: {  	_ =	shalt  }
0x60: {  	_ =	shalt  }
0x61: {  	_ =	shalt  }
0x62: {  	_ =	shalt  }
0x63: {  	_ =	shalt  }
0x64: {  	_ =	shalt  }
0x65: {  	_ =	shalt  }
0x66: {  	_ =	shalt  }
0x67: {  	_ =	shalt  }
0x68: {  	_ =	shalt  }
0x69: {  	_ =	shalt  }
0x6a: {  	_ =	shalt  }
0x6b: {  	_ =	shalt  }
0x6c: {  	_ =	shalt  }
0x6d: {  	_ =	shalt  }
0x6e: {  	_ =	shalt  }
0x6f: {  	_ =	shalt  }
0x70: {  	_ =	shalt  }
0x71: {  	_ =	shalt  }
0x72: {  	_ =	shalt  }
0x73: {  	_ =	shalt  }
0x74: {  	_ =	shalt  }
0x75: {  	_ =	shalt  }
0x76: {  	_ =	shalt  }
0x77: {  	_ =	shalt  }
0x78: {  	_ =	shalt  }
0x79: {  	_ =	shalt  }
0x7a: {  	_ =	shalt  }
0x7b: {  	_ =	shalt  }
0x7c: {  	_ =	shalt  }
0x7d: {  	_ =	shalt  }
0x7e: {  	_ =	shalt  }
0x7f: {  	_ =	shalt  }
0x80: {  	_ =	shalt  }
0x81: {  	_ =	shalt  }
0x82: {  	_ =	shalt  }
0x83: {  	_ =	shalt  }
0x84: {  	_ =	shalt  }
0x85: {  	_ =	shalt  }
0x86: {  	_ =	shalt  }
0x87: {  	_ =	shalt  }
.Lfunc_end0:
.L_simem_size_0:
called_computation.1_lowered:
.L_overlay_start_0:
0x88: {  	s2 =	sld [smem:$0x3FD9]  }
0x89: {  	s3 =	sld [smem:$0x3FFE];
	_ =	sdelay $0x1  }
0x8a: {  	s1 =	srdreg.scid  }
0x8b: {  	s0 =	sand.u32 $0x1, s1  }
0x8c: {  	s16 =	sshll.u32 s0, $0xA;
	s2 =	sadd.s32 s3, s2  }
0x8d: {  	s2 =	sadd.s32 s2, s16  }
0x8e: {  	[smem:$0x3FAF] =	sst s2  }
0x8f: {  	_ = 	snop  }
0x90: {  	(tm) =	ssettm $0x1  }
0x91: {  	s17 =	sld [smem:$0x3FFB];
	_ =	sdelay $0x3  }
0x92: {  	_ =	strace s17  }
0x93: {  	s2 =	sld [smem:$0x3FFC];
	_ =	sdelay $0x3  }
0x94: {  	_ =	strace s2  }
0x95: {  	s2 =	sld [smem:$0x3FFD];
	_ =	sdelay $0x3  }
0x96: {  	_ =	strace s2  }
0x97: {  	_ =	strace $0x8FFFFFFF  }
0x98: {  	s18 =	sld [smem:$0x3FDB];
	_ =	sdelay $0x1  }
0x99: {  	s19 =	simm.s32 $_scs_section_size  }
0x9a: {  	s4 =	simm.s32 $_size__tile_overlayer_lowered;
	s5 =	simm.s32 $_tile_overlayer_lowered  }
0x9b: {  	s22 =	simm.s32 $0x1BFF;
	s21 =	sshll.u32 s5, $0x1;
	s2 =	sadd.s32 s19, s18  }
0x9c: {  	s6 =	simm.s32 $0x0;
	s20 =	sshll.u32 s4, $0x1;
	s4 =	sadd.s32 s21, s2  }
0x9d: {  	[timem:s6], [sflag:s22] =	dma.local [hbm:s4], s20  }
0x9e: {  	_ =	swait.ge [sflag:s22], s20  }
0x9f: {  	s3 =	ssub.s32 $0x0, s20;
	[sflag:s22] =	ssyncset.done $0x0  }
0xa0: {  	[sflag:s22] =	ssyncadd.s32 s3;
	_ =	sdelay $0x1  }
0xa1: {  	s23 =	simm.s32 $0x1B8B  }
0xa2: {  	_ =	swait.ge [sflag:s23], $0x1  }
0xa3: {  	[sflag:s23] =	ssyncset.done $0x0  }
0xa4: {  	s25 =	simm.s32 $0x1B8E;
	s24 =	sld [smem:$0x3FFE];
	[sflag:s23] =	ssyncadd.s32 $0xFFFFFFFF  }
0xa5: {  	s26 =	simm.s32 $execute0_lowered;
	[smem:$0x3FD2] =	sst s25  }
0xa6: {  	s4 =	sshll.u32 s26, $0x1;
	_ =	strace $0x80000049;
	[dreg:$0x1] =	wrdreg $0xFFFFFFFF  }
0xa7: {  	s28 =	simm.s32 $_size_execute0_lowered;
	s2 =	sadd.s32 s2, s4;
	[dreg:$0x0] =	wrdreg $0x0  }
0xa8: {  	s4 =	sshll.u32 s28, $0x1;
	[dreg:$0x2] =	wrdreg s2  }
0xa9: {  	[dreg:$0x3] =	wrdreg s4  }
0xaa: {  	[dreg:$0x4] =	wrdreg $0xC0  }
0xab: {  	_ =	task [dreg:s6], $0x5FFFF  }
0xac: {  	[dreg:$0x1] =	wrdreg $0xFFFFFFFF  }
0xad: {  	[dreg:$0x0] =	wrdreg $0x60  }
0xae: {  	[dreg:$0x2] =	wrdreg s24  }
0xaf: {  	[dreg:$0x3] =	wrdreg $0x90000  }
0xb0: {  	[dreg:$0x4] =	wrdreg $0x9  }
0xb1: {  	_ =	task.clear_ibuf [dreg:s6], $0x5FFFF;
	_ =	strace $0x90000049  }
0xb2: {  	s29 =	simm.s32 $0x9;
	_ =	strace $0x8000004B  }
0xb3: {  	_ =	swait.ge [sflag:s29], $0x1  }
0xb4: {  	[sflag:s29] =	ssyncadd.s32 $0xFFFFFFFF  }
0xb5: {  	_ =	strace $0x9000004B  }
0xb6: {  	_ =	sfence  }
0xb7: {  	s30 =	sld [smem:$0x0];
	_ =	sdelay $0x2  }
0xb8: {  	s31 =	sshll.u32 s1, $0xD;
	s1 =	sshrl.u32 s1, $0x2  }
0xb9: {  	s3 =	sand.u32 $0x4000, s31;
	s1 =	sadd.s32 s1, s30  }
0xba: {  	s0 =	sor.u32 s3, s0;
	s1 =	sshll.u32 s1, $0x11  }
0xbb: {  	s0 =	sor.u32 s1, s0  }
0xbc: {  	s0 =	sadd.s32 $0x8F2B, s0  }
0xbd: {  	[sflag:s0] =	ssyncadd.remote.s32 $0x1  }
0xbe: {  	_ =	sfence.sel $0xFFFF  }
0xbf: {  	[dreg:$0x0] =	wrdreg $0xFFFFFFFF;
	(pc) =	sbr.abs _section_cstart, $3  }
0xc0: {  	[dreg:$0x1] =	wrdreg $0xFFFFFFFF  }
0xc1: {  	_ =	task.clear_ibuf [dreg:s6], $0x2FFFF;
	_ =	strace $0x9FFFFFFF  }
0xc2: {  	(tm) =	ssettm $0x7FFFFFFF  }
0xc3: {  	_ =	shalt  }
tec
execute0_lowered:
.L_overlay_start_1:
0x0: {  	(tag) =	ssettag $0x1  }
0x1: {  	s4 =	rddreg [dreg:$0x0]  }
0x2: {  	s1 =	rddreg [dreg:$0x1];
	s2 =	srdreg.scid  }
0x3: {  	s0 =	rddreg [dreg:$0x2];
	s3 =	simm.s32 $0x0;
	s5 =	sand.u32 $0x1, s2  }
0x4: {  	s17 =	simm.s32 $0x5000;
	s2 =	stileid.u32;
	s8 =	smul.u32 $0x140000, s5  }
0x5: {  	s18 =	simm.s32 $0x1;
	s19 =	simm.s32 $0x0;
	s6 =	smul.u32 $0x14000, s2  }
0x6: {  	[smem:$0x7FF] =	sst s3;
	s9 =	sadd.s32 $0x1A600, s4;
	s7 =	smul.u32 $0x50000, s2  }
0x7: {  	s10 =	sadd.s32 $0x6600, s4;
	s11 =	sadd.s32 $0x10600, s4;
	s13 =	smul.u32 $0xA00, s2  }
0x8: {  	_ =	strace $0x8000004A;
	s5 =	ssub.s32 $0x2, s5;
	s29 =	smul.u32 $0x5000, s2  }
0x9: {  	s30 =	sshll.u32 s2, $0x6;
	s26 =	sshrl.u32 s5, $0x1;
	s6 =	sadd.s32 s6, s8  }
0xa: {  	s14 =	ssub.s32 s5, s26;
	s28 =	sshrl.u32 s7, $0x2;
	s5 =	sor.u32 $0x1C02, s30  }
0xb: {  	s16 =	sshrl.u32 s29, $0x3;
	s7 =	sadd.s32 s11, s13;
	s8 =	sshrl.u32 s8, $0x3  }
0xc: {  	s6 =	sshrl.u32 s6, $0x3;
	s15 =	sadd.s32 s28, s1;
	s31 =	sadd.s32 $0x500, s16  }
0xd: {  	s8 =	sadd.s32 s9, s8;
	s16 =	simm.s32 $0x80;
	s12 =	sadd.s32 s6, s4  }
0xe: {  	s4 =	sadd.s32 s9, s6;
	s6 =	sadd.s32 s10, s13;
	s9 =	sadd.s32 s10, s31  }
0xf: {  	s10 =	sadd.s32 s11, s31;
	s13 =	sshrl.u32 s15, $0x3;
	s15 =	simm.s32 $0x2800  }
0x10: {  	s11 =	sadd.s32 $0x6A600, s12;
	s12 =	smax.u32 s14, $0x1;
	s14 =	simm.s32 $0x2  }
.LBB2_1:
0x11: {  	[spmem:s13], [sflag:s5] =	dma.local [hbm:s4], $0x2800  }
0x12: {  	_ =	swait.ge [sflag:s14], $0x2800  }
0x13: {  	[sflag:s14] =	ssyncset.done $0x0  }
0x14: {  	[sflag:s14] =	ssyncadd.s32 $0xFFFFD800  }
0x15: {  	[bflag:$0x0] =	sbarrier.arrive $0xFFFF  }
0x16: {  	[tilespmem:s3], [sflag:$0x2] =	stream.linear.gather [hbm4b:s6+s3], $0x2800, $0x38;
	[tilespmem:$0x1D000] =	vst v63  }
0x17: {  	_ =	swait.ge [sflag:s14], $0x2800  }
0x18: {  	[sflag:s14] =	ssyncset.done $0x0  }
0x19: {  	[sflag:s14] =	ssyncadd.s32 $0xFFFFD800  }
0x1a: {  	[tilespmem:s15], [sflag:$0x2] =	stream.linear.gather [hbm4b:s7+s3], $0x2800, $0x38;
	[tilespmem:$0x1D000] =	vst v63  }
0x1b: {  	_ =	swait.ge [sflag:s14], $0x2800  }
0x1c: {  	[sflag:s14] =	ssyncset.done $0x0  }
0x1d: {  	s20 =	simm.s32 $0x0;
	[sflag:s14] =	ssyncadd.s32 $0xFFFFD800  }
0x1e: {  	[tilespmem:s17], [sflag:$0x1] =	stream.indirect.gather [hbm4b:s8+s16], $0x80, s20, s16, $0xb8;
	[tilespmem:$0x1D000] =	vst v63  }
0x1f: {  	_ =	swait.ge [sflag:s18], $0x4000  }
0x20: {  	[sflag:s18] =	ssyncset.done $0x0  }
0x21: {  	s31 =	simm.s32 $0x2800;
	[sflag:s18] =	ssyncadd.s32 $0xFFFFC000  }
0x22: {  	[spmem:s1] =	stream.indirect.scatter.add.f32 [tilespmem:s17], [sflag:$0x2], $0x80, s31, s16, $0xb8;
	[tilespmem:$0x1D000] =	vst v63  }
0x23: {  	_ =	swait.ge [sflag:s14], $0x4000  }
0x24: {  	s21 =	simm.s32 $0x400;
	s20 =	simm.s32 $0x200;
	[sflag:s14] =	ssyncset.done $0x0  }
.LBB2_2:
0x25: {  	s22 =	sshra.s32 s20, $0x2  }
0x26: {  	[sflag:s14] =	ssyncadd.s32 $0xFFFFC000;
	s20 =	smov.u32 s21;
	s23 =	sadd.s32 $0x200, s21  }
0x27: {  	[tilespmem:s17], [sflag:$0x1] =	stream.indirect.gather [hbm4b:s8+s16], $0x80, s22, s16, $0xb8;
	[tilespmem:$0x1D000] =	vst v63  }
0x28: {  	p0 =	sne.s32 s21, $0x9E00;
	_ =	swait.ge [sflag:s18], $0x4000  }
.Ltmp0:
0x29: {  	[sflag:s18] =	ssyncset.done $0x0;
	(pc) =	sbr.rel @p0 .LBB2_2-.Ltmp0, $4  }
0x2a: {  	s21 =	sadd.s32 $0x2800, s22;
	[sflag:s18] =	ssyncadd.s32 $0xFFFFC000  }
0x2b: {  	[spmem:s1] =	stream.indirect.scatter.add.f32 [tilespmem:s17], [sflag:$0x2], $0x80, s21, s16, $0xb8;
	[tilespmem:$0x1D000] =	vst v63  }
0x2c: {  	_ =	swait.ge [sflag:s14], $0x4000  }
0x2d: {  	s21 =	smov.u32 s23;
	[sflag:s14] =	ssyncset.done $0x0  }
0x2e: {  	s20 =	sshra.s32 s20, $0x2;
	[sflag:s14] =	ssyncadd.s32 $0xFFFFC000  }
0x2f: {  	[tilespmem:s17], [sflag:$0x1] =	stream.indirect.gather [hbm4b:s8+s16], $0x80, s20, s16, $0xb8;
	[tilespmem:$0x1D000] =	vst v63  }
0x30: {  	_ =	swait.ge [sflag:s18], $0x4000  }
0x31: {  	[sflag:s18] =	ssyncset.done $0x0  }
0x32: {  	s20 =	sadd.s32 $0x2800, s20;
	[sflag:s18] =	ssyncadd.s32 $0xFFFFC000  }
0x33: {  	[spmem:s1] =	stream.indirect.scatter.add.f32 [tilespmem:s17], [sflag:$0x2], $0x80, s20, s16, $0xb8;
	[tilespmem:$0x1D000] =	vst v63  }
0x34: {  	_ =	swait.ge [sflag:s14], $0x4000  }
0x35: {  	[sflag:s14] =	ssyncset.done $0x0  }
0x36: {  	s29 =	simm.s32 $0x0;
	[sflag:s14] =	ssyncadd.s32 $0xFFFFC000  }
0x37: {  	[tilespmem:s29], [sflag:$0x2] =	stream.linear.gather [hbm4b:s9+s29], $0x2800, $0x38;
	[tilespmem:$0x1D000] =	vst v63  }
0x38: {  	_ =	swait.ge [sflag:s14], $0x2800  }
0x39: {  	[sflag:s14] =	ssyncset.done $0x0  }
0x3a: {  	[sflag:s14] =	ssyncadd.s32 $0xFFFFD800  }
0x3b: {  	[tilespmem:s15], [sflag:$0x2] =	stream.linear.gather [hbm4b:s10+s29], $0x2800, $0x38;
	[tilespmem:$0x1D000] =	vst v63  }
0x3c: {  	_ =	swait.ge [sflag:s14], $0x2800  }
0x3d: {  	[sflag:s14] =	ssyncset.done $0x0  }
0x3e: {  	s30 =	simm.s32 $0x0;
	[sflag:s14] =	ssyncadd.s32 $0xFFFFD800  }
0x3f: {  	[tilespmem:s17], [sflag:$0x1] =	stream.indirect.gather [hbm4b:s8+s16], $0x80, s30, s16, $0xb8;
	[tilespmem:$0x1D000] =	vst v63  }
0x40: {  	_ =	swait.ge [sflag:s18], $0x4000  }
0x41: {  	[sflag:s18] =	ssyncset.done $0x0  }
0x42: {  	s31 =	simm.s32 $0x2800;
	[sflag:s18] =	ssyncadd.s32 $0xFFFFC000  }
0x43: {  	[spmem:s1] =	stream.indirect.scatter.add.f32 [tilespmem:s17], [sflag:$0x2], $0x80, s31, s16, $0xb8;
	[tilespmem:$0x1D000] =	vst v63  }
0x44: {  	_ =	swait.ge [sflag:s14], $0x4000  }
0x45: {  	s21 =	simm.s32 $0x400;
	s20 =	simm.s32 $0x200;
	[sflag:s14] =	ssyncset.done $0x0  }
.LBB2_4:
0x46: {  	s22 =	sshra.s32 s20, $0x2  }
0x47: {  	[sflag:s14] =	ssyncadd.s32 $0xFFFFC000;
	s20 =	smov.u32 s21;
	s23 =	sadd.s32 $0x200, s21  }
0x48: {  	[tilespmem:s17], [sflag:$0x1] =	stream.indirect.gather [hbm4b:s8+s16], $0x80, s22, s16, $0xb8;
	[tilespmem:$0x1D000] =	vst v63  }
0x49: {  	p0 =	sne.s32 s21, $0x9E00;
	_ =	swait.ge [sflag:s18], $0x4000  }
.Ltmp1:
0x4a: {  	[sflag:s18] =	ssyncset.done $0x0;
	(pc) =	sbr.rel @p0 .LBB2_4-.Ltmp1, $4  }
0x4b: {  	s21 =	sadd.s32 $0x2800, s22;
	[sflag:s18] =	ssyncadd.s32 $0xFFFFC000  }
0x4c: {  	[spmem:s1] =	stream.indirect.scatter.add.f32 [tilespmem:s17], [sflag:$0x2], $0x80, s21, s16, $0xb8;
	[tilespmem:$0x1D000] =	vst v63  }
0x4d: {  	_ =	swait.ge [sflag:s14], $0x4000  }
0x4e: {  	s21 =	smov.u32 s23;
	[sflag:s14] =	ssyncset.done $0x0  }
0x4f: {  	s20 =	sshra.s32 s20, $0x2;
	[sflag:s14] =	ssyncadd.s32 $0xFFFFC000  }
0x50: {  	[tilespmem:s17], [sflag:$0x1] =	stream.indirect.gather [hbm4b:s8+s16], $0x80, s20, s16, $0xb8;
	[tilespmem:$0x1D000] =	vst v63  }
0x51: {  	_ =	swait.ge [sflag:s18], $0x4000  }
0x52: {  	[sflag:s18] =	ssyncset.done $0x0  }
0x53: {  	s20 =	sadd.s32 $0x2800, s20;
	[sflag:s18] =	ssyncadd.s32 $0xFFFFC000  }
0x54: {  	[spmem:s1] =	stream.indirect.scatter.add.f32 [tilespmem:s17], [sflag:$0x2], $0x80, s20, s16, $0xb8;
	[tilespmem:$0x1D000] =	vst v63  }
0x55: {  	_ =	swait.ge [sflag:s14], $0x4000  }
0x56: {  	s19 =	sadd.s32 $0x1, s19;
	[sflag:s14] =	ssyncset.done $0x0  }
0x57: {  	p0 =	sne.s32 s19, s12;
	[sflag:s14] =	ssyncadd.s32 $0xFFFFC000  }
.Ltmp2:
0x58: {  	[bflag:$0x0] =	sbarrier.arrive $0xFFFF;
	(pc) =	sbr.rel @p0 .LBB2_1-.Ltmp2, $4  }
0x59: {  	[hbm:s11], [sflag:s5] =	dma.local [spmem:s13], $0x2800  }
0x5a: {  	_ =	swait.ge [sflag:s14], $0x2800  }
0x5b: {  	[sflag:s14] =	ssyncset.done $0x0  }
0x5c: {  	[sflag:s14] =	ssyncadd.s32 $0xFFFFD800  }
0x5d: {  	_ =	sfence.sel $0x180000  }
0x5e: {  	[bflag:$0x0] =	sbarrier.arrive $0xFFFF  }
0x5f: {  	p0 =	sne.s32 s2, $0x0;
	_ =	strace $0x9000004A  }
0x60: {  	s0 =	sadd.s32 @!p0 $0x100000, s0;
	[bflag:$0x2] =	sbarrier.arrive $0xFFFF  }
0x61: {  	[sflag:s0] =	ssyncadd.tile.s32 @!p0 $0x1;
	_ =	shalt  }
.Lfunc_end2:
_tile_overlayer_lowered:
.L_overlay_start_2:
0x62: {  	(tag) =	ssettag $0x2  }
0x63: {  	s0 =	rddreg [dreg:$0x0];
	s2 =	stileid.u32  }
0x64: {  	s1 =	rddreg [dreg:$0x1];
	p0 =	sne.s32 s2, $0x0  }
0x65: {  	s3 =	rddreg [dreg:$0x2];
	[bflag:$0x3] =	sbarrier.arrive $0xFFFF;
	s2 =	simm.s32 @!p0 $0x1C02  }
0x66: {  	[timem:s3], [sflag:s2] =	dma.local @!p0 [hbm:s0], s1  }
0x67: {  	s0 =	simm.s32 @!p0 $0x2  }
0x68: {  	_ =	swait.ge @!p0 [sflag:s0], s1  }
0x69: {  	s1 =	ssub.s32 @!p0 $0x0, s1;
	[sflag:s0] =	ssyncset.done @!p0 $0x0  }
0x6a: {  	[sflag:s0] =	ssyncadd.s32 @!p0 s1  }
0x6b: {  	[bflag:$0x3] =	sbarrier.arrive $0xFFFF  }
0x6c: {  	_ =	shalt  }

// kernel: kernel.27.cloned.1.call-start
scs
__scs_entry_jumppad:
0x0: {  	(pc) =	sbr.rel $0x88, $3  }
0x1: {  	(tag) =	ssettag $0x0;
	lr =	simm.s32 $0x1  }
0x2: {  	[smem:$0x3F88] =	sst lr;
	_ =	strace $0xD0000000  }
0x3: {  	_ = 	snop  }
0x4: {  	_ = 	snop  }
0x5: {  	_ = 	snop  }
0x6: {  	_ = 	snop  }
0x7: {  	_ = 	snop  }
__scs_overlays_trampoline_lowered:
0x8: {  	[smem:$0x3F97] =	sst s0  }
0x9: {  	[smem:$0x3F98] =	sst s1  }
0xa: {  	[smem:$0x3F99] =	sst s2  }
0xb: {  	[smem:$0x3F9A] =	sst s3  }
0xc: {  	[smem:$0x3F9B] =	sst s4  }
0xd: {  	[smem:$0x3F9C] =	sst s5  }
0xe: {  	[smem:$0x3F9D] =	sst s6  }
0xf: {  	[smem:$0x3F9E] =	sst s7  }
0x10: {  	[smem:$0x3F9F] =	sst s8  }
0x11: {  	[smem:$0x3FA0] =	sst s9;
	s0 =	simm.s32 @!p0 $0x0  }
0x12: {  	s1 =	sld [smem:$0x3F86];
	s0 =	simm.s32 @p0 $0x1  }
0x13: {  	[smem:$0x3FA1] =	sst s0;
	s0 =	simm.s32 @!p1 $0x0  }
0x14: {  	s2 =	sld [smem:$0x3F85];
	s0 =	simm.s32 @p1 $0x1  }
0x15: {  	[smem:$0x3FA2] =	sst s0;
	s0 =	simm.s32 @!p2 $0x0  }
0x16: {  	s3 =	sld [smem:$0x3FDB];
	s0 =	simm.s32 @p2 $0x1  }
0x17: {  	s4 =	simm.s32 $0x1BF5;
	[smem:$0x3FA4] =	sst s0  }
0x18: {  	s0 =	sld [smem:$0x3F87];
	_ =	swait.ge [sflag:s4], $0x0  }
0x19: {  	s7 =	sld [smem:$0x3F88]  }
0x1a: {  	s8 =	sadd.s32 $0xFFFFE003, lr  }
0x1b: {  	s9 =	sadd.s32 $0xFFFFFEF7, lr;
	s5 =	simm.s32 $0xFFFFFFFF;
	p2 =	slt.u32 s8, $0xFFFFF086  }
0x1c: {  	p1 =	slt.u32 s9, $0xF7A;
	s5 =	simm.s32 @!p2 $0x0  }
0x1d: {  	s5 =	simm.s32 @p1 $0x1;
	p0 =	seq.s32 s7, s2  }
0x1e: {  	s7 =	smul.u32 @!p0 $0xF7A, s2;
	p2 =	seq.s32 @!p0 s5, $0x0  }
0x1f: {  	s9 =	smul.u32 $0xF7A, s1;
	s8 =	simm.s32 @!p0 $0x1BF5;
	p2 =	por !p2, p0  }
0x20: {  	[sflag:s8] =	ssyncset.s32 @!p0 $0xFFFFF086;
	s6 =	sadd.s32 @!p0 s3, s7;
	s7 =	simm.s32 @!p0 $0x108  }
0x21: {  	s3 =	sadd.s32 s3, s9;
	s6 =	sadd.s32 @!p0 $0x88, s6;
	s7 =	simm.s32 @p2 $0x1082  }
0x22: {  	[simem:s7], [sflag:s8] =	dma.local @!p0 [hbm:s6], $0xF7A  }
0x23: {  	s9 =	sor.u32 $0xD0000000, s2;
	s6 =	simm.s32 $0x108;
	_ =	swait.ge @!p0 [sflag:s8], $0x0  }
0x24: {  	s3 =	sadd.s32 $0x88, s3;
	s6 =	simm.s32 @!p1 $0x1082;
	[sflag:s4] =	ssyncset.s32 $0xFFFFF086  }
0x25: {  	[simem:s6], [sflag:s4] =	dma.local [hbm:s3], $0xF7A  }
0x26: {  	[smem:$0x3F88] =	sst s1;
	(tag) =	ssettag s2;
	_ =	strace s9  }
0x27: {  	s1 =	sld [smem:$0x3F98]  }
0x28: {  	s2 =	sld [smem:$0x3F99]  }
0x29: {  	s4 =	sld [smem:$0x3F9B]  }
0x2a: {  	p0 =	seq.s32 s5, $0x0;
	s5 =	sld [smem:$0x3F9C]  }
0x2b: {  	s6 =	sld [smem:$0x3F9D]  }
0x2c: {  	s7 =	sld [smem:$0x3F9E]  }
0x2d: {  	s3 =	simm.s32 $0x108;
	s8 =	sld [smem:$0x3F9F]  }
0x2e: {  	s3 =	simm.s32 @!p0 $0x1082;
	s9 =	sld [smem:$0x3FA0]  }
0x2f: {  	lr =	sadd.s32 s0, s3;
	s0 =	sld [smem:$0x3F97]  }
0x30: {  	s3 =	sld [smem:$0x3F9A]  }
0x31: {  	[smem:$0x3FA3] =	sst s10  }
0x32: {  	s10 =	sld [smem:$0x3FA1];
	_ =	sdelay $0x3  }
0x33: {  	p0 =	seq.s32 s10, $0x1;
	s10 =	sld [smem:$0x3FA3];
	_ =	sdelay $0x3  }
0x34: {  	[smem:$0x3FA3] =	sst s10  }
0x35: {  	s10 =	sld [smem:$0x3FA2];
	_ =	sdelay $0x3  }
0x36: {  	p1 =	seq.s32 s10, $0x1;
	s10 =	sld [smem:$0x3FA3];
	_ =	sdelay $0x3  }
0x37: {  	[smem:$0x3FA3] =	sst s10  }
0x38: {  	s10 =	sld [smem:$0x3FA4]  }
0x39: {  	_ = 	snop;
	(pc) =	sbr.ind lr, $3  }
0x3a: {  	_ = 	snop  }
0x3b: {  	_ = 	snop  }
0x3c: {  	p2 =	seq.s32 s10, $0x1;
	s10 =	sld [smem:$0x3FA3]  }
0x3d: {  	_ =	shalt  }
0x3e: {  	_ =	shalt  }
0x3f: {  	_ =	shalt  }
0x40: {  	_ =	shalt  }
0x41: {  	_ =	shalt  }
0x42: {  	_ =	shalt  }
0x43: {  	_ =	shalt  }
0x44: {  	_ =	shalt  }
0x45: {  	_ =	shalt  }
0x46: {  	_ =	shalt  }
0x47: {  	_ =	shalt  }
0x48: {  	_ =	shalt  }
0x49: {  	_ =	shalt  }
0x4a: {  	_ =	shalt  }
0x4b: {  	_ =	shalt  }
0x4c: {  	_ =	shalt  }
0x4d: {  	_ =	shalt  }
0x4e: {  	_ =	shalt  }
0x4f: {  	_ =	shalt  }
0x50: {  	_ =	shalt  }
0x51: {  	_ =	shalt  }
0x52: {  	_ =	shalt  }
0x53: {  	_ =	shalt  }
0x54: {  	_ =	shalt  }
0x55: {  	_ =	shalt  }
0x56: {  	_ =	shalt  }
0x57: {  	_ =	shalt  }
0x58: {  	_ =	shalt  }
0x59: {  	_ =	shalt  }
0x5a: {  	_ =	shalt  }
0x5b: {  	_ =	shalt  }
0x5c: {  	_ =	shalt  }
0x5d: {  	_ =	shalt  }
0x5e: {  	_ =	shalt  }
0x5f: {  	_ =	shalt  }
0x60: {  	_ =	shalt  }
0x61: {  	_ =	shalt  }
0x62: {  	_ =	shalt  }
0x63: {  	_ =	shalt  }
0x64: {  	_ =	shalt  }
0x65: {  	_ =	shalt  }
0x66: {  	_ =	shalt  }
0x67: {  	_ =	shalt  }
0x68: {  	_ =	shalt  }
0x69: {  	_ =	shalt  }
0x6a: {  	_ =	shalt  }
0x6b: {  	_ =	shalt  }
0x6c: {  	_ =	shalt  }
0x6d: {  	_ =	shalt  }
0x6e: {  	_ =	shalt  }
0x6f: {  	_ =	shalt  }
0x70: {  	_ =	shalt  }
0x71: {  	_ =	shalt  }
0x72: {  	_ =	shalt  }
0x73: {  	_ =	shalt  }
0x74: {  	_ =	shalt  }
0x75: {  	_ =	shalt  }
0x76: {  	_ =	shalt  }
0x77: {  	_ =	shalt  }
0x78: {  	_ =	shalt  }
0x79: {  	_ =	shalt  }
0x7a: {  	_ =	shalt  }
0x7b: {  	_ =	shalt  }
0x7c: {  	_ =	shalt  }
0x7d: {  	_ =	shalt  }
0x7e: {  	_ =	shalt  }
0x7f: {  	_ =	shalt  }
0x80: {  	_ =	shalt  }
0x81: {  	_ =	shalt  }
0x82: {  	_ =	shalt  }
0x83: {  	_ =	shalt  }
0x84: {  	_ =	shalt  }
0x85: {  	_ =	shalt  }
0x86: {  	_ =	shalt  }
0x87: {  	_ =	shalt  }
.Lfunc_end0:
.L_simem_size_0:
called_computation.2_lowered:
.L_overlay_start_0:
0x88: {  	s2 =	sld [smem:$0x3FD9]  }
0x89: {  	s3 =	sld [smem:$0x3FFE];
	_ =	sdelay $0x1  }
0x8a: {  	s1 =	srdreg.scid  }
0x8b: {  	s0 =	sand.u32 $0x1, s1  }
0x8c: {  	s16 =	sshll.u32 s0, $0xA;
	s2 =	sadd.s32 s3, s2  }
0x8d: {  	s2 =	sadd.s32 s2, s16  }
0x8e: {  	[smem:$0x3FAF] =	sst s2  }
0x8f: {  	_ = 	snop  }
0x90: {  	(tm) =	ssettm $0x1  }
0x91: {  	s17 =	sld [smem:$0x3FFB];
	_ =	sdelay $0x3  }
0x92: {  	_ =	strace s17  }
0x93: {  	s2 =	sld [smem:$0x3FFC];
	_ =	sdelay $0x3  }
0x94: {  	_ =	strace s2  }
0x95: {  	s2 =	sld [smem:$0x3FFD];
	_ =	sdelay $0x3  }
0x96: {  	_ =	strace s2  }
0x97: {  	_ =	strace $0x8FFFFFFF  }
0x98: {  	s18 =	sld [smem:$0x3FDB];
	_ =	sdelay $0x1  }
0x99: {  	s19 =	simm.s32 $_scs_section_size  }
0x9a: {  	s4 =	simm.s32 $_size__tile_overlayer_lowered;
	s5 =	simm.s32 $_tile_overlayer_lowered  }
0x9b: {  	s22 =	simm.s32 $0x1BFF;
	s21 =	sshll.u32 s5, $0x1;
	s2 =	sadd.s32 s19, s18  }
0x9c: {  	s6 =	simm.s32 $0x0;
	s20 =	sshll.u32 s4, $0x1;
	s4 =	sadd.s32 s21, s2  }
0x9d: {  	[timem:s6], [sflag:s22] =	dma.local [hbm:s4], s20  }
0x9e: {  	_ =	swait.ge [sflag:s22], s20  }
0x9f: {  	s3 =	ssub.s32 $0x0, s20;
	[sflag:s22] =	ssyncset.done $0x0  }
0xa0: {  	[sflag:s22] =	ssyncadd.s32 s3;
	_ =	sdelay $0x1  }
0xa1: {  	s23 =	simm.s32 $0x1B8B  }
0xa2: {  	_ =	swait.ge [sflag:s23], $0x1  }
0xa3: {  	[sflag:s23] =	ssyncset.done $0x0  }
0xa4: {  	s25 =	simm.s32 $0x1B8E;
	s24 =	sld [smem:$0x3FFE];
	[sflag:s23] =	ssyncadd.s32 $0xFFFFFFFF  }
0xa5: {  	s26 =	simm.s32 $execute0_lowered;
	[smem:$0x3FD2] =	sst s25  }
0xa6: {  	s4 =	sshll.u32 s26, $0x1;
	_ =	strace $0x8000004C;
	[dreg:$0x1] =	wrdreg $0xFFFFFFFF  }
0xa7: {  	s28 =	simm.s32 $_size_execute0_lowered;
	s2 =	sadd.s32 s2, s4;
	[dreg:$0x0] =	wrdreg $0x0  }
0xa8: {  	s4 =	sshll.u32 s28, $0x1;
	[dreg:$0x2] =	wrdreg s2  }
0xa9: {  	[dreg:$0x3] =	wrdreg s4  }
0xaa: {  	[dreg:$0x4] =	wrdreg $0xC0  }
0xab: {  	_ =	task [dreg:s6], $0x5FFFF  }
0xac: {  	[dreg:$0x1] =	wrdreg $0xFFFFFFFF  }
0xad: {  	[dreg:$0x0] =	wrdreg $0x60  }
0xae: {  	[dreg:$0x2] =	wrdreg s24  }
0xaf: {  	[dreg:$0x3] =	wrdreg $0x90000  }
0xb0: {  	[dreg:$0x4] =	wrdreg $0x9  }
0xb1: {  	_ =	task.clear_ibuf [dreg:s6], $0x5FFFF;
	_ =	strace $0x9000004C  }
0xb2: {  	s29 =	simm.s32 $0x9;
	_ =	strace $0x8000004E  }
0xb3: {  	_ =	swait.ge [sflag:s29], $0x1  }
0xb4: {  	[sflag:s29] =	ssyncadd.s32 $0xFFFFFFFF  }
0xb5: {  	_ =	strace $0x9000004E  }
0xb6: {  	_ =	sfence  }
0xb7: {  	s30 =	sld [smem:$0x0];
	_ =	sdelay $0x2  }
0xb8: {  	s31 =	sshll.u32 s1, $0xD;
	s1 =	sshrl.u32 s1, $0x2  }
0xb9: {  	s3 =	sand.u32 $0x4000, s31;
	s1 =	sadd.s32 s1, s30  }
0xba: {  	s0 =	sor.u32 s3, s0;
	s1 =	sshll.u32 s1, $0x11  }
0xbb: {  	s0 =	sor.u32 s1, s0  }
0xbc: {  	s0 =	sadd.s32 $0x8F2B, s0  }
0xbd: {  	[sflag:s0] =	ssyncadd.remote.s32 $0x1  }
0xbe: {  	_ =	sfence.sel $0xFFFF  }
0xbf: {  	[dreg:$0x0] =	wrdreg $0xFFFFFFFF;
	(pc) =	sbr.abs _section_cstart, $3  }
0xc0: {  	[dreg:$0x1] =	wrdreg $0xFFFFFFFF  }
0xc1: {  	_ =	task.clear_ibuf [dreg:s6], $0x2FFFF;
	_ =	strace $0x9FFFFFFF  }
0xc2: {  	(tm) =	ssettm $0x7FFFFFFF  }
0xc3: {  	_ =	shalt  }
tec
execute0_lowered:
.L_overlay_start_1:
0x0: {  	(tag) =	ssettag $0x1  }
0x1: {  	s4 =	rddreg [dreg:$0x0]  }
0x2: {  	s1 =	rddreg [dreg:$0x1];
	s2 =	srdreg.scid  }
0x3: {  	s0 =	rddreg [dreg:$0x2];
	s3 =	simm.s32 $0x0;
	s5 =	sand.u32 $0x1, s2  }
0x4: {  	s17 =	simm.s32 $0x5000;
	s2 =	stileid.u32;
	s8 =	smul.u32 $0x140000, s5  }
0x5: {  	s18 =	simm.s32 $0x1;
	s19 =	simm.s32 $0x0;
	s6 =	smul.u32 $0x14000, s2  }
0x6: {  	[smem:$0x7FF] =	sst s3;
	s9 =	sadd.s32 $0x1A600, s4;
	s7 =	smul.u32 $0x50000, s2  }
0x7: {  	s10 =	sadd.s32 $0x6600, s4;
	s11 =	sadd.s32 $0x10600, s4;
	s13 =	smul.u32 $0xA00, s2  }
0x8: {  	_ =	strace $0x8000004D;
	s5 =	ssub.s32 $0x2, s5;
	s29 =	smul.u32 $0x5000, s2  }
0x9: {  	s30 =	sshll.u32 s2, $0x6;
	s26 =	sshrl.u32 s5, $0x1;
	s6 =	sadd.s32 s6, s8  }
0xa: {  	s14 =	ssub.s32 s5, s26;
	s28 =	sshrl.u32 s7, $0x2;
	s5 =	sor.u32 $0x1C02, s30  }
0xb: {  	s16 =	sshrl.u32 s29, $0x3;
	s7 =	sadd.s32 s11, s13;
	s8 =	sshrl.u32 s8, $0x3  }
0xc: {  	s6 =	sshrl.u32 s6, $0x3;
	s15 =	sadd.s32 s28, s1;
	s31 =	sadd.s32 $0x500, s16  }
0xd: {  	s8 =	sadd.s32 s9, s8;
	s16 =	simm.s32 $0x80;
	s12 =	sadd.s32 s6, s4  }
0xe: {  	s4 =	sadd.s32 s9, s6;
	s6 =	sadd.s32 s10, s13;
	s9 =	sadd.s32 s10, s31  }
0xf: {  	s10 =	sadd.s32 s11, s31;
	s13 =	sshrl.u32 s15, $0x3;
	s15 =	simm.s32 $0x2800  }
0x10: {  	s11 =	sadd.s32 $0xBA600, s12;
	s12 =	smax.u32 s14, $0x1;
	s14 =	simm.s32 $0x2  }
.LBB2_1:
0x11: {  	[spmem:s13], [sflag:s5] =	dma.local [hbm:s4], $0x2800  }
0x12: {  	_ =	swait.ge [sflag:s14], $0x2800  }
0x13: {  	[sflag:s14] =	ssyncset.done $0x0  }
0x14: {  	[sflag:s14] =	ssyncadd.s32 $0xFFFFD800  }
0x15: {  	[bflag:$0x0] =	sbarrier.arrive $0xFFFF  }
0x16: {  	[tilespmem:s3], [sflag:$0x2] =	stream.linear.gather [hbm4b:s6+s3], $0x2800, $0x38;
	[tilespmem:$0x1D000] =	vst v63  }
0x17: {  	_ =	swait.ge [sflag:s14], $0x2800  }
0x18: {  	[sflag:s14] =	ssyncset.done $0x0  }
0x19: {  	[sflag:s14] =	ssyncadd.s32 $0xFFFFD800  }
0x1a: {  	[tilespmem:s15], [sflag:$0x2] =	stream.linear.gather [hbm4b:s7+s3], $0x2800, $0x38;
	[tilespmem:$0x1D000] =	vst v63  }
0x1b: {  	_ =	swait.ge [sflag:s14], $0x2800  }
0x1c: {  	[sflag:s14] =	ssyncset.done $0x0  }
0x1d: {  	s20 =	simm.s32 $0x0;
	[sflag:s14] =	ssyncadd.s32 $0xFFFFD800  }
0x1e: {  	[tilespmem:s17], [sflag:$0x1] =	stream.indirect.gather [hbm4b:s8+s16], $0x80, s20, s16, $0xb8;
	[tilespmem:$0x1D000] =	vst v63  }
0x1f: {  	_ =	swait.ge [sflag:s18], $0x4000  }
0x20: {  	[sflag:s18] =	ssyncset.done $0x0  }
0x21: {  	s31 =	simm.s32 $0x2800;
	[sflag:s18] =	ssyncadd.s32 $0xFFFFC000  }
0x22: {  	[spmem:s1] =	stream.indirect.scatter.add.f32 [tilespmem:s17], [sflag:$0x2], $0x80, s31, s16, $0xb8;
	[tilespmem:$0x1D000] =	vst v63  }
0x23: {  	_ =	swait.ge [sflag:s14], $0x4000  }
0x24: {  	s21 =	simm.s32 $0x400;
	s20 =	simm.s32 $0x200;
	[sflag:s14] =	ssyncset.done $0x0  }
.LBB2_2:
0x25: {  	s22 =	sshra.s32 s20, $0x2  }
0x26: {  	[sflag:s14] =	ssyncadd.s32 $0xFFFFC000;
	s20 =	smov.u32 s21;
	s23 =	sadd.s32 $0x200, s21  }
0x27: {  	[tilespmem:s17], [sflag:$0x1] =	stream.indirect.gather [hbm4b:s8+s16], $0x80, s22, s16, $0xb8;
	[tilespmem:$0x1D000] =	vst v63  }
0x28: {  	p0 =	sne.s32 s21, $0x9E00;
	_ =	swait.ge [sflag:s18], $0x4000  }
.Ltmp0:
0x29: {  	[sflag:s18] =	ssyncset.done $0x0;
	(pc) =	sbr.rel @p0 .LBB2_2-.Ltmp0, $4  }
0x2a: {  	s21 =	sadd.s32 $0x2800, s22;
	[sflag:s18] =	ssyncadd.s32 $0xFFFFC000  }
0x2b: {  	[spmem:s1] =	stream.indirect.scatter.add.f32 [tilespmem:s17], [sflag:$0x2], $0x80, s21, s16, $0xb8;
	[tilespmem:$0x1D000] =	vst v63  }
0x2c: {  	_ =	swait.ge [sflag:s14], $0x4000  }
0x2d: {  	s21 =	smov.u32 s23;
	[sflag:s14] =	ssyncset.done $0x0  }
0x2e: {  	s20 =	sshra.s32 s20, $0x2;
	[sflag:s14] =	ssyncadd.s32 $0xFFFFC000  }
0x2f: {  	[tilespmem:s17], [sflag:$0x1] =	stream.indirect.gather [hbm4b:s8+s16], $0x80, s20, s16, $0xb8;
	[tilespmem:$0x1D000] =	vst v63  }
0x30: {  	_ =	swait.ge [sflag:s18], $0x4000  }
0x31: {  	[sflag:s18] =	ssyncset.done $0x0  }
0x32: {  	s20 =	sadd.s32 $0x2800, s20;
	[sflag:s18] =	ssyncadd.s32 $0xFFFFC000  }
0x33: {  	[spmem:s1] =	stream.indirect.scatter.add.f32 [tilespmem:s17], [sflag:$0x2], $0x80, s20, s16, $0xb8;
	[tilespmem:$0x1D000] =	vst v63  }
0x34: {  	_ =	swait.ge [sflag:s14], $0x4000  }
0x35: {  	[sflag:s14] =	ssyncset.done $0x0  }
0x36: {  	s29 =	simm.s32 $0x0;
	[sflag:s14] =	ssyncadd.s32 $0xFFFFC000  }
0x37: {  	[tilespmem:s29], [sflag:$0x2] =	stream.linear.gather [hbm4b:s9+s29], $0x2800, $0x38;
	[tilespmem:$0x1D000] =	vst v63  }
0x38: {  	_ =	swait.ge [sflag:s14], $0x2800  }
0x39: {  	[sflag:s14] =	ssyncset.done $0x0  }
0x3a: {  	[sflag:s14] =	ssyncadd.s32 $0xFFFFD800  }
0x3b: {  	[tilespmem:s15], [sflag:$0x2] =	stream.linear.gather [hbm4b:s10+s29], $0x2800, $0x38;
	[tilespmem:$0x1D000] =	vst v63  }
0x3c: {  	_ =	swait.ge [sflag:s14], $0x2800  }
0x3d: {  	[sflag:s14] =	ssyncset.done $0x0  }
0x3e: {  	s30 =	simm.s32 $0x0;
	[sflag:s14] =	ssyncadd.s32 $0xFFFFD800  }
0x3f: {  	[tilespmem:s17], [sflag:$0x1] =	stream.indirect.gather [hbm4b:s8+s16], $0x80, s30, s16, $0xb8;
	[tilespmem:$0x1D000] =	vst v63  }
0x40: {  	_ =	swait.ge [sflag:s18], $0x4000  }
0x41: {  	[sflag:s18] =	ssyncset.done $0x0  }
0x42: {  	s31 =	simm.s32 $0x2800;
	[sflag:s18] =	ssyncadd.s32 $0xFFFFC000  }
0x43: {  	[spmem:s1] =	stream.indirect.scatter.add.f32 [tilespmem:s17], [sflag:$0x2], $0x80, s31, s16, $0xb8;
	[tilespmem:$0x1D000] =	vst v63  }
0x44: {  	_ =	swait.ge [sflag:s14], $0x4000  }
0x45: {  	s21 =	simm.s32 $0x400;
	s20 =	simm.s32 $0x200;
	[sflag:s14] =	ssyncset.done $0x0  }
.LBB2_4:
0x46: {  	s22 =	sshra.s32 s20, $0x2  }
0x47: {  	[sflag:s14] =	ssyncadd.s32 $0xFFFFC000;
	s20 =	smov.u32 s21;
	s23 =	sadd.s32 $0x200, s21  }
0x48: {  	[tilespmem:s17], [sflag:$0x1] =	stream.indirect.gather [hbm4b:s8+s16], $0x80, s22, s16, $0xb8;
	[tilespmem:$0x1D000] =	vst v63  }
0x49: {  	p0 =	sne.s32 s21, $0x9E00;
	_ =	swait.ge [sflag:s18], $0x4000  }
.Ltmp1:
0x4a: {  	[sflag:s18] =	ssyncset.done $0x0;
	(pc) =	sbr.rel @p0 .LBB2_4-.Ltmp1, $4  }
0x4b: {  	s21 =	sadd.s32 $0x2800, s22;
	[sflag:s18] =	ssyncadd.s32 $0xFFFFC000  }
0x4c: {  	[spmem:s1] =	stream.indirect.scatter.add.f32 [tilespmem:s17], [sflag:$0x2], $0x80, s21, s16, $0xb8;
	[tilespmem:$0x1D000] =	vst v63  }
0x4d: {  	_ =	swait.ge [sflag:s14], $0x4000  }
0x4e: {  	s21 =	smov.u32 s23;
	[sflag:s14] =	ssyncset.done $0x0  }
0x4f: {  	s20 =	sshra.s32 s20, $0x2;
	[sflag:s14] =	ssyncadd.s32 $0xFFFFC000  }
0x50: {  	[tilespmem:s17], [sflag:$0x1] =	stream.indirect.gather [hbm4b:s8+s16], $0x80, s20, s16, $0xb8;
	[tilespmem:$0x1D000] =	vst v63  }
0x51: {  	_ =	swait.ge [sflag:s18], $0x4000  }
0x52: {  	[sflag:s18] =	ssyncset.done $0x0  }
0x53: {  	s20 =	sadd.s32 $0x2800, s20;
	[sflag:s18] =	ssyncadd.s32 $0xFFFFC000  }
0x54: {  	[spmem:s1] =	stream.indirect.scatter.add.f32 [tilespmem:s17], [sflag:$0x2], $0x80, s20, s16, $0xb8;
	[tilespmem:$0x1D000] =	vst v63  }
0x55: {  	_ =	swait.ge [sflag:s14], $0x4000  }
0x56: {  	s19 =	sadd.s32 $0x1, s19;
	[sflag:s14] =	ssyncset.done $0x0  }
0x57: {  	p0 =	sne.s32 s19, s12;
	[sflag:s14] =	ssyncadd.s32 $0xFFFFC000  }
.Ltmp2:
0x58: {  	[bflag:$0x0] =	sbarrier.arrive $0xFFFF;
	(pc) =	sbr.rel @p0 .LBB2_1-.Ltmp2, $4  }
0x59: {  	[hbm:s11], [sflag:s5] =	dma.local [spmem:s13], $0x2800  }
0x5a: {  	_ =	swait.ge [sflag:s14], $0x2800  }
0x5b: {  	[sflag:s14] =	ssyncset.done $0x0  }
0x5c: {  	[sflag:s14] =	ssyncadd.s32 $0xFFFFD800  }
0x5d: {  	_ =	sfence.sel $0x180000  }
0x5e: {  	[bflag:$0x0] =	sbarrier.arrive $0xFFFF  }
0x5f: {  	p0 =	sne.s32 s2, $0x0;
	_ =	strace $0x9000004D  }
0x60: {  	s0 =	sadd.s32 @!p0 $0x100000, s0;
	[bflag:$0x2] =	sbarrier.arrive $0xFFFF  }
0x61: {  	[sflag:s0] =	ssyncadd.tile.s32 @!p0 $0x1;
	_ =	shalt  }
.Lfunc_end2:
_tile_overlayer_lowered:
.L_overlay_start_2:
0x62: {  	(tag) =	ssettag $0x2  }
0x63: {  	s0 =	rddreg [dreg:$0x0];
	s2 =	stileid.u32  }
0x64: {  	s1 =	rddreg [dreg:$0x1];
	p0 =	sne.s32 s2, $0x0  }
0x65: {  	s3 =	rddreg [dreg:$0x2];
	[bflag:$0x3] =	sbarrier.arrive $0xFFFF;
	s2 =	simm.s32 @!p0 $0x1C02  }
0x66: {  	[timem:s3], [sflag:s2] =	dma.local @!p0 [hbm:s0], s1  }
0x67: {  	s0 =	simm.s32 @!p0 $0x2  }
0x68: {  	_ =	swait.ge @!p0 [sflag:s0], s1  }
0x69: {  	s1 =	ssub.s32 @!p0 $0x0, s1;
	[sflag:s0] =	ssyncset.done @!p0 $0x0  }
0x6a: {  	[sflag:s0] =	ssyncadd.s32 @!p0 s1  }
0x6b: {  	[bflag:$0x3] =	sbarrier.arrive $0xFFFF  }
0x6c: {  	_ =	shalt  }

// kernel: kernel.30.cloned.1.call-start
scs
__scs_entry_jumppad:
0x0: {  	(pc) =	sbr.rel $0x88, $3  }
0x1: {  	(tag) =	ssettag $0x0;
	lr =	simm.s32 $0x1  }
0x2: {  	[smem:$0x3F88] =	sst lr;
	_ =	strace $0xD0000000  }
0x3: {  	_ = 	snop  }
0x4: {  	_ = 	snop  }
0x5: {  	_ = 	snop  }
0x6: {  	_ = 	snop  }
0x7: {  	_ = 	snop  }
__scs_overlays_trampoline_lowered:
0x8: {  	[smem:$0x3F97] =	sst s0  }
0x9: {  	[smem:$0x3F98] =	sst s1  }
0xa: {  	[smem:$0x3F99] =	sst s2  }
0xb: {  	[smem:$0x3F9A] =	sst s3  }
0xc: {  	[smem:$0x3F9B] =	sst s4  }
0xd: {  	[smem:$0x3F9C] =	sst s5  }
0xe: {  	[smem:$0x3F9D] =	sst s6  }
0xf: {  	[smem:$0x3F9E] =	sst s7  }
0x10: {  	[smem:$0x3F9F] =	sst s8  }
0x11: {  	[smem:$0x3FA0] =	sst s9;
	s0 =	simm.s32 @!p0 $0x0  }
0x12: {  	s1 =	sld [smem:$0x3F86];
	s0 =	simm.s32 @p0 $0x1  }
0x13: {  	[smem:$0x3FA1] =	sst s0;
	s0 =	simm.s32 @!p1 $0x0  }
0x14: {  	s2 =	sld [smem:$0x3F85];
	s0 =	simm.s32 @p1 $0x1  }
0x15: {  	[smem:$0x3FA2] =	sst s0;
	s0 =	simm.s32 @!p2 $0x0  }
0x16: {  	s3 =	sld [smem:$0x3FDB];
	s0 =	simm.s32 @p2 $0x1  }
0x17: {  	s4 =	simm.s32 $0x1BF5;
	[smem:$0x3FA4] =	sst s0  }
0x18: {  	s0 =	sld [smem:$0x3F87];
	_ =	swait.ge [sflag:s4], $0x0  }
0x19: {  	s7 =	sld [smem:$0x3F88]  }
0x1a: {  	s8 =	sadd.s32 $0xFFFFE003, lr  }
0x1b: {  	s9 =	sadd.s32 $0xFFFFFEF7, lr;
	s5 =	simm.s32 $0xFFFFFFFF;
	p2 =	slt.u32 s8, $0xFFFFF086  }
0x1c: {  	p1 =	slt.u32 s9, $0xF7A;
	s5 =	simm.s32 @!p2 $0x0  }
0x1d: {  	s5 =	simm.s32 @p1 $0x1;
	p0 =	seq.s32 s7, s2  }
0x1e: {  	s7 =	smul.u32 @!p0 $0xF7A, s2;
	p2 =	seq.s32 @!p0 s5, $0x0  }
0x1f: {  	s9 =	smul.u32 $0xF7A, s1;
	s8 =	simm.s32 @!p0 $0x1BF5;
	p2 =	por !p2, p0  }
0x20: {  	[sflag:s8] =	ssyncset.s32 @!p0 $0xFFFFF086;
	s6 =	sadd.s32 @!p0 s3, s7;
	s7 =	simm.s32 @!p0 $0x108  }
0x21: {  	s3 =	sadd.s32 s3, s9;
	s6 =	sadd.s32 @!p0 $0x88, s6;
	s7 =	simm.s32 @p2 $0x1082  }
0x22: {  	[simem:s7], [sflag:s8] =	dma.local @!p0 [hbm:s6], $0xF7A  }
0x23: {  	s9 =	sor.u32 $0xD0000000, s2;
	s6 =	simm.s32 $0x108;
	_ =	swait.ge @!p0 [sflag:s8], $0x0  }
0x24: {  	s3 =	sadd.s32 $0x88, s3;
	s6 =	simm.s32 @!p1 $0x1082;
	[sflag:s4] =	ssyncset.s32 $0xFFFFF086  }
0x25: {  	[simem:s6], [sflag:s4] =	dma.local [hbm:s3], $0xF7A  }
0x26: {  	[smem:$0x3F88] =	sst s1;
	(tag) =	ssettag s2;
	_ =	strace s9  }
0x27: {  	s1 =	sld [smem:$0x3F98]  }
0x28: {  	s2 =	sld [smem:$0x3F99]  }
0x29: {  	s4 =	sld [smem:$0x3F9B]  }
0x2a: {  	p0 =	seq.s32 s5, $0x0;
	s5 =	sld [smem:$0x3F9C]  }
0x2b: {  	s6 =	sld [smem:$0x3F9D]  }
0x2c: {  	s7 =	sld [smem:$0x3F9E]  }
0x2d: {  	s3 =	simm.s32 $0x108;
	s8 =	sld [smem:$0x3F9F]  }
0x2e: {  	s3 =	simm.s32 @!p0 $0x1082;
	s9 =	sld [smem:$0x3FA0]  }
0x2f: {  	lr =	sadd.s32 s0, s3;
	s0 =	sld [smem:$0x3F97]  }
0x30: {  	s3 =	sld [smem:$0x3F9A]  }
0x31: {  	[smem:$0x3FA3] =	sst s10  }
0x32: {  	s10 =	sld [smem:$0x3FA1];
	_ =	sdelay $0x3  }
0x33: {  	p0 =	seq.s32 s10, $0x1;
	s10 =	sld [smem:$0x3FA3];
	_ =	sdelay $0x3  }
0x34: {  	[smem:$0x3FA3] =	sst s10  }
0x35: {  	s10 =	sld [smem:$0x3FA2];
	_ =	sdelay $0x3  }
0x36: {  	p1 =	seq.s32 s10, $0x1;
	s10 =	sld [smem:$0x3FA3];
	_ =	sdelay $0x3  }
0x37: {  	[smem:$0x3FA3] =	sst s10  }
0x38: {  	s10 =	sld [smem:$0x3FA4]  }
0x39: {  	_ = 	snop;
	(pc) =	sbr.ind lr, $3  }
0x3a: {  	_ = 	snop  }
0x3b: {  	_ = 	snop  }
0x3c: {  	p2 =	seq.s32 s10, $0x1;
	s10 =	sld [smem:$0x3FA3]  }
0x3d: {  	_ =	shalt  }
0x3e: {  	_ =	shalt  }
0x3f: {  	_ =	shalt  }
0x40: {  	_ =	shalt  }
0x41: {  	_ =	shalt  }
0x42: {  	_ =	shalt  }
0x43: {  	_ =	shalt  }
0x44: {  	_ =	shalt  }
0x45: {  	_ =	shalt  }
0x46: {  	_ =	shalt  }
0x47: {  	_ =	shalt  }
0x48: {  	_ =	shalt  }
0x49: {  	_ =	shalt  }
0x4a: {  	_ =	shalt  }
0x4b: {  	_ =	shalt  }
0x4c: {  	_ =	shalt  }
0x4d: {  	_ =	shalt  }
0x4e: {  	_ =	shalt  }
0x4f: {  	_ =	shalt  }
0x50: {  	_ =	shalt  }
0x51: {  	_ =	shalt  }
0x52: {  	_ =	shalt  }
0x53: {  	_ =	shalt  }
0x54: {  	_ =	shalt  }
0x55: {  	_ =	shalt  }
0x56: {  	_ =	shalt  }
0x57: {  	_ =	shalt  }
0x58: {  	_ =	shalt  }
0x59: {  	_ =	shalt  }
0x5a: {  	_ =	shalt  }
0x5b: {  	_ =	shalt  }
0x5c: {  	_ =	shalt  }
0x5d: {  	_ =	shalt  }
0x5e: {  	_ =	shalt  }
0x5f: {  	_ =	shalt  }
0x60: {  	_ =	shalt  }
0x61: {  	_ =	shalt  }
0x62: {  	_ =	shalt  }
0x63: {  	_ =	shalt  }
0x64: {  	_ =	shalt  }
0x65: {  	_ =	shalt  }
0x66: {  	_ =	shalt  }
0x67: {  	_ =	shalt  }
0x68: {  	_ =	shalt  }
0x69: {  	_ =	shalt  }
0x6a: {  	_ =	shalt  }
0x6b: {  	_ =	shalt  }
0x6c: {  	_ =	shalt  }
0x6d: {  	_ =	shalt  }
0x6e: {  	_ =	shalt  }
0x6f: {  	_ =	shalt  }
0x70: {  	_ =	shalt  }
0x71: {  	_ =	shalt  }
0x72: {  	_ =	shalt  }
0x73: {  	_ =	shalt  }
0x74: {  	_ =	shalt  }
0x75: {  	_ =	shalt  }
0x76: {  	_ =	shalt  }
0x77: {  	_ =	shalt  }
0x78: {  	_ =	shalt  }
0x79: {  	_ =	shalt  }
0x7a: {  	_ =	shalt  }
0x7b: {  	_ =	shalt  }
0x7c: {  	_ =	shalt  }
0x7d: {  	_ =	shalt  }
0x7e: {  	_ =	shalt  }
0x7f: {  	_ =	shalt  }
0x80: {  	_ =	shalt  }
0x81: {  	_ =	shalt  }
0x82: {  	_ =	shalt  }
0x83: {  	_ =	shalt  }
0x84: {  	_ =	shalt  }
0x85: {  	_ =	shalt  }
0x86: {  	_ =	shalt  }
0x87: {  	_ =	shalt  }
.Lfunc_end0:
.L_simem_size_0:
called_computation.3_lowered:
.L_overlay_start_0:
0x88: {  	s2 =	sld [smem:$0x3FD9]  }
0x89: {  	s3 =	sld [smem:$0x3FFE];
	_ =	sdelay $0x1  }
0x8a: {  	s1 =	srdreg.scid  }
0x8b: {  	s0 =	sand.u32 $0x1, s1  }
0x8c: {  	s16 =	sshll.u32 s0, $0xA;
	s2 =	sadd.s32 s3, s2  }
0x8d: {  	s2 =	sadd.s32 s2, s16  }
0x8e: {  	[smem:$0x3FAF] =	sst s2  }
0x8f: {  	_ = 	snop  }
0x90: {  	(tm) =	ssettm $0x1  }
0x91: {  	s17 =	sld [smem:$0x3FFB];
	_ =	sdelay $0x3  }
0x92: {  	_ =	strace s17  }
0x93: {  	s2 =	sld [smem:$0x3FFC];
	_ =	sdelay $0x3  }
0x94: {  	_ =	strace s2  }
0x95: {  	s2 =	sld [smem:$0x3FFD];
	_ =	sdelay $0x3  }
0x96: {  	_ =	strace s2  }
0x97: {  	_ =	strace $0x8FFFFFFF  }
0x98: {  	s18 =	sld [smem:$0x3FDB];
	_ =	sdelay $0x1  }
0x99: {  	s19 =	simm.s32 $_scs_section_size  }
0x9a: {  	s4 =	simm.s32 $_size__tile_overlayer_lowered;
	s5 =	simm.s32 $_tile_overlayer_lowered  }
0x9b: {  	s22 =	simm.s32 $0x1BFF;
	s21 =	sshll.u32 s5, $0x1;
	s2 =	sadd.s32 s19, s18  }
0x9c: {  	s6 =	simm.s32 $0x0;
	s20 =	sshll.u32 s4, $0x1;
	s4 =	sadd.s32 s21, s2  }
0x9d: {  	[timem:s6], [sflag:s22] =	dma.local [hbm:s4], s20  }
0x9e: {  	_ =	swait.ge [sflag:s22], s20  }
0x9f: {  	s3 =	ssub.s32 $0x0, s20;
	[sflag:s22] =	ssyncset.done $0x0  }
0xa0: {  	[sflag:s22] =	ssyncadd.s32 s3;
	_ =	sdelay $0x1  }
0xa1: {  	s23 =	simm.s32 $0x1B8B  }
0xa2: {  	_ =	swait.ge [sflag:s23], $0x1  }
0xa3: {  	[sflag:s23] =	ssyncset.done $0x0  }
0xa4: {  	s25 =	simm.s32 $0x1B8E;
	s24 =	sld [smem:$0x3FFE];
	[sflag:s23] =	ssyncadd.s32 $0xFFFFFFFF  }
0xa5: {  	s26 =	simm.s32 $execute0_lowered;
	[smem:$0x3FD2] =	sst s25  }
0xa6: {  	s4 =	sshll.u32 s26, $0x1;
	_ =	strace $0x8000004F;
	[dreg:$0x1] =	wrdreg $0xFFFFFFFF  }
0xa7: {  	s28 =	simm.s32 $_size_execute0_lowered;
	s2 =	sadd.s32 s2, s4;
	[dreg:$0x0] =	wrdreg $0x0  }
0xa8: {  	s4 =	sshll.u32 s28, $0x1;
	[dreg:$0x2] =	wrdreg s2  }
0xa9: {  	[dreg:$0x3] =	wrdreg s4  }
0xaa: {  	[dreg:$0x4] =	wrdreg $0xC0  }
0xab: {  	_ =	task [dreg:s6], $0x5FFFF  }
0xac: {  	[dreg:$0x1] =	wrdreg $0xFFFFFFFF  }
0xad: {  	[dreg:$0x0] =	wrdreg $0x60  }
0xae: {  	[dreg:$0x2] =	wrdreg s24  }
0xaf: {  	[dreg:$0x3] =	wrdreg $0x90000  }
0xb0: {  	[dreg:$0x4] =	wrdreg $0x9  }
0xb1: {  	_ =	task.clear_ibuf [dreg:s6], $0x5FFFF;
	_ =	strace $0x9000004F  }
0xb2: {  	s29 =	simm.s32 $0x9;
	_ =	strace $0x80000051  }
0xb3: {  	_ =	swait.ge [sflag:s29], $0x1  }
0xb4: {  	[sflag:s29] =	ssyncadd.s32 $0xFFFFFFFF  }
0xb5: {  	_ =	strace $0x90000051  }
0xb6: {  	_ =	sfence  }
0xb7: {  	s30 =	sld [smem:$0x0];
	_ =	sdelay $0x2  }
0xb8: {  	s31 =	sshll.u32 s1, $0xD;
	s1 =	sshrl.u32 s1, $0x2  }
0xb9: {  	s3 =	sand.u32 $0x4000, s31;
	s1 =	sadd.s32 s1, s30  }
0xba: {  	s0 =	sor.u32 s3, s0;
	s1 =	sshll.u32 s1, $0x11  }
0xbb: {  	s0 =	sor.u32 s1, s0  }
0xbc: {  	s0 =	sadd.s32 $0x8F2B, s0  }
0xbd: {  	[sflag:s0] =	ssyncadd.remote.s32 $0x1  }
0xbe: {  	_ =	sfence.sel $0xFFFF  }
0xbf: {  	[dreg:$0x0] =	wrdreg $0xFFFFFFFF;
	(pc) =	sbr.abs _section_cstart, $3  }
0xc0: {  	[dreg:$0x1] =	wrdreg $0xFFFFFFFF  }
0xc1: {  	_ =	task.clear_ibuf [dreg:s6], $0x2FFFF;
	_ =	strace $0x9FFFFFFF  }
0xc2: {  	(tm) =	ssettm $0x7FFFFFFF  }
0xc3: {  	_ =	shalt  }
tec
execute0_lowered:
.L_overlay_start_1:
0x0: {  	(tag) =	ssettag $0x1  }
0x1: {  	s4 =	rddreg [dreg:$0x0]  }
0x2: {  	s1 =	rddreg [dreg:$0x1];
	s2 =	srdreg.scid  }
0x3: {  	s0 =	rddreg [dreg:$0x2];
	s3 =	simm.s32 $0x0;
	s5 =	sand.u32 $0x1, s2  }
0x4: {  	s17 =	simm.s32 $0x5000;
	s2 =	stileid.u32;
	s8 =	smul.u32 $0x140000, s5  }
0x5: {  	s18 =	simm.s32 $0x1;
	s19 =	simm.s32 $0x0;
	s6 =	smul.u32 $0x14000, s2  }
0x6: {  	[smem:$0x7FF] =	sst s3;
	s9 =	sadd.s32 $0x1A600, s4;
	s7 =	smul.u32 $0x50000, s2  }
0x7: {  	s10 =	sadd.s32 $0x6600, s4;
	s11 =	sadd.s32 $0x10600, s4;
	s13 =	smul.u32 $0xA00, s2  }
0x8: {  	_ =	strace $0x80000050;
	s5 =	ssub.s32 $0x2, s5;
	s29 =	smul.u32 $0x5000, s2  }
0x9: {  	s30 =	sshll.u32 s2, $0x6;
	s26 =	sshrl.u32 s5, $0x1;
	s6 =	sadd.s32 s6, s8  }
0xa: {  	s14 =	ssub.s32 s5, s26;
	s28 =	sshrl.u32 s7, $0x2;
	s5 =	sor.u32 $0x1C02, s30  }
0xb: {  	s16 =	sshrl.u32 s29, $0x3;
	s7 =	sadd.s32 s11, s13;
	s8 =	sshrl.u32 s8, $0x3  }
0xc: {  	s6 =	sshrl.u32 s6, $0x3;
	s15 =	sadd.s32 s28, s1;
	s31 =	sadd.s32 $0x500, s16  }
0xd: {  	s8 =	sadd.s32 s9, s8;
	s16 =	simm.s32 $0x80;
	s12 =	sadd.s32 s6, s4  }
0xe: {  	s4 =	sadd.s32 s9, s6;
	s6 =	sadd.s32 s10, s13;
	s9 =	sadd.s32 s10, s31  }
0xf: {  	s10 =	sadd.s32 s11, s31;
	s13 =	sshrl.u32 s15, $0x3;
	s15 =	simm.s32 $0x2800  }
0x10: {  	s11 =	sadd.s32 $0x6A600, s12;
	s12 =	smax.u32 s14, $0x1;
	s14 =	simm.s32 $0x2  }
.LBB2_1:
0x11: {  	[spmem:s13], [sflag:s5] =	dma.local [hbm:s4], $0x2800  }
0x12: {  	_ =	swait.ge [sflag:s14], $0x2800  }
0x13: {  	[sflag:s14] =	ssyncset.done $0x0  }
0x14: {  	[sflag:s14] =	ssyncadd.s32 $0xFFFFD800  }
0x15: {  	[bflag:$0x0] =	sbarrier.arrive $0xFFFF  }
0x16: {  	[tilespmem:s3], [sflag:$0x2] =	stream.linear.gather [hbm4b:s6+s3], $0x2800, $0x38;
	[tilespmem:$0x1D000] =	vst v63  }
0x17: {  	_ =	swait.ge [sflag:s14], $0x2800  }
0x18: {  	[sflag:s14] =	ssyncset.done $0x0  }
0x19: {  	[sflag:s14] =	ssyncadd.s32 $0xFFFFD800  }
0x1a: {  	[tilespmem:s15], [sflag:$0x2] =	stream.linear.gather [hbm4b:s7+s3], $0x2800, $0x38;
	[tilespmem:$0x1D000] =	vst v63  }
0x1b: {  	_ =	swait.ge [sflag:s14], $0x2800  }
0x1c: {  	[sflag:s14] =	ssyncset.done $0x0  }
0x1d: {  	s20 =	simm.s32 $0x0;
	[sflag:s14] =	ssyncadd.s32 $0xFFFFD800  }
0x1e: {  	[tilespmem:s17], [sflag:$0x1] =	stream.indirect.gather [hbm4b:s8+s16], $0x80, s20, s16, $0xb8;
	[tilespmem:$0x1D000] =	vst v63  }
0x1f: {  	_ =	swait.ge [sflag:s18], $0x4000  }
0x20: {  	[sflag:s18] =	ssyncset.done $0x0  }
0x21: {  	s31 =	simm.s32 $0x2800;
	[sflag:s18] =	ssyncadd.s32 $0xFFFFC000  }
0x22: {  	[spmem:s1] =	stream.indirect.scatter.add.f32 [tilespmem:s17], [sflag:$0x2], $0x80, s31, s16, $0xb8;
	[tilespmem:$0x1D000] =	vst v63  }
0x23: {  	_ =	swait.ge [sflag:s14], $0x4000  }
0x24: {  	s21 =	simm.s32 $0x400;
	s20 =	simm.s32 $0x200;
	[sflag:s14] =	ssyncset.done $0x0  }
.LBB2_2:
0x25: {  	s22 =	sshra.s32 s20, $0x2  }
0x26: {  	[sflag:s14] =	ssyncadd.s32 $0xFFFFC000;
	s20 =	smov.u32 s21;
	s23 =	sadd.s32 $0x200, s21  }
0x27: {  	[tilespmem:s17], [sflag:$0x1] =	stream.indirect.gather [hbm4b:s8+s16], $0x80, s22, s16, $0xb8;
	[tilespmem:$0x1D000] =	vst v63  }
0x28: {  	p0 =	sne.s32 s21, $0x9E00;
	_ =	swait.ge [sflag:s18], $0x4000  }
.Ltmp0:
0x29: {  	[sflag:s18] =	ssyncset.done $0x0;
	(pc) =	sbr.rel @p0 .LBB2_2-.Ltmp0, $4  }
0x2a: {  	s21 =	sadd.s32 $0x2800, s22;
	[sflag:s18] =	ssyncadd.s32 $0xFFFFC000  }
0x2b: {  	[spmem:s1] =	stream.indirect.scatter.add.f32 [tilespmem:s17], [sflag:$0x2], $0x80, s21, s16, $0xb8;
	[tilespmem:$0x1D000] =	vst v63  }
0x2c: {  	_ =	swait.ge [sflag:s14], $0x4000  }
0x2d: {  	s21 =	smov.u32 s23;
	[sflag:s14] =	ssyncset.done $0x0  }
0x2e: {  	s20 =	sshra.s32 s20, $0x2;
	[sflag:s14] =	ssyncadd.s32 $0xFFFFC000  }
0x2f: {  	[tilespmem:s17], [sflag:$0x1] =	stream.indirect.gather [hbm4b:s8+s16], $0x80, s20, s16, $0xb8;
	[tilespmem:$0x1D000] =	vst v63  }
0x30: {  	_ =	swait.ge [sflag:s18], $0x4000  }
0x31: {  	[sflag:s18] =	ssyncset.done $0x0  }
0x32: {  	s20 =	sadd.s32 $0x2800, s20;
	[sflag:s18] =	ssyncadd.s32 $0xFFFFC000  }
0x33: {  	[spmem:s1] =	stream.indirect.scatter.add.f32 [tilespmem:s17], [sflag:$0x2], $0x80, s20, s16, $0xb8;
	[tilespmem:$0x1D000] =	vst v63  }
0x34: {  	_ =	swait.ge [sflag:s14], $0x4000  }
0x35: {  	[sflag:s14] =	ssyncset.done $0x0  }
0x36: {  	s29 =	simm.s32 $0x0;
	[sflag:s14] =	ssyncadd.s32 $0xFFFFC000  }
0x37: {  	[tilespmem:s29], [sflag:$0x2] =	stream.linear.gather [hbm4b:s9+s29], $0x2800, $0x38;
	[tilespmem:$0x1D000] =	vst v63  }
0x38: {  	_ =	swait.ge [sflag:s14], $0x2800  }
0x39: {  	[sflag:s14] =	ssyncset.done $0x0  }
0x3a: {  	[sflag:s14] =	ssyncadd.s32 $0xFFFFD800  }
0x3b: {  	[tilespmem:s15], [sflag:$0x2] =	stream.linear.gather [hbm4b:s10+s29], $0x2800, $0x38;
	[tilespmem:$0x1D000] =	vst v63  }
0x3c: {  	_ =	swait.ge [sflag:s14], $0x2800  }
0x3d: {  	[sflag:s14] =	ssyncset.done $0x0  }
0x3e: {  	s30 =	simm.s32 $0x0;
	[sflag:s14] =	ssyncadd.s32 $0xFFFFD800  }
0x3f: {  	[tilespmem:s17], [sflag:$0x1] =	stream.indirect.gather [hbm4b:s8+s16], $0x80, s30, s16, $0xb8;
	[tilespmem:$0x1D000] =	vst v63  }
0x40: {  	_ =	swait.ge [sflag:s18], $0x4000  }
0x41: {  	[sflag:s18] =	ssyncset.done $0x0  }
0x42: {  	s31 =	simm.s32 $0x2800;
	[sflag:s18] =	ssyncadd.s32 $0xFFFFC000  }
0x43: {  	[spmem:s1] =	stream.indirect.scatter.add.f32 [tilespmem:s17], [sflag:$0x2], $0x80, s31, s16, $0xb8;
	[tilespmem:$0x1D000] =	vst v63  }
0x44: {  	_ =	swait.ge [sflag:s14], $0x4000  }
0x45: {  	s21 =	simm.s32 $0x400;
	s20 =	simm.s32 $0x200;
	[sflag:s14] =	ssyncset.done $0x0  }
.LBB2_4:
0x46: {  	s22 =	sshra.s32 s20, $0x2  }
0x47: {  	[sflag:s14] =	ssyncadd.s32 $0xFFFFC000;
	s20 =	smov.u32 s21;
	s23 =	sadd.s32 $0x200, s21  }
0x48: {  	[tilespmem:s17], [sflag:$0x1] =	stream.indirect.gather [hbm4b:s8+s16], $0x80, s22, s16, $0xb8;
	[tilespmem:$0x1D000] =	vst v63  }
0x49: {  	p0 =	sne.s32 s21, $0x9E00;
	_ =	swait.ge [sflag:s18], $0x4000  }
.Ltmp1:
0x4a: {  	[sflag:s18] =	ssyncset.done $0x0;
	(pc) =	sbr.rel @p0 .LBB2_4-.Ltmp1, $4  }
0x4b: {  	s21 =	sadd.s32 $0x2800, s22;
	[sflag:s18] =	ssyncadd.s32 $0xFFFFC000  }
0x4c: {  	[spmem:s1] =	stream.indirect.scatter.add.f32 [tilespmem:s17], [sflag:$0x2], $0x80, s21, s16, $0xb8;
	[tilespmem:$0x1D000] =	vst v63  }
0x4d: {  	_ =	swait.ge [sflag:s14], $0x4000  }
0x4e: {  	s21 =	smov.u32 s23;
	[sflag:s14] =	ssyncset.done $0x0  }
0x4f: {  	s20 =	sshra.s32 s20, $0x2;
	[sflag:s14] =	ssyncadd.s32 $0xFFFFC000  }
0x50: {  	[tilespmem:s17], [sflag:$0x1] =	stream.indirect.gather [hbm4b:s8+s16], $0x80, s20, s16, $0xb8;
	[tilespmem:$0x1D000] =	vst v63  }
0x51: {  	_ =	swait.ge [sflag:s18], $0x4000  }
0x52: {  	[sflag:s18] =	ssyncset.done $0x0  }
0x53: {  	s20 =	sadd.s32 $0x2800, s20;
	[sflag:s18] =	ssyncadd.s32 $0xFFFFC000  }
0x54: {  	[spmem:s1] =	stream.indirect.scatter.add.f32 [tilespmem:s17], [sflag:$0x2], $0x80, s20, s16, $0xb8;
	[tilespmem:$0x1D000] =	vst v63  }
0x55: {  	_ =	swait.ge [sflag:s14], $0x4000  }
0x56: {  	s19 =	sadd.s32 $0x1, s19;
	[sflag:s14] =	ssyncset.done $0x0  }
0x57: {  	p0 =	sne.s32 s19, s12;
	[sflag:s14] =	ssyncadd.s32 $0xFFFFC000  }
.Ltmp2:
0x58: {  	[bflag:$0x0] =	sbarrier.arrive $0xFFFF;
	(pc) =	sbr.rel @p0 .LBB2_1-.Ltmp2, $4  }
0x59: {  	[hbm:s11], [sflag:s5] =	dma.local [spmem:s13], $0x2800  }
0x5a: {  	_ =	swait.ge [sflag:s14], $0x2800  }
0x5b: {  	[sflag:s14] =	ssyncset.done $0x0  }
0x5c: {  	[sflag:s14] =	ssyncadd.s32 $0xFFFFD800  }
0x5d: {  	_ =	sfence.sel $0x180000  }
0x5e: {  	[bflag:$0x0] =	sbarrier.arrive $0xFFFF  }
0x5f: {  	p0 =	sne.s32 s2, $0x0;
	_ =	strace $0x90000050  }
0x60: {  	s0 =	sadd.s32 @!p0 $0x100000, s0;
	[bflag:$0x2] =	sbarrier.arrive $0xFFFF  }
0x61: {  	[sflag:s0] =	ssyncadd.tile.s32 @!p0 $0x1;
	_ =	shalt  }
.Lfunc_end2:
_tile_overlayer_lowered:
.L_overlay_start_2:
0x62: {  	(tag) =	ssettag $0x2  }
0x63: {  	s0 =	rddreg [dreg:$0x0];
	s2 =	stileid.u32  }
0x64: {  	s1 =	rddreg [dreg:$0x1];
	p0 =	sne.s32 s2, $0x0  }
0x65: {  	s3 =	rddreg [dreg:$0x2];
	[bflag:$0x3] =	sbarrier.arrive $0xFFFF;
	s2 =	simm.s32 @!p0 $0x1C02  }
0x66: {  	[timem:s3], [sflag:s2] =	dma.local @!p0 [hbm:s0], s1  }
0x67: {  	s0 =	simm.s32 @!p0 $0x2  }
0x68: {  	_ =	swait.ge @!p0 [sflag:s0], s1  }
0x69: {  	s1 =	ssub.s32 @!p0 $0x0, s1;
	[sflag:s0] =	ssyncset.done @!p0 $0x0  }
0x6a: {  	[sflag:s0] =	ssyncadd.s32 @!p0 s1  }
0x6b: {  	[bflag:$0x3] =	sbarrier.arrive $0xFFFF  }
0x6c: {  	_ =	shalt  }

// kernel: kernel.33.cloned.1.call-start
scs
__scs_entry_jumppad:
0x0: {  	(pc) =	sbr.rel $0x88, $3  }
0x1: {  	(tag) =	ssettag $0x0;
	lr =	simm.s32 $0x1  }
0x2: {  	[smem:$0x3F88] =	sst lr;
	_ =	strace $0xD0000000  }
0x3: {  	_ = 	snop  }
0x4: {  	_ = 	snop  }
0x5: {  	_ = 	snop  }
0x6: {  	_ = 	snop  }
0x7: {  	_ = 	snop  }
__scs_overlays_trampoline_lowered:
0x8: {  	[smem:$0x3F97] =	sst s0  }
0x9: {  	[smem:$0x3F98] =	sst s1  }
0xa: {  	[smem:$0x3F99] =	sst s2  }
0xb: {  	[smem:$0x3F9A] =	sst s3  }
0xc: {  	[smem:$0x3F9B] =	sst s4  }
0xd: {  	[smem:$0x3F9C] =	sst s5  }
0xe: {  	[smem:$0x3F9D] =	sst s6  }
0xf: {  	[smem:$0x3F9E] =	sst s7  }
0x10: {  	[smem:$0x3F9F] =	sst s8  }
0x11: {  	[smem:$0x3FA0] =	sst s9;
	s0 =	simm.s32 @!p0 $0x0  }
0x12: {  	s1 =	sld [smem:$0x3F86];
	s0 =	simm.s32 @p0 $0x1  }
0x13: {  	[smem:$0x3FA1] =	sst s0;
	s0 =	simm.s32 @!p1 $0x0  }
0x14: {  	s2 =	sld [smem:$0x3F85];
	s0 =	simm.s32 @p1 $0x1  }
0x15: {  	[smem:$0x3FA2] =	sst s0;
	s0 =	simm.s32 @!p2 $0x0  }
0x16: {  	s3 =	sld [smem:$0x3FDB];
	s0 =	simm.s32 @p2 $0x1  }
0x17: {  	s4 =	simm.s32 $0x1BF5;
	[smem:$0x3FA4] =	sst s0  }
0x18: {  	s0 =	sld [smem:$0x3F87];
	_ =	swait.ge [sflag:s4], $0x0  }
0x19: {  	s7 =	sld [smem:$0x3F88]  }
0x1a: {  	s8 =	sadd.s32 $0xFFFFE003, lr  }
0x1b: {  	s9 =	sadd.s32 $0xFFFFFEF7, lr;
	s5 =	simm.s32 $0xFFFFFFFF;
	p2 =	slt.u32 s8, $0xFFFFF086  }
0x1c: {  	p1 =	slt.u32 s9, $0xF7A;
	s5 =	simm.s32 @!p2 $0x0  }
0x1d: {  	s5 =	simm.s32 @p1 $0x1;
	p0 =	seq.s32 s7, s2  }
0x1e: {  	s7 =	smul.u32 @!p0 $0xF7A, s2;
	p2 =	seq.s32 @!p0 s5, $0x0  }
0x1f: {  	s9 =	smul.u32 $0xF7A, s1;
	s8 =	simm.s32 @!p0 $0x1BF5;
	p2 =	por !p2, p0  }
0x20: {  	[sflag:s8] =	ssyncset.s32 @!p0 $0xFFFFF086;
	s6 =	sadd.s32 @!p0 s3, s7;
	s7 =	simm.s32 @!p0 $0x108  }
0x21: {  	s3 =	sadd.s32 s3, s9;
	s6 =	sadd.s32 @!p0 $0x88, s6;
	s7 =	simm.s32 @p2 $0x1082  }
0x22: {  	[simem:s7], [sflag:s8] =	dma.local @!p0 [hbm:s6], $0xF7A  }
0x23: {  	s9 =	sor.u32 $0xD0000000, s2;
	s6 =	simm.s32 $0x108;
	_ =	swait.ge @!p0 [sflag:s8], $0x0  }
0x24: {  	s3 =	sadd.s32 $0x88, s3;
	s6 =	simm.s32 @!p1 $0x1082;
	[sflag:s4] =	ssyncset.s32 $0xFFFFF086  }
0x25: {  	[simem:s6], [sflag:s4] =	dma.local [hbm:s3], $0xF7A  }
0x26: {  	[smem:$0x3F88] =	sst s1;
	(tag) =	ssettag s2;
	_ =	strace s9  }
0x27: {  	s1 =	sld [smem:$0x3F98]  }
0x28: {  	s2 =	sld [smem:$0x3F99]  }
0x29: {  	s4 =	sld [smem:$0x3F9B]  }
0x2a: {  	p0 =	seq.s32 s5, $0x0;
	s5 =	sld [smem:$0x3F9C]  }
0x2b: {  	s6 =	sld [smem:$0x3F9D]  }
0x2c: {  	s7 =	sld [smem:$0x3F9E]  }
0x2d: {  	s3 =	simm.s32 $0x108;
	s8 =	sld [smem:$0x3F9F]  }
0x2e: {  	s3 =	simm.s32 @!p0 $0x1082;
	s9 =	sld [smem:$0x3FA0]  }
0x2f: {  	lr =	sadd.s32 s0, s3;
	s0 =	sld [smem:$0x3F97]  }
0x30: {  	s3 =	sld [smem:$0x3F9A]  }
0x31: {  	[smem:$0x3FA3] =	sst s10  }
0x32: {  	s10 =	sld [smem:$0x3FA1];
	_ =	sdelay $0x3  }
0x33: {  	p0 =	seq.s32 s10, $0x1;
	s10 =	sld [smem:$0x3FA3];
	_ =	sdelay $0x3  }
0x34: {  	[smem:$0x3FA3] =	sst s10  }
0x35: {  	s10 =	sld [smem:$0x3FA2];
	_ =	sdelay $0x3  }
0x36: {  	p1 =	seq.s32 s10, $0x1;
	s10 =	sld [smem:$0x3FA3];
	_ =	sdelay $0x3  }
0x37: {  	[smem:$0x3FA3] =	sst s10  }
0x38: {  	s10 =	sld [smem:$0x3FA4]  }
0x39: {  	_ = 	snop;
	(pc) =	sbr.ind lr, $3  }
0x3a: {  	_ = 	snop  }
0x3b: {  	_ = 	snop  }
0x3c: {  	p2 =	seq.s32 s10, $0x1;
	s10 =	sld [smem:$0x3FA3]  }
0x3d: {  	_ =	shalt  }
0x3e: {  	_ =	shalt  }
0x3f: {  	_ =	shalt  }
0x40: {  	_ =	shalt  }
0x41: {  	_ =	shalt  }
0x42: {  	_ =	shalt  }
0x43: {  	_ =	shalt  }
0x44: {  	_ =	shalt  }
0x45: {  	_ =	shalt  }
0x46: {  	_ =	shalt  }
0x47: {  	_ =	shalt  }
0x48: {  	_ =	shalt  }
0x49: {  	_ =	shalt  }
0x4a: {  	_ =	shalt  }
0x4b: {  	_ =	shalt  }
0x4c: {  	_ =	shalt  }
0x4d: {  	_ =	shalt  }
0x4e: {  	_ =	shalt  }
0x4f: {  	_ =	shalt  }
0x50: {  	_ =	shalt  }
0x51: {  	_ =	shalt  }
0x52: {  	_ =	shalt  }
0x53: {  	_ =	shalt  }
0x54: {  	_ =	shalt  }
0x55: {  	_ =	shalt  }
0x56: {  	_ =	shalt  }
0x57: {  	_ =	shalt  }
0x58: {  	_ =	shalt  }
0x59: {  	_ =	shalt  }
0x5a: {  	_ =	shalt  }
0x5b: {  	_ =	shalt  }
0x5c: {  	_ =	shalt  }
0x5d: {  	_ =	shalt  }
0x5e: {  	_ =	shalt  }
0x5f: {  	_ =	shalt  }
0x60: {  	_ =	shalt  }
0x61: {  	_ =	shalt  }
0x62: {  	_ =	shalt  }
0x63: {  	_ =	shalt  }
0x64: {  	_ =	shalt  }
0x65: {  	_ =	shalt  }
0x66: {  	_ =	shalt  }
0x67: {  	_ =	shalt  }
0x68: {  	_ =	shalt  }
0x69: {  	_ =	shalt  }
0x6a: {  	_ =	shalt  }
0x6b: {  	_ =	shalt  }
0x6c: {  	_ =	shalt  }
0x6d: {  	_ =	shalt  }
0x6e: {  	_ =	shalt  }
0x6f: {  	_ =	shalt  }
0x70: {  	_ =	shalt  }
0x71: {  	_ =	shalt  }
0x72: {  	_ =	shalt  }
0x73: {  	_ =	shalt  }
0x74: {  	_ =	shalt  }
0x75: {  	_ =	shalt  }
0x76: {  	_ =	shalt  }
0x77: {  	_ =	shalt  }
0x78: {  	_ =	shalt  }
0x79: {  	_ =	shalt  }
0x7a: {  	_ =	shalt  }
0x7b: {  	_ =	shalt  }
0x7c: {  	_ =	shalt  }
0x7d: {  	_ =	shalt  }
0x7e: {  	_ =	shalt  }
0x7f: {  	_ =	shalt  }
0x80: {  	_ =	shalt  }
0x81: {  	_ =	shalt  }
0x82: {  	_ =	shalt  }
0x83: {  	_ =	shalt  }
0x84: {  	_ =	shalt  }
0x85: {  	_ =	shalt  }
0x86: {  	_ =	shalt  }
0x87: {  	_ =	shalt  }
.Lfunc_end0:
.L_simem_size_0:
called_computation.4_lowered:
.L_overlay_start_0:
0x88: {  	s2 =	sld [smem:$0x3FD9]  }
0x89: {  	s3 =	sld [smem:$0x3FFE];
	_ =	sdelay $0x1  }
0x8a: {  	s1 =	srdreg.scid  }
0x8b: {  	s0 =	sand.u32 $0x1, s1  }
0x8c: {  	s16 =	sshll.u32 s0, $0xA;
	s2 =	sadd.s32 s3, s2  }
0x8d: {  	s2 =	sadd.s32 s2, s16  }
0x8e: {  	[smem:$0x3FAF] =	sst s2  }
0x8f: {  	_ = 	snop  }
0x90: {  	(tm) =	ssettm $0x1  }
0x91: {  	s17 =	sld [smem:$0x3FFB];
	_ =	sdelay $0x3  }
0x92: {  	_ =	strace s17  }
0x93: {  	s2 =	sld [smem:$0x3FFC];
	_ =	sdelay $0x3  }
0x94: {  	_ =	strace s2  }
0x95: {  	s2 =	sld [smem:$0x3FFD];
	_ =	sdelay $0x3  }
0x96: {  	_ =	strace s2  }
0x97: {  	_ =	strace $0x8FFFFFFF  }
0x98: {  	s18 =	sld [smem:$0x3FDB];
	_ =	sdelay $0x1  }
0x99: {  	s19 =	simm.s32 $_scs_section_size  }
0x9a: {  	s4 =	simm.s32 $_size__tile_overlayer_lowered;
	s5 =	simm.s32 $_tile_overlayer_lowered  }
0x9b: {  	s22 =	simm.s32 $0x1BFF;
	s21 =	sshll.u32 s5, $0x1;
	s2 =	sadd.s32 s19, s18  }
0x9c: {  	s6 =	simm.s32 $0x0;
	s20 =	sshll.u32 s4, $0x1;
	s4 =	sadd.s32 s21, s2  }
0x9d: {  	[timem:s6], [sflag:s22] =	dma.local [hbm:s4], s20  }
0x9e: {  	_ =	swait.ge [sflag:s22], s20  }
0x9f: {  	s3 =	ssub.s32 $0x0, s20;
	[sflag:s22] =	ssyncset.done $0x0  }
0xa0: {  	[sflag:s22] =	ssyncadd.s32 s3;
	_ =	sdelay $0x1  }
0xa1: {  	s23 =	simm.s32 $0x1B8B  }
0xa2: {  	_ =	swait.ge [sflag:s23], $0x1  }
0xa3: {  	[sflag:s23] =	ssyncset.done $0x0  }
0xa4: {  	s25 =	simm.s32 $0x1B8E;
	s24 =	sld [smem:$0x3FFE];
	[sflag:s23] =	ssyncadd.s32 $0xFFFFFFFF  }
0xa5: {  	s26 =	simm.s32 $execute0_lowered;
	[smem:$0x3FD2] =	sst s25  }
0xa6: {  	s4 =	sshll.u32 s26, $0x1;
	_ =	strace $0x80000052;
	[dreg:$0x1] =	wrdreg $0xFFFFFFFF  }
0xa7: {  	s28 =	simm.s32 $_size_execute0_lowered;
	s2 =	sadd.s32 s2, s4;
	[dreg:$0x0] =	wrdreg $0x0  }
0xa8: {  	s4 =	sshll.u32 s28, $0x1;
	[dreg:$0x2] =	wrdreg s2  }
0xa9: {  	[dreg:$0x3] =	wrdreg s4  }
0xaa: {  	[dreg:$0x4] =	wrdreg $0xC0  }
0xab: {  	_ =	task [dreg:s6], $0x5FFFF  }
0xac: {  	[dreg:$0x1] =	wrdreg $0xFFFFFFFF  }
0xad: {  	[dreg:$0x0] =	wrdreg $0x60  }
0xae: {  	[dreg:$0x2] =	wrdreg s24  }
0xaf: {  	[dreg:$0x3] =	wrdreg $0x90000  }
0xb0: {  	[dreg:$0x4] =	wrdreg $0x9  }
0xb1: {  	_ =	task.clear_ibuf [dreg:s6], $0x5FFFF;
	_ =	strace $0x90000052  }
0xb2: {  	s29 =	simm.s32 $0x9;
	_ =	strace $0x80000054  }
0xb3: {  	_ =	swait.ge [sflag:s29], $0x1  }
0xb4: {  	[sflag:s29] =	ssyncadd.s32 $0xFFFFFFFF  }
0xb5: {  	_ =	strace $0x90000054  }
0xb6: {  	_ =	sfence  }
0xb7: {  	s30 =	sld [smem:$0x0];
	_ =	sdelay $0x2  }
0xb8: {  	s31 =	sshll.u32 s1, $0xD;
	s1 =	sshrl.u32 s1, $0x2  }
0xb9: {  	s3 =	sand.u32 $0x4000, s31;
	s1 =	sadd.s32 s1, s30  }
0xba: {  	s0 =	sor.u32 s3, s0;
	s1 =	sshll.u32 s1, $0x11  }
0xbb: {  	s0 =	sor.u32 s1, s0  }
0xbc: {  	s0 =	sadd.s32 $0x8F2B, s0  }
0xbd: {  	[sflag:s0] =	ssyncadd.remote.s32 $0x1  }
0xbe: {  	_ =	sfence.sel $0xFFFF  }
0xbf: {  	[dreg:$0x0] =	wrdreg $0xFFFFFFFF;
	(pc) =	sbr.abs _section_cstart, $3  }
0xc0: {  	[dreg:$0x1] =	wrdreg $0xFFFFFFFF  }
0xc1: {  	_ =	task.clear_ibuf [dreg:s6], $0x2FFFF;
	_ =	strace $0x9FFFFFFF  }
0xc2: {  	(tm) =	ssettm $0x7FFFFFFF  }
0xc3: {  	_ =	shalt  }
tec
execute0_lowered:
.L_overlay_start_1:
0x0: {  	(tag) =	ssettag $0x1  }
0x1: {  	s4 =	rddreg [dreg:$0x0]  }
0x2: {  	s1 =	rddreg [dreg:$0x1];
	s2 =	srdreg.scid  }
0x3: {  	s0 =	rddreg [dreg:$0x2];
	s3 =	simm.s32 $0x0;
	s5 =	sand.u32 $0x1, s2  }
0x4: {  	s17 =	simm.s32 $0x5000;
	s2 =	stileid.u32;
	s8 =	smul.u32 $0x140000, s5  }
0x5: {  	s18 =	simm.s32 $0x1;
	s19 =	simm.s32 $0x0;
	s6 =	smul.u32 $0x14000, s2  }
0x6: {  	[smem:$0x7FF] =	sst s3;
	s9 =	sadd.s32 $0x1A600, s4;
	s7 =	smul.u32 $0x50000, s2  }
0x7: {  	s10 =	sadd.s32 $0x6600, s4;
	s11 =	sadd.s32 $0x10600, s4;
	s13 =	smul.u32 $0xA00, s2  }
0x8: {  	_ =	strace $0x80000053;
	s5 =	ssub.s32 $0x2, s5;
	s29 =	smul.u32 $0x5000, s2  }
0x9: {  	s30 =	sshll.u32 s2, $0x6;
	s26 =	sshrl.u32 s5, $0x1;
	s6 =	sadd.s32 s6, s8  }
0xa: {  	s14 =	ssub.s32 s5, s26;
	s28 =	sshrl.u32 s7, $0x2;
	s5 =	sor.u32 $0x1C02, s30  }
0xb: {  	s16 =	sshrl.u32 s29, $0x3;
	s7 =	sadd.s32 s11, s13;
	s8 =	sshrl.u32 s8, $0x3  }
0xc: {  	s6 =	sshrl.u32 s6, $0x3;
	s15 =	sadd.s32 s28, s1;
	s31 =	sadd.s32 $0x500, s16  }
0xd: {  	s8 =	sadd.s32 s9, s8;
	s16 =	simm.s32 $0x80;
	s12 =	sadd.s32 s6, s4  }
0xe: {  	s4 =	sadd.s32 s9, s6;
	s6 =	sadd.s32 s10, s13;
	s9 =	sadd.s32 s10, s31  }
0xf: {  	s10 =	sadd.s32 s11, s31;
	s13 =	sshrl.u32 s15, $0x3;
	s15 =	simm.s32 $0x2800  }
0x10: {  	s11 =	sadd.s32 $0xBA600, s12;
	s12 =	smax.u32 s14, $0x1;
	s14 =	simm.s32 $0x2  }
.LBB2_1:
0x11: {  	[spmem:s13], [sflag:s5] =	dma.local [hbm:s4], $0x2800  }
0x12: {  	_ =	swait.ge [sflag:s14], $0x2800  }
0x13: {  	[sflag:s14] =	ssyncset.done $0x0  }
0x14: {  	[sflag:s14] =	ssyncadd.s32 $0xFFFFD800  }
0x15: {  	[bflag:$0x0] =	sbarrier.arrive $0xFFFF  }
0x16: {  	[tilespmem:s3], [sflag:$0x2] =	stream.linear.gather [hbm4b:s6+s3], $0x2800, $0x38;
	[tilespmem:$0x1D000] =	vst v63  }
0x17: {  	_ =	swait.ge [sflag:s14], $0x2800  }
0x18: {  	[sflag:s14] =	ssyncset.done $0x0  }
0x19: {  	[sflag:s14] =	ssyncadd.s32 $0xFFFFD800  }
0x1a: {  	[tilespmem:s15], [sflag:$0x2] =	stream.linear.gather [hbm4b:s7+s3], $0x2800, $0x38;
	[tilespmem:$0x1D000] =	vst v63  }
0x1b: {  	_ =	swait.ge [sflag:s14], $0x2800  }
0x1c: {  	[sflag:s14] =	ssyncset.done $0x0  }
0x1d: {  	s20 =	simm.s32 $0x0;
	[sflag:s14] =	ssyncadd.s32 $0xFFFFD800  }
0x1e: {  	[tilespmem:s17], [sflag:$0x1] =	stream.indirect.gather [hbm4b:s8+s16], $0x80, s20, s16, $0xb8;
	[tilespmem:$0x1D000] =	vst v63  }
0x1f: {  	_ =	swait.ge [sflag:s18], $0x4000  }
0x20: {  	[sflag:s18] =	ssyncset.done $0x0  }
0x21: {  	s31 =	simm.s32 $0x2800;
	[sflag:s18] =	ssyncadd.s32 $0xFFFFC000  }
0x22: {  	[spmem:s1] =	stream.indirect.scatter.add.f32 [tilespmem:s17], [sflag:$0x2], $0x80, s31, s16, $0xb8;
	[tilespmem:$0x1D000] =	vst v63  }
0x23: {  	_ =	swait.ge [sflag:s14], $0x4000  }
0x24: {  	s21 =	simm.s32 $0x400;
	s20 =	simm.s32 $0x200;
	[sflag:s14] =	ssyncset.done $0x0  }
.LBB2_2:
0x25: {  	s22 =	sshra.s32 s20, $0x2  }
0x26: {  	[sflag:s14] =	ssyncadd.s32 $0xFFFFC000;
	s20 =	smov.u32 s21;
	s23 =	sadd.s32 $0x200, s21  }
0x27: {  	[tilespmem:s17], [sflag:$0x1] =	stream.indirect.gather [hbm4b:s8+s16], $0x80, s22, s16, $0xb8;
	[tilespmem:$0x1D000] =	vst v63  }
0x28: {  	p0 =	sne.s32 s21, $0x9E00;
	_ =	swait.ge [sflag:s18], $0x4000  }
.Ltmp0:
0x29: {  	[sflag:s18] =	ssyncset.done $0x0;
	(pc) =	sbr.rel @p0 .LBB2_2-.Ltmp0, $4  }
0x2a: {  	s21 =	sadd.s32 $0x2800, s22;
	[sflag:s18] =	ssyncadd.s32 $0xFFFFC000  }
0x2b: {  	[spmem:s1] =	stream.indirect.scatter.add.f32 [tilespmem:s17], [sflag:$0x2], $0x80, s21, s16, $0xb8;
	[tilespmem:$0x1D000] =	vst v63  }
0x2c: {  	_ =	swait.ge [sflag:s14], $0x4000  }
0x2d: {  	s21 =	smov.u32 s23;
	[sflag:s14] =	ssyncset.done $0x0  }
0x2e: {  	s20 =	sshra.s32 s20, $0x2;
	[sflag:s14] =	ssyncadd.s32 $0xFFFFC000  }
0x2f: {  	[tilespmem:s17], [sflag:$0x1] =	stream.indirect.gather [hbm4b:s8+s16], $0x80, s20, s16, $0xb8;
	[tilespmem:$0x1D000] =	vst v63  }
0x30: {  	_ =	swait.ge [sflag:s18], $0x4000  }
0x31: {  	[sflag:s18] =	ssyncset.done $0x0  }
0x32: {  	s20 =	sadd.s32 $0x2800, s20;
	[sflag:s18] =	ssyncadd.s32 $0xFFFFC000  }
0x33: {  	[spmem:s1] =	stream.indirect.scatter.add.f32 [tilespmem:s17], [sflag:$0x2], $0x80, s20, s16, $0xb8;
	[tilespmem:$0x1D000] =	vst v63  }
0x34: {  	_ =	swait.ge [sflag:s14], $0x4000  }
0x35: {  	[sflag:s14] =	ssyncset.done $0x0  }
0x36: {  	s29 =	simm.s32 $0x0;
	[sflag:s14] =	ssyncadd.s32 $0xFFFFC000  }
0x37: {  	[tilespmem:s29], [sflag:$0x2] =	stream.linear.gather [hbm4b:s9+s29], $0x2800, $0x38;
	[tilespmem:$0x1D000] =	vst v63  }
0x38: {  	_ =	swait.ge [sflag:s14], $0x2800  }
0x39: {  	[sflag:s14] =	ssyncset.done $0x0  }
0x3a: {  	[sflag:s14] =	ssyncadd.s32 $0xFFFFD800  }
0x3b: {  	[tilespmem:s15], [sflag:$0x2] =	stream.linear.gather [hbm4b:s10+s29], $0x2800, $0x38;
	[tilespmem:$0x1D000] =	vst v63  }
0x3c: {  	_ =	swait.ge [sflag:s14], $0x2800  }
0x3d: {  	[sflag:s14] =	ssyncset.done $0x0  }
0x3e: {  	s30 =	simm.s32 $0x0;
	[sflag:s14] =	ssyncadd.s32 $0xFFFFD800  }
0x3f: {  	[tilespmem:s17], [sflag:$0x1] =	stream.indirect.gather [hbm4b:s8+s16], $0x80, s30, s16, $0xb8;
	[tilespmem:$0x1D000] =	vst v63  }
0x40: {  	_ =	swait.ge [sflag:s18], $0x4000  }
0x41: {  	[sflag:s18] =	ssyncset.done $0x0  }
0x42: {  	s31 =	simm.s32 $0x2800;
	[sflag:s18] =	ssyncadd.s32 $0xFFFFC000  }
0x43: {  	[spmem:s1] =	stream.indirect.scatter.add.f32 [tilespmem:s17], [sflag:$0x2], $0x80, s31, s16, $0xb8;
	[tilespmem:$0x1D000] =	vst v63  }
0x44: {  	_ =	swait.ge [sflag:s14], $0x4000  }
0x45: {  	s21 =	simm.s32 $0x400;
	s20 =	simm.s32 $0x200;
	[sflag:s14] =	ssyncset.done $0x0  }
.LBB2_4:
0x46: {  	s22 =	sshra.s32 s20, $0x2  }
0x47: {  	[sflag:s14] =	ssyncadd.s32 $0xFFFFC000;
	s20 =	smov.u32 s21;
	s23 =	sadd.s32 $0x200, s21  }
0x48: {  	[tilespmem:s17], [sflag:$0x1] =	stream.indirect.gather [hbm4b:s8+s16], $0x80, s22, s16, $0xb8;
	[tilespmem:$0x1D000] =	vst v63  }
0x49: {  	p0 =	sne.s32 s21, $0x9E00;
	_ =	swait.ge [sflag:s18], $0x4000  }
.Ltmp1:
0x4a: {  	[sflag:s18] =	ssyncset.done $0x0;
	(pc) =	sbr.rel @p0 .LBB2_4-.Ltmp1, $4  }
0x4b: {  	s21 =	sadd.s32 $0x2800, s22;
	[sflag:s18] =	ssyncadd.s32 $0xFFFFC000  }
0x4c: {  	[spmem:s1] =	stream.indirect.scatter.add.f32 [tilespmem:s17], [sflag:$0x2], $0x80, s21, s16, $0xb8;
	[tilespmem:$0x1D000] =	vst v63  }
0x4d: {  	_ =	swait.ge [sflag:s14], $0x4000  }
0x4e: {  	s21 =	smov.u32 s23;
	[sflag:s14] =	ssyncset.done $0x0  }
0x4f: {  	s20 =	sshra.s32 s20, $0x2;
	[sflag:s14] =	ssyncadd.s32 $0xFFFFC000  }
0x50: {  	[tilespmem:s17], [sflag:$0x1] =	stream.indirect.gather [hbm4b:s8+s16], $0x80, s20, s16, $0xb8;
	[tilespmem:$0x1D000] =	vst v63  }
0x51: {  	_ =	swait.ge [sflag:s18], $0x4000  }
0x52: {  	[sflag:s18] =	ssyncset.done $0x0  }
0x53: {  	s20 =	sadd.s32 $0x2800, s20;
	[sflag:s18] =	ssyncadd.s32 $0xFFFFC000  }
0x54: {  	[spmem:s1] =	stream.indirect.scatter.add.f32 [tilespmem:s17], [sflag:$0x2], $0x80, s20, s16, $0xb8;
	[tilespmem:$0x1D000] =	vst v63  }
0x55: {  	_ =	swait.ge [sflag:s14], $0x4000  }
0x56: {  	s19 =	sadd.s32 $0x1, s19;
	[sflag:s14] =	ssyncset.done $0x0  }
0x57: {  	p0 =	sne.s32 s19, s12;
	[sflag:s14] =	ssyncadd.s32 $0xFFFFC000  }
.Ltmp2:
0x58: {  	[bflag:$0x0] =	sbarrier.arrive $0xFFFF;
	(pc) =	sbr.rel @p0 .LBB2_1-.Ltmp2, $4  }
0x59: {  	[hbm:s11], [sflag:s5] =	dma.local [spmem:s13], $0x2800  }
0x5a: {  	_ =	swait.ge [sflag:s14], $0x2800  }
0x5b: {  	[sflag:s14] =	ssyncset.done $0x0  }
0x5c: {  	[sflag:s14] =	ssyncadd.s32 $0xFFFFD800  }
0x5d: {  	_ =	sfence.sel $0x180000  }
0x5e: {  	[bflag:$0x0] =	sbarrier.arrive $0xFFFF  }
0x5f: {  	p0 =	sne.s32 s2, $0x0;
	_ =	strace $0x90000053  }
0x60: {  	s0 =	sadd.s32 @!p0 $0x100000, s0;
	[bflag:$0x2] =	sbarrier.arrive $0xFFFF  }
0x61: {  	[sflag:s0] =	ssyncadd.tile.s32 @!p0 $0x1;
	_ =	shalt  }
.Lfunc_end2:
_tile_overlayer_lowered:
.L_overlay_start_2:
0x62: {  	(tag) =	ssettag $0x2  }
0x63: {  	s0 =	rddreg [dreg:$0x0];
	s2 =	stileid.u32  }
0x64: {  	s1 =	rddreg [dreg:$0x1];
	p0 =	sne.s32 s2, $0x0  }
0x65: {  	s3 =	rddreg [dreg:$0x2];
	[bflag:$0x3] =	sbarrier.arrive $0xFFFF;
	s2 =	simm.s32 @!p0 $0x1C02  }
0x66: {  	[timem:s3], [sflag:s2] =	dma.local @!p0 [hbm:s0], s1  }
0x67: {  	s0 =	simm.s32 @!p0 $0x2  }
0x68: {  	_ =	swait.ge @!p0 [sflag:s0], s1  }
0x69: {  	s1 =	ssub.s32 @!p0 $0x0, s1;
	[sflag:s0] =	ssyncset.done @!p0 $0x0  }
0x6a: {  	[sflag:s0] =	ssyncadd.s32 @!p0 s1  }
0x6b: {  	[bflag:$0x3] =	sbarrier.arrive $0xFFFF  }
0x6c: {  	_ =	shalt  }

// kernel: kernel.36.cloned.1.call-start
scs
__scs_entry_jumppad:
0x0: {  	(pc) =	sbr.rel $0x88, $3  }
0x1: {  	(tag) =	ssettag $0x0;
	lr =	simm.s32 $0x1  }
0x2: {  	[smem:$0x3F88] =	sst lr;
	_ =	strace $0xD0000000  }
0x3: {  	_ = 	snop  }
0x4: {  	_ = 	snop  }
0x5: {  	_ = 	snop  }
0x6: {  	_ = 	snop  }
0x7: {  	_ = 	snop  }
__scs_overlays_trampoline_lowered:
0x8: {  	[smem:$0x3F97] =	sst s0  }
0x9: {  	[smem:$0x3F98] =	sst s1  }
0xa: {  	[smem:$0x3F99] =	sst s2  }
0xb: {  	[smem:$0x3F9A] =	sst s3  }
0xc: {  	[smem:$0x3F9B] =	sst s4  }
0xd: {  	[smem:$0x3F9C] =	sst s5  }
0xe: {  	[smem:$0x3F9D] =	sst s6  }
0xf: {  	[smem:$0x3F9E] =	sst s7  }
0x10: {  	[smem:$0x3F9F] =	sst s8  }
0x11: {  	[smem:$0x3FA0] =	sst s9;
	s0 =	simm.s32 @!p0 $0x0  }
0x12: {  	s1 =	sld [smem:$0x3F86];
	s0 =	simm.s32 @p0 $0x1  }
0x13: {  	[smem:$0x3FA1] =	sst s0;
	s0 =	simm.s32 @!p1 $0x0  }
0x14: {  	s2 =	sld [smem:$0x3F85];
	s0 =	simm.s32 @p1 $0x1  }
0x15: {  	[smem:$0x3FA2] =	sst s0;
	s0 =	simm.s32 @!p2 $0x0  }
0x16: {  	s3 =	sld [smem:$0x3FDB];
	s0 =	simm.s32 @p2 $0x1  }
0x17: {  	s4 =	simm.s32 $0x1BF5;
	[smem:$0x3FA4] =	sst s0  }
0x18: {  	s0 =	sld [smem:$0x3F87];
	_ =	swait.ge [sflag:s4], $0x0  }
0x19: {  	s7 =	sld [smem:$0x3F88]  }
0x1a: {  	s8 =	sadd.s32 $0xFFFFE003, lr  }
0x1b: {  	s9 =	sadd.s32 $0xFFFFFEF7, lr;
	s5 =	simm.s32 $0xFFFFFFFF;
	p2 =	slt.u32 s8, $0xFFFFF086  }
0x1c: {  	p1 =	slt.u32 s9, $0xF7A;
	s5 =	simm.s32 @!p2 $0x0  }
0x1d: {  	s5 =	simm.s32 @p1 $0x1;
	p0 =	seq.s32 s7, s2  }
0x1e: {  	s7 =	smul.u32 @!p0 $0xF7A, s2;
	p2 =	seq.s32 @!p0 s5, $0x0  }
0x1f: {  	s9 =	smul.u32 $0xF7A, s1;
	s8 =	simm.s32 @!p0 $0x1BF5;
	p2 =	por !p2, p0  }
0x20: {  	[sflag:s8] =	ssyncset.s32 @!p0 $0xFFFFF086;
	s6 =	sadd.s32 @!p0 s3, s7;
	s7 =	simm.s32 @!p0 $0x108  }
0x21: {  	s3 =	sadd.s32 s3, s9;
	s6 =	sadd.s32 @!p0 $0x88, s6;
	s7 =	simm.s32 @p2 $0x1082  }
0x22: {  	[simem:s7], [sflag:s8] =	dma.local @!p0 [hbm:s6], $0xF7A  }
0x23: {  	s9 =	sor.u32 $0xD0000000, s2;
	s6 =	simm.s32 $0x108;
	_ =	swait.ge @!p0 [sflag:s8], $0x0  }
0x24: {  	s3 =	sadd.s32 $0x88, s3;
	s6 =	simm.s32 @!p1 $0x1082;
	[sflag:s4] =	ssyncset.s32 $0xFFFFF086  }
0x25: {  	[simem:s6], [sflag:s4] =	dma.local [hbm:s3], $0xF7A  }
0x26: {  	[smem:$0x3F88] =	sst s1;
	(tag) =	ssettag s2;
	_ =	strace s9  }
0x27: {  	s1 =	sld [smem:$0x3F98]  }
0x28: {  	s2 =	sld [smem:$0x3F99]  }
0x29: {  	s4 =	sld [smem:$0x3F9B]  }
0x2a: {  	p0 =	seq.s32 s5, $0x0;
	s5 =	sld [smem:$0x3F9C]  }
0x2b: {  	s6 =	sld [smem:$0x3F9D]  }
0x2c: {  	s7 =	sld [smem:$0x3F9E]  }
0x2d: {  	s3 =	simm.s32 $0x108;
	s8 =	sld [smem:$0x3F9F]  }
0x2e: {  	s3 =	simm.s32 @!p0 $0x1082;
	s9 =	sld [smem:$0x3FA0]  }
0x2f: {  	lr =	sadd.s32 s0, s3;
	s0 =	sld [smem:$0x3F97]  }
0x30: {  	s3 =	sld [smem:$0x3F9A]  }
0x31: {  	[smem:$0x3FA3] =	sst s10  }
0x32: {  	s10 =	sld [smem:$0x3FA1];
	_ =	sdelay $0x3  }
0x33: {  	p0 =	seq.s32 s10, $0x1;
	s10 =	sld [smem:$0x3FA3];
	_ =	sdelay $0x3  }
0x34: {  	[smem:$0x3FA3] =	sst s10  }
0x35: {  	s10 =	sld [smem:$0x3FA2];
	_ =	sdelay $0x3  }
0x36: {  	p1 =	seq.s32 s10, $0x1;
	s10 =	sld [smem:$0x3FA3];
	_ =	sdelay $0x3  }
0x37: {  	[smem:$0x3FA3] =	sst s10  }
0x38: {  	s10 =	sld [smem:$0x3FA4]  }
0x39: {  	_ = 	snop;
	(pc) =	sbr.ind lr, $3  }
0x3a: {  	_ = 	snop  }
0x3b: {  	_ = 	snop  }
0x3c: {  	p2 =	seq.s32 s10, $0x1;
	s10 =	sld [smem:$0x3FA3]  }
0x3d: {  	_ =	shalt  }
0x3e: {  	_ =	shalt  }
0x3f: {  	_ =	shalt  }
0x40: {  	_ =	shalt  }
0x41: {  	_ =	shalt  }
0x42: {  	_ =	shalt  }
0x43: {  	_ =	shalt  }
0x44: {  	_ =	shalt  }
0x45: {  	_ =	shalt  }
0x46: {  	_ =	shalt  }
0x47: {  	_ =	shalt  }
0x48: {  	_ =	shalt  }
0x49: {  	_ =	shalt  }
0x4a: {  	_ =	shalt  }
0x4b: {  	_ =	shalt  }
0x4c: {  	_ =	shalt  }
0x4d: {  	_ =	shalt  }
0x4e: {  	_ =	shalt  }
0x4f: {  	_ =	shalt  }
0x50: {  	_ =	shalt  }
0x51: {  	_ =	shalt  }
0x52: {  	_ =	shalt  }
0x53: {  	_ =	shalt  }
0x54: {  	_ =	shalt  }
0x55: {  	_ =	shalt  }
0x56: {  	_ =	shalt  }
0x57: {  	_ =	shalt  }
0x58: {  	_ =	shalt  }
0x59: {  	_ =	shalt  }
0x5a: {  	_ =	shalt  }
0x5b: {  	_ =	shalt  }
0x5c: {  	_ =	shalt  }
0x5d: {  	_ =	shalt  }
0x5e: {  	_ =	shalt  }
0x5f: {  	_ =	shalt  }
0x60: {  	_ =	shalt  }
0x61: {  	_ =	shalt  }
0x62: {  	_ =	shalt  }
0x63: {  	_ =	shalt  }
0x64: {  	_ =	shalt  }
0x65: {  	_ =	shalt  }
0x66: {  	_ =	shalt  }
0x67: {  	_ =	shalt  }
0x68: {  	_ =	shalt  }
0x69: {  	_ =	shalt  }
0x6a: {  	_ =	shalt  }
0x6b: {  	_ =	shalt  }
0x6c: {  	_ =	shalt  }
0x6d: {  	_ =	shalt  }
0x6e: {  	_ =	shalt  }
0x6f: {  	_ =	shalt  }
0x70: {  	_ =	shalt  }
0x71: {  	_ =	shalt  }
0x72: {  	_ =	shalt  }
0x73: {  	_ =	shalt  }
0x74: {  	_ =	shalt  }
0x75: {  	_ =	shalt  }
0x76: {  	_ =	shalt  }
0x77: {  	_ =	shalt  }
0x78: {  	_ =	shalt  }
0x79: {  	_ =	shalt  }
0x7a: {  	_ =	shalt  }
0x7b: {  	_ =	shalt  }
0x7c: {  	_ =	shalt  }
0x7d: {  	_ =	shalt  }
0x7e: {  	_ =	shalt  }
0x7f: {  	_ =	shalt  }
0x80: {  	_ =	shalt  }
0x81: {  	_ =	shalt  }
0x82: {  	_ =	shalt  }
0x83: {  	_ =	shalt  }
0x84: {  	_ =	shalt  }
0x85: {  	_ =	shalt  }
0x86: {  	_ =	shalt  }
0x87: {  	_ =	shalt  }
.Lfunc_end0:
.L_simem_size_0:
called_computation.5_lowered:
.L_overlay_start_0:
0x88: {  	s2 =	sld [smem:$0x3FD9]  }
0x89: {  	s3 =	sld [smem:$0x3FFE];
	_ =	sdelay $0x1  }
0x8a: {  	s1 =	srdreg.scid  }
0x8b: {  	s0 =	sand.u32 $0x1, s1  }
0x8c: {  	s16 =	sshll.u32 s0, $0xA;
	s2 =	sadd.s32 s3, s2  }
0x8d: {  	s2 =	sadd.s32 s2, s16  }
0x8e: {  	[smem:$0x3FAF] =	sst s2  }
0x8f: {  	_ = 	snop  }
0x90: {  	(tm) =	ssettm $0x1  }
0x91: {  	s17 =	sld [smem:$0x3FFB];
	_ =	sdelay $0x3  }
0x92: {  	_ =	strace s17  }
0x93: {  	s2 =	sld [smem:$0x3FFC];
	_ =	sdelay $0x3  }
0x94: {  	_ =	strace s2  }
0x95: {  	s2 =	sld [smem:$0x3FFD];
	_ =	sdelay $0x3  }
0x96: {  	_ =	strace s2  }
0x97: {  	_ =	strace $0x8FFFFFFF  }
0x98: {  	s18 =	sld [smem:$0x3FDB];
	_ =	sdelay $0x1  }
0x99: {  	s19 =	simm.s32 $_scs_section_size  }
0x9a: {  	s4 =	simm.s32 $_size__tile_overlayer_lowered;
	s5 =	simm.s32 $_tile_overlayer_lowered  }
0x9b: {  	s22 =	simm.s32 $0x1BFF;
	s21 =	sshll.u32 s5, $0x1;
	s2 =	sadd.s32 s19, s18  }
0x9c: {  	s6 =	simm.s32 $0x0;
	s20 =	sshll.u32 s4, $0x1;
	s4 =	sadd.s32 s21, s2  }
0x9d: {  	[timem:s6], [sflag:s22] =	dma.local [hbm:s4], s20  }
0x9e: {  	_ =	swait.ge [sflag:s22], s20  }
0x9f: {  	s3 =	ssub.s32 $0x0, s20;
	[sflag:s22] =	ssyncset.done $0x0  }
0xa0: {  	[sflag:s22] =	ssyncadd.s32 s3;
	_ =	sdelay $0x1  }
0xa1: {  	s23 =	simm.s32 $0x1B8B  }
0xa2: {  	_ =	swait.ge [sflag:s23], $0x1  }
0xa3: {  	[sflag:s23] =	ssyncset.done $0x0  }
0xa4: {  	s25 =	simm.s32 $0x1B8E;
	s24 =	sld [smem:$0x3FFE];
	[sflag:s23] =	ssyncadd.s32 $0xFFFFFFFF  }
0xa5: {  	s26 =	simm.s32 $execute0_lowered;
	[smem:$0x3FD2] =	sst s25  }
0xa6: {  	s4 =	sshll.u32 s26, $0x1;
	_ =	strace $0x80000055;
	[dreg:$0x1] =	wrdreg $0xFFFFFFFF  }
0xa7: {  	s28 =	simm.s32 $_size_execute0_lowered;
	s2 =	sadd.s32 s2, s4;
	[dreg:$0x0] =	wrdreg $0x0  }
0xa8: {  	s4 =	sshll.u32 s28, $0x1;
	[dreg:$0x2] =	wrdreg s2  }
0xa9: {  	[dreg:$0x3] =	wrdreg s4  }
0xaa: {  	[dreg:$0x4] =	wrdreg $0xC0  }
0xab: {  	_ =	task [dreg:s6], $0x5FFFF  }
0xac: {  	[dreg:$0x1] =	wrdreg $0xFFFFFFFF  }
0xad: {  	[dreg:$0x0] =	wrdreg $0x60  }
0xae: {  	[dreg:$0x2] =	wrdreg s24  }
0xaf: {  	[dreg:$0x3] =	wrdreg $0x90000  }
0xb0: {  	[dreg:$0x4] =	wrdreg $0x9  }
0xb1: {  	_ =	task.clear_ibuf [dreg:s6], $0x5FFFF;
	_ =	strace $0x90000055  }
0xb2: {  	s29 =	simm.s32 $0x9;
	_ =	strace $0x80000057  }
0xb3: {  	_ =	swait.ge [sflag:s29], $0x1  }
0xb4: {  	[sflag:s29] =	ssyncadd.s32 $0xFFFFFFFF  }
0xb5: {  	_ =	strace $0x90000057  }
0xb6: {  	_ =	sfence  }
0xb7: {  	s30 =	sld [smem:$0x0];
	_ =	sdelay $0x2  }
0xb8: {  	s31 =	sshll.u32 s1, $0xD;
	s1 =	sshrl.u32 s1, $0x2  }
0xb9: {  	s3 =	sand.u32 $0x4000, s31;
	s1 =	sadd.s32 s1, s30  }
0xba: {  	s0 =	sor.u32 s3, s0;
	s1 =	sshll.u32 s1, $0x11  }
0xbb: {  	s0 =	sor.u32 s1, s0  }
0xbc: {  	s0 =	sadd.s32 $0x8F2B, s0  }
0xbd: {  	[sflag:s0] =	ssyncadd.remote.s32 $0x1  }
0xbe: {  	_ =	sfence.sel $0xFFFF  }
0xbf: {  	[dreg:$0x0] =	wrdreg $0xFFFFFFFF;
	(pc) =	sbr.abs _section_cstart, $3  }
0xc0: {  	[dreg:$0x1] =	wrdreg $0xFFFFFFFF  }
0xc1: {  	_ =	task.clear_ibuf [dreg:s6], $0x2FFFF;
	_ =	strace $0x9FFFFFFF  }
0xc2: {  	(tm) =	ssettm $0x7FFFFFFF  }
0xc3: {  	_ =	shalt  }
tec
execute0_lowered:
.L_overlay_start_1:
0x0: {  	(tag) =	ssettag $0x1  }
0x1: {  	s4 =	rddreg [dreg:$0x0]  }
0x2: {  	s1 =	rddreg [dreg:$0x1];
	s2 =	srdreg.scid  }
0x3: {  	s0 =	rddreg [dreg:$0x2];
	s3 =	simm.s32 $0x0;
	s5 =	sand.u32 $0x1, s2  }
0x4: {  	s17 =	simm.s32 $0x5000;
	s2 =	stileid.u32;
	s8 =	smul.u32 $0x140000, s5  }
0x5: {  	s18 =	simm.s32 $0x1;
	s19 =	simm.s32 $0x0;
	s6 =	smul.u32 $0x14000, s2  }
0x6: {  	[smem:$0x7FF] =	sst s3;
	s9 =	sadd.s32 $0x1A600, s4;
	s7 =	smul.u32 $0x50000, s2  }
0x7: {  	s10 =	sadd.s32 $0x6600, s4;
	s11 =	sadd.s32 $0x10600, s4;
	s13 =	smul.u32 $0xA00, s2  }
0x8: {  	_ =	strace $0x80000056;
	s5 =	ssub.s32 $0x2, s5;
	s29 =	smul.u32 $0x5000, s2  }
0x9: {  	s30 =	sshll.u32 s2, $0x6;
	s26 =	sshrl.u32 s5, $0x1;
	s6 =	sadd.s32 s6, s8  }
0xa: {  	s14 =	ssub.s32 s5, s26;
	s28 =	sshrl.u32 s7, $0x2;
	s5 =	sor.u32 $0x1C02, s30  }
0xb: {  	s16 =	sshrl.u32 s29, $0x3;
	s7 =	sadd.s32 s11, s13;
	s8 =	sshrl.u32 s8, $0x3  }
0xc: {  	s6 =	sshrl.u32 s6, $0x3;
	s15 =	sadd.s32 s28, s1;
	s31 =	sadd.s32 $0x500, s16  }
0xd: {  	s8 =	sadd.s32 s9, s8;
	s16 =	simm.s32 $0x80;
	s12 =	sadd.s32 s6, s4  }
0xe: {  	s4 =	sadd.s32 s9, s6;
	s6 =	sadd.s32 s10, s13;
	s9 =	sadd.s32 s10, s31  }
0xf: {  	s10 =	sadd.s32 s11, s31;
	s13 =	sshrl.u32 s15, $0x3;
	s15 =	simm.s32 $0x2800  }
0x10: {  	s11 =	sadd.s32 $0x6A600, s12;
	s12 =	smax.u32 s14, $0x1;
	s14 =	simm.s32 $0x2  }
.LBB2_1:
0x11: {  	[spmem:s13], [sflag:s5] =	dma.local [hbm:s4], $0x2800  }
0x12: {  	_ =	swait.ge [sflag:s14], $0x2800  }
0x13: {  	[sflag:s14] =	ssyncset.done $0x0  }
0x14: {  	[sflag:s14] =	ssyncadd.s32 $0xFFFFD800  }
0x15: {  	[bflag:$0x0] =	sbarrier.arrive $0xFFFF  }
0x16: {  	[tilespmem:s3], [sflag:$0x2] =	stream.linear.gather [hbm4b:s6+s3], $0x2800, $0x38;
	[tilespmem:$0x1D000] =	vst v63  }
0x17: {  	_ =	swait.ge [sflag:s14], $0x2800  }
0x18: {  	[sflag:s14] =	ssyncset.done $0x0  }
0x19: {  	[sflag:s14] =	ssyncadd.s32 $0xFFFFD800  }
0x1a: {  	[tilespmem:s15], [sflag:$0x2] =	stream.linear.gather [hbm4b:s7+s3], $0x2800, $0x38;
	[tilespmem:$0x1D000] =	vst v63  }
0x1b: {  	_ =	swait.ge [sflag:s14], $0x2800  }
0x1c: {  	[sflag:s14] =	ssyncset.done $0x0  }
0x1d: {  	s20 =	simm.s32 $0x0;
	[sflag:s14] =	ssyncadd.s32 $0xFFFFD800  }
0x1e: {  	[tilespmem:s17], [sflag:$0x1] =	stream.indirect.gather [hbm4b:s8+s16], $0x80, s20, s16, $0xb8;
	[tilespmem:$0x1D000] =	vst v63  }
0x1f: {  	_ =	swait.ge [sflag:s18], $0x4000  }
0x20: {  	[sflag:s18] =	ssyncset.done $0x0  }
0x21: {  	s31 =	simm.s32 $0x2800;
	[sflag:s18] =	ssyncadd.s32 $0xFFFFC000  }
0x22: {  	[spmem:s1] =	stream.indirect.scatter.add.f32 [tilespmem:s17], [sflag:$0x2], $0x80, s31, s16, $0xb8;
	[tilespmem:$0x1D000] =	vst v63  }
0x23: {  	_ =	swait.ge [sflag:s14], $0x4000  }
0x24: {  	s21 =	simm.s32 $0x400;
	s20 =	simm.s32 $0x200;
	[sflag:s14] =	ssyncset.done $0x0  }
.LBB2_2:
0x25: {  	s22 =	sshra.s32 s20, $0x2  }
0x26: {  	[sflag:s14] =	ssyncadd.s32 $0xFFFFC000;
	s20 =	smov.u32 s21;
	s23 =	sadd.s32 $0x200, s21  }
0x27: {  	[tilespmem:s17], [sflag:$0x1] =	stream.indirect.gather [hbm4b:s8+s16], $0x80, s22, s16, $0xb8;
	[tilespmem:$0x1D000] =	vst v63  }
0x28: {  	p0 =	sne.s32 s21, $0x9E00;
	_ =	swait.ge [sflag:s18], $0x4000  }
.Ltmp0:
0x29: {  	[sflag:s18] =	ssyncset.done $0x0;
	(pc) =	sbr.rel @p0 .LBB2_2-.Ltmp0, $4  }
0x2a: {  	s21 =	sadd.s32 $0x2800, s22;
	[sflag:s18] =	ssyncadd.s32 $0xFFFFC000  }
0x2b: {  	[spmem:s1] =	stream.indirect.scatter.add.f32 [tilespmem:s17], [sflag:$0x2], $0x80, s21, s16, $0xb8;
	[tilespmem:$0x1D000] =	vst v63  }
0x2c: {  	_ =	swait.ge [sflag:s14], $0x4000  }
0x2d: {  	s21 =	smov.u32 s23;
	[sflag:s14] =	ssyncset.done $0x0  }
0x2e: {  	s20 =	sshra.s32 s20, $0x2;
	[sflag:s14] =	ssyncadd.s32 $0xFFFFC000  }
0x2f: {  	[tilespmem:s17], [sflag:$0x1] =	stream.indirect.gather [hbm4b:s8+s16], $0x80, s20, s16, $0xb8;
	[tilespmem:$0x1D000] =	vst v63  }
0x30: {  	_ =	swait.ge [sflag:s18], $0x4000  }
0x31: {  	[sflag:s18] =	ssyncset.done $0x0  }
0x32: {  	s20 =	sadd.s32 $0x2800, s20;
	[sflag:s18] =	ssyncadd.s32 $0xFFFFC000  }
0x33: {  	[spmem:s1] =	stream.indirect.scatter.add.f32 [tilespmem:s17], [sflag:$0x2], $0x80, s20, s16, $0xb8;
	[tilespmem:$0x1D000] =	vst v63  }
0x34: {  	_ =	swait.ge [sflag:s14], $0x4000  }
0x35: {  	[sflag:s14] =	ssyncset.done $0x0  }
0x36: {  	s29 =	simm.s32 $0x0;
	[sflag:s14] =	ssyncadd.s32 $0xFFFFC000  }
0x37: {  	[tilespmem:s29], [sflag:$0x2] =	stream.linear.gather [hbm4b:s9+s29], $0x2800, $0x38;
	[tilespmem:$0x1D000] =	vst v63  }
0x38: {  	_ =	swait.ge [sflag:s14], $0x2800  }
0x39: {  	[sflag:s14] =	ssyncset.done $0x0  }
0x3a: {  	[sflag:s14] =	ssyncadd.s32 $0xFFFFD800  }
0x3b: {  	[tilespmem:s15], [sflag:$0x2] =	stream.linear.gather [hbm4b:s10+s29], $0x2800, $0x38;
	[tilespmem:$0x1D000] =	vst v63  }
0x3c: {  	_ =	swait.ge [sflag:s14], $0x2800  }
0x3d: {  	[sflag:s14] =	ssyncset.done $0x0  }
0x3e: {  	s30 =	simm.s32 $0x0;
	[sflag:s14] =	ssyncadd.s32 $0xFFFFD800  }
0x3f: {  	[tilespmem:s17], [sflag:$0x1] =	stream.indirect.gather [hbm4b:s8+s16], $0x80, s30, s16, $0xb8;
	[tilespmem:$0x1D000] =	vst v63  }
0x40: {  	_ =	swait.ge [sflag:s18], $0x4000  }
0x41: {  	[sflag:s18] =	ssyncset.done $0x0  }
0x42: {  	s31 =	simm.s32 $0x2800;
	[sflag:s18] =	ssyncadd.s32 $0xFFFFC000  }
0x43: {  	[spmem:s1] =	stream.indirect.scatter.add.f32 [tilespmem:s17], [sflag:$0x2], $0x80, s31, s16, $0xb8;
	[tilespmem:$0x1D000] =	vst v63  }
0x44: {  	_ =	swait.ge [sflag:s14], $0x4000  }
0x45: {  	s21 =	simm.s32 $0x400;
	s20 =	simm.s32 $0x200;
	[sflag:s14] =	ssyncset.done $0x0  }
.LBB2_4:
0x46: {  	s22 =	sshra.s32 s20, $0x2  }
0x47: {  	[sflag:s14] =	ssyncadd.s32 $0xFFFFC000;
	s20 =	smov.u32 s21;
	s23 =	sadd.s32 $0x200, s21  }
0x48: {  	[tilespmem:s17], [sflag:$0x1] =	stream.indirect.gather [hbm4b:s8+s16], $0x80, s22, s16, $0xb8;
	[tilespmem:$0x1D000] =	vst v63  }
0x49: {  	p0 =	sne.s32 s21, $0x9E00;
	_ =	swait.ge [sflag:s18], $0x4000  }
.Ltmp1:
0x4a: {  	[sflag:s18] =	ssyncset.done $0x0;
	(pc) =	sbr.rel @p0 .LBB2_4-.Ltmp1, $4  }
0x4b: {  	s21 =	sadd.s32 $0x2800, s22;
	[sflag:s18] =	ssyncadd.s32 $0xFFFFC000  }
0x4c: {  	[spmem:s1] =	stream.indirect.scatter.add.f32 [tilespmem:s17], [sflag:$0x2], $0x80, s21, s16, $0xb8;
	[tilespmem:$0x1D000] =	vst v63  }
0x4d: {  	_ =	swait.ge [sflag:s14], $0x4000  }
0x4e: {  	s21 =	smov.u32 s23;
	[sflag:s14] =	ssyncset.done $0x0  }
0x4f: {  	s20 =	sshra.s32 s20, $0x2;
	[sflag:s14] =	ssyncadd.s32 $0xFFFFC000  }
0x50: {  	[tilespmem:s17], [sflag:$0x1] =	stream.indirect.gather [hbm4b:s8+s16], $0x80, s20, s16, $0xb8;
	[tilespmem:$0x1D000] =	vst v63  }
0x51: {  	_ =	swait.ge [sflag:s18], $0x4000  }
0x52: {  	[sflag:s18] =	ssyncset.done $0x0  }
0x53: {  	s20 =	sadd.s32 $0x2800, s20;
	[sflag:s18] =	ssyncadd.s32 $0xFFFFC000  }
0x54: {  	[spmem:s1] =	stream.indirect.scatter.add.f32 [tilespmem:s17], [sflag:$0x2], $0x80, s20, s16, $0xb8;
	[tilespmem:$0x1D000] =	vst v63  }
0x55: {  	_ =	swait.ge [sflag:s14], $0x4000  }
0x56: {  	s19 =	sadd.s32 $0x1, s19;
	[sflag:s14] =	ssyncset.done $0x0  }
0x57: {  	p0 =	sne.s32 s19, s12;
	[sflag:s14] =	ssyncadd.s32 $0xFFFFC000  }
.Ltmp2:
0x58: {  	[bflag:$0x0] =	sbarrier.arrive $0xFFFF;
	(pc) =	sbr.rel @p0 .LBB2_1-.Ltmp2, $4  }
0x59: {  	[hbm:s11], [sflag:s5] =	dma.local [spmem:s13], $0x2800  }
0x5a: {  	_ =	swait.ge [sflag:s14], $0x2800  }
0x5b: {  	[sflag:s14] =	ssyncset.done $0x0  }
0x5c: {  	[sflag:s14] =	ssyncadd.s32 $0xFFFFD800  }
0x5d: {  	_ =	sfence.sel $0x180000  }
0x5e: {  	[bflag:$0x0] =	sbarrier.arrive $0xFFFF  }
0x5f: {  	p0 =	sne.s32 s2, $0x0;
	_ =	strace $0x90000056  }
0x60: {  	s0 =	sadd.s32 @!p0 $0x100000, s0;
	[bflag:$0x2] =	sbarrier.arrive $0xFFFF  }
0x61: {  	[sflag:s0] =	ssyncadd.tile.s32 @!p0 $0x1;
	_ =	shalt  }
.Lfunc_end2:
_tile_overlayer_lowered:
.L_overlay_start_2:
0x62: {  	(tag) =	ssettag $0x2  }
0x63: {  	s0 =	rddreg [dreg:$0x0];
	s2 =	stileid.u32  }
0x64: {  	s1 =	rddreg [dreg:$0x1];
	p0 =	sne.s32 s2, $0x0  }
0x65: {  	s3 =	rddreg [dreg:$0x2];
	[bflag:$0x3] =	sbarrier.arrive $0xFFFF;
	s2 =	simm.s32 @!p0 $0x1C02  }
0x66: {  	[timem:s3], [sflag:s2] =	dma.local @!p0 [hbm:s0], s1  }
0x67: {  	s0 =	simm.s32 @!p0 $0x2  }
0x68: {  	_ =	swait.ge @!p0 [sflag:s0], s1  }
0x69: {  	s1 =	ssub.s32 @!p0 $0x0, s1;
	[sflag:s0] =	ssyncset.done @!p0 $0x0  }
0x6a: {  	[sflag:s0] =	ssyncadd.s32 @!p0 s1  }
0x6b: {  	[bflag:$0x3] =	sbarrier.arrive $0xFFFF  }
0x6c: {  	_ =	shalt  }

// kernel: kernel.39.cloned.1.call-start
scs
__scs_entry_jumppad:
0x0: {  	(pc) =	sbr.rel $0x88, $3  }
0x1: {  	(tag) =	ssettag $0x0;
	lr =	simm.s32 $0x1  }
0x2: {  	[smem:$0x3F88] =	sst lr;
	_ =	strace $0xD0000000  }
0x3: {  	_ = 	snop  }
0x4: {  	_ = 	snop  }
0x5: {  	_ = 	snop  }
0x6: {  	_ = 	snop  }
0x7: {  	_ = 	snop  }
__scs_overlays_trampoline_lowered:
0x8: {  	[smem:$0x3F97] =	sst s0  }
0x9: {  	[smem:$0x3F98] =	sst s1  }
0xa: {  	[smem:$0x3F99] =	sst s2  }
0xb: {  	[smem:$0x3F9A] =	sst s3  }
0xc: {  	[smem:$0x3F9B] =	sst s4  }
0xd: {  	[smem:$0x3F9C] =	sst s5  }
0xe: {  	[smem:$0x3F9D] =	sst s6  }
0xf: {  	[smem:$0x3F9E] =	sst s7  }
0x10: {  	[smem:$0x3F9F] =	sst s8  }
0x11: {  	[smem:$0x3FA0] =	sst s9;
	s0 =	simm.s32 @!p0 $0x0  }
0x12: {  	s1 =	sld [smem:$0x3F86];
	s0 =	simm.s32 @p0 $0x1  }
0x13: {  	[smem:$0x3FA1] =	sst s0;
	s0 =	simm.s32 @!p1 $0x0  }
0x14: {  	s2 =	sld [smem:$0x3F85];
	s0 =	simm.s32 @p1 $0x1  }
0x15: {  	[smem:$0x3FA2] =	sst s0;
	s0 =	simm.s32 @!p2 $0x0  }
0x16: {  	s3 =	sld [smem:$0x3FDB];
	s0 =	simm.s32 @p2 $0x1  }
0x17: {  	s4 =	simm.s32 $0x1BF5;
	[smem:$0x3FA4] =	sst s0  }
0x18: {  	s0 =	sld [smem:$0x3F87];
	_ =	swait.ge [sflag:s4], $0x0  }
0x19: {  	s7 =	sld [smem:$0x3F88]  }
0x1a: {  	s8 =	sadd.s32 $0xFFFFE003, lr  }
0x1b: {  	s9 =	sadd.s32 $0xFFFFFEF7, lr;
	s5 =	simm.s32 $0xFFFFFFFF;
	p2 =	slt.u32 s8, $0xFFFFF086  }
0x1c: {  	p1 =	slt.u32 s9, $0xF7A;
	s5 =	simm.s32 @!p2 $0x0  }
0x1d: {  	s5 =	simm.s32 @p1 $0x1;
	p0 =	seq.s32 s7, s2  }
0x1e: {  	s7 =	smul.u32 @!p0 $0xF7A, s2;
	p2 =	seq.s32 @!p0 s5, $0x0  }
0x1f: {  	s9 =	smul.u32 $0xF7A, s1;
	s8 =	simm.s32 @!p0 $0x1BF5;
	p2 =	por !p2, p0  }
0x20: {  	[sflag:s8] =	ssyncset.s32 @!p0 $0xFFFFF086;
	s6 =	sadd.s32 @!p0 s3, s7;
	s7 =	simm.s32 @!p0 $0x108  }
0x21: {  	s3 =	sadd.s32 s3, s9;
	s6 =	sadd.s32 @!p0 $0x88, s6;
	s7 =	simm.s32 @p2 $0x1082  }
0x22: {  	[simem:s7], [sflag:s8] =	dma.local @!p0 [hbm:s6], $0xF7A  }
0x23: {  	s9 =	sor.u32 $0xD0000000, s2;
	s6 =	simm.s32 $0x108;
	_ =	swait.ge @!p0 [sflag:s8], $0x0  }
0x24: {  	s3 =	sadd.s32 $0x88, s3;
	s6 =	simm.s32 @!p1 $0x1082;
	[sflag:s4] =	ssyncset.s32 $0xFFFFF086  }
0x25: {  	[simem:s6], [sflag:s4] =	dma.local [hbm:s3], $0xF7A  }
0x26: {  	[smem:$0x3F88] =	sst s1;
	(tag) =	ssettag s2;
	_ =	strace s9  }
0x27: {  	s1 =	sld [smem:$0x3F98]  }
0x28: {  	s2 =	sld [smem:$0x3F99]  }
0x29: {  	s4 =	sld [smem:$0x3F9B]  }
0x2a: {  	p0 =	seq.s32 s5, $0x0;
	s5 =	sld [smem:$0x3F9C]  }
0x2b: {  	s6 =	sld [smem:$0x3F9D]  }
0x2c: {  	s7 =	sld [smem:$0x3F9E]  }
0x2d: {  	s3 =	simm.s32 $0x108;
	s8 =	sld [smem:$0x3F9F]  }
0x2e: {  	s3 =	simm.s32 @!p0 $0x1082;
	s9 =	sld [smem:$0x3FA0]  }
0x2f: {  	lr =	sadd.s32 s0, s3;
	s0 =	sld [smem:$0x3F97]  }
0x30: {  	s3 =	sld [smem:$0x3F9A]  }
0x31: {  	[smem:$0x3FA3] =	sst s10  }
0x32: {  	s10 =	sld [smem:$0x3FA1];
	_ =	sdelay $0x3  }
0x33: {  	p0 =	seq.s32 s10, $0x1;
	s10 =	sld [smem:$0x3FA3];
	_ =	sdelay $0x3  }
0x34: {  	[smem:$0x3FA3] =	sst s10  }
0x35: {  	s10 =	sld [smem:$0x3FA2];
	_ =	sdelay $0x3  }
0x36: {  	p1 =	seq.s32 s10, $0x1;
	s10 =	sld [smem:$0x3FA3];
	_ =	sdelay $0x3  }
0x37: {  	[smem:$0x3FA3] =	sst s10  }
0x38: {  	s10 =	sld [smem:$0x3FA4]  }
0x39: {  	_ = 	snop;
	(pc) =	sbr.ind lr, $3  }
0x3a: {  	_ = 	snop  }
0x3b: {  	_ = 	snop  }
0x3c: {  	p2 =	seq.s32 s10, $0x1;
	s10 =	sld [smem:$0x3FA3]  }
0x3d: {  	_ =	shalt  }
0x3e: {  	_ =	shalt  }
0x3f: {  	_ =	shalt  }
0x40: {  	_ =	shalt  }
0x41: {  	_ =	shalt  }
0x42: {  	_ =	shalt  }
0x43: {  	_ =	shalt  }
0x44: {  	_ =	shalt  }
0x45: {  	_ =	shalt  }
0x46: {  	_ =	shalt  }
0x47: {  	_ =	shalt  }
0x48: {  	_ =	shalt  }
0x49: {  	_ =	shalt  }
0x4a: {  	_ =	shalt  }
0x4b: {  	_ =	shalt  }
0x4c: {  	_ =	shalt  }
0x4d: {  	_ =	shalt  }
0x4e: {  	_ =	shalt  }
0x4f: {  	_ =	shalt  }
0x50: {  	_ =	shalt  }
0x51: {  	_ =	shalt  }
0x52: {  	_ =	shalt  }
0x53: {  	_ =	shalt  }
0x54: {  	_ =	shalt  }
0x55: {  	_ =	shalt  }
0x56: {  	_ =	shalt  }
0x57: {  	_ =	shalt  }
0x58: {  	_ =	shalt  }
0x59: {  	_ =	shalt  }
0x5a: {  	_ =	shalt  }
0x5b: {  	_ =	shalt  }
0x5c: {  	_ =	shalt  }
0x5d: {  	_ =	shalt  }
0x5e: {  	_ =	shalt  }
0x5f: {  	_ =	shalt  }
0x60: {  	_ =	shalt  }
0x61: {  	_ =	shalt  }
0x62: {  	_ =	shalt  }
0x63: {  	_ =	shalt  }
0x64: {  	_ =	shalt  }
0x65: {  	_ =	shalt  }
0x66: {  	_ =	shalt  }
0x67: {  	_ =	shalt  }
0x68: {  	_ =	shalt  }
0x69: {  	_ =	shalt  }
0x6a: {  	_ =	shalt  }
0x6b: {  	_ =	shalt  }
0x6c: {  	_ =	shalt  }
0x6d: {  	_ =	shalt  }
0x6e: {  	_ =	shalt  }
0x6f: {  	_ =	shalt  }
0x70: {  	_ =	shalt  }
0x71: {  	_ =	shalt  }
0x72: {  	_ =	shalt  }
0x73: {  	_ =	shalt  }
0x74: {  	_ =	shalt  }
0x75: {  	_ =	shalt  }
0x76: {  	_ =	shalt  }
0x77: {  	_ =	shalt  }
0x78: {  	_ =	shalt  }
0x79: {  	_ =	shalt  }
0x7a: {  	_ =	shalt  }
0x7b: {  	_ =	shalt  }
0x7c: {  	_ =	shalt  }
0x7d: {  	_ =	shalt  }
0x7e: {  	_ =	shalt  }
0x7f: {  	_ =	shalt  }
0x80: {  	_ =	shalt  }
0x81: {  	_ =	shalt  }
0x82: {  	_ =	shalt  }
0x83: {  	_ =	shalt  }
0x84: {  	_ =	shalt  }
0x85: {  	_ =	shalt  }
0x86: {  	_ =	shalt  }
0x87: {  	_ =	shalt  }
.Lfunc_end0:
.L_simem_size_0:
called_computation.6_lowered:
.L_overlay_start_0:
0x88: {  	s2 =	sld [smem:$0x3FD9]  }
0x89: {  	s3 =	sld [smem:$0x3FFE];
	_ =	sdelay $0x1  }
0x8a: {  	s1 =	srdreg.scid  }
0x8b: {  	s0 =	sand.u32 $0x1, s1  }
0x8c: {  	s16 =	sshll.u32 s0, $0xA;
	s2 =	sadd.s32 s3, s2  }
0x8d: {  	s2 =	sadd.s32 s2, s16  }
0x8e: {  	[smem:$0x3FAF] =	sst s2  }
0x8f: {  	_ = 	snop  }
0x90: {  	(tm) =	ssettm $0x1  }
0x91: {  	s17 =	sld [smem:$0x3FFB];
	_ =	sdelay $0x3  }
0x92: {  	_ =	strace s17  }
0x93: {  	s2 =	sld [smem:$0x3FFC];
	_ =	sdelay $0x3  }
0x94: {  	_ =	strace s2  }
0x95: {  	s2 =	sld [smem:$0x3FFD];
	_ =	sdelay $0x3  }
0x96: {  	_ =	strace s2  }
0x97: {  	_ =	strace $0x8FFFFFFF  }
0x98: {  	s18 =	sld [smem:$0x3FDB];
	_ =	sdelay $0x1  }
0x99: {  	s19 =	simm.s32 $_scs_section_size  }
0x9a: {  	s4 =	simm.s32 $_size__tile_overlayer_lowered;
	s5 =	simm.s32 $_tile_overlayer_lowered  }
0x9b: {  	s22 =	simm.s32 $0x1BFF;
	s21 =	sshll.u32 s5, $0x1;
	s2 =	sadd.s32 s19, s18  }
0x9c: {  	s6 =	simm.s32 $0x0;
	s20 =	sshll.u32 s4, $0x1;
	s4 =	sadd.s32 s21, s2  }
0x9d: {  	[timem:s6], [sflag:s22] =	dma.local [hbm:s4], s20  }
0x9e: {  	_ =	swait.ge [sflag:s22], s20  }
0x9f: {  	s3 =	ssub.s32 $0x0, s20;
	[sflag:s22] =	ssyncset.done $0x0  }
0xa0: {  	[sflag:s22] =	ssyncadd.s32 s3;
	_ =	sdelay $0x1  }
0xa1: {  	s23 =	simm.s32 $0x1B8B  }
0xa2: {  	_ =	swait.ge [sflag:s23], $0x1  }
0xa3: {  	[sflag:s23] =	ssyncset.done $0x0  }
0xa4: {  	s25 =	simm.s32 $0x1B8E;
	s24 =	sld [smem:$0x3FFE];
	[sflag:s23] =	ssyncadd.s32 $0xFFFFFFFF  }
0xa5: {  	s26 =	simm.s32 $execute0_lowered;
	[smem:$0x3FD2] =	sst s25  }
0xa6: {  	s4 =	sshll.u32 s26, $0x1;
	_ =	strace $0x80000058;
	[dreg:$0x1] =	wrdreg $0xFFFFFFFF  }
0xa7: {  	s28 =	simm.s32 $_size_execute0_lowered;
	s2 =	sadd.s32 s2, s4;
	[dreg:$0x0] =	wrdreg $0x0  }
0xa8: {  	s4 =	sshll.u32 s28, $0x1;
	[dreg:$0x2] =	wrdreg s2  }
0xa9: {  	[dreg:$0x3] =	wrdreg s4  }
0xaa: {  	[dreg:$0x4] =	wrdreg $0xC0  }
0xab: {  	_ =	task [dreg:s6], $0x5FFFF  }
0xac: {  	[dreg:$0x1] =	wrdreg $0xFFFFFFFF  }
0xad: {  	[dreg:$0x0] =	wrdreg $0x60  }
0xae: {  	[dreg:$0x2] =	wrdreg s24  }
0xaf: {  	[dreg:$0x3] =	wrdreg $0x90000  }
0xb0: {  	[dreg:$0x4] =	wrdreg $0x9  }
0xb1: {  	_ =	task.clear_ibuf [dreg:s6], $0x5FFFF;
	_ =	strace $0x90000058  }
0xb2: {  	s29 =	simm.s32 $0x9;
	_ =	strace $0x8000005A  }
0xb3: {  	_ =	swait.ge [sflag:s29], $0x1  }
0xb4: {  	[sflag:s29] =	ssyncadd.s32 $0xFFFFFFFF  }
0xb5: {  	_ =	strace $0x9000005A  }
0xb6: {  	_ =	sfence  }
0xb7: {  	s30 =	sld [smem:$0x0];
	_ =	sdelay $0x2  }
0xb8: {  	s31 =	sshll.u32 s1, $0xD;
	s1 =	sshrl.u32 s1, $0x2  }
0xb9: {  	s3 =	sand.u32 $0x4000, s31;
	s1 =	sadd.s32 s1, s30  }
0xba: {  	s0 =	sor.u32 s3, s0;
	s1 =	sshll.u32 s1, $0x11  }
0xbb: {  	s0 =	sor.u32 s1, s0  }
0xbc: {  	s0 =	sadd.s32 $0x8F2B, s0  }
0xbd: {  	[sflag:s0] =	ssyncadd.remote.s32 $0x1  }
0xbe: {  	_ =	sfence.sel $0xFFFF  }
0xbf: {  	[dreg:$0x0] =	wrdreg $0xFFFFFFFF;
	(pc) =	sbr.abs _section_cstart, $3  }
0xc0: {  	[dreg:$0x1] =	wrdreg $0xFFFFFFFF  }
0xc1: {  	_ =	task.clear_ibuf [dreg:s6], $0x2FFFF;
	_ =	strace $0x9FFFFFFF  }
0xc2: {  	(tm) =	ssettm $0x7FFFFFFF  }
0xc3: {  	_ =	shalt  }
tec
execute0_lowered:
.L_overlay_start_1:
0x0: {  	(tag) =	ssettag $0x1  }
0x1: {  	s4 =	rddreg [dreg:$0x0]  }
0x2: {  	s1 =	rddreg [dreg:$0x1];
	s2 =	srdreg.scid  }
0x3: {  	s0 =	rddreg [dreg:$0x2];
	s3 =	simm.s32 $0x0;
	s5 =	sand.u32 $0x1, s2  }
0x4: {  	s17 =	simm.s32 $0x5000;
	s2 =	stileid.u32;
	s8 =	smul.u32 $0x140000, s5  }
0x5: {  	s18 =	simm.s32 $0x1;
	s19 =	simm.s32 $0x0;
	s6 =	smul.u32 $0x14000, s2  }
0x6: {  	[smem:$0x7FF] =	sst s3;
	s9 =	sadd.s32 $0x1A600, s4;
	s7 =	smul.u32 $0x50000, s2  }
0x7: {  	s10 =	sadd.s32 $0x6600, s4;
	s11 =	sadd.s32 $0x10600, s4;
	s13 =	smul.u32 $0xA00, s2  }
0x8: {  	_ =	strace $0x80000059;
	s5 =	ssub.s32 $0x2, s5;
	s29 =	smul.u32 $0x5000, s2  }
0x9: {  	s30 =	sshll.u32 s2, $0x6;
	s26 =	sshrl.u32 s5, $0x1;
	s6 =	sadd.s32 s6, s8  }
0xa: {  	s14 =	ssub.s32 s5, s26;
	s28 =	sshrl.u32 s7, $0x2;
	s5 =	sor.u32 $0x1C02, s30  }
0xb: {  	s16 =	sshrl.u32 s29, $0x3;
	s7 =	sadd.s32 s11, s13;
	s8 =	sshrl.u32 s8, $0x3  }
0xc: {  	s6 =	sshrl.u32 s6, $0x3;
	s15 =	sadd.s32 s28, s1;
	s31 =	sadd.s32 $0x500, s16  }
0xd: {  	s8 =	sadd.s32 s9, s8;
	s16 =	simm.s32 $0x80;
	s12 =	sadd.s32 s6, s4  }
0xe: {  	s4 =	sadd.s32 s9, s6;
	s6 =	sadd.s32 s10, s13;
	s9 =	sadd.s32 s10, s31  }
0xf: {  	s10 =	sadd.s32 s11, s31;
	s13 =	sshrl.u32 s15, $0x3;
	s15 =	simm.s32 $0x2800  }
0x10: {  	s11 =	sadd.s32 $0xBA600, s12;
	s12 =	smax.u32 s14, $0x1;
	s14 =	simm.s32 $0x2  }
.LBB2_1:
0x11: {  	[spmem:s13], [sflag:s5] =	dma.local [hbm:s4], $0x2800  }
0x12: {  	_ =	swait.ge [sflag:s14], $0x2800  }
0x13: {  	[sflag:s14] =	ssyncset.done $0x0  }
0x14: {  	[sflag:s14] =	ssyncadd.s32 $0xFFFFD800  }
0x15: {  	[bflag:$0x0] =	sbarrier.arrive $0xFFFF  }
0x16: {  	[tilespmem:s3], [sflag:$0x2] =	stream.linear.gather [hbm4b:s6+s3], $0x2800, $0x38;
	[tilespmem:$0x1D000] =	vst v63  }
0x17: {  	_ =	swait.ge [sflag:s14], $0x2800  }
0x18: {  	[sflag:s14] =	ssyncset.done $0x0  }
0x19: {  	[sflag:s14] =	ssyncadd.s32 $0xFFFFD800  }
0x1a: {  	[tilespmem:s15], [sflag:$0x2] =	stream.linear.gather [hbm4b:s7+s3], $0x2800, $0x38;
	[tilespmem:$0x1D000] =	vst v63  }
0x1b: {  	_ =	swait.ge [sflag:s14], $0x2800  }
0x1c: {  	[sflag:s14] =	ssyncset.done $0x0  }
0x1d: {  	s20 =	simm.s32 $0x0;
	[sflag:s14] =	ssyncadd.s32 $0xFFFFD800  }
0x1e: {  	[tilespmem:s17], [sflag:$0x1] =	stream.indirect.gather [hbm4b:s8+s16], $0x80, s20, s16, $0xb8;
	[tilespmem:$0x1D000] =	vst v63  }
0x1f: {  	_ =	swait.ge [sflag:s18], $0x4000  }
0x20: {  	[sflag:s18] =	ssyncset.done $0x0  }
0x21: {  	s31 =	simm.s32 $0x2800;
	[sflag:s18] =	ssyncadd.s32 $0xFFFFC000  }
0x22: {  	[spmem:s1] =	stream.indirect.scatter.add.f32 [tilespmem:s17], [sflag:$0x2], $0x80, s31, s16, $0xb8;
	[tilespmem:$0x1D000] =	vst v63  }
0x23: {  	_ =	swait.ge [sflag:s14], $0x4000  }
0x24: {  	s21 =	simm.s32 $0x400;
	s20 =	simm.s32 $0x200;
	[sflag:s14] =	ssyncset.done $0x0  }
.LBB2_2:
0x25: {  	s22 =	sshra.s32 s20, $0x2  }
0x26: {  	[sflag:s14] =	ssyncadd.s32 $0xFFFFC000;
	s20 =	smov.u32 s21;
	s23 =	sadd.s32 $0x200, s21  }
0x27: {  	[tilespmem:s17], [sflag:$0x1] =	stream.indirect.gather [hbm4b:s8+s16], $0x80, s22, s16, $0xb8;
	[tilespmem:$0x1D000] =	vst v63  }
0x28: {  	p0 =	sne.s32 s21, $0x9E00;
	_ =	swait.ge [sflag:s18], $0x4000  }
.Ltmp0:
0x29: {  	[sflag:s18] =	ssyncset.done $0x0;
	(pc) =	sbr.rel @p0 .LBB2_2-.Ltmp0, $4  }
0x2a: {  	s21 =	sadd.s32 $0x2800, s22;
	[sflag:s18] =	ssyncadd.s32 $0xFFFFC000  }
0x2b: {  	[spmem:s1] =	stream.indirect.scatter.add.f32 [tilespmem:s17], [sflag:$0x2], $0x80, s21, s16, $0xb8;
	[tilespmem:$0x1D000] =	vst v63  }
0x2c: {  	_ =	swait.ge [sflag:s14], $0x4000  }
0x2d: {  	s21 =	smov.u32 s23;
	[sflag:s14] =	ssyncset.done $0x0  }
0x2e: {  	s20 =	sshra.s32 s20, $0x2;
	[sflag:s14] =	ssyncadd.s32 $0xFFFFC000  }
0x2f: {  	[tilespmem:s17], [sflag:$0x1] =	stream.indirect.gather [hbm4b:s8+s16], $0x80, s20, s16, $0xb8;
	[tilespmem:$0x1D000] =	vst v63  }
0x30: {  	_ =	swait.ge [sflag:s18], $0x4000  }
0x31: {  	[sflag:s18] =	ssyncset.done $0x0  }
0x32: {  	s20 =	sadd.s32 $0x2800, s20;
	[sflag:s18] =	ssyncadd.s32 $0xFFFFC000  }
0x33: {  	[spmem:s1] =	stream.indirect.scatter.add.f32 [tilespmem:s17], [sflag:$0x2], $0x80, s20, s16, $0xb8;
	[tilespmem:$0x1D000] =	vst v63  }
0x34: {  	_ =	swait.ge [sflag:s14], $0x4000  }
0x35: {  	[sflag:s14] =	ssyncset.done $0x0  }
0x36: {  	s29 =	simm.s32 $0x0;
	[sflag:s14] =	ssyncadd.s32 $0xFFFFC000  }
0x37: {  	[tilespmem:s29], [sflag:$0x2] =	stream.linear.gather [hbm4b:s9+s29], $0x2800, $0x38;
	[tilespmem:$0x1D000] =	vst v63  }
0x38: {  	_ =	swait.ge [sflag:s14], $0x2800  }
0x39: {  	[sflag:s14] =	ssyncset.done $0x0  }
0x3a: {  	[sflag:s14] =	ssyncadd.s32 $0xFFFFD800  }
0x3b: {  	[tilespmem:s15], [sflag:$0x2] =	stream.linear.gather [hbm4b:s10+s29], $0x2800, $0x38;
	[tilespmem:$0x1D000] =	vst v63  }
0x3c: {  	_ =	swait.ge [sflag:s14], $0x2800  }
0x3d: {  	[sflag:s14] =	ssyncset.done $0x0  }
0x3e: {  	s30 =	simm.s32 $0x0;
	[sflag:s14] =	ssyncadd.s32 $0xFFFFD800  }
0x3f: {  	[tilespmem:s17], [sflag:$0x1] =	stream.indirect.gather [hbm4b:s8+s16], $0x80, s30, s16, $0xb8;
	[tilespmem:$0x1D000] =	vst v63  }
0x40: {  	_ =	swait.ge [sflag:s18], $0x4000  }
0x41: {  	[sflag:s18] =	ssyncset.done $0x0  }
0x42: {  	s31 =	simm.s32 $0x2800;
	[sflag:s18] =	ssyncadd.s32 $0xFFFFC000  }
0x43: {  	[spmem:s1] =	stream.indirect.scatter.add.f32 [tilespmem:s17], [sflag:$0x2], $0x80, s31, s16, $0xb8;
	[tilespmem:$0x1D000] =	vst v63  }
0x44: {  	_ =	swait.ge [sflag:s14], $0x4000  }
0x45: {  	s21 =	simm.s32 $0x400;
	s20 =	simm.s32 $0x200;
	[sflag:s14] =	ssyncset.done $0x0  }
.LBB2_4:
0x46: {  	s22 =	sshra.s32 s20, $0x2  }
0x47: {  	[sflag:s14] =	ssyncadd.s32 $0xFFFFC000;
	s20 =	smov.u32 s21;
	s23 =	sadd.s32 $0x200, s21  }
0x48: {  	[tilespmem:s17], [sflag:$0x1] =	stream.indirect.gather [hbm4b:s8+s16], $0x80, s22, s16, $0xb8;
	[tilespmem:$0x1D000] =	vst v63  }
0x49: {  	p0 =	sne.s32 s21, $0x9E00;
	_ =	swait.ge [sflag:s18], $0x4000  }
.Ltmp1:
0x4a: {  	[sflag:s18] =	ssyncset.done $0x0;
	(pc) =	sbr.rel @p0 .LBB2_4-.Ltmp1, $4  }
0x4b: {  	s21 =	sadd.s32 $0x2800, s22;
	[sflag:s18] =	ssyncadd.s32 $0xFFFFC000  }
0x4c: {  	[spmem:s1] =	stream.indirect.scatter.add.f32 [tilespmem:s17], [sflag:$0x2], $0x80, s21, s16, $0xb8;
	[tilespmem:$0x1D000] =	vst v63  }
0x4d: {  	_ =	swait.ge [sflag:s14], $0x4000  }
0x4e: {  	s21 =	smov.u32 s23;
	[sflag:s14] =	ssyncset.done $0x0  }
0x4f: {  	s20 =	sshra.s32 s20, $0x2;
	[sflag:s14] =	ssyncadd.s32 $0xFFFFC000  }
0x50: {  	[tilespmem:s17], [sflag:$0x1] =	stream.indirect.gather [hbm4b:s8+s16], $0x80, s20, s16, $0xb8;
	[tilespmem:$0x1D000] =	vst v63  }
0x51: {  	_ =	swait.ge [sflag:s18], $0x4000  }
0x52: {  	[sflag:s18] =	ssyncset.done $0x0  }
0x53: {  	s20 =	sadd.s32 $0x2800, s20;
	[sflag:s18] =	ssyncadd.s32 $0xFFFFC000  }
0x54: {  	[spmem:s1] =	stream.indirect.scatter.add.f32 [tilespmem:s17], [sflag:$0x2], $0x80, s20, s16, $0xb8;
	[tilespmem:$0x1D000] =	vst v63  }
0x55: {  	_ =	swait.ge [sflag:s14], $0x4000  }
0x56: {  	s19 =	sadd.s32 $0x1, s19;
	[sflag:s14] =	ssyncset.done $0x0  }
0x57: {  	p0 =	sne.s32 s19, s12;
	[sflag:s14] =	ssyncadd.s32 $0xFFFFC000  }
.Ltmp2:
0x58: {  	[bflag:$0x0] =	sbarrier.arrive $0xFFFF;
	(pc) =	sbr.rel @p0 .LBB2_1-.Ltmp2, $4  }
0x59: {  	[hbm:s11], [sflag:s5] =	dma.local [spmem:s13], $0x2800  }
0x5a: {  	_ =	swait.ge [sflag:s14], $0x2800  }
0x5b: {  	[sflag:s14] =	ssyncset.done $0x0  }
0x5c: {  	[sflag:s14] =	ssyncadd.s32 $0xFFFFD800  }
0x5d: {  	_ =	sfence.sel $0x180000  }
0x5e: {  	[bflag:$0x0] =	sbarrier.arrive $0xFFFF  }
0x5f: {  	p0 =	sne.s32 s2, $0x0;
	_ =	strace $0x90000059  }
0x60: {  	s0 =	sadd.s32 @!p0 $0x100000, s0;
	[bflag:$0x2] =	sbarrier.arrive $0xFFFF  }
0x61: {  	[sflag:s0] =	ssyncadd.tile.s32 @!p0 $0x1;
	_ =	shalt  }
.Lfunc_end2:
_tile_overlayer_lowered:
.L_overlay_start_2:
0x62: {  	(tag) =	ssettag $0x2  }
0x63: {  	s0 =	rddreg [dreg:$0x0];
	s2 =	stileid.u32  }
0x64: {  	s1 =	rddreg [dreg:$0x1];
	p0 =	sne.s32 s2, $0x0  }
0x65: {  	s3 =	rddreg [dreg:$0x2];
	[bflag:$0x3] =	sbarrier.arrive $0xFFFF;
	s2 =	simm.s32 @!p0 $0x1C02  }
0x66: {  	[timem:s3], [sflag:s2] =	dma.local @!p0 [hbm:s0], s1  }
0x67: {  	s0 =	simm.s32 @!p0 $0x2  }
0x68: {  	_ =	swait.ge @!p0 [sflag:s0], s1  }
0x69: {  	s1 =	ssub.s32 @!p0 $0x0, s1;
	[sflag:s0] =	ssyncset.done @!p0 $0x0  }
0x6a: {  	[sflag:s0] =	ssyncadd.s32 @!p0 s1  }
0x6b: {  	[bflag:$0x3] =	sbarrier.arrive $0xFFFF  }
0x6c: {  	_ =	shalt  }

// kernel: kernel.42.cloned.1.call-start
scs
__scs_entry_jumppad:
0x0: {  	(pc) =	sbr.rel $0x88, $3  }
0x1: {  	(tag) =	ssettag $0x0;
	lr =	simm.s32 $0x1  }
0x2: {  	[smem:$0x3F88] =	sst lr;
	_ =	strace $0xD0000000  }
0x3: {  	_ = 	snop  }
0x4: {  	_ = 	snop  }
0x5: {  	_ = 	snop  }
0x6: {  	_ = 	snop  }
0x7: {  	_ = 	snop  }
__scs_overlays_trampoline_lowered:
0x8: {  	[smem:$0x3F97] =	sst s0  }
0x9: {  	[smem:$0x3F98] =	sst s1  }
0xa: {  	[smem:$0x3F99] =	sst s2  }
0xb: {  	[smem:$0x3F9A] =	sst s3  }
0xc: {  	[smem:$0x3F9B] =	sst s4  }
0xd: {  	[smem:$0x3F9C] =	sst s5  }
0xe: {  	[smem:$0x3F9D] =	sst s6  }
0xf: {  	[smem:$0x3F9E] =	sst s7  }
0x10: {  	[smem:$0x3F9F] =	sst s8  }
0x11: {  	[smem:$0x3FA0] =	sst s9;
	s0 =	simm.s32 @!p0 $0x0  }
0x12: {  	s1 =	sld [smem:$0x3F86];
	s0 =	simm.s32 @p0 $0x1  }
0x13: {  	[smem:$0x3FA1] =	sst s0;
	s0 =	simm.s32 @!p1 $0x0  }
0x14: {  	s2 =	sld [smem:$0x3F85];
	s0 =	simm.s32 @p1 $0x1  }
0x15: {  	[smem:$0x3FA2] =	sst s0;
	s0 =	simm.s32 @!p2 $0x0  }
0x16: {  	s3 =	sld [smem:$0x3FDB];
	s0 =	simm.s32 @p2 $0x1  }
0x17: {  	s4 =	simm.s32 $0x1BF5;
	[smem:$0x3FA4] =	sst s0  }
0x18: {  	s0 =	sld [smem:$0x3F87];
	_ =	swait.ge [sflag:s4], $0x0  }
0x19: {  	s7 =	sld [smem:$0x3F88]  }
0x1a: {  	s8 =	sadd.s32 $0xFFFFE003, lr  }
0x1b: {  	s9 =	sadd.s32 $0xFFFFFEF7, lr;
	s5 =	simm.s32 $0xFFFFFFFF;
	p2 =	slt.u32 s8, $0xFFFFF086  }
0x1c: {  	p1 =	slt.u32 s9, $0xF7A;
	s5 =	simm.s32 @!p2 $0x0  }
0x1d: {  	s5 =	simm.s32 @p1 $0x1;
	p0 =	seq.s32 s7, s2  }
0x1e: {  	s7 =	smul.u32 @!p0 $0xF7A, s2;
	p2 =	seq.s32 @!p0 s5, $0x0  }
0x1f: {  	s9 =	smul.u32 $0xF7A, s1;
	s8 =	simm.s32 @!p0 $0x1BF5;
	p2 =	por !p2, p0  }
0x20: {  	[sflag:s8] =	ssyncset.s32 @!p0 $0xFFFFF086;
	s6 =	sadd.s32 @!p0 s3, s7;
	s7 =	simm.s32 @!p0 $0x108  }
0x21: {  	s3 =	sadd.s32 s3, s9;
	s6 =	sadd.s32 @!p0 $0x88, s6;
	s7 =	simm.s32 @p2 $0x1082  }
0x22: {  	[simem:s7], [sflag:s8] =	dma.local @!p0 [hbm:s6], $0xF7A  }
0x23: {  	s9 =	sor.u32 $0xD0000000, s2;
	s6 =	simm.s32 $0x108;
	_ =	swait.ge @!p0 [sflag:s8], $0x0  }
0x24: {  	s3 =	sadd.s32 $0x88, s3;
	s6 =	simm.s32 @!p1 $0x1082;
	[sflag:s4] =	ssyncset.s32 $0xFFFFF086  }
0x25: {  	[simem:s6], [sflag:s4] =	dma.local [hbm:s3], $0xF7A  }
0x26: {  	[smem:$0x3F88] =	sst s1;
	(tag) =	ssettag s2;
	_ =	strace s9  }
0x27: {  	s1 =	sld [smem:$0x3F98]  }
0x28: {  	s2 =	sld [smem:$0x3F99]  }
0x29: {  	s4 =	sld [smem:$0x3F9B]  }
0x2a: {  	p0 =	seq.s32 s5, $0x0;
	s5 =	sld [smem:$0x3F9C]  }
0x2b: {  	s6 =	sld [smem:$0x3F9D]  }
0x2c: {  	s7 =	sld [smem:$0x3F9E]  }
0x2d: {  	s3 =	simm.s32 $0x108;
	s8 =	sld [smem:$0x3F9F]  }
0x2e: {  	s3 =	simm.s32 @!p0 $0x1082;
	s9 =	sld [smem:$0x3FA0]  }
0x2f: {  	lr =	sadd.s32 s0, s3;
	s0 =	sld [smem:$0x3F97]  }
0x30: {  	s3 =	sld [smem:$0x3F9A]  }
0x31: {  	[smem:$0x3FA3] =	sst s10  }
0x32: {  	s10 =	sld [smem:$0x3FA1];
	_ =	sdelay $0x3  }
0x33: {  	p0 =	seq.s32 s10, $0x1;
	s10 =	sld [smem:$0x3FA3];
	_ =	sdelay $0x3  }
0x34: {  	[smem:$0x3FA3] =	sst s10  }
0x35: {  	s10 =	sld [smem:$0x3FA2];
	_ =	sdelay $0x3  }
0x36: {  	p1 =	seq.s32 s10, $0x1;
	s10 =	sld [smem:$0x3FA3];
	_ =	sdelay $0x3  }
0x37: {  	[smem:$0x3FA3] =	sst s10  }
0x38: {  	s10 =	sld [smem:$0x3FA4]  }
0x39: {  	_ = 	snop;
	(pc) =	sbr.ind lr, $3  }
0x3a: {  	_ = 	snop  }
0x3b: {  	_ = 	snop  }
0x3c: {  	p2 =	seq.s32 s10, $0x1;
	s10 =	sld [smem:$0x3FA3]  }
0x3d: {  	_ =	shalt  }
0x3e: {  	_ =	shalt  }
0x3f: {  	_ =	shalt  }
0x40: {  	_ =	shalt  }
0x41: {  	_ =	shalt  }
0x42: {  	_ =	shalt  }
0x43: {  	_ =	shalt  }
0x44: {  	_ =	shalt  }
0x45: {  	_ =	shalt  }
0x46: {  	_ =	shalt  }
0x47: {  	_ =	shalt  }
0x48: {  	_ =	shalt  }
0x49: {  	_ =	shalt  }
0x4a: {  	_ =	shalt  }
0x4b: {  	_ =	shalt  }
0x4c: {  	_ =	shalt  }
0x4d: {  	_ =	shalt  }
0x4e: {  	_ =	shalt  }
0x4f: {  	_ =	shalt  }
0x50: {  	_ =	shalt  }
0x51: {  	_ =	shalt  }
0x52: {  	_ =	shalt  }
0x53: {  	_ =	shalt  }
0x54: {  	_ =	shalt  }
0x55: {  	_ =	shalt  }
0x56: {  	_ =	shalt  }
0x57: {  	_ =	shalt  }
0x58: {  	_ =	shalt  }
0x59: {  	_ =	shalt  }
0x5a: {  	_ =	shalt  }
0x5b: {  	_ =	shalt  }
0x5c: {  	_ =	shalt  }
0x5d: {  	_ =	shalt  }
0x5e: {  	_ =	shalt  }
0x5f: {  	_ =	shalt  }
0x60: {  	_ =	shalt  }
0x61: {  	_ =	shalt  }
0x62: {  	_ =	shalt  }
0x63: {  	_ =	shalt  }
0x64: {  	_ =	shalt  }
0x65: {  	_ =	shalt  }
0x66: {  	_ =	shalt  }
0x67: {  	_ =	shalt  }
0x68: {  	_ =	shalt  }
0x69: {  	_ =	shalt  }
0x6a: {  	_ =	shalt  }
0x6b: {  	_ =	shalt  }
0x6c: {  	_ =	shalt  }
0x6d: {  	_ =	shalt  }
0x6e: {  	_ =	shalt  }
0x6f: {  	_ =	shalt  }
0x70: {  	_ =	shalt  }
0x71: {  	_ =	shalt  }
0x72: {  	_ =	shalt  }
0x73: {  	_ =	shalt  }
0x74: {  	_ =	shalt  }
0x75: {  	_ =	shalt  }
0x76: {  	_ =	shalt  }
0x77: {  	_ =	shalt  }
0x78: {  	_ =	shalt  }
0x79: {  	_ =	shalt  }
0x7a: {  	_ =	shalt  }
0x7b: {  	_ =	shalt  }
0x7c: {  	_ =	shalt  }
0x7d: {  	_ =	shalt  }
0x7e: {  	_ =	shalt  }
0x7f: {  	_ =	shalt  }
0x80: {  	_ =	shalt  }
0x81: {  	_ =	shalt  }
0x82: {  	_ =	shalt  }
0x83: {  	_ =	shalt  }
0x84: {  	_ =	shalt  }
0x85: {  	_ =	shalt  }
0x86: {  	_ =	shalt  }
0x87: {  	_ =	shalt  }
.Lfunc_end0:
.L_simem_size_0:
called_computation.7_lowered:
.L_overlay_start_0:
0x88: {  	s2 =	sld [smem:$0x3FD9]  }
0x89: {  	s3 =	sld [smem:$0x3FFE];
	_ =	sdelay $0x1  }
0x8a: {  	s1 =	srdreg.scid  }
0x8b: {  	s0 =	sand.u32 $0x1, s1  }
0x8c: {  	s17 =	sshll.u32 s0, $0xA;
	s2 =	sadd.s32 s3, s2  }
0x8d: {  	s2 =	sadd.s32 s2, s17  }
0x8e: {  	[smem:$0x3FAF] =	sst s2  }
0x8f: {  	_ = 	snop  }
0x90: {  	s2 =	sld [smem:$0x3FD0];
	(tm) =	ssettm $0x1  }
0x91: {  	s18 =	sld [smem:$0x3FFB];
	_ =	sdelay $0x3  }
0x92: {  	_ =	strace s18  }
0x93: {  	s3 =	sld [smem:$0x3FFC];
	_ =	sdelay $0x3  }
0x94: {  	_ =	strace s3  }
0x95: {  	s3 =	sld [smem:$0x3FFD];
	_ =	sdelay $0x3  }
0x96: {  	_ =	strace s3  }
0x97: {  	_ =	strace $0x8FFFFFFF  }
0x98: {  	s19 =	sld [smem:$0x3FDB];
	_ =	sdelay $0x1  }
0x99: {  	s4 =	simm.s32 $_scs_section_size  }
0x9a: {  	s5 =	simm.s32 $_size__tile_overlayer_lowered;
	s6 =	simm.s32 $_tile_overlayer_lowered  }
0x9b: {  	s22 =	simm.s32 $0x1BFF;
	s21 =	sshll.u32 s6, $0x1;
	s3 =	sadd.s32 s4, s19  }
0x9c: {  	s7 =	simm.s32 $0x0;
	s20 =	sshll.u32 s5, $0x1;
	s5 =	sadd.s32 s21, s3  }
0x9d: {  	[timem:s7], [sflag:s22] =	dma.local [hbm:s5], s20  }
0x9e: {  	_ =	swait.ge [sflag:s22], s20  }
0x9f: {  	s4 =	ssub.s32 $0x0, s20;
	[sflag:s22] =	ssyncset.done $0x0  }
0xa0: {  	[sflag:s22] =	ssyncadd.s32 s4;
	_ =	sdelay $0x1  }
0xa1: {  	s23 =	simm.s32 $0x1B8B  }
0xa2: {  	_ =	swait.ge [sflag:s23], $0x1  }
0xa3: {  	[sflag:s23] =	ssyncset.done $0x0  }
0xa4: {  	s25 =	simm.s32 $0x1B8E;
	s24 =	sld [smem:$0x3FFE];
	[sflag:s23] =	ssyncadd.s32 $0xFFFFFFFF  }
0xa5: {  	s26 =	simm.s32 $execute0_lowered;
	[smem:$0x3FD2] =	sst s25  }
0xa6: {  	s5 =	sshll.u32 s26, $0x1;
	_ =	strace $0x8000005B;
	[dreg:$0x1] =	wrdreg $0xFFFFFFFF  }
0xa7: {  	s28 =	simm.s32 $_size_execute0_lowered;
	s3 =	sadd.s32 s3, s5;
	[dreg:$0x0] =	wrdreg $0x0  }
0xa8: {  	s5 =	sshll.u32 s28, $0x1;
	[dreg:$0x2] =	wrdreg s3  }
0xa9: {  	[dreg:$0x3] =	wrdreg s5  }
0xaa: {  	[dreg:$0x4] =	wrdreg $0xC0  }
0xab: {  	_ =	task [dreg:s7], $0x5FFFF  }
0xac: {  	[dreg:$0x1] =	wrdreg $0xFFFFFFFF  }
0xad: {  	[dreg:$0x0] =	wrdreg $0x60  }
0xae: {  	[dreg:$0x2] =	wrdreg s24  }
0xaf: {  	[dreg:$0x3] =	wrdreg s2  }
0xb0: {  	[dreg:$0x4] =	wrdreg $0x9  }
0xb1: {  	_ =	task.clear_ibuf [dreg:s7], $0x5FFFF;
	_ =	strace $0x9000005B  }
0xb2: {  	s29 =	simm.s32 $0x9;
	_ =	strace $0x8000005D  }
0xb3: {  	_ =	swait.ge [sflag:s29], $0x1  }
0xb4: {  	[sflag:s29] =	ssyncadd.s32 $0xFFFFFFFF  }
0xb5: {  	_ =	strace $0x9000005D  }
0xb6: {  	_ =	sfence  }
0xb7: {  	s30 =	sld [smem:$0x0];
	_ =	sdelay $0x2  }
0xb8: {  	s31 =	sshll.u32 s1, $0xD;
	s1 =	sshrl.u32 s1, $0x2  }
0xb9: {  	s3 =	sand.u32 $0x4000, s31;
	s1 =	sadd.s32 s1, s30  }
0xba: {  	s0 =	sor.u32 s3, s0;
	s1 =	sshll.u32 s1, $0x11  }
0xbb: {  	s0 =	sor.u32 s1, s0  }
0xbc: {  	s0 =	sadd.s32 $0x8F2B, s0  }
0xbd: {  	[sflag:s0] =	ssyncadd.remote.s32 $0x1  }
0xbe: {  	_ =	sfence.sel $0xFFFF  }
0xbf: {  	[dreg:$0x0] =	wrdreg $0xFFFFFFFF;
	(pc) =	sbr.abs _section_cstart, $3  }
0xc0: {  	[dreg:$0x1] =	wrdreg $0xFFFFFFFF  }
0xc1: {  	_ =	task.clear_ibuf [dreg:s7], $0x2FFFF;
	_ =	strace $0x9FFFFFFF  }
0xc2: {  	(tm) =	ssettm $0x7FFFFFFF  }
0xc3: {  	_ =	shalt  }
tec
execute0_lowered:
.L_overlay_start_1:
0x0: {  	(tag) =	ssettag $0x1  }
0x1: {  	s4 =	rddreg [dreg:$0x0]  }
0x2: {  	s5 =	rddreg [dreg:$0x1]  }
0x3: {  	s0 =	rddreg [dreg:$0x2];
	s3 =	srdreg.scid  }
0x4: {  	s2 =	simm.s32 $0x0;
	s1 =	stileid.u32;
	s10 =	simm.s32 $0x1080  }
0x5: {  	s11 =	simm.s32 $0x1880;
	s12 =	simm.s32 $0x1;
	s3 =	sand.u32 $0x1, s3  }
0x6: {  	[smem:$0x7FF] =	sst s2;
	s6 =	sshll.u32 s1, $0x6;
	s7 =	sshll.u32 s3, $0x5  }
0x7: {  	_ =	strace $0x8000005C;
	s30 =	ssub.s32 $0x2, s3;
	s6 =	sor.u32 s7, s6  }
0x8: {  	s3 =	sadd.s32 $0x6600, s4;
	s9 =	sshrl.u32 s30, $0x1;
	s8 =	sshll.u32 s6, $0x5  }
0x9: {  	v2 =	vlaneseq.u32;
	s7 =	ssub.s32 s30, s9;
	s31 =	sshrl.u32 s6, $0x3;
	s9 =	simm.s32 $0x880  }
0xa: {  	vm0 =	vmmov $0xffff;
	v1 =	vshrl.u32 v2, $0x3;
	s8 =	sadd.s32 s8, s4;
	s4 =	sadd.s32 s5, s31;
	s6 =	smax.u32 s7, $0x1  }
0xb: {  	v0 =	vand.u32 $0x7, v2;
	v2 =	vor.u32 $0x8, v2;
	v1 =	vmul.u32 $0x8, v1;
	s7 =	simm.s32 $0x2;
	s5 =	sadd.s32 $0x56600, s8;
	s8 =	simm.s32 $0x80  }
.LBB2_1:
0xc: {  	[tilespmem:s2], [sflag:$0x2] =	stream.linear.gather [hbm4b:s4+s2], $0x20, $0x38;
	[tilespmem:$0x2080] =	vst v63  }
0xd: {  	_ =	swait.ge [sflag:s7], $0x20  }
0xe: {  	[sflag:s7] =	ssyncset.done $0x0  }
0xf: {  	[sflag:s7] =	ssyncadd.s32 $0xFFFFFFE0  }
0x10: {  	v3 =	vld [tilespmem:$0x0];
	_ =	sdelay $0x4  }
0x11: {  	v4 =	vshll.u32 v3, $0x1  }
0x12: {  	v3 =	vand.u32 $0x7, v3;
	v4 =	vand.u32 $0xFFFFFFF0, v4  }
0x13: {  	v3 =	vor.u32 v3, v4  }
0x14: {  	v4 =	vperm.xlane v3, v0;
	_ =	sdelay $0x1  }
0x15: {  	v3 =	vperm.xlane v3, v2;
	v4 =	vadd.s32 v1, v4;
	_ =	sdelay $0x1  }
0x16: {  	v3 =	vadd.s32 v1, v3;
	_ =	sdelay $0x2  }
0x17: {  	[tilespmem:s8], [sflag:$0x1] =	stream.indirect_vreg.gather [hbm4b:s3+s2], $0x80, v4, vm0, $0xb8;
	[tilespmem:$0x2080] =	vst v63  }
0x18: {  	_ = 	snop  }
0x19: {  	[tilespmem:s9], [sflag:$0x1] =	stream.indirect_vreg.gather [hbm4b:s3+s2], $0x80, v3, vm0, $0xb8;
	[tilespmem:$0x2080] =	vst v63  }
0x1a: {  	v3 =	vld [tilespmem:$0x10];
	_ =	sdelay $0x4  }
0x1b: {  	v63 =	vshll.u32 v3, $0x1  }
0x1c: {  	v3 =	vand.u32 $0x7, v3;
	v4 =	vand.u32 $0xFFFFFFF0, v63  }
0x1d: {  	v3 =	vor.u32 v3, v4  }
0x1e: {  	v4 =	vperm.xlane v3, v0;
	_ =	sdelay $0x1  }
0x1f: {  	v3 =	vperm.xlane v3, v2;
	v4 =	vadd.s32 v1, v4;
	_ =	sdelay $0x1  }
0x20: {  	v3 =	vadd.s32 v1, v3;
	_ =	sdelay $0x2  }
0x21: {  	[tilespmem:s10], [sflag:$0x1] =	stream.indirect_vreg.gather [hbm4b:s3+s2], $0x80, v4, vm0, $0xb8;
	[tilespmem:$0x2080] =	vst v63  }
0x22: {  	_ = 	snop  }
0x23: {  	[tilespmem:s11], [sflag:$0x1] =	stream.indirect_vreg.gather [hbm4b:s3+s2], $0x80, v3, vm0, $0xb8;
	[tilespmem:$0x2080] =	vst v63  }
0x24: {  	_ =	swait.ge [sflag:s12], $0x2000  }
0x25: {  	p0 =	sne.s32 s6, $0x1;
	[sflag:s12] =	ssyncset.done $0x0  }
.Ltmp0:
0x26: {  	[sflag:s12] =	ssyncadd.s32 $0xFFFFE000;
	(pc) =	sbr.rel @p0 .LBB2_1-.Ltmp0, $4  }
0x27: {  	[hbm4b:s5+s2] =	stream.linear.scatter [tilespmem:s8], [sflag:$0x2], $0x2000, $0x38;
	[tilespmem:$0x2080] =	vst v63  }
0x28: {  	_ =	swait.ge [sflag:s7], $0x2000  }
0x29: {  	[sflag:s7] =	ssyncset.done $0x0  }
0x2a: {  	s6 =	sadd.s32 $0xFFFFFFFF, s6;
	[sflag:s7] =	ssyncadd.s32 $0xFFFFE000  }
0x2b: {  	_ =	sfence.sel $0x180000  }
0x2c: {  	[bflag:$0x0] =	sbarrier.arrive $0xFFFF  }
0x2d: {  	p0 =	sne.s32 s1, $0x0;
	_ =	strace $0x9000005C  }
0x2e: {  	s0 =	sadd.s32 @!p0 $0x100000, s0;
	[bflag:$0x2] =	sbarrier.arrive $0xFFFF  }
0x2f: {  	[sflag:s0] =	ssyncadd.tile.s32 @!p0 $0x1;
	_ =	shalt  }
.Lfunc_end2:
_tile_overlayer_lowered:
.L_overlay_start_2:
0x30: {  	(tag) =	ssettag $0x2  }
0x31: {  	s0 =	rddreg [dreg:$0x0];
	s2 =	stileid.u32  }
0x32: {  	s1 =	rddreg [dreg:$0x1];
	p0 =	sne.s32 s2, $0x0  }
0x33: {  	s3 =	rddreg [dreg:$0x2];
	[bflag:$0x3] =	sbarrier.arrive $0xFFFF;
	s2 =	simm.s32 @!p0 $0x1C02  }
0x34: {  	[timem:s3], [sflag:s2] =	dma.local @!p0 [hbm:s0], s1  }
0x35: {  	s0 =	simm.s32 @!p0 $0x2  }
0x36: {  	_ =	swait.ge @!p0 [sflag:s0], s1  }
0x37: {  	s1 =	ssub.s32 @!p0 $0x0, s1;
	[sflag:s0] =	ssyncset.done @!p0 $0x0  }
0x38: {  	[sflag:s0] =	ssyncadd.s32 @!p0 s1  }
0x39: {  	[bflag:$0x3] =	sbarrier.arrive $0xFFFF  }
0x3a: {  	_ =	shalt  }

</sc_bundles>
